<compile_context>
chip_gen: v7x
topology: tpu7x:2x2x1
jax: 0.10.2.dev20260603
libtpu: 0.0.44.dev20260713+nightly
codegen_flags: <defaults>
</compile_context>

<pallas_src>
import functools
import math

import jax
import jax.numpy as jnp
from jax import lax
from jax.experimental import pallas as pl
from jax.experimental.pallas import tpu as pltpu
from jax.experimental.pallas import tpu_sc as plsc

N = 10000
D = 128
E = 320000

NC = 2
NS = 16
NT = NC * NS
CH = 128
RT = 8 * math.ceil(E / (NT * CH * 8))
EP = NT * CH * RT
ZROWS = 632
NPAD = NS * ZROWS

BLK = 1000
GRID = N // BLK

_f32 = jnp.float32




def _spmm_body(num_mats, *refs):
  sups = refs[0:num_mats]
  srcs = refs[num_mats:2 * num_mats]
  dsts = refs[2 * num_mats:3 * num_mats]
  zrows = refs[3 * num_mats]
  outs = refs[3 * num_mats + 1:4 * num_mats + 1]
  er = refs[4 * num_mats + 1]
  idx_blk, rows2, shr, gsem, wsem = refs[4 * num_mats + 2:]

  c = lax.axis_index("c")
  s = lax.axis_index("s")
  w = c * NS + s
  zbase = s * ZROWS

  def _eslice(j):
    return er.at[pl.ds((w * RT + j) * CH, CH)]

  for m in range(num_mats):
    pltpu.sync_copy(srcs[m].at[pl.ds(w * RT, RT)], idx_blk)
    pltpu.sync_copy(sups[m].at[pl.ds(zbase, ZROWS)],
                    shr.at[pl.ds(zbase, ZROWS)])
    plsc.subcore_barrier()

    pltpu.async_copy(shr.at[idx_blk.at[0]], rows2.at[0], gsem)

    @pl.loop(0, RT, step=2)
    def _(j0):
      pltpu.make_async_copy(shr.at[idx_blk.at[j0]], rows2.at[0], gsem).wait()

      @pl.when(j0 > 0)
      def _():
        pltpu.make_async_copy(rows2.at[1], _eslice(j0 - 1), wsem).wait()

      pltpu.async_copy(shr.at[idx_blk.at[j0 + 1]], rows2.at[1], gsem)
      pltpu.async_copy(rows2.at[0], _eslice(j0), wsem)
      pltpu.make_async_copy(shr.at[idx_blk.at[j0 + 1]],
                            rows2.at[1], gsem).wait()
      pltpu.make_async_copy(rows2.at[0], _eslice(j0), wsem).wait()

      @pl.when(j0 + 2 < RT)
      def _():
        pltpu.async_copy(shr.at[idx_blk.at[j0 + 2]], rows2.at[0], gsem)

      pltpu.async_copy(rows2.at[1], _eslice(j0 + 1), wsem)

    pltpu.make_async_copy(rows2.at[1], _eslice(RT - 1), wsem).wait()
    plsc.subcore_barrier()

    pltpu.sync_copy(dsts[m].at[pl.ds(w * RT, RT)], idx_blk)
    for i in range(ZROWS // CH):
      pltpu.sync_copy(zrows, shr.at[pl.ds(zbase + i * CH, CH)])
    rem = ZROWS % CH
    if rem:
      pltpu.sync_copy(zrows.at[pl.ds(0, rem)],
                      shr.at[pl.ds(zbase + (ZROWS // CH) * CH, rem)])
    plsc.subcore_barrier()

    pltpu.async_copy(_eslice(0), rows2.at[0], gsem)

    @pl.loop(0, RT, step=2)
    def _(j0):
      pltpu.make_async_copy(_eslice(j0), rows2.at[0], gsem).wait()

      @pl.when(j0 > 0)
      def _():
        pltpu.make_async_copy(rows2.at[1],
                              shr.at[idx_blk.at[j0 - 1]], wsem).wait()

      pltpu.async_copy(_eslice(j0 + 1), rows2.at[1], gsem)
      pltpu.async_copy(rows2.at[0], shr.at[idx_blk.at[j0]], wsem, add=True)
      pltpu.make_async_copy(_eslice(j0 + 1), rows2.at[1], gsem).wait()
      pltpu.make_async_copy(rows2.at[0],
                            shr.at[idx_blk.at[j0]], wsem).wait()

      @pl.when(j0 + 2 < RT)
      def _():
        pltpu.async_copy(_eslice(j0 + 2), rows2.at[0], gsem)

      pltpu.async_copy(rows2.at[1], shr.at[idx_blk.at[j0 + 1]], wsem,
                       add=True)

    pltpu.make_async_copy(rows2.at[1],
                          shr.at[idx_blk.at[RT - 1]], wsem).wait()
    plsc.subcore_barrier()
    pltpu.sync_copy(shr.at[pl.ds(zbase, ZROWS)],
                    outs[m].at[c, pl.ds(zbase, ZROWS)])
    plsc.subcore_barrier()


@functools.lru_cache(maxsize=None)
def _make_spmm(num_mats):
  mesh = plsc.VectorSubcoreMesh(core_axis_name="c", subcore_axis_name="s",
                                num_cores=NC, num_subcores=NS)
  return pl.kernel(
      functools.partial(_spmm_body, num_mats),
      out_type=(tuple(jax.ShapeDtypeStruct((NC, NPAD, D), _f32)
                      for _ in range(num_mats))
                + (jax.ShapeDtypeStruct((EP, D), _f32),)),
      mesh=mesh,
      scratch_types=[
          pltpu.VMEM((RT, CH), jnp.int32),
          pltpu.VMEM((2, CH, D), _f32),
          pltpu.VMEM_SHARED((NPAD, D), _f32),
          pltpu.SemaphoreType.DMA,
          pltpu.SemaphoreType.DMA,
      ],
  )


def _spmm(sups_padded, idx_pairs):
  num_mats = len(sups_padded)
  srcs = [p[0] for p in idx_pairs]
  dsts = [p[1] for p in idx_pairs]
  zrows = jnp.zeros((CH, D), _f32)
  res = _make_spmm(num_mats)(*sups_padded, *srcs, *dsts, zrows)
  return res[:num_mats]


def _pad_edges(adj):
  src = adj[0].astype(jnp.int32)
  dst = adj[1].astype(jnp.int32)
  pad = EP - E
  src = jnp.concatenate([src, jnp.zeros((pad,), jnp.int32)])
  dst = jnp.concatenate([dst, jnp.full((pad,), N, jnp.int32)])
  return src.reshape(EP // CH, CH), dst.reshape(EP // CH, CH)



def _tc_a_body(e1, e2, ws1, ws2, wcon, sup1, sup2, supf):
  a = e1[...]
  b = e2[...]
  sup1[...] = jnp.dot(a, ws1[...], preferred_element_type=_f32)
  sup2[...] = jnp.dot(b, ws2[...], preferred_element_type=_f32)
  supf[...] = (jnp.dot(a, wcon[0:D, :], preferred_element_type=_f32) +
               jnp.dot(b, wcon[D:2 * D, :], preferred_element_type=_f32))


_row_blk = pl.BlockSpec((BLK, D), lambda i: (i, 0))
_row_blk2 = pl.BlockSpec((BLK, 2 * D), lambda i: (i, 0))
_part_blk = pl.BlockSpec((NC, BLK, D), lambda i: (0, i, 0))


def _full(shape):
  return pl.BlockSpec(shape, lambda i: tuple(0 for _ in shape))


_tc_a = pl.pallas_call(
    _tc_a_body,
    grid=(GRID,),
    in_specs=[_row_blk, _row_blk, _full((D, D)), _full((D, D)),
              _full((2 * D, D))],
    out_specs=[_row_blk, _row_blk, _row_blk],
    out_shape=[jax.ShapeDtypeStruct((NPAD, D), _f32)] * 3,
)



def _tc_b1_body(s1p, s2p, fp, wq1, wk1, g1, wq2, wk2, g2,
                f_o, q1_o, k1_o, qw1_o, q2_o, k2_o, qw2_o):
  f = fp[0] + fp[1]
  s1 = s1p[0] + s1p[1]
  s2 = s2p[0] + s2p[1]
  f_o[...] = f
  scale = 1.0 / jnp.sqrt(jnp.asarray(D, _f32))
  q1 = jnp.dot(f, wq1[...], preferred_element_type=_f32)
  q1 = q1 / (jnp.sqrt(jnp.sum(q1 * q1, axis=-1, keepdims=True)) + 1e-6)
  q1_o[...] = q1
  k1_o[...] = jnp.dot(s1, wk1[...], preferred_element_type=_f32)
  qw1_o[...] = jnp.dot(q1, g1[...], preferred_element_type=_f32) * scale
  q2 = jnp.dot(f, wq2[...], preferred_element_type=_f32)
  q2 = q2 / (jnp.sqrt(jnp.sum(q2 * q2, axis=-1, keepdims=True)) + 1e-6)
  q2_o[...] = q2
  k2_o[...] = jnp.dot(s2, wk2[...], preferred_element_type=_f32)
  qw2_o[...] = jnp.dot(q2, g2[...], preferred_element_type=_f32) * scale


_col_blk = pl.BlockSpec((BLK, 1), lambda i: (i, 0))

_tc_b1 = pl.pallas_call(
    _tc_b1_body,
    grid=(GRID,),
    in_specs=[_part_blk, _part_blk, _part_blk,
              _full((D, D)), _full((D, D)), _full((D, 1)),
              _full((D, D)), _full((D, D)), _full((D, 1))],
    out_specs=[_row_blk, _row_blk, _row_blk, _col_blk,
               _row_blk, _row_blk, _col_blk],
    out_shape=[jax.ShapeDtypeStruct((N, D), _f32),
               jax.ShapeDtypeStruct((N, D), _f32),
               jax.ShapeDtypeStruct((N, D), _f32),
               jax.ShapeDtypeStruct((N, 1), _f32),
               jax.ShapeDtypeStruct((N, D), _f32),
               jax.ShapeDtypeStruct((N, D), _f32),
               jax.ShapeDtypeStruct((N, 1), _f32)],
)



def _tc_b2_body(q1, qw1, q2, qw2, g1_o, g2_o):
  for (q, qw, g_o) in ((q1, qw1, g1_o), (q2, qw2, g2_o)):
    w = qw[...]
    m = jnp.max(w)
    a = jnp.exp(w - m)
    a = a / jnp.sum(a)
    g_o[...] = jnp.sum(a * q[...], axis=0, keepdims=True)


_tc_b2 = pl.pallas_call(
    _tc_b2_body,
    out_shape=[jax.ShapeDtypeStruct((1, D), _f32),
               jax.ShapeDtypeStruct((1, D), _f32)],
)



def _tc_b3_body(q1, k1, q2, k2, f, gv1, gv2, wp1, wp2, w_om, u_om, wd1, wd2,
                z1_o, z2_o, z_o, al_o, d1_o, d2_o):
  fv = f[...]
  s1e = jnp.dot(gv1[...] * k1[...], wp1[...],
                preferred_element_type=_f32) + q1[...]
  s2e = jnp.dot(gv2[...] * k2[...], wp2[...],
                preferred_element_type=_f32) + q2[...]
  z1 = jnp.concatenate([s1e, fv], axis=1)
  z2 = jnp.concatenate([s2e, fv], axis=1)
  v1 = jnp.tanh(jnp.dot(z1, w_om[...], preferred_element_type=_f32))
  v2 = jnp.tanh(jnp.dot(z2, w_om[...], preferred_element_type=_f32))
  vu1 = jnp.dot(v1, u_om[...], preferred_element_type=_f32)
  vu2 = jnp.dot(v2, u_om[...], preferred_element_type=_f32)
  m = jnp.maximum(vu1, vu2)
  e1 = jnp.exp(vu1 - m)
  e2 = jnp.exp(vu2 - m)
  inv = 1.0 / (e1 + e2)
  a1 = e1 * inv
  a2 = e2 * inv
  z = a1 * z1 + a2 * z2
  z1_o[...] = z1
  z2_o[...] = z2
  z_o[...] = z
  al_o[...] = jnp.concatenate([a1, a2], axis=1)
  d1_o[...] = jnp.dot(z, wd1[...], preferred_element_type=_f32)
  d2_o[...] = jnp.dot(z, wd2[...], preferred_element_type=_f32)


_tc_b3 = pl.pallas_call(
    _tc_b3_body,
    grid=(GRID,),
    in_specs=[_row_blk, _row_blk, _row_blk, _row_blk, _row_blk,
              _full((1, D)), _full((1, D)),
              _full((D, D)), _full((D, D)),
              _full((2 * D, 2 * D)), _full((2 * D, 1)),
              _full((2 * D, D)), _full((2 * D, D))],
    out_specs=[_row_blk2, _row_blk2, _row_blk2,
               pl.BlockSpec((BLK, 2), lambda i: (i, 0)),
               _row_blk, _row_blk],
    out_shape=[jax.ShapeDtypeStruct((N, 2 * D), _f32),
               jax.ShapeDtypeStruct((N, 2 * D), _f32),
               jax.ShapeDtypeStruct((N, 2 * D), _f32),
               jax.ShapeDtypeStruct((N, 2), _f32),
               jax.ShapeDtypeStruct((NPAD, D), _f32),
               jax.ShapeDtypeStruct((NPAD, D), _f32)],
)



def _tc_c_body(p1, p2, r1_o, r2_o):
  r1_o[...] = p1[0] + p1[1]
  r2_o[...] = p2[0] + p2[1]


_tc_c = pl.pallas_call(
    _tc_c_body,
    grid=(GRID,),
    in_specs=[_part_blk, _part_blk],
    out_specs=[_row_blk, _row_blk],
    out_shape=[jax.ShapeDtypeStruct((N, D), _f32)] * 2,
)



@jax.jit
def kernel(e1_batch, e2_batch, adj_shared_batch, adj1_batch, adj2_batch,
           W_s1, W_s2, W_con, W_dec1, W_dec2,
           Wq1, Wk1, g1, Wp1, Wq2, Wk2, g2, Wp2,
           w_omega, u_omega):
  srcS, dstS = _pad_edges(adj_shared_batch)
  src1, dst1 = _pad_edges(adj1_batch)
  src2, dst2 = _pad_edges(adj2_batch)

  sup1, sup2, supf = _tc_a(e1_batch, e2_batch, W_s1, W_s2, W_con)

  s1p, s2p, fp = _spmm([sup1, sup2, supf],
                       [(src1, dst1), (src2, dst2), (srcS, dstS)])

  f, q1, k1, qw1, q2, k2, qw2 = _tc_b1(s1p, s2p, fp,
                                       Wq1, Wk1, g1, Wq2, Wk2, g2)

  gv1, gv2 = _tc_b2(q1, qw1, q2, qw2)

  z1, z2, z, alpha2, d1, d2 = _tc_b3(q1, k1, q2, k2, f, gv1, gv2,
                                     Wp1, Wp2, w_omega, u_omega,
                                     W_dec1, W_dec2)

  r1p, r2p = _spmm([d1, d2], [(srcS, dstS), (srcS, dstS)])

  emb_recon1, emb_recon2 = _tc_c(r1p, r2p)

  return z1, z2, z, emb_recon1, emb_recon2, alpha2.reshape(N, 2, 1)

# --- scband reference (transcript-rebuilt; emitter-appended) ---
"""Pipeline reference for scband-de-pass-ae-34007551050517 (READ-ONLY COPY).

The authoritative reference and input builder live on the scoring server;
editing this copy changes nothing except your own understanding.
"""

import jax, jax.numpy as jnp
import numpy as np

N = 10000
E = 320000
D = 128  # mlplayer[-1] == dim == 128


def _gcn(x, W, edge_index, n):
    # GCN layer: support = x @ W ; out = spmm(adj, support)
    support = x @ W
    src = edge_index[0]
    dst = edge_index[1]
    msg = jnp.take(support, src, axis=0)          # gather over edges
    return jax.ops.segment_sum(msg, dst, num_segments=n)  # scatter-add to dst nodes


def _eaa(f, s, Wq, Wk, wg, Wp):
    # EfficientAdditiveAttention (SwiftFormer-style, cross: f=query source, s=key source)
    q = f @ Wq
    k = s @ Wk
    q = q / (jnp.linalg.norm(q, axis=-1, keepdims=True) + 1e-6)
    qw = (q @ wg) / jnp.sqrt(jnp.asarray(q.shape[-1], jnp.float32))  # [N,1]
    A = jax.nn.softmax(qw, axis=0)
    G = jnp.sum(A * q, axis=0)                      # global query [dim]
    return (G[None, :] * k) @ Wp + q


def _attention_layer(z1, z2, w_omega, u_omega):
    emb = jnp.stack([z1, z2], axis=1)               # [N,2,2*dim]
    v = jnp.tanh(emb @ w_omega)
    vu = v @ u_omega                                # [N,2,1]
    alpha = jax.nn.softmax(vu, axis=1)
    z = jnp.sum(emb * alpha, axis=1)                # [N,2*dim]
    return z, alpha


def setup_inputs(seed: int = 0) -> dict:
    key = jax.random.key(seed)
    ks = jax.random.split(key, 24)
    s = 0.05
    inp = {}
    inp['e1_batch'] = jax.random.normal(ks[0], (N, D), dtype=jnp.float32)
    inp['e2_batch'] = jax.random.normal(ks[1], (N, D), dtype=jnp.float32)
    inp['adj_shared_batch'] = jax.random.randint(ks[2], (2, E), 0, N)
    inp['adj1_batch'] = jax.random.randint(ks[3], (2, E), 0, N)
    inp['adj2_batch'] = jax.random.randint(ks[4], (2, E), 0, N)
    # GCN weights
    inp['W_s1'] = jax.random.normal(ks[5], (D, D), dtype=jnp.float32) * s
    inp['W_s2'] = jax.random.normal(ks[6], (D, D), dtype=jnp.float32) * s
    inp['W_con'] = jax.random.normal(ks[7], (2 * D, D), dtype=jnp.float32) * s
    inp['W_dec1'] = jax.random.normal(ks[8], (2 * D, 128), dtype=jnp.float32) * s
    inp['W_dec2'] = jax.random.normal(ks[9], (2 * D, 128), dtype=jnp.float32) * s
    # EfficientAdditiveAttention 1
    inp['Wq1'] = jax.random.normal(ks[10], (D, D), dtype=jnp.float32) * s
    inp['Wk1'] = jax.random.normal(ks[11], (D, D), dtype=jnp.float32) * s
    inp['g1'] = jax.random.normal(ks[12], (D, 1), dtype=jnp.float32) * s
    inp['Wp1'] = jax.random.normal(ks[13], (D, D), dtype=jnp.float32) * s
    # EfficientAdditiveAttention 2
    inp['Wq2'] = jax.random.normal(ks[14], (D, D), dtype=jnp.float32) * s
    inp['Wk2'] = jax.random.normal(ks[15], (D, D), dtype=jnp.float32) * s
    inp['g2'] = jax.random.normal(ks[16], (D, 1), dtype=jnp.float32) * s
    inp['Wp2'] = jax.random.normal(ks[17], (D, D), dtype=jnp.float32) * s
    # cross-omics AttentionLayer(2*dim, 2*dim)
    inp['w_omega'] = jax.random.normal(ks[18], (2 * D, 2 * D), dtype=jnp.float32) * s
    inp['u_omega'] = jax.random.normal(ks[19], (2 * D, 1), dtype=jnp.float32) * s
    return inp


def reference(e1_batch, e2_batch, adj_shared_batch, adj1_batch, adj2_batch,
              W_s1, W_s2, W_con, W_dec1, W_dec2,
              Wq1, Wk1, g1, Wp1, Wq2, Wk2, g2, Wp2,
              w_omega, u_omega):
    n = e1_batch.shape[0]
    E_fusion = jnp.concatenate([e1_batch, e2_batch], axis=-1)
    s1 = _gcn(e1_batch, W_s1, adj1_batch, n)
    s2 = _gcn(e2_batch, W_s2, adj2_batch, n)
    f = _gcn(E_fusion, W_con, adj_shared_batch, n)
    s1 = _eaa(f, s1, Wq1, Wk1, g1, Wp1)
    s2 = _eaa(f, s2, Wq2, Wk2, g2, Wp2)
    z1 = jnp.concatenate([s1, f], axis=-1)
    z2 = jnp.concatenate([s2, f], axis=-1)
    z, alpha = _attention_layer(z1, z2, w_omega, u_omega)
    emb_recon1 = _gcn(z, W_dec1, adj_shared_batch, n)
    emb_recon2 = _gcn(z, W_dec2, adj_shared_batch, n)
    return z1, z2, z, emb_recon1, emb_recon2, alpha

if __name__ == "__main__":
    import jax
    _d = setup_inputs()
    print(jax.jit(kernel)(*tuple(_d.values())))

</pallas_src>

<mosaic_0001>
#map = affine_map<(d0, d1) -> (0, 0)>
#map1 = affine_map<(d0, d1) -> (0, 0, 0)>
module attributes {stable_mosaic.version = 14 : i64} {
  func.func @_spmm_body(%arg0: i32, %arg1: i32, %arg2: memref<10112x128xf32, #tpu.memory_space<hbm>>, %arg3: memref<10112x128xf32, #tpu.memory_space<hbm>>, %arg4: memref<10112x128xf32, #tpu.memory_space<hbm>>, %arg5: memref<2560x128xi32, #tpu.memory_space<hbm>>, %arg6: memref<2560x128xi32, #tpu.memory_space<hbm>>, %arg7: memref<2560x128xi32, #tpu.memory_space<hbm>>, %arg8: memref<2560x128xi32, #tpu.memory_space<hbm>>, %arg9: memref<2560x128xi32, #tpu.memory_space<hbm>>, %arg10: memref<2560x128xi32, #tpu.memory_space<hbm>>, %arg11: memref<128x128xf32, #tpu.memory_space<hbm>>, %arg12: memref<2x10112x128xf32, #tpu.memory_space<hbm>>, %arg13: memref<2x10112x128xf32, #tpu.memory_space<hbm>>, %arg14: memref<2x10112x128xf32, #tpu.memory_space<hbm>>, %arg15: memref<327680x128xf32, #tpu.memory_space<hbm>>, %arg16: memref<80x128xi32, #tpu.memory_space<vmem>>, %arg17: memref<2x128x128xf32, #tpu.memory_space<vmem>>, %arg18: memref<10112x128xf32, #tpu.memory_space<vmem_shared>>, %arg19: memref<!tpu.dma_semaphore, #tpu.memory_space<semaphore_mem>>, %arg20: memref<!tpu.dma_semaphore, #tpu.memory_space<semaphore_mem>>) attributes {dimension_semantics = [#tpu.dimension_semantics<core_parallel>, #tpu.dimension_semantics<subcore_parallel>], iteration_bounds = array<i64: 2, 16>, scalar_prefetch = 0 : i64, scratch_operands = 5 : i64, tpu.core_type = #tpu.core_type<sc_vector_subcore>, window_params = [{transform_indices = #map}, {transform_indices = #map}, {transform_indices = #map}, {transform_indices = #map}, {transform_indices = #map}, {transform_indices = #map}, {transform_indices = #map}, {transform_indices = #map}, {transform_indices = #map}, {transform_indices = #map}, {transform_indices = #map1}, {transform_indices = #map1}, {transform_indices = #map1}, {transform_indices = #map}]} {
    %mul3A = arith.constant 16 : i32
    %mul3A_0 = arith.muli %arg0, %mul3A : i32
    %add3A = arith.addi %mul3A_0, %arg1 : i32
    %mul3A_1 = arith.constant 632 : i32
    %mul3A_2 = arith.muli %arg1, %mul3A_1 : i32
    %mul3A_3 = arith.constant 80 : i32
    %mul3A_4 = arith.muli %add3A, %mul3A_3 : i32
    "tpu.region"() ({
      %run_scoped3A = tpu.sem_alloc : memref<!tpu.dma_semaphore, #tpu.memory_space<semaphore_mem>>
      %dma_start3A_272 = arith.constant 0 : i32
      %dma_start3A_273 = tpu.memref_slice %arg5[%mul3A_4, %dma_start3A_272] : memref<2560x128xi32, #tpu.memory_space<hbm>> -> memref<80x128xi32, #tpu.memory_space<hbm>>
      %dma_start3A_274 = arith.constant 0 : i32
      %dma_start3A_275 = tpu.memref_slice %arg5[%mul3A_4, %dma_start3A_274] : memref<2560x128xi32, #tpu.memory_space<hbm>> -> memref<80x128xi32, #tpu.memory_space<hbm>>
      tpu.enqueue_dma source(%dma_start3A_275 : memref<80x128xi32, #tpu.memory_space<hbm>>) target(%arg16 : memref<80x128xi32, #tpu.memory_space<vmem>>) target_semaphore(%run_scoped3A : memref<!tpu.dma_semaphore, #tpu.memory_space<semaphore_mem>>)
      %dma_wait3A_276 = arith.constant 0 : i32
      %dma_wait3A_277 = tpu.memref_slice %arg5[%mul3A_4, %dma_wait3A_276] : memref<2560x128xi32, #tpu.memory_space<hbm>> -> memref<80x128xi32, #tpu.memory_space<hbm>>
      %dma_wait3A_278 = arith.constant 0 : i32
      %dma_wait3A_279 = tpu.memref_slice %arg5[%mul3A_4, %dma_wait3A_278] : memref<2560x128xi32, #tpu.memory_space<hbm>> -> memref<80x128xi32, #tpu.memory_space<hbm>>
      tpu.wait_dma2 semaphore(%run_scoped3A : memref<!tpu.dma_semaphore, #tpu.memory_space<semaphore_mem>>) src(%dma_wait3A_279 : memref<80x128xi32, #tpu.memory_space<hbm>>) dst(%arg16 : memref<80x128xi32, #tpu.memory_space<vmem>>)
      tpu.yield
    }) : () -> ()
    "tpu.region"() ({
      %run_scoped3A = tpu.sem_alloc : memref<!tpu.dma_semaphore, #tpu.memory_space<semaphore_mem>>
      %dma_start3A_272 = arith.constant 0 : i32
      %dma_start3A_273 = tpu.memref_slice %arg18[%mul3A_2, %dma_start3A_272] : memref<10112x128xf32, #tpu.memory_space<vmem_shared>> -> memref<632x128xf32, #tpu.memory_space<vmem_shared>>
      %dma_start3A_274 = arith.constant 0 : i32
      %dma_start3A_275 = tpu.memref_slice %arg2[%mul3A_2, %dma_start3A_274] : memref<10112x128xf32, #tpu.memory_space<hbm>> -> memref<632x128xf32, #tpu.memory_space<hbm>>
      tpu.enqueue_dma source(%dma_start3A_275 : memref<632x128xf32, #tpu.memory_space<hbm>>) target(%dma_start3A_273 : memref<632x128xf32, #tpu.memory_space<vmem_shared>>) target_semaphore(%run_scoped3A : memref<!tpu.dma_semaphore, #tpu.memory_space<semaphore_mem>>)
      %dma_wait3A_276 = arith.constant 0 : i32
      %dma_wait3A_277 = tpu.memref_slice %arg18[%mul3A_2, %dma_wait3A_276] : memref<10112x128xf32, #tpu.memory_space<vmem_shared>> -> memref<632x128xf32, #tpu.memory_space<vmem_shared>>
      %dma_wait3A_278 = arith.constant 0 : i32
      %dma_wait3A_279 = tpu.memref_slice %arg2[%mul3A_2, %dma_wait3A_278] : memref<10112x128xf32, #tpu.memory_space<hbm>> -> memref<632x128xf32, #tpu.memory_space<hbm>>
      tpu.wait_dma2 semaphore(%run_scoped3A : memref<!tpu.dma_semaphore, #tpu.memory_space<semaphore_mem>>) src(%dma_wait3A_279 : memref<632x128xf32, #tpu.memory_space<hbm>>) dst(%dma_wait3A_277 : memref<632x128xf32, #tpu.memory_space<vmem_shared>>)
      tpu.yield
    }) : () -> ()
    %barrier3A = arith.constant 0 : index
    tpu.barrier barrier_id(%barrier3A)
    %dma_start3A = arith.constant 0 : i32
    %dma_start3A_5 = arith.constant 0 : i32
    %dma_start3A_6 = arith.constant 0 : i32
    %dma_start3A_7 = arith.constant 0 : i32
    %dma_start3A_8 = tpu.memref_slice %arg17[%dma_start3A_5, %dma_start3A_6, %dma_start3A_7] : memref<2x128x128xf32, #tpu.memory_space<vmem>> -> memref<1x128x128xf32, #tpu.memory_space<vmem>>
    %dma_start3A_9 = tpu.memref_squeeze %dma_start3A_8 : memref<1x128x128xf32, #tpu.memory_space<vmem>> -> memref<128x128xf32, #tpu.memory_space<vmem>>
    %dma_start3A_10 = arith.constant 0 : i32
    %dma_start3A_11 = tpu.memref_slice %arg16[%dma_start3A, %dma_start3A_10] : memref<80x128xi32, #tpu.memory_space<vmem>> -> memref<1x128xi32, #tpu.memory_space<vmem>>
    %dma_start3A_12 = tpu.memref_squeeze %dma_start3A_11 : memref<1x128xi32, #tpu.memory_space<vmem>> -> memref<128xi32, #tpu.memory_space<vmem>>
    %dma_start3A_13 = arith.constant 0 : i32
    %dma_start3A_14 = arith.constant 0 : i32
    %dma_start3A_15 = tpu.memref_slice %arg18[%dma_start3A_13, %dma_start3A_14] : memref<10112x128xf32, #tpu.memory_space<vmem_shared>> -> memref<10112x128xf32, #tpu.memory_space<vmem_shared>>
    tpu.enqueue_indirect_dma source(%dma_start3A_15 : memref<10112x128xf32, #tpu.memory_space<vmem_shared>>) target(%dma_start3A_9 : memref<128x128xf32, #tpu.memory_space<vmem>>) offsets(%dma_start3A_12 : memref<128xi32, #tpu.memory_space<vmem>>) semaphore(%arg19 : memref<!tpu.dma_semaphore, #tpu.memory_space<semaphore_mem>>)
    %scan3A = arith.constant 0 : i32
    %scan3A_16 = arith.constant 40 : i32
    %scan3A_17 = arith.addi %scan3A, %scan3A_16 : i32
    %scan3A_18 = arith.constant 1 : i32
    scf.for %scan3A_272 = %scan3A to %scan3A_17 step %scan3A_18  : i32 {
      %mul3A_273 = arith.constant 2 : i32
      %mul3A_274 = arith.muli %scan3A_272, %mul3A_273 : i32
      %add3A_275 = arith.constant 0 : i32
      %add3A_276 = arith.addi %add3A_275, %mul3A_274 : i32
      %dma_wait3A_277 = arith.constant 0 : i32
      %dma_wait3A_278 = arith.constant 0 : i32
      %dma_wait3A_279 = arith.constant 0 : i32
      %dma_wait3A_280 = tpu.memref_slice %arg17[%dma_wait3A_277, %dma_wait3A_278, %dma_wait3A_279] : memref<2x128x128xf32, #tpu.memory_space<vmem>> -> memref<1x128x128xf32, #tpu.memory_space<vmem>>
      %dma_wait3A_281 = tpu.memref_squeeze %dma_wait3A_280 : memref<1x128x128xf32, #tpu.memory_space<vmem>> -> memref<128x128xf32, #tpu.memory_space<vmem>>
      %dma_wait3A_282 = arith.constant 0 : i32
      %dma_wait3A_283 = tpu.memref_slice %arg16[%add3A_276, %dma_wait3A_282] : memref<80x128xi32, #tpu.memory_space<vmem>> -> memref<1x128xi32, #tpu.memory_space<vmem>>
      %dma_wait3A_284 = tpu.memref_squeeze %dma_wait3A_283 : memref<1x128xi32, #tpu.memory_space<vmem>> -> memref<128xi32, #tpu.memory_space<vmem>>
      %dma_wait3A_285 = arith.constant 0 : i32
      %dma_wait3A_286 = arith.constant 0 : i32
      %dma_wait3A_287 = tpu.memref_slice %arg18[%dma_wait3A_285, %dma_wait3A_286] : memref<10112x128xf32, #tpu.memory_space<vmem_shared>> -> memref<10112x128xf32, #tpu.memory_space<vmem_shared>>
      tpu.wait_indirect_dma semaphore(%arg19 : memref<!tpu.dma_semaphore, #tpu.memory_space<semaphore_mem>>) src(%dma_wait3A_287 : memref<10112x128xf32, #tpu.memory_space<vmem_shared>>) dst(%dma_wait3A_281 : memref<128x128xf32, #tpu.memory_space<vmem>>)
      %gt3A = arith.constant 0 : i32
      %gt3A_288 = arith.cmpi sgt, %add3A_276, %gt3A : i32
      %convert_element_type3A = arith.extui %gt3A_288 : i1 to i32
      %cond3A = arith.constant 0 : i32
      %cond3A_289 = arith.cmpi ne, %convert_element_type3A, %cond3A : i32
      scf.if %cond3A_289 {
        %sub3A = arith.constant 1 : i32
        %sub3A_378 = arith.subi %add3A_276, %sub3A : i32
        %mul3A_379 = arith.constant 80 : i32
        %mul3A_380 = arith.muli %add3A, %mul3A_379 : i32
        %add3A_381 = arith.addi %mul3A_380, %sub3A_378 : i32
        %mul3A_382 = arith.constant 128 : i32
        %mul3A_383 = arith.muli %add3A_381, %mul3A_382 : i32
        %dma_wait3A_384 = arith.constant 1 : i32
        %dma_wait3A_385 = arith.constant 0 : i32
        %dma_wait3A_386 = arith.constant 0 : i32
        %dma_wait3A_387 = tpu.memref_slice %arg17[%dma_wait3A_384, %dma_wait3A_385, %dma_wait3A_386] : memref<2x128x128xf32, #tpu.memory_space<vmem>> -> memref<1x128x128xf32, #tpu.memory_space<vmem>>
        %dma_wait3A_388 = tpu.memref_squeeze %dma_wait3A_387 : memref<1x128x128xf32, #tpu.memory_space<vmem>> -> memref<128x128xf32, #tpu.memory_space<vmem>>
        %dma_wait3A_389 = arith.constant 0 : i32
        %dma_wait3A_390 = tpu.memref_slice %arg15[%mul3A_383, %dma_wait3A_389] : memref<327680x128xf32, #tpu.memory_space<hbm>> -> memref<128x128xf32, #tpu.memory_space<hbm>>
        %dma_wait3A_391 = arith.constant 0 : i32
        %dma_wait3A_392 = tpu.memref_slice %arg15[%mul3A_383, %dma_wait3A_391] : memref<327680x128xf32, #tpu.memory_space<hbm>> -> memref<128x128xf32, #tpu.memory_space<hbm>>
        %dma_wait3A_393 = arith.constant 0 : i32
        %dma_wait3A_394 = arith.constant 0 : i32
        %dma_wait3A_395 = tpu.memref_slice %arg17[%dma_wait3A_384, %dma_wait3A_393, %dma_wait3A_394] : memref<2x128x128xf32, #tpu.memory_space<vmem>> -> memref<1x128x128xf32, #tpu.memory_space<vmem>>
        %dma_wait3A_396 = tpu.memref_squeeze %dma_wait3A_395 : memref<1x128x128xf32, #tpu.memory_space<vmem>> -> memref<128x128xf32, #tpu.memory_space<vmem>>
        tpu.wait_dma2 semaphore(%arg20 : memref<!tpu.dma_semaphore, #tpu.memory_space<semaphore_mem>>) src(%dma_wait3A_396 : memref<128x128xf32, #tpu.memory_space<vmem>>) dst(%dma_wait3A_392 : memref<128x128xf32, #tpu.memory_space<hbm>>)
      } else {
      }
      %add3A_290 = arith.constant 1 : i32
      %add3A_291 = arith.addi %add3A_276, %add3A_290 : i32
      %dma_start3A_292 = arith.constant 1 : i32
      %dma_start3A_293 = arith.constant 0 : i32
      %dma_start3A_294 = arith.constant 0 : i32
      %dma_start3A_295 = tpu.memref_slice %arg17[%dma_start3A_292, %dma_start3A_293, %dma_start3A_294] : memref<2x128x128xf32, #tpu.memory_space<vmem>> -> memref<1x128x128xf32, #tpu.memory_space<vmem>>
      %dma_start3A_296 = tpu.memref_squeeze %dma_start3A_295 : memref<1x128x128xf32, #tpu.memory_space<vmem>> -> memref<128x128xf32, #tpu.memory_space<vmem>>
      %dma_start3A_297 = arith.constant 0 : i32
      %dma_start3A_298 = tpu.memref_slice %arg16[%add3A_291, %dma_start3A_297] : memref<80x128xi32, #tpu.memory_space<vmem>> -> memref<1x128xi32, #tpu.memory_space<vmem>>
      %dma_start3A_299 = tpu.memref_squeeze %dma_start3A_298 : memref<1x128xi32, #tpu.memory_space<vmem>> -> memref<128xi32, #tpu.memory_space<vmem>>
      %dma_start3A_300 = arith.constant 0 : i32
      %dma_start3A_301 = arith.constant 0 : i32
      %dma_start3A_302 = tpu.memref_slice %arg18[%dma_start3A_300, %dma_start3A_301] : memref<10112x128xf32, #tpu.memory_space<vmem_shared>> -> memref<10112x128xf32, #tpu.memory_space<vmem_shared>>
      tpu.enqueue_indirect_dma source(%dma_start3A_302 : memref<10112x128xf32, #tpu.memory_space<vmem_shared>>) target(%dma_start3A_296 : memref<128x128xf32, #tpu.memory_space<vmem>>) offsets(%dma_start3A_299 : memref<128xi32, #tpu.memory_space<vmem>>) semaphore(%arg19 : memref<!tpu.dma_semaphore, #tpu.memory_space<semaphore_mem>>)
      %mul3A_303 = arith.constant 80 : i32
      %mul3A_304 = arith.muli %add3A, %mul3A_303 : i32
      %add3A_305 = arith.addi %mul3A_304, %add3A_276 : i32
      %mul3A_306 = arith.constant 128 : i32
      %mul3A_307 = arith.muli %add3A_305, %mul3A_306 : i32
      %dma_start3A_308 = arith.constant 0 : i32
      %dma_start3A_309 = arith.constant 0 : i32
      %dma_start3A_310 = arith.constant 0 : i32
      %dma_start3A_311 = tpu.memref_slice %arg17[%dma_start3A_308, %dma_start3A_309, %dma_start3A_310] : memref<2x128x128xf32, #tpu.memory_space<vmem>> -> memref<1x128x128xf32, #tpu.memory_space<vmem>>
      %dma_start3A_312 = tpu.memref_squeeze %dma_start3A_311 : memref<1x128x128xf32, #tpu.memory_space<vmem>> -> memref<128x128xf32, #tpu.memory_space<vmem>>
      %dma_start3A_313 = arith.constant 0 : i32
      %dma_start3A_314 = tpu.memref_slice %arg15[%mul3A_307, %dma_start3A_313] : memref<327680x128xf32, #tpu.memory_space<hbm>> -> memref<128x128xf32, #tpu.memory_space<hbm>>
      %dma_start3A_315 = arith.constant 0 : i32
      %dma_start3A_316 = tpu.memref_slice %arg15[%mul3A_307, %dma_start3A_315] : memref<327680x128xf32, #tpu.memory_space<hbm>> -> memref<128x128xf32, #tpu.memory_space<hbm>>
      %dma_start3A_317 = arith.constant 0 : i32
      %dma_start3A_318 = arith.constant 0 : i32
      %dma_start3A_319 = tpu.memref_slice %arg17[%dma_start3A_308, %dma_start3A_317, %dma_start3A_318] : memref<2x128x128xf32, #tpu.memory_space<vmem>> -> memref<1x128x128xf32, #tpu.memory_space<vmem>>
      %dma_start3A_320 = tpu.memref_squeeze %dma_start3A_319 : memref<1x128x128xf32, #tpu.memory_space<vmem>> -> memref<128x128xf32, #tpu.memory_space<vmem>>
      tpu.enqueue_dma source(%dma_start3A_320 : memref<128x128xf32, #tpu.memory_space<vmem>>) target(%dma_start3A_316 : memref<128x128xf32, #tpu.memory_space<hbm>>) target_semaphore(%arg20 : memref<!tpu.dma_semaphore, #tpu.memory_space<semaphore_mem>>)
      %add3A_321 = arith.constant 1 : i32
      %add3A_322 = arith.addi %add3A_276, %add3A_321 : i32
      %dma_wait3A_323 = arith.constant 1 : i32
      %dma_wait3A_324 = arith.constant 0 : i32
      %dma_wait3A_325 = arith.constant 0 : i32
      %dma_wait3A_326 = tpu.memref_slice %arg17[%dma_wait3A_323, %dma_wait3A_324, %dma_wait3A_325] : memref<2x128x128xf32, #tpu.memory_space<vmem>> -> memref<1x128x128xf32, #tpu.memory_space<vmem>>
      %dma_wait3A_327 = tpu.memref_squeeze %dma_wait3A_326 : memref<1x128x128xf32, #tpu.memory_space<vmem>> -> memref<128x128xf32, #tpu.memory_space<vmem>>
      %dma_wait3A_328 = arith.constant 0 : i32
      %dma_wait3A_329 = tpu.memref_slice %arg16[%add3A_322, %dma_wait3A_328] : memref<80x128xi32, #tpu.memory_space<vmem>> -> memref<1x128xi32, #tpu.memory_space<vmem>>
      %dma_wait3A_330 = tpu.memref_squeeze %dma_wait3A_329 : memref<1x128xi32, #tpu.memory_space<vmem>> -> memref<128xi32, #tpu.memory_space<vmem>>
      %dma_wait3A_331 = arith.constant 0 : i32
      %dma_wait3A_332 = arith.constant 0 : i32
      %dma_wait3A_333 = tpu.memref_slice %arg18[%dma_wait3A_331, %dma_wait3A_332] : memref<10112x128xf32, #tpu.memory_space<vmem_shared>> -> memref<10112x128xf32, #tpu.memory_space<vmem_shared>>
      tpu.wait_indirect_dma semaphore(%arg19 : memref<!tpu.dma_semaphore, #tpu.memory_space<semaphore_mem>>) src(%dma_wait3A_333 : memref<10112x128xf32, #tpu.memory_space<vmem_shared>>) dst(%dma_wait3A_327 : memref<128x128xf32, #tpu.memory_space<vmem>>)
      %mul3A_334 = arith.constant 80 : i32
      %mul3A_335 = arith.muli %add3A, %mul3A_334 : i32
      %add3A_336 = arith.addi %mul3A_335, %add3A_276 : i32
      %mul3A_337 = arith.constant 128 : i32
      %mul3A_338 = arith.muli %add3A_336, %mul3A_337 : i32
      %dma_wait3A_339 = arith.constant 0 : i32
      %dma_wait3A_340 = arith.constant 0 : i32
      %dma_wait3A_341 = arith.constant 0 : i32
      %dma_wait3A_342 = tpu.memref_slice %arg17[%dma_wait3A_339, %dma_wait3A_340, %dma_wait3A_341] : memref<2x128x128xf32, #tpu.memory_space<vmem>> -> memref<1x128x128xf32, #tpu.memory_space<vmem>>
      %dma_wait3A_343 = tpu.memref_squeeze %dma_wait3A_342 : memref<1x128x128xf32, #tpu.memory_space<vmem>> -> memref<128x128xf32, #tpu.memory_space<vmem>>
      %dma_wait3A_344 = arith.constant 0 : i32
      %dma_wait3A_345 = tpu.memref_slice %arg15[%mul3A_338, %dma_wait3A_344] : memref<327680x128xf32, #tpu.memory_space<hbm>> -> memref<128x128xf32, #tpu.memory_space<hbm>>
      %dma_wait3A_346 = arith.constant 0 : i32
      %dma_wait3A_347 = tpu.memref_slice %arg15[%mul3A_338, %dma_wait3A_346] : memref<327680x128xf32, #tpu.memory_space<hbm>> -> memref<128x128xf32, #tpu.memory_space<hbm>>
      %dma_wait3A_348 = arith.constant 0 : i32
      %dma_wait3A_349 = arith.constant 0 : i32
      %dma_wait3A_350 = tpu.memref_slice %arg17[%dma_wait3A_339, %dma_wait3A_348, %dma_wait3A_349] : memref<2x128x128xf32, #tpu.memory_space<vmem>> -> memref<1x128x128xf32, #tpu.memory_space<vmem>>
      %dma_wait3A_351 = tpu.memref_squeeze %dma_wait3A_350 : memref<1x128x128xf32, #tpu.memory_space<vmem>> -> memref<128x128xf32, #tpu.memory_space<vmem>>
      tpu.wait_dma2 semaphore(%arg20 : memref<!tpu.dma_semaphore, #tpu.memory_space<semaphore_mem>>) src(%dma_wait3A_351 : memref<128x128xf32, #tpu.memory_space<vmem>>) dst(%dma_wait3A_347 : memref<128x128xf32, #tpu.memory_space<hbm>>)
      %add3A_352 = arith.constant 2 : i32
      %add3A_353 = arith.addi %add3A_276, %add3A_352 : i32
      %lt3A = arith.constant 80 : i32
      %lt3A_354 = arith.cmpi slt, %add3A_353, %lt3A : i32
      %convert_element_type3A_355 = arith.extui %lt3A_354 : i1 to i32
      %cond3A_356 = arith.constant 0 : i32
      %cond3A_357 = arith.cmpi ne, %convert_element_type3A_355, %cond3A_356 : i32
      scf.if %cond3A_357 {
        %add3A_378 = arith.constant 2 : i32
        %add3A_379 = arith.addi %add3A_276, %add3A_378 : i32
        %dma_start3A_380 = arith.constant 0 : i32
        %dma_start3A_381 = arith.constant 0 : i32
        %dma_start3A_382 = arith.constant 0 : i32
        %dma_start3A_383 = tpu.memref_slice %arg17[%dma_start3A_380, %dma_start3A_381, %dma_start3A_382] : memref<2x128x128xf32, #tpu.memory_space<vmem>> -> memref<1x128x128xf32, #tpu.memory_space<vmem>>
        %dma_start3A_384 = tpu.memref_squeeze %dma_start3A_383 : memref<1x128x128xf32, #tpu.memory_space<vmem>> -> memref<128x128xf32, #tpu.memory_space<vmem>>
        %dma_start3A_385 = arith.constant 0 : i32
        %dma_start3A_386 = tpu.memref_slice %arg16[%add3A_379, %dma_start3A_385] : memref<80x128xi32, #tpu.memory_space<vmem>> -> memref<1x128xi32, #tpu.memory_space<vmem>>
        %dma_start3A_387 = tpu.memref_squeeze %dma_start3A_386 : memref<1x128xi32, #tpu.memory_space<vmem>> -> memref<128xi32, #tpu.memory_space<vmem>>
        %dma_start3A_388 = arith.constant 0 : i32
        %dma_start3A_389 = arith.constant 0 : i32
        %dma_start3A_390 = tpu.memref_slice %arg18[%dma_start3A_388, %dma_start3A_389] : memref<10112x128xf32, #tpu.memory_space<vmem_shared>> -> memref<10112x128xf32, #tpu.memory_space<vmem_shared>>
        tpu.enqueue_indirect_dma source(%dma_start3A_390 : memref<10112x128xf32, #tpu.memory_space<vmem_shared>>) target(%dma_start3A_384 : memref<128x128xf32, #tpu.memory_space<vmem>>) offsets(%dma_start3A_387 : memref<128xi32, #tpu.memory_space<vmem>>) semaphore(%arg19 : memref<!tpu.dma_semaphore, #tpu.memory_space<semaphore_mem>>)
      } else {
      }
      %add3A_358 = arith.constant 1 : i32
      %add3A_359 = arith.addi %add3A_276, %add3A_358 : i32
      %mul3A_360 = arith.constant 80 : i32
      %mul3A_361 = arith.muli %add3A, %mul3A_360 : i32
      %add3A_362 = arith.addi %mul3A_361, %add3A_359 : i32
      %mul3A_363 = arith.constant 128 : i32
      %mul3A_364 = arith.muli %add3A_362, %mul3A_363 : i32
      %dma_start3A_365 = arith.constant 1 : i32
      %dma_start3A_366 = arith.constant 0 : i32
      %dma_start3A_367 = arith.constant 0 : i32
      %dma_start3A_368 = tpu.memref_slice %arg17[%dma_start3A_365, %dma_start3A_366, %dma_start3A_367] : memref<2x128x128xf32, #tpu.memory_space<vmem>> -> memref<1x128x128xf32, #tpu.memory_space<vmem>>
      %dma_start3A_369 = tpu.memref_squeeze %dma_start3A_368 : memref<1x128x128xf32, #tpu.memory_space<vmem>> -> memref<128x128xf32, #tpu.memory_space<vmem>>
      %dma_start3A_370 = arith.constant 0 : i32
      %dma_start3A_371 = tpu.memref_slice %arg15[%mul3A_364, %dma_start3A_370] : memref<327680x128xf32, #tpu.memory_space<hbm>> -> memref<128x128xf32, #tpu.memory_space<hbm>>
      %dma_start3A_372 = arith.constant 0 : i32
      %dma_start3A_373 = tpu.memref_slice %arg15[%mul3A_364, %dma_start3A_372] : memref<327680x128xf32, #tpu.memory_space<hbm>> -> memref<128x128xf32, #tpu.memory_space<hbm>>
      %dma_start3A_374 = arith.constant 0 : i32
      %dma_start3A_375 = arith.constant 0 : i32
      %dma_start3A_376 = tpu.memref_slice %arg17[%dma_start3A_365, %dma_start3A_374, %dma_start3A_375] : memref<2x128x128xf32, #tpu.memory_space<vmem>> -> memref<1x128x128xf32, #tpu.memory_space<vmem>>
      %dma_start3A_377 = tpu.memref_squeeze %dma_start3A_376 : memref<1x128x128xf32, #tpu.memory_space<vmem>> -> memref<128x128xf32, #tpu.memory_space<vmem>>
      tpu.enqueue_dma source(%dma_start3A_377 : memref<128x128xf32, #tpu.memory_space<vmem>>) target(%dma_start3A_373 : memref<128x128xf32, #tpu.memory_space<hbm>>) target_semaphore(%arg20 : memref<!tpu.dma_semaphore, #tpu.memory_space<semaphore_mem>>)
    }
    %scan3A_19 = arith.constant 40 : i32
    %mul3A_20 = arith.constant 80 : i32
    %mul3A_21 = arith.muli %add3A, %mul3A_20 : i32
    %add3A_22 = arith.constant 79 : i32
    %add3A_23 = arith.addi %mul3A_21, %add3A_22 : i32
    %mul3A_24 = arith.constant 128 : i32
    %mul3A_25 = arith.muli %add3A_23, %mul3A_24 : i32
    %dma_wait3A = arith.constant 1 : i32
    %dma_wait3A_26 = arith.constant 0 : i32
    %dma_wait3A_27 = arith.constant 0 : i32
    %dma_wait3A_28 = tpu.memref_slice %arg17[%dma_wait3A, %dma_wait3A_26, %dma_wait3A_27] : memref<2x128x128xf32, #tpu.memory_space<vmem>> -> memref<1x128x128xf32, #tpu.memory_space<vmem>>
    %dma_wait3A_29 = tpu.memref_squeeze %dma_wait3A_28 : memref<1x128x128xf32, #tpu.memory_space<vmem>> -> memref<128x128xf32, #tpu.memory_space<vmem>>
    %dma_wait3A_30 = arith.constant 0 : i32
    %dma_wait3A_31 = tpu.memref_slice %arg15[%mul3A_25, %dma_wait3A_30] : memref<327680x128xf32, #tpu.memory_space<hbm>> -> memref<128x128xf32, #tpu.memory_space<hbm>>
    %dma_wait3A_32 = arith.constant 0 : i32
    %dma_wait3A_33 = tpu.memref_slice %arg15[%mul3A_25, %dma_wait3A_32] : memref<327680x128xf32, #tpu.memory_space<hbm>> -> memref<128x128xf32, #tpu.memory_space<hbm>>
    %dma_wait3A_34 = arith.constant 0 : i32
    %dma_wait3A_35 = arith.constant 0 : i32
    %dma_wait3A_36 = tpu.memref_slice %arg17[%dma_wait3A, %dma_wait3A_34, %dma_wait3A_35] : memref<2x128x128xf32, #tpu.memory_space<vmem>> -> memref<1x128x128xf32, #tpu.memory_space<vmem>>
    %dma_wait3A_37 = tpu.memref_squeeze %dma_wait3A_36 : memref<1x128x128xf32, #tpu.memory_space<vmem>> -> memref<128x128xf32, #tpu.memory_space<vmem>>
    tpu.wait_dma2 semaphore(%arg20 : memref<!tpu.dma_semaphore, #tpu.memory_space<semaphore_mem>>) src(%dma_wait3A_37 : memref<128x128xf32, #tpu.memory_space<vmem>>) dst(%dma_wait3A_33 : memref<128x128xf32, #tpu.memory_space<hbm>>)
    %barrier3A_38 = arith.constant 0 : index
    tpu.barrier barrier_id(%barrier3A_38)
    %mul3A_39 = arith.constant 80 : i32
    %mul3A_40 = arith.muli %add3A, %mul3A_39 : i32
    "tpu.region"() ({
      %run_scoped3A = tpu.sem_alloc : memref<!tpu.dma_semaphore, #tpu.memory_space<semaphore_mem>>
      %dma_start3A_272 = arith.constant 0 : i32
      %dma_start3A_273 = tpu.memref_slice %arg8[%mul3A_40, %dma_start3A_272] : memref<2560x128xi32, #tpu.memory_space<hbm>> -> memref<80x128xi32, #tpu.memory_space<hbm>>
      %dma_start3A_274 = arith.constant 0 : i32
      %dma_start3A_275 = tpu.memref_slice %arg8[%mul3A_40, %dma_start3A_274] : memref<2560x128xi32, #tpu.memory_space<hbm>> -> memref<80x128xi32, #tpu.memory_space<hbm>>
      tpu.enqueue_dma source(%dma_start3A_275 : memref<80x128xi32, #tpu.memory_space<hbm>>) target(%arg16 : memref<80x128xi32, #tpu.memory_space<vmem>>) target_semaphore(%run_scoped3A : memref<!tpu.dma_semaphore, #tpu.memory_space<semaphore_mem>>)
      %dma_wait3A_276 = arith.constant 0 : i32
      %dma_wait3A_277 = tpu.memref_slice %arg8[%mul3A_40, %dma_wait3A_276] : memref<2560x128xi32, #tpu.memory_space<hbm>> -> memref<80x128xi32, #tpu.memory_space<hbm>>
      %dma_wait3A_278 = arith.constant 0 : i32
      %dma_wait3A_279 = tpu.memref_slice %arg8[%mul3A_40, %dma_wait3A_278] : memref<2560x128xi32, #tpu.memory_space<hbm>> -> memref<80x128xi32, #tpu.memory_space<hbm>>
      tpu.wait_dma2 semaphore(%run_scoped3A : memref<!tpu.dma_semaphore, #tpu.memory_space<semaphore_mem>>) src(%dma_wait3A_279 : memref<80x128xi32, #tpu.memory_space<hbm>>) dst(%arg16 : memref<80x128xi32, #tpu.memory_space<vmem>>)
      tpu.yield
    }) : () -> ()
    %add3A_41 = arith.constant 0 : i32
    %add3A_42 = arith.addi %mul3A_2, %add3A_41 : i32
    "tpu.region"() ({
      %run_scoped3A = tpu.sem_alloc : memref<!tpu.dma_semaphore, #tpu.memory_space<semaphore_mem>>
      %dma_start3A_272 = arith.constant 0 : i32
      %dma_start3A_273 = tpu.memref_slice %arg18[%add3A_42, %dma_start3A_272] : memref<10112x128xf32, #tpu.memory_space<vmem_shared>> -> memref<128x128xf32, #tpu.memory_space<vmem_shared>>
      tpu.enqueue_dma source(%arg11 : memref<128x128xf32, #tpu.memory_space<hbm>>) target(%dma_start3A_273 : memref<128x128xf32, #tpu.memory_space<vmem_shared>>) target_semaphore(%run_scoped3A : memref<!tpu.dma_semaphore, #tpu.memory_space<semaphore_mem>>)
      %dma_wait3A_274 = arith.constant 0 : i32
      %dma_wait3A_275 = tpu.memref_slice %arg18[%add3A_42, %dma_wait3A_274] : memref<10112x128xf32, #tpu.memory_space<vmem_shared>> -> memref<128x128xf32, #tpu.memory_space<vmem_shared>>
      tpu.wait_dma2 semaphore(%run_scoped3A : memref<!tpu.dma_semaphore, #tpu.memory_space<semaphore_mem>>) src(%arg11 : memref<128x128xf32, #tpu.memory_space<hbm>>) dst(%dma_wait3A_275 : memref<128x128xf32, #tpu.memory_space<vmem_shared>>)
      tpu.yield
    }) : () -> ()
    %add3A_43 = arith.constant 128 : i32
    %add3A_44 = arith.addi %mul3A_2, %add3A_43 : i32
    "tpu.region"() ({
      %run_scoped3A = tpu.sem_alloc : memref<!tpu.dma_semaphore, #tpu.memory_space<semaphore_mem>>
      %dma_start3A_272 = arith.constant 0 : i32
      %dma_start3A_273 = tpu.memref_slice %arg18[%add3A_44, %dma_start3A_272] : memref<10112x128xf32, #tpu.memory_space<vmem_shared>> -> memref<128x128xf32, #tpu.memory_space<vmem_shared>>
      tpu.enqueue_dma source(%arg11 : memref<128x128xf32, #tpu.memory_space<hbm>>) target(%dma_start3A_273 : memref<128x128xf32, #tpu.memory_space<vmem_shared>>) target_semaphore(%run_scoped3A : memref<!tpu.dma_semaphore, #tpu.memory_space<semaphore_mem>>)
      %dma_wait3A_274 = arith.constant 0 : i32
      %dma_wait3A_275 = tpu.memref_slice %arg18[%add3A_44, %dma_wait3A_274] : memref<10112x128xf32, #tpu.memory_space<vmem_shared>> -> memref<128x128xf32, #tpu.memory_space<vmem_shared>>
      tpu.wait_dma2 semaphore(%run_scoped3A : memref<!tpu.dma_semaphore, #tpu.memory_space<semaphore_mem>>) src(%arg11 : memref<128x128xf32, #tpu.memory_space<hbm>>) dst(%dma_wait3A_275 : memref<128x128xf32, #tpu.memory_space<vmem_shared>>)
      tpu.yield
    }) : () -> ()
    %add3A_45 = arith.constant 256 : i32
    %add3A_46 = arith.addi %mul3A_2, %add3A_45 : i32
    "tpu.region"() ({
      %run_scoped3A = tpu.sem_alloc : memref<!tpu.dma_semaphore, #tpu.memory_space<semaphore_mem>>
      %dma_start3A_272 = arith.constant 0 : i32
      %dma_start3A_273 = tpu.memref_slice %arg18[%add3A_46, %dma_start3A_272] : memref<10112x128xf32, #tpu.memory_space<vmem_shared>> -> memref<128x128xf32, #tpu.memory_space<vmem_shared>>
      tpu.enqueue_dma source(%arg11 : memref<128x128xf32, #tpu.memory_space<hbm>>) target(%dma_start3A_273 : memref<128x128xf32, #tpu.memory_space<vmem_shared>>) target_semaphore(%run_scoped3A : memref<!tpu.dma_semaphore, #tpu.memory_space<semaphore_mem>>)
      %dma_wait3A_274 = arith.constant 0 : i32
      %dma_wait3A_275 = tpu.memref_slice %arg18[%add3A_46, %dma_wait3A_274] : memref<10112x128xf32, #tpu.memory_space<vmem_shared>> -> memref<128x128xf32, #tpu.memory_space<vmem_shared>>
      tpu.wait_dma2 semaphore(%run_scoped3A : memref<!tpu.dma_semaphore, #tpu.memory_space<semaphore_mem>>) src(%arg11 : memref<128x128xf32, #tpu.memory_space<hbm>>) dst(%dma_wait3A_275 : memref<128x128xf32, #tpu.memory_space<vmem_shared>>)
      tpu.yield
    }) : () -> ()
    %add3A_47 = arith.constant 384 : i32
    %add3A_48 = arith.addi %mul3A_2, %add3A_47 : i32
    "tpu.region"() ({
      %run_scoped3A = tpu.sem_alloc : memref<!tpu.dma_semaphore, #tpu.memory_space<semaphore_mem>>
      %dma_start3A_272 = arith.constant 0 : i32
      %dma_start3A_273 = tpu.memref_slice %arg18[%add3A_48, %dma_start3A_272] : memref<10112x128xf32, #tpu.memory_space<vmem_shared>> -> memref<128x128xf32, #tpu.memory_space<vmem_shared>>
      tpu.enqueue_dma source(%arg11 : memref<128x128xf32, #tpu.memory_space<hbm>>) target(%dma_start3A_273 : memref<128x128xf32, #tpu.memory_space<vmem_shared>>) target_semaphore(%run_scoped3A : memref<!tpu.dma_semaphore, #tpu.memory_space<semaphore_mem>>)
      %dma_wait3A_274 = arith.constant 0 : i32
      %dma_wait3A_275 = tpu.memref_slice %arg18[%add3A_48, %dma_wait3A_274] : memref<10112x128xf32, #tpu.memory_space<vmem_shared>> -> memref<128x128xf32, #tpu.memory_space<vmem_shared>>
      tpu.wait_dma2 semaphore(%run_scoped3A : memref<!tpu.dma_semaphore, #tpu.memory_space<semaphore_mem>>) src(%arg11 : memref<128x128xf32, #tpu.memory_space<hbm>>) dst(%dma_wait3A_275 : memref<128x128xf32, #tpu.memory_space<vmem_shared>>)
      tpu.yield
    }) : () -> ()
    %add3A_49 = arith.constant 512 : i32
    %add3A_50 = arith.addi %mul3A_2, %add3A_49 : i32
    "tpu.region"() ({
      %run_scoped3A = tpu.sem_alloc : memref<!tpu.dma_semaphore, #tpu.memory_space<semaphore_mem>>
      %dma_start3A_272 = arith.constant 0 : i32
      %dma_start3A_273 = tpu.memref_slice %arg18[%add3A_50, %dma_start3A_272] : memref<10112x128xf32, #tpu.memory_space<vmem_shared>> -> memref<120x128xf32, #tpu.memory_space<vmem_shared>>
      %dma_start3A_274 = arith.constant 0 : i32
      %dma_start3A_275 = arith.constant 0 : i32
      %dma_start3A_276 = tpu.memref_slice %arg11[%dma_start3A_274, %dma_start3A_275] : memref<128x128xf32, #tpu.memory_space<hbm>> -> memref<120x128xf32, #tpu.memory_space<hbm>>
      tpu.enqueue_dma source(%dma_start3A_276 : memref<120x128xf32, #tpu.memory_space<hbm>>) target(%dma_start3A_273 : memref<120x128xf32, #tpu.memory_space<vmem_shared>>) target_semaphore(%run_scoped3A : memref<!tpu.dma_semaphore, #tpu.memory_space<semaphore_mem>>)
      %dma_wait3A_277 = arith.constant 0 : i32
      %dma_wait3A_278 = tpu.memref_slice %arg18[%add3A_50, %dma_wait3A_277] : memref<10112x128xf32, #tpu.memory_space<vmem_shared>> -> memref<120x128xf32, #tpu.memory_space<vmem_shared>>
      %dma_wait3A_279 = arith.constant 0 : i32
      %dma_wait3A_280 = arith.constant 0 : i32
      %dma_wait3A_281 = tpu.memref_slice %arg11[%dma_wait3A_279, %dma_wait3A_280] : memref<128x128xf32, #tpu.memory_space<hbm>> -> memref<120x128xf32, #tpu.memory_space<hbm>>
      tpu.wait_dma2 semaphore(%run_scoped3A : memref<!tpu.dma_semaphore, #tpu.memory_space<semaphore_mem>>) src(%dma_wait3A_281 : memref<120x128xf32, #tpu.memory_space<hbm>>) dst(%dma_wait3A_278 : memref<120x128xf32, #tpu.memory_space<vmem_shared>>)
      tpu.yield
    }) : () -> ()
    %barrier3A_51 = arith.constant 0 : index
    tpu.barrier barrier_id(%barrier3A_51)
    %mul3A_52 = arith.constant 80 : i32
    %mul3A_53 = arith.muli %add3A, %mul3A_52 : i32
    %add3A_54 = arith.constant 0 : i32
    %add3A_55 = arith.addi %mul3A_53, %add3A_54 : i32
    %mul3A_56 = arith.constant 128 : i32
    %mul3A_57 = arith.muli %add3A_55, %mul3A_56 : i32
    %dma_start3A_58 = arith.constant 0 : i32
    %dma_start3A_59 = arith.constant 0 : i32
    %dma_start3A_60 = arith.constant 0 : i32
    %dma_start3A_61 = tpu.memref_slice %arg17[%dma_start3A_58, %dma_start3A_59, %dma_start3A_60] : memref<2x128x128xf32, #tpu.memory_space<vmem>> -> memref<1x128x128xf32, #tpu.memory_space<vmem>>
    %dma_start3A_62 = tpu.memref_squeeze %dma_start3A_61 : memref<1x128x128xf32, #tpu.memory_space<vmem>> -> memref<128x128xf32, #tpu.memory_space<vmem>>
    %dma_start3A_63 = arith.constant 0 : i32
    %dma_start3A_64 = tpu.memref_slice %arg15[%mul3A_57, %dma_start3A_63] : memref<327680x128xf32, #tpu.memory_space<hbm>> -> memref<128x128xf32, #tpu.memory_space<hbm>>
    %dma_start3A_65 = arith.constant 0 : i32
    %dma_start3A_66 = arith.constant 0 : i32
    %dma_start3A_67 = tpu.memref_slice %arg17[%dma_start3A_58, %dma_start3A_65, %dma_start3A_66] : memref<2x128x128xf32, #tpu.memory_space<vmem>> -> memref<1x128x128xf32, #tpu.memory_space<vmem>>
    %dma_start3A_68 = tpu.memref_squeeze %dma_start3A_67 : memref<1x128x128xf32, #tpu.memory_space<vmem>> -> memref<128x128xf32, #tpu.memory_space<vmem>>
    %dma_start3A_69 = arith.constant 0 : i32
    %dma_start3A_70 = tpu.memref_slice %arg15[%mul3A_57, %dma_start3A_69] : memref<327680x128xf32, #tpu.memory_space<hbm>> -> memref<128x128xf32, #tpu.memory_space<hbm>>
    tpu.enqueue_dma source(%dma_start3A_70 : memref<128x128xf32, #tpu.memory_space<hbm>>) target(%dma_start3A_68 : memref<128x128xf32, #tpu.memory_space<vmem>>) target_semaphore(%arg19 : memref<!tpu.dma_semaphore, #tpu.memory_space<semaphore_mem>>)
    %scan3A_71 = arith.constant 0 : i32
    %scan3A_72 = arith.constant 40 : i32
    %scan3A_73 = arith.addi %scan3A_71, %scan3A_72 : i32
    %scan3A_74 = arith.constant 1 : i32
    scf.for %scan3A_272 = %scan3A_71 to %scan3A_73 step %scan3A_74  : i32 {
      %mul3A_273 = arith.constant 2 : i32
      %mul3A_274 = arith.muli %scan3A_272, %mul3A_273 : i32
      %add3A_275 = arith.constant 0 : i32
      %add3A_276 = arith.addi %add3A_275, %mul3A_274 : i32
      %mul3A_277 = arith.constant 80 : i32
      %mul3A_278 = arith.muli %add3A, %mul3A_277 : i32
      %add3A_279 = arith.addi %mul3A_278, %add3A_276 : i32
      %mul3A_280 = arith.constant 128 : i32
      %mul3A_281 = arith.muli %add3A_279, %mul3A_280 : i32
      %dma_wait3A_282 = arith.constant 0 : i32
      %dma_wait3A_283 = arith.constant 0 : i32
      %dma_wait3A_284 = arith.constant 0 : i32
      %dma_wait3A_285 = tpu.memref_slice %arg17[%dma_wait3A_282, %dma_wait3A_283, %dma_wait3A_284] : memref<2x128x128xf32, #tpu.memory_space<vmem>> -> memref<1x128x128xf32, #tpu.memory_space<vmem>>
      %dma_wait3A_286 = tpu.memref_squeeze %dma_wait3A_285 : memref<1x128x128xf32, #tpu.memory_space<vmem>> -> memref<128x128xf32, #tpu.memory_space<vmem>>
      %dma_wait3A_287 = arith.constant 0 : i32
      %dma_wait3A_288 = tpu.memref_slice %arg15[%mul3A_281, %dma_wait3A_287] : memref<327680x128xf32, #tpu.memory_space<hbm>> -> memref<128x128xf32, #tpu.memory_space<hbm>>
      %dma_wait3A_289 = arith.constant 0 : i32
      %dma_wait3A_290 = arith.constant 0 : i32
      %dma_wait3A_291 = tpu.memref_slice %arg17[%dma_wait3A_282, %dma_wait3A_289, %dma_wait3A_290] : memref<2x128x128xf32, #tpu.memory_space<vmem>> -> memref<1x128x128xf32, #tpu.memory_space<vmem>>
      %dma_wait3A_292 = tpu.memref_squeeze %dma_wait3A_291 : memref<1x128x128xf32, #tpu.memory_space<vmem>> -> memref<128x128xf32, #tpu.memory_space<vmem>>
      %dma_wait3A_293 = arith.constant 0 : i32
      %dma_wait3A_294 = tpu.memref_slice %arg15[%mul3A_281, %dma_wait3A_293] : memref<327680x128xf32, #tpu.memory_space<hbm>> -> memref<128x128xf32, #tpu.memory_space<hbm>>
      tpu.wait_dma2 semaphore(%arg19 : memref<!tpu.dma_semaphore, #tpu.memory_space<semaphore_mem>>) src(%dma_wait3A_294 : memref<128x128xf32, #tpu.memory_space<hbm>>) dst(%dma_wait3A_292 : memref<128x128xf32, #tpu.memory_space<vmem>>)
      %gt3A = arith.constant 0 : i32
      %gt3A_295 = arith.cmpi sgt, %add3A_276, %gt3A : i32
      %convert_element_type3A = arith.extui %gt3A_295 : i1 to i32
      %cond3A = arith.constant 0 : i32
      %cond3A_296 = arith.cmpi ne, %convert_element_type3A, %cond3A : i32
      scf.if %cond3A_296 {
        %sub3A = arith.constant 1 : i32
        %sub3A_378 = arith.subi %add3A_276, %sub3A : i32
        %dma_wait3A_379 = arith.constant 1 : i32
        %dma_wait3A_380 = arith.constant 0 : i32
        %dma_wait3A_381 = arith.constant 0 : i32
        %dma_wait3A_382 = tpu.memref_slice %arg17[%dma_wait3A_379, %dma_wait3A_380, %dma_wait3A_381] : memref<2x128x128xf32, #tpu.memory_space<vmem>> -> memref<1x128x128xf32, #tpu.memory_space<vmem>>
        %dma_wait3A_383 = tpu.memref_squeeze %dma_wait3A_382 : memref<1x128x128xf32, #tpu.memory_space<vmem>> -> memref<128x128xf32, #tpu.memory_space<vmem>>
        %dma_wait3A_384 = arith.constant 0 : i32
        %dma_wait3A_385 = tpu.memref_slice %arg16[%sub3A_378, %dma_wait3A_384] : memref<80x128xi32, #tpu.memory_space<vmem>> -> memref<1x128xi32, #tpu.memory_space<vmem>>
        %dma_wait3A_386 = tpu.memref_squeeze %dma_wait3A_385 : memref<1x128xi32, #tpu.memory_space<vmem>> -> memref<128xi32, #tpu.memory_space<vmem>>
        %dma_wait3A_387 = arith.constant 0 : i32
        %dma_wait3A_388 = arith.constant 0 : i32
        %dma_wait3A_389 = tpu.memref_slice %arg18[%dma_wait3A_387, %dma_wait3A_388] : memref<10112x128xf32, #tpu.memory_space<vmem_shared>> -> memref<10112x128xf32, #tpu.memory_space<vmem_shared>>
        tpu.wait_indirect_dma semaphore(%arg20 : memref<!tpu.dma_semaphore, #tpu.memory_space<semaphore_mem>>) src(%dma_wait3A_383 : memref<128x128xf32, #tpu.memory_space<vmem>>) dst(%dma_wait3A_389 : memref<10112x128xf32, #tpu.memory_space<vmem_shared>>)
      } else {
      }
      %add3A_297 = arith.constant 1 : i32
      %add3A_298 = arith.addi %add3A_276, %add3A_297 : i32
      %mul3A_299 = arith.constant 80 : i32
      %mul3A_300 = arith.muli %add3A, %mul3A_299 : i32
      %add3A_301 = arith.addi %mul3A_300, %add3A_298 : i32
      %mul3A_302 = arith.constant 128 : i32
      %mul3A_303 = arith.muli %add3A_301, %mul3A_302 : i32
      %dma_start3A_304 = arith.constant 1 : i32
      %dma_start3A_305 = arith.constant 0 : i32
      %dma_start3A_306 = arith.constant 0 : i32
      %dma_start3A_307 = tpu.memref_slice %arg17[%dma_start3A_304, %dma_start3A_305, %dma_start3A_306] : memref<2x128x128xf32, #tpu.memory_space<vmem>> -> memref<1x128x128xf32, #tpu.memory_space<vmem>>
      %dma_start3A_308 = tpu.memref_squeeze %dma_start3A_307 : memref<1x128x128xf32, #tpu.memory_space<vmem>> -> memref<128x128xf32, #tpu.memory_space<vmem>>
      %dma_start3A_309 = arith.constant 0 : i32
      %dma_start3A_310 = tpu.memref_slice %arg15[%mul3A_303, %dma_start3A_309] : memref<327680x128xf32, #tpu.memory_space<hbm>> -> memref<128x128xf32, #tpu.memory_space<hbm>>
      %dma_start3A_311 = arith.constant 0 : i32
      %dma_start3A_312 = arith.constant 0 : i32
      %dma_start3A_313 = tpu.memref_slice %arg17[%dma_start3A_304, %dma_start3A_311, %dma_start3A_312] : memref<2x128x128xf32, #tpu.memory_space<vmem>> -> memref<1x128x128xf32, #tpu.memory_space<vmem>>
      %dma_start3A_314 = tpu.memref_squeeze %dma_start3A_313 : memref<1x128x128xf32, #tpu.memory_space<vmem>> -> memref<128x128xf32, #tpu.memory_space<vmem>>
      %dma_start3A_315 = arith.constant 0 : i32
      %dma_start3A_316 = tpu.memref_slice %arg15[%mul3A_303, %dma_start3A_315] : memref<327680x128xf32, #tpu.memory_space<hbm>> -> memref<128x128xf32, #tpu.memory_space<hbm>>
      tpu.enqueue_dma source(%dma_start3A_316 : memref<128x128xf32, #tpu.memory_space<hbm>>) target(%dma_start3A_314 : memref<128x128xf32, #tpu.memory_space<vmem>>) target_semaphore(%arg19 : memref<!tpu.dma_semaphore, #tpu.memory_space<semaphore_mem>>)
      %dma_start3A_317 = arith.constant 0 : i32
      %dma_start3A_318 = arith.constant 0 : i32
      %dma_start3A_319 = arith.constant 0 : i32
      %dma_start3A_320 = tpu.memref_slice %arg17[%dma_start3A_317, %dma_start3A_318, %dma_start3A_319] : memref<2x128x128xf32, #tpu.memory_space<vmem>> -> memref<1x128x128xf32, #tpu.memory_space<vmem>>
      %dma_start3A_321 = tpu.memref_squeeze %dma_start3A_320 : memref<1x128x128xf32, #tpu.memory_space<vmem>> -> memref<128x128xf32, #tpu.memory_space<vmem>>
      %dma_start3A_322 = arith.constant 0 : i32
      %dma_start3A_323 = tpu.memref_slice %arg16[%add3A_276, %dma_start3A_322] : memref<80x128xi32, #tpu.memory_space<vmem>> -> memref<1x128xi32, #tpu.memory_space<vmem>>
      %dma_start3A_324 = tpu.memref_squeeze %dma_start3A_323 : memref<1x128xi32, #tpu.memory_space<vmem>> -> memref<128xi32, #tpu.memory_space<vmem>>
      %dma_start3A_325 = arith.constant 0 : i32
      %dma_start3A_326 = arith.constant 0 : i32
      %dma_start3A_327 = tpu.memref_slice %arg18[%dma_start3A_325, %dma_start3A_326] : memref<10112x128xf32, #tpu.memory_space<vmem_shared>> -> memref<10112x128xf32, #tpu.memory_space<vmem_shared>>
      tpu.enqueue_indirect_dma source(%dma_start3A_321 : memref<128x128xf32, #tpu.memory_space<vmem>>) target(%dma_start3A_327 : memref<10112x128xf32, #tpu.memory_space<vmem_shared>>) offsets(%dma_start3A_324 : memref<128xi32, #tpu.memory_space<vmem>>) semaphore(%arg20 : memref<!tpu.dma_semaphore, #tpu.memory_space<semaphore_mem>>) {add = true}
      %add3A_328 = arith.constant 1 : i32
      %add3A_329 = arith.addi %add3A_276, %add3A_328 : i32
      %mul3A_330 = arith.constant 80 : i32
      %mul3A_331 = arith.muli %add3A, %mul3A_330 : i32
      %add3A_332 = arith.addi %mul3A_331, %add3A_329 : i32
      %mul3A_333 = arith.constant 128 : i32
      %mul3A_334 = arith.muli %add3A_332, %mul3A_333 : i32
      %dma_wait3A_335 = arith.constant 1 : i32
      %dma_wait3A_336 = arith.constant 0 : i32
      %dma_wait3A_337 = arith.constant 0 : i32
      %dma_wait3A_338 = tpu.memref_slice %arg17[%dma_wait3A_335, %dma_wait3A_336, %dma_wait3A_337] : memref<2x128x128xf32, #tpu.memory_space<vmem>> -> memref<1x128x128xf32, #tpu.memory_space<vmem>>
      %dma_wait3A_339 = tpu.memref_squeeze %dma_wait3A_338 : memref<1x128x128xf32, #tpu.memory_space<vmem>> -> memref<128x128xf32, #tpu.memory_space<vmem>>
      %dma_wait3A_340 = arith.constant 0 : i32
      %dma_wait3A_341 = tpu.memref_slice %arg15[%mul3A_334, %dma_wait3A_340] : memref<327680x128xf32, #tpu.memory_space<hbm>> -> memref<128x128xf32, #tpu.memory_space<hbm>>
      %dma_wait3A_342 = arith.constant 0 : i32
      %dma_wait3A_343 = arith.constant 0 : i32
      %dma_wait3A_344 = tpu.memref_slice %arg17[%dma_wait3A_335, %dma_wait3A_342, %dma_wait3A_343] : memref<2x128x128xf32, #tpu.memory_space<vmem>> -> memref<1x128x128xf32, #tpu.memory_space<vmem>>
      %dma_wait3A_345 = tpu.memref_squeeze %dma_wait3A_344 : memref<1x128x128xf32, #tpu.memory_space<vmem>> -> memref<128x128xf32, #tpu.memory_space<vmem>>
      %dma_wait3A_346 = arith.constant 0 : i32
      %dma_wait3A_347 = tpu.memref_slice %arg15[%mul3A_334, %dma_wait3A_346] : memref<327680x128xf32, #tpu.memory_space<hbm>> -> memref<128x128xf32, #tpu.memory_space<hbm>>
      tpu.wait_dma2 semaphore(%arg19 : memref<!tpu.dma_semaphore, #tpu.memory_space<semaphore_mem>>) src(%dma_wait3A_347 : memref<128x128xf32, #tpu.memory_space<hbm>>) dst(%dma_wait3A_345 : memref<128x128xf32, #tpu.memory_space<vmem>>)
      %dma_wait3A_348 = arith.constant 0 : i32
      %dma_wait3A_349 = arith.constant 0 : i32
      %dma_wait3A_350 = arith.constant 0 : i32
      %dma_wait3A_351 = tpu.memref_slice %arg17[%dma_wait3A_348, %dma_wait3A_349, %dma_wait3A_350] : memref<2x128x128xf32, #tpu.memory_space<vmem>> -> memref<1x128x128xf32, #tpu.memory_space<vmem>>
      %dma_wait3A_352 = tpu.memref_squeeze %dma_wait3A_351 : memref<1x128x128xf32, #tpu.memory_space<vmem>> -> memref<128x128xf32, #tpu.memory_space<vmem>>
      %dma_wait3A_353 = arith.constant 0 : i32
      %dma_wait3A_354 = tpu.memref_slice %arg16[%add3A_276, %dma_wait3A_353] : memref<80x128xi32, #tpu.memory_space<vmem>> -> memref<1x128xi32, #tpu.memory_space<vmem>>
      %dma_wait3A_355 = tpu.memref_squeeze %dma_wait3A_354 : memref<1x128xi32, #tpu.memory_space<vmem>> -> memref<128xi32, #tpu.memory_space<vmem>>
      %dma_wait3A_356 = arith.constant 0 : i32
      %dma_wait3A_357 = arith.constant 0 : i32
      %dma_wait3A_358 = tpu.memref_slice %arg18[%dma_wait3A_356, %dma_wait3A_357] : memref<10112x128xf32, #tpu.memory_space<vmem_shared>> -> memref<10112x128xf32, #tpu.memory_space<vmem_shared>>
      tpu.wait_indirect_dma semaphore(%arg20 : memref<!tpu.dma_semaphore, #tpu.memory_space<semaphore_mem>>) src(%dma_wait3A_352 : memref<128x128xf32, #tpu.memory_space<vmem>>) dst(%dma_wait3A_358 : memref<10112x128xf32, #tpu.memory_space<vmem_shared>>)
      %add3A_359 = arith.constant 2 : i32
      %add3A_360 = arith.addi %add3A_276, %add3A_359 : i32
      %lt3A = arith.constant 80 : i32
      %lt3A_361 = arith.cmpi slt, %add3A_360, %lt3A : i32
      %convert_element_type3A_362 = arith.extui %lt3A_361 : i1 to i32
      %cond3A_363 = arith.constant 0 : i32
      %cond3A_364 = arith.cmpi ne, %convert_element_type3A_362, %cond3A_363 : i32
      scf.if %cond3A_364 {
        %add3A_378 = arith.constant 2 : i32
        %add3A_379 = arith.addi %add3A_276, %add3A_378 : i32
        %mul3A_380 = arith.constant 80 : i32
        %mul3A_381 = arith.muli %add3A, %mul3A_380 : i32
        %add3A_382 = arith.addi %mul3A_381, %add3A_379 : i32
        %mul3A_383 = arith.constant 128 : i32
        %mul3A_384 = arith.muli %add3A_382, %mul3A_383 : i32
        %dma_start3A_385 = arith.constant 0 : i32
        %dma_start3A_386 = arith.constant 0 : i32
        %dma_start3A_387 = arith.constant 0 : i32
        %dma_start3A_388 = tpu.memref_slice %arg17[%dma_start3A_385, %dma_start3A_386, %dma_start3A_387] : memref<2x128x128xf32, #tpu.memory_space<vmem>> -> memref<1x128x128xf32, #tpu.memory_space<vmem>>
        %dma_start3A_389 = tpu.memref_squeeze %dma_start3A_388 : memref<1x128x128xf32, #tpu.memory_space<vmem>> -> memref<128x128xf32, #tpu.memory_space<vmem>>
        %dma_start3A_390 = arith.constant 0 : i32
        %dma_start3A_391 = tpu.memref_slice %arg15[%mul3A_384, %dma_start3A_390] : memref<327680x128xf32, #tpu.memory_space<hbm>> -> memref<128x128xf32, #tpu.memory_space<hbm>>
        %dma_start3A_392 = arith.constant 0 : i32
        %dma_start3A_393 = arith.constant 0 : i32
        %dma_start3A_394 = tpu.memref_slice %arg17[%dma_start3A_385, %dma_start3A_392, %dma_start3A_393] : memref<2x128x128xf32, #tpu.memory_space<vmem>> -> memref<1x128x128xf32, #tpu.memory_space<vmem>>
        %dma_start3A_395 = tpu.memref_squeeze %dma_start3A_394 : memref<1x128x128xf32, #tpu.memory_space<vmem>> -> memref<128x128xf32, #tpu.memory_space<vmem>>
        %dma_start3A_396 = arith.constant 0 : i32
        %dma_start3A_397 = tpu.memref_slice %arg15[%mul3A_384, %dma_start3A_396] : memref<327680x128xf32, #tpu.memory_space<hbm>> -> memref<128x128xf32, #tpu.memory_space<hbm>>
        tpu.enqueue_dma source(%dma_start3A_397 : memref<128x128xf32, #tpu.memory_space<hbm>>) target(%dma_start3A_395 : memref<128x128xf32, #tpu.memory_space<vmem>>) target_semaphore(%arg19 : memref<!tpu.dma_semaphore, #tpu.memory_space<semaphore_mem>>)
      } else {
      }
      %add3A_365 = arith.constant 1 : i32
      %add3A_366 = arith.addi %add3A_276, %add3A_365 : i32
      %dma_start3A_367 = arith.constant 1 : i32
      %dma_start3A_368 = arith.constant 0 : i32
      %dma_start3A_369 = arith.constant 0 : i32
      %dma_start3A_370 = tpu.memref_slice %arg17[%dma_start3A_367, %dma_start3A_368, %dma_start3A_369] : memref<2x128x128xf32, #tpu.memory_space<vmem>> -> memref<1x128x128xf32, #tpu.memory_space<vmem>>
      %dma_start3A_371 = tpu.memref_squeeze %dma_start3A_370 : memref<1x128x128xf32, #tpu.memory_space<vmem>> -> memref<128x128xf32, #tpu.memory_space<vmem>>
      %dma_start3A_372 = arith.constant 0 : i32
      %dma_start3A_373 = tpu.memref_slice %arg16[%add3A_366, %dma_start3A_372] : memref<80x128xi32, #tpu.memory_space<vmem>> -> memref<1x128xi32, #tpu.memory_space<vmem>>
      %dma_start3A_374 = tpu.memref_squeeze %dma_start3A_373 : memref<1x128xi32, #tpu.memory_space<vmem>> -> memref<128xi32, #tpu.memory_space<vmem>>
      %dma_start3A_375 = arith.constant 0 : i32
      %dma_start3A_376 = arith.constant 0 : i32
      %dma_start3A_377 = tpu.memref_slice %arg18[%dma_start3A_375, %dma_start3A_376] : memref<10112x128xf32, #tpu.memory_space<vmem_shared>> -> memref<10112x128xf32, #tpu.memory_space<vmem_shared>>
      tpu.enqueue_indirect_dma source(%dma_start3A_371 : memref<128x128xf32, #tpu.memory_space<vmem>>) target(%dma_start3A_377 : memref<10112x128xf32, #tpu.memory_space<vmem_shared>>) offsets(%dma_start3A_374 : memref<128xi32, #tpu.memory_space<vmem>>) semaphore(%arg20 : memref<!tpu.dma_semaphore, #tpu.memory_space<semaphore_mem>>) {add = true}
    }
    %scan3A_75 = arith.constant 40 : i32
    %dma_wait3A_76 = arith.constant 1 : i32
    %dma_wait3A_77 = arith.constant 79 : i32
    %dma_wait3A_78 = arith.constant 0 : i32
    %dma_wait3A_79 = arith.constant 0 : i32
    %dma_wait3A_80 = tpu.memref_slice %arg17[%dma_wait3A_76, %dma_wait3A_78, %dma_wait3A_79] : memref<2x128x128xf32, #tpu.memory_space<vmem>> -> memref<1x128x128xf32, #tpu.memory_space<vmem>>
    %dma_wait3A_81 = tpu.memref_squeeze %dma_wait3A_80 : memref<1x128x128xf32, #tpu.memory_space<vmem>> -> memref<128x128xf32, #tpu.memory_space<vmem>>
    %dma_wait3A_82 = arith.constant 0 : i32
    %dma_wait3A_83 = tpu.memref_slice %arg16[%dma_wait3A_77, %dma_wait3A_82] : memref<80x128xi32, #tpu.memory_space<vmem>> -> memref<1x128xi32, #tpu.memory_space<vmem>>
    %dma_wait3A_84 = tpu.memref_squeeze %dma_wait3A_83 : memref<1x128xi32, #tpu.memory_space<vmem>> -> memref<128xi32, #tpu.memory_space<vmem>>
    %dma_wait3A_85 = arith.constant 0 : i32
    %dma_wait3A_86 = arith.constant 0 : i32
    %dma_wait3A_87 = tpu.memref_slice %arg18[%dma_wait3A_85, %dma_wait3A_86] : memref<10112x128xf32, #tpu.memory_space<vmem_shared>> -> memref<10112x128xf32, #tpu.memory_space<vmem_shared>>
    tpu.wait_indirect_dma semaphore(%arg20 : memref<!tpu.dma_semaphore, #tpu.memory_space<semaphore_mem>>) src(%dma_wait3A_81 : memref<128x128xf32, #tpu.memory_space<vmem>>) dst(%dma_wait3A_87 : memref<10112x128xf32, #tpu.memory_space<vmem_shared>>)
    %barrier3A_88 = arith.constant 0 : index
    tpu.barrier barrier_id(%barrier3A_88)
    "tpu.region"() ({
      %run_scoped3A = tpu.sem_alloc : memref<!tpu.dma_semaphore, #tpu.memory_space<semaphore_mem>>
      %dma_start3A_272 = arith.constant 0 : i32
      %dma_start3A_273 = tpu.memref_slice %arg12[%arg0, %mul3A_2, %dma_start3A_272] : memref<2x10112x128xf32, #tpu.memory_space<hbm>> -> memref<1x632x128xf32, #tpu.memory_space<hbm>>
      %dma_start3A_274 = tpu.memref_squeeze %dma_start3A_273 : memref<1x632x128xf32, #tpu.memory_space<hbm>> -> memref<632x128xf32, #tpu.memory_space<hbm>>
      %dma_start3A_275 = arith.constant 0 : i32
      %dma_start3A_276 = tpu.memref_slice %arg18[%mul3A_2, %dma_start3A_275] : memref<10112x128xf32, #tpu.memory_space<vmem_shared>> -> memref<632x128xf32, #tpu.memory_space<vmem_shared>>
      tpu.enqueue_dma source(%dma_start3A_276 : memref<632x128xf32, #tpu.memory_space<vmem_shared>>) target(%dma_start3A_274 : memref<632x128xf32, #tpu.memory_space<hbm>>) target_semaphore(%run_scoped3A : memref<!tpu.dma_semaphore, #tpu.memory_space<semaphore_mem>>)
      %dma_wait3A_277 = arith.constant 0 : i32
      %dma_wait3A_278 = tpu.memref_slice %arg12[%arg0, %mul3A_2, %dma_wait3A_277] : memref<2x10112x128xf32, #tpu.memory_space<hbm>> -> memref<1x632x128xf32, #tpu.memory_space<hbm>>
      %dma_wait3A_279 = tpu.memref_squeeze %dma_wait3A_278 : memref<1x632x128xf32, #tpu.memory_space<hbm>> -> memref<632x128xf32, #tpu.memory_space<hbm>>
      %dma_wait3A_280 = arith.constant 0 : i32
      %dma_wait3A_281 = tpu.memref_slice %arg18[%mul3A_2, %dma_wait3A_280] : memref<10112x128xf32, #tpu.memory_space<vmem_shared>> -> memref<632x128xf32, #tpu.memory_space<vmem_shared>>
      tpu.wait_dma2 semaphore(%run_scoped3A : memref<!tpu.dma_semaphore, #tpu.memory_space<semaphore_mem>>) src(%dma_wait3A_281 : memref<632x128xf32, #tpu.memory_space<vmem_shared>>) dst(%dma_wait3A_279 : memref<632x128xf32, #tpu.memory_space<hbm>>)
      tpu.yield
    }) : () -> ()
    %barrier3A_89 = arith.constant 0 : index
    tpu.barrier barrier_id(%barrier3A_89)
    %mul3A_90 = arith.constant 80 : i32
    %mul3A_91 = arith.muli %add3A, %mul3A_90 : i32
    "tpu.region"() ({
      %run_scoped3A = tpu.sem_alloc : memref<!tpu.dma_semaphore, #tpu.memory_space<semaphore_mem>>
      %dma_start3A_272 = arith.constant 0 : i32
      %dma_start3A_273 = tpu.memref_slice %arg6[%mul3A_91, %dma_start3A_272] : memref<2560x128xi32, #tpu.memory_space<hbm>> -> memref<80x128xi32, #tpu.memory_space<hbm>>
      %dma_start3A_274 = arith.constant 0 : i32
      %dma_start3A_275 = tpu.memref_slice %arg6[%mul3A_91, %dma_start3A_274] : memref<2560x128xi32, #tpu.memory_space<hbm>> -> memref<80x128xi32, #tpu.memory_space<hbm>>
      tpu.enqueue_dma source(%dma_start3A_275 : memref<80x128xi32, #tpu.memory_space<hbm>>) target(%arg16 : memref<80x128xi32, #tpu.memory_space<vmem>>) target_semaphore(%run_scoped3A : memref<!tpu.dma_semaphore, #tpu.memory_space<semaphore_mem>>)
      %dma_wait3A_276 = arith.constant 0 : i32
      %dma_wait3A_277 = tpu.memref_slice %arg6[%mul3A_91, %dma_wait3A_276] : memref<2560x128xi32, #tpu.memory_space<hbm>> -> memref<80x128xi32, #tpu.memory_space<hbm>>
      %dma_wait3A_278 = arith.constant 0 : i32
      %dma_wait3A_279 = tpu.memref_slice %arg6[%mul3A_91, %dma_wait3A_278] : memref<2560x128xi32, #tpu.memory_space<hbm>> -> memref<80x128xi32, #tpu.memory_space<hbm>>
      tpu.wait_dma2 semaphore(%run_scoped3A : memref<!tpu.dma_semaphore, #tpu.memory_space<semaphore_mem>>) src(%dma_wait3A_279 : memref<80x128xi32, #tpu.memory_space<hbm>>) dst(%arg16 : memref<80x128xi32, #tpu.memory_space<vmem>>)
      tpu.yield
    }) : () -> ()
    "tpu.region"() ({
      %run_scoped3A = tpu.sem_alloc : memref<!tpu.dma_semaphore, #tpu.memory_space<semaphore_mem>>
      %dma_start3A_272 = arith.constant 0 : i32
      %dma_start3A_273 = tpu.memref_slice %arg18[%mul3A_2, %dma_start3A_272] : memref<10112x128xf32, #tpu.memory_space<vmem_shared>> -> memref<632x128xf32, #tpu.memory_space<vmem_shared>>
      %dma_start3A_274 = arith.constant 0 : i32
      %dma_start3A_275 = tpu.memref_slice %arg3[%mul3A_2, %dma_start3A_274] : memref<10112x128xf32, #tpu.memory_space<hbm>> -> memref<632x128xf32, #tpu.memory_space<hbm>>
      tpu.enqueue_dma source(%dma_start3A_275 : memref<632x128xf32, #tpu.memory_space<hbm>>) target(%dma_start3A_273 : memref<632x128xf32, #tpu.memory_space<vmem_shared>>) target_semaphore(%run_scoped3A : memref<!tpu.dma_semaphore, #tpu.memory_space<semaphore_mem>>)
      %dma_wait3A_276 = arith.constant 0 : i32
      %dma_wait3A_277 = tpu.memref_slice %arg18[%mul3A_2, %dma_wait3A_276] : memref<10112x128xf32, #tpu.memory_space<vmem_shared>> -> memref<632x128xf32, #tpu.memory_space<vmem_shared>>
      %dma_wait3A_278 = arith.constant 0 : i32
      %dma_wait3A_279 = tpu.memref_slice %arg3[%mul3A_2, %dma_wait3A_278] : memref<10112x128xf32, #tpu.memory_space<hbm>> -> memref<632x128xf32, #tpu.memory_space<hbm>>
      tpu.wait_dma2 semaphore(%run_scoped3A : memref<!tpu.dma_semaphore, #tpu.memory_space<semaphore_mem>>) src(%dma_wait3A_279 : memref<632x128xf32, #tpu.memory_space<hbm>>) dst(%dma_wait3A_277 : memref<632x128xf32, #tpu.memory_space<vmem_shared>>)
      tpu.yield
    }) : () -> ()
    %barrier3A_92 = arith.constant 0 : index
    tpu.barrier barrier_id(%barrier3A_92)
    %dma_start3A_93 = arith.constant 0 : i32
    %dma_start3A_94 = arith.constant 0 : i32
    %dma_start3A_95 = arith.constant 0 : i32
    %dma_start3A_96 = arith.constant 0 : i32
    %dma_start3A_97 = tpu.memref_slice %arg17[%dma_start3A_94, %dma_start3A_95, %dma_start3A_96] : memref<2x128x128xf32, #tpu.memory_space<vmem>> -> memref<1x128x128xf32, #tpu.memory_space<vmem>>
    %dma_start3A_98 = tpu.memref_squeeze %dma_start3A_97 : memref<1x128x128xf32, #tpu.memory_space<vmem>> -> memref<128x128xf32, #tpu.memory_space<vmem>>
    %dma_start3A_99 = arith.constant 0 : i32
    %dma_start3A_100 = tpu.memref_slice %arg16[%dma_start3A_93, %dma_start3A_99] : memref<80x128xi32, #tpu.memory_space<vmem>> -> memref<1x128xi32, #tpu.memory_space<vmem>>
    %dma_start3A_101 = tpu.memref_squeeze %dma_start3A_100 : memref<1x128xi32, #tpu.memory_space<vmem>> -> memref<128xi32, #tpu.memory_space<vmem>>
    %dma_start3A_102 = arith.constant 0 : i32
    %dma_start3A_103 = arith.constant 0 : i32
    %dma_start3A_104 = tpu.memref_slice %arg18[%dma_start3A_102, %dma_start3A_103] : memref<10112x128xf32, #tpu.memory_space<vmem_shared>> -> memref<10112x128xf32, #tpu.memory_space<vmem_shared>>
    tpu.enqueue_indirect_dma source(%dma_start3A_104 : memref<10112x128xf32, #tpu.memory_space<vmem_shared>>) target(%dma_start3A_98 : memref<128x128xf32, #tpu.memory_space<vmem>>) offsets(%dma_start3A_101 : memref<128xi32, #tpu.memory_space<vmem>>) semaphore(%arg19 : memref<!tpu.dma_semaphore, #tpu.memory_space<semaphore_mem>>)
    %scan3A_105 = arith.constant 0 : i32
    %scan3A_106 = arith.constant 40 : i32
    %scan3A_107 = arith.addi %scan3A_105, %scan3A_106 : i32
    %scan3A_108 = arith.constant 1 : i32
    scf.for %scan3A_272 = %scan3A_105 to %scan3A_107 step %scan3A_108  : i32 {
      %mul3A_273 = arith.constant 2 : i32
      %mul3A_274 = arith.muli %scan3A_272, %mul3A_273 : i32
      %add3A_275 = arith.constant 0 : i32
      %add3A_276 = arith.addi %add3A_275, %mul3A_274 : i32
      %dma_wait3A_277 = arith.constant 0 : i32
      %dma_wait3A_278 = arith.constant 0 : i32
      %dma_wait3A_279 = arith.constant 0 : i32
      %dma_wait3A_280 = tpu.memref_slice %arg17[%dma_wait3A_277, %dma_wait3A_278, %dma_wait3A_279] : memref<2x128x128xf32, #tpu.memory_space<vmem>> -> memref<1x128x128xf32, #tpu.memory_space<vmem>>
      %dma_wait3A_281 = tpu.memref_squeeze %dma_wait3A_280 : memref<1x128x128xf32, #tpu.memory_space<vmem>> -> memref<128x128xf32, #tpu.memory_space<vmem>>
      %dma_wait3A_282 = arith.constant 0 : i32
      %dma_wait3A_283 = tpu.memref_slice %arg16[%add3A_276, %dma_wait3A_282] : memref<80x128xi32, #tpu.memory_space<vmem>> -> memref<1x128xi32, #tpu.memory_space<vmem>>
      %dma_wait3A_284 = tpu.memref_squeeze %dma_wait3A_283 : memref<1x128xi32, #tpu.memory_space<vmem>> -> memref<128xi32, #tpu.memory_space<vmem>>
      %dma_wait3A_285 = arith.constant 0 : i32
      %dma_wait3A_286 = arith.constant 0 : i32
      %dma_wait3A_287 = tpu.memref_slice %arg18[%dma_wait3A_285, %dma_wait3A_286] : memref<10112x128xf32, #tpu.memory_space<vmem_shared>> -> memref<10112x128xf32, #tpu.memory_space<vmem_shared>>
      tpu.wait_indirect_dma semaphore(%arg19 : memref<!tpu.dma_semaphore, #tpu.memory_space<semaphore_mem>>) src(%dma_wait3A_287 : memref<10112x128xf32, #tpu.memory_space<vmem_shared>>) dst(%dma_wait3A_281 : memref<128x128xf32, #tpu.memory_space<vmem>>)
      %gt3A = arith.constant 0 : i32
      %gt3A_288 = arith.cmpi sgt, %add3A_276, %gt3A : i32
      %convert_element_type3A = arith.extui %gt3A_288 : i1 to i32
      %cond3A = arith.constant 0 : i32
      %cond3A_289 = arith.cmpi ne, %convert_element_type3A, %cond3A : i32
      scf.if %cond3A_289 {
        %sub3A = arith.constant 1 : i32
        %sub3A_378 = arith.subi %add3A_276, %sub3A : i32
        %mul3A_379 = arith.constant 80 : i32
        %mul3A_380 = arith.muli %add3A, %mul3A_379 : i32
        %add3A_381 = arith.addi %mul3A_380, %sub3A_378 : i32
        %mul3A_382 = arith.constant 128 : i32
        %mul3A_383 = arith.muli %add3A_381, %mul3A_382 : i32
        %dma_wait3A_384 = arith.constant 1 : i32
        %dma_wait3A_385 = arith.constant 0 : i32
        %dma_wait3A_386 = arith.constant 0 : i32
        %dma_wait3A_387 = tpu.memref_slice %arg17[%dma_wait3A_384, %dma_wait3A_385, %dma_wait3A_386] : memref<2x128x128xf32, #tpu.memory_space<vmem>> -> memref<1x128x128xf32, #tpu.memory_space<vmem>>
        %dma_wait3A_388 = tpu.memref_squeeze %dma_wait3A_387 : memref<1x128x128xf32, #tpu.memory_space<vmem>> -> memref<128x128xf32, #tpu.memory_space<vmem>>
        %dma_wait3A_389 = arith.constant 0 : i32
        %dma_wait3A_390 = tpu.memref_slice %arg15[%mul3A_383, %dma_wait3A_389] : memref<327680x128xf32, #tpu.memory_space<hbm>> -> memref<128x128xf32, #tpu.memory_space<hbm>>
        %dma_wait3A_391 = arith.constant 0 : i32
        %dma_wait3A_392 = tpu.memref_slice %arg15[%mul3A_383, %dma_wait3A_391] : memref<327680x128xf32, #tpu.memory_space<hbm>> -> memref<128x128xf32, #tpu.memory_space<hbm>>
        %dma_wait3A_393 = arith.constant 0 : i32
        %dma_wait3A_394 = arith.constant 0 : i32
        %dma_wait3A_395 = tpu.memref_slice %arg17[%dma_wait3A_384, %dma_wait3A_393, %dma_wait3A_394] : memref<2x128x128xf32, #tpu.memory_space<vmem>> -> memref<1x128x128xf32, #tpu.memory_space<vmem>>
        %dma_wait3A_396 = tpu.memref_squeeze %dma_wait3A_395 : memref<1x128x128xf32, #tpu.memory_space<vmem>> -> memref<128x128xf32, #tpu.memory_space<vmem>>
        tpu.wait_dma2 semaphore(%arg20 : memref<!tpu.dma_semaphore, #tpu.memory_space<semaphore_mem>>) src(%dma_wait3A_396 : memref<128x128xf32, #tpu.memory_space<vmem>>) dst(%dma_wait3A_392 : memref<128x128xf32, #tpu.memory_space<hbm>>)
      } else {
      }
      %add3A_290 = arith.constant 1 : i32
      %add3A_291 = arith.addi %add3A_276, %add3A_290 : i32
      %dma_start3A_292 = arith.constant 1 : i32
      %dma_start3A_293 = arith.constant 0 : i32
      %dma_start3A_294 = arith.constant 0 : i32
      %dma_start3A_295 = tpu.memref_slice %arg17[%dma_start3A_292, %dma_start3A_293, %dma_start3A_294] : memref<2x128x128xf32, #tpu.memory_space<vmem>> -> memref<1x128x128xf32, #tpu.memory_space<vmem>>
      %dma_start3A_296 = tpu.memref_squeeze %dma_start3A_295 : memref<1x128x128xf32, #tpu.memory_space<vmem>> -> memref<128x128xf32, #tpu.memory_space<vmem>>
      %dma_start3A_297 = arith.constant 0 : i32
      %dma_start3A_298 = tpu.memref_slice %arg16[%add3A_291, %dma_start3A_297] : memref<80x128xi32, #tpu.memory_space<vmem>> -> memref<1x128xi32, #tpu.memory_space<vmem>>
      %dma_start3A_299 = tpu.memref_squeeze %dma_start3A_298 : memref<1x128xi32, #tpu.memory_space<vmem>> -> memref<128xi32, #tpu.memory_space<vmem>>
      %dma_start3A_300 = arith.constant 0 : i32
      %dma_start3A_301 = arith.constant 0 : i32
      %dma_start3A_302 = tpu.memref_slice %arg18[%dma_start3A_300, %dma_start3A_301] : memref<10112x128xf32, #tpu.memory_space<vmem_shared>> -> memref<10112x128xf32, #tpu.memory_space<vmem_shared>>
      tpu.enqueue_indirect_dma source(%dma_start3A_302 : memref<10112x128xf32, #tpu.memory_space<vmem_shared>>) target(%dma_start3A_296 : memref<128x128xf32, #tpu.memory_space<vmem>>) offsets(%dma_start3A_299 : memref<128xi32, #tpu.memory_space<vmem>>) semaphore(%arg19 : memref<!tpu.dma_semaphore, #tpu.memory_space<semaphore_mem>>)
      %mul3A_303 = arith.constant 80 : i32
      %mul3A_304 = arith.muli %add3A, %mul3A_303 : i32
      %add3A_305 = arith.addi %mul3A_304, %add3A_276 : i32
      %mul3A_306 = arith.constant 128 : i32
      %mul3A_307 = arith.muli %add3A_305, %mul3A_306 : i32
      %dma_start3A_308 = arith.constant 0 : i32
      %dma_start3A_309 = arith.constant 0 : i32
      %dma_start3A_310 = arith.constant 0 : i32
      %dma_start3A_311 = tpu.memref_slice %arg17[%dma_start3A_308, %dma_start3A_309, %dma_start3A_310] : memref<2x128x128xf32, #tpu.memory_space<vmem>> -> memref<1x128x128xf32, #tpu.memory_space<vmem>>
      %dma_start3A_312 = tpu.memref_squeeze %dma_start3A_311 : memref<1x128x128xf32, #tpu.memory_space<vmem>> -> memref<128x128xf32, #tpu.memory_space<vmem>>
      %dma_start3A_313 = arith.constant 0 : i32
      %dma_start3A_314 = tpu.memref_slice %arg15[%mul3A_307, %dma_start3A_313] : memref<327680x128xf32, #tpu.memory_space<hbm>> -> memref<128x128xf32, #tpu.memory_space<hbm>>
      %dma_start3A_315 = arith.constant 0 : i32
      %dma_start3A_316 = tpu.memref_slice %arg15[%mul3A_307, %dma_start3A_315] : memref<327680x128xf32, #tpu.memory_space<hbm>> -> memref<128x128xf32, #tpu.memory_space<hbm>>
      %dma_start3A_317 = arith.constant 0 : i32
      %dma_start3A_318 = arith.constant 0 : i32
      %dma_start3A_319 = tpu.memref_slice %arg17[%dma_start3A_308, %dma_start3A_317, %dma_start3A_318] : memref<2x128x128xf32, #tpu.memory_space<vmem>> -> memref<1x128x128xf32, #tpu.memory_space<vmem>>
      %dma_start3A_320 = tpu.memref_squeeze %dma_start3A_319 : memref<1x128x128xf32, #tpu.memory_space<vmem>> -> memref<128x128xf32, #tpu.memory_space<vmem>>
      tpu.enqueue_dma source(%dma_start3A_320 : memref<128x128xf32, #tpu.memory_space<vmem>>) target(%dma_start3A_316 : memref<128x128xf32, #tpu.memory_space<hbm>>) target_semaphore(%arg20 : memref<!tpu.dma_semaphore, #tpu.memory_space<semaphore_mem>>)
      %add3A_321 = arith.constant 1 : i32
      %add3A_322 = arith.addi %add3A_276, %add3A_321 : i32
      %dma_wait3A_323 = arith.constant 1 : i32
      %dma_wait3A_324 = arith.constant 0 : i32
      %dma_wait3A_325 = arith.constant 0 : i32
      %dma_wait3A_326 = tpu.memref_slice %arg17[%dma_wait3A_323, %dma_wait3A_324, %dma_wait3A_325] : memref<2x128x128xf32, #tpu.memory_space<vmem>> -> memref<1x128x128xf32, #tpu.memory_space<vmem>>
      %dma_wait3A_327 = tpu.memref_squeeze %dma_wait3A_326 : memref<1x128x128xf32, #tpu.memory_space<vmem>> -> memref<128x128xf32, #tpu.memory_space<vmem>>
      %dma_wait3A_328 = arith.constant 0 : i32
      %dma_wait3A_329 = tpu.memref_slice %arg16[%add3A_322, %dma_wait3A_328] : memref<80x128xi32, #tpu.memory_space<vmem>> -> memref<1x128xi32, #tpu.memory_space<vmem>>
      %dma_wait3A_330 = tpu.memref_squeeze %dma_wait3A_329 : memref<1x128xi32, #tpu.memory_space<vmem>> -> memref<128xi32, #tpu.memory_space<vmem>>
      %dma_wait3A_331 = arith.constant 0 : i32
      %dma_wait3A_332 = arith.constant 0 : i32
      %dma_wait3A_333 = tpu.memref_slice %arg18[%dma_wait3A_331, %dma_wait3A_332] : memref<10112x128xf32, #tpu.memory_space<vmem_shared>> -> memref<10112x128xf32, #tpu.memory_space<vmem_shared>>
      tpu.wait_indirect_dma semaphore(%arg19 : memref<!tpu.dma_semaphore, #tpu.memory_space<semaphore_mem>>) src(%dma_wait3A_333 : memref<10112x128xf32, #tpu.memory_space<vmem_shared>>) dst(%dma_wait3A_327 : memref<128x128xf32, #tpu.memory_space<vmem>>)
      %mul3A_334 = arith.constant 80 : i32
      %mul3A_335 = arith.muli %add3A, %mul3A_334 : i32
      %add3A_336 = arith.addi %mul3A_335, %add3A_276 : i32
      %mul3A_337 = arith.constant 128 : i32
      %mul3A_338 = arith.muli %add3A_336, %mul3A_337 : i32
      %dma_wait3A_339 = arith.constant 0 : i32
      %dma_wait3A_340 = arith.constant 0 : i32
      %dma_wait3A_341 = arith.constant 0 : i32
      %dma_wait3A_342 = tpu.memref_slice %arg17[%dma_wait3A_339, %dma_wait3A_340, %dma_wait3A_341] : memref<2x128x128xf32, #tpu.memory_space<vmem>> -> memref<1x128x128xf32, #tpu.memory_space<vmem>>
      %dma_wait3A_343 = tpu.memref_squeeze %dma_wait3A_342 : memref<1x128x128xf32, #tpu.memory_space<vmem>> -> memref<128x128xf32, #tpu.memory_space<vmem>>
      %dma_wait3A_344 = arith.constant 0 : i32
      %dma_wait3A_345 = tpu.memref_slice %arg15[%mul3A_338, %dma_wait3A_344] : memref<327680x128xf32, #tpu.memory_space<hbm>> -> memref<128x128xf32, #tpu.memory_space<hbm>>
      %dma_wait3A_346 = arith.constant 0 : i32
      %dma_wait3A_347 = tpu.memref_slice %arg15[%mul3A_338, %dma_wait3A_346] : memref<327680x128xf32, #tpu.memory_space<hbm>> -> memref<128x128xf32, #tpu.memory_space<hbm>>
      %dma_wait3A_348 = arith.constant 0 : i32
      %dma_wait3A_349 = arith.constant 0 : i32
      %dma_wait3A_350 = tpu.memref_slice %arg17[%dma_wait3A_339, %dma_wait3A_348, %dma_wait3A_349] : memref<2x128x128xf32, #tpu.memory_space<vmem>> -> memref<1x128x128xf32, #tpu.memory_space<vmem>>
      %dma_wait3A_351 = tpu.memref_squeeze %dma_wait3A_350 : memref<1x128x128xf32, #tpu.memory_space<vmem>> -> memref<128x128xf32, #tpu.memory_space<vmem>>
      tpu.wait_dma2 semaphore(%arg20 : memref<!tpu.dma_semaphore, #tpu.memory_space<semaphore_mem>>) src(%dma_wait3A_351 : memref<128x128xf32, #tpu.memory_space<vmem>>) dst(%dma_wait3A_347 : memref<128x128xf32, #tpu.memory_space<hbm>>)
      %add3A_352 = arith.constant 2 : i32
      %add3A_353 = arith.addi %add3A_276, %add3A_352 : i32
      %lt3A = arith.constant 80 : i32
      %lt3A_354 = arith.cmpi slt, %add3A_353, %lt3A : i32
      %convert_element_type3A_355 = arith.extui %lt3A_354 : i1 to i32
      %cond3A_356 = arith.constant 0 : i32
      %cond3A_357 = arith.cmpi ne, %convert_element_type3A_355, %cond3A_356 : i32
      scf.if %cond3A_357 {
        %add3A_378 = arith.constant 2 : i32
        %add3A_379 = arith.addi %add3A_276, %add3A_378 : i32
        %dma_start3A_380 = arith.constant 0 : i32
        %dma_start3A_381 = arith.constant 0 : i32
        %dma_start3A_382 = arith.constant 0 : i32
        %dma_start3A_383 = tpu.memref_slice %arg17[%dma_start3A_380, %dma_start3A_381, %dma_start3A_382] : memref<2x128x128xf32, #tpu.memory_space<vmem>> -> memref<1x128x128xf32, #tpu.memory_space<vmem>>
        %dma_start3A_384 = tpu.memref_squeeze %dma_start3A_383 : memref<1x128x128xf32, #tpu.memory_space<vmem>> -> memref<128x128xf32, #tpu.memory_space<vmem>>
        %dma_start3A_385 = arith.constant 0 : i32
        %dma_start3A_386 = tpu.memref_slice %arg16[%add3A_379, %dma_start3A_385] : memref<80x128xi32, #tpu.memory_space<vmem>> -> memref<1x128xi32, #tpu.memory_space<vmem>>
        %dma_start3A_387 = tpu.memref_squeeze %dma_start3A_386 : memref<1x128xi32, #tpu.memory_space<vmem>> -> memref<128xi32, #tpu.memory_space<vmem>>
        %dma_start3A_388 = arith.constant 0 : i32
        %dma_start3A_389 = arith.constant 0 : i32
        %dma_start3A_390 = tpu.memref_slice %arg18[%dma_start3A_388, %dma_start3A_389] : memref<10112x128xf32, #tpu.memory_space<vmem_shared>> -> memref<10112x128xf32, #tpu.memory_space<vmem_shared>>
        tpu.enqueue_indirect_dma source(%dma_start3A_390 : memref<10112x128xf32, #tpu.memory_space<vmem_shared>>) target(%dma_start3A_384 : memref<128x128xf32, #tpu.memory_space<vmem>>) offsets(%dma_start3A_387 : memref<128xi32, #tpu.memory_space<vmem>>) semaphore(%arg19 : memref<!tpu.dma_semaphore, #tpu.memory_space<semaphore_mem>>)
      } else {
      }
      %add3A_358 = arith.constant 1 : i32
      %add3A_359 = arith.addi %add3A_276, %add3A_358 : i32
      %mul3A_360 = arith.constant 80 : i32
      %mul3A_361 = arith.muli %add3A, %mul3A_360 : i32
      %add3A_362 = arith.addi %mul3A_361, %add3A_359 : i32
      %mul3A_363 = arith.constant 128 : i32
      %mul3A_364 = arith.muli %add3A_362, %mul3A_363 : i32
      %dma_start3A_365 = arith.constant 1 : i32
      %dma_start3A_366 = arith.constant 0 : i32
      %dma_start3A_367 = arith.constant 0 : i32
      %dma_start3A_368 = tpu.memref_slice %arg17[%dma_start3A_365, %dma_start3A_366, %dma_start3A_367] : memref<2x128x128xf32, #tpu.memory_space<vmem>> -> memref<1x128x128xf32, #tpu.memory_space<vmem>>
      %dma_start3A_369 = tpu.memref_squeeze %dma_start3A_368 : memref<1x128x128xf32, #tpu.memory_space<vmem>> -> memref<128x128xf32, #tpu.memory_space<vmem>>
      %dma_start3A_370 = arith.constant 0 : i32
      %dma_start3A_371 = tpu.memref_slice %arg15[%mul3A_364, %dma_start3A_370] : memref<327680x128xf32, #tpu.memory_space<hbm>> -> memref<128x128xf32, #tpu.memory_space<hbm>>
      %dma_start3A_372 = arith.constant 0 : i32
      %dma_start3A_373 = tpu.memref_slice %arg15[%mul3A_364, %dma_start3A_372] : memref<327680x128xf32, #tpu.memory_space<hbm>> -> memref<128x128xf32, #tpu.memory_space<hbm>>
      %dma_start3A_374 = arith.constant 0 : i32
      %dma_start3A_375 = arith.constant 0 : i32
      %dma_start3A_376 = tpu.memref_slice %arg17[%dma_start3A_365, %dma_start3A_374, %dma_start3A_375] : memref<2x128x128xf32, #tpu.memory_space<vmem>> -> memref<1x128x128xf32, #tpu.memory_space<vmem>>
      %dma_start3A_377 = tpu.memref_squeeze %dma_start3A_376 : memref<1x128x128xf32, #tpu.memory_space<vmem>> -> memref<128x128xf32, #tpu.memory_space<vmem>>
      tpu.enqueue_dma source(%dma_start3A_377 : memref<128x128xf32, #tpu.memory_space<vmem>>) target(%dma_start3A_373 : memref<128x128xf32, #tpu.memory_space<hbm>>) target_semaphore(%arg20 : memref<!tpu.dma_semaphore, #tpu.memory_space<semaphore_mem>>)
    }
    %scan3A_109 = arith.constant 40 : i32
    %mul3A_110 = arith.constant 80 : i32
    %mul3A_111 = arith.muli %add3A, %mul3A_110 : i32
    %add3A_112 = arith.constant 79 : i32
    %add3A_113 = arith.addi %mul3A_111, %add3A_112 : i32
    %mul3A_114 = arith.constant 128 : i32
    %mul3A_115 = arith.muli %add3A_113, %mul3A_114 : i32
    %dma_wait3A_116 = arith.constant 1 : i32
    %dma_wait3A_117 = arith.constant 0 : i32
    %dma_wait3A_118 = arith.constant 0 : i32
    %dma_wait3A_119 = tpu.memref_slice %arg17[%dma_wait3A_116, %dma_wait3A_117, %dma_wait3A_118] : memref<2x128x128xf32, #tpu.memory_space<vmem>> -> memref<1x128x128xf32, #tpu.memory_space<vmem>>
    %dma_wait3A_120 = tpu.memref_squeeze %dma_wait3A_119 : memref<1x128x128xf32, #tpu.memory_space<vmem>> -> memref<128x128xf32, #tpu.memory_space<vmem>>
    %dma_wait3A_121 = arith.constant 0 : i32
    %dma_wait3A_122 = tpu.memref_slice %arg15[%mul3A_115, %dma_wait3A_121] : memref<327680x128xf32, #tpu.memory_space<hbm>> -> memref<128x128xf32, #tpu.memory_space<hbm>>
    %dma_wait3A_123 = arith.constant 0 : i32
    %dma_wait3A_124 = tpu.memref_slice %arg15[%mul3A_115, %dma_wait3A_123] : memref<327680x128xf32, #tpu.memory_space<hbm>> -> memref<128x128xf32, #tpu.memory_space<hbm>>
    %dma_wait3A_125 = arith.constant 0 : i32
    %dma_wait3A_126 = arith.constant 0 : i32
    %dma_wait3A_127 = tpu.memref_slice %arg17[%dma_wait3A_116, %dma_wait3A_125, %dma_wait3A_126] : memref<2x128x128xf32, #tpu.memory_space<vmem>> -> memref<1x128x128xf32, #tpu.memory_space<vmem>>
    %dma_wait3A_128 = tpu.memref_squeeze %dma_wait3A_127 : memref<1x128x128xf32, #tpu.memory_space<vmem>> -> memref<128x128xf32, #tpu.memory_space<vmem>>
    tpu.wait_dma2 semaphore(%arg20 : memref<!tpu.dma_semaphore, #tpu.memory_space<semaphore_mem>>) src(%dma_wait3A_128 : memref<128x128xf32, #tpu.memory_space<vmem>>) dst(%dma_wait3A_124 : memref<128x128xf32, #tpu.memory_space<hbm>>)
    %barrier3A_129 = arith.constant 0 : index
    tpu.barrier barrier_id(%barrier3A_129)
    %mul3A_130 = arith.constant 80 : i32
    %mul3A_131 = arith.muli %add3A, %mul3A_130 : i32
    "tpu.region"() ({
      %run_scoped3A = tpu.sem_alloc : memref<!tpu.dma_semaphore, #tpu.memory_space<semaphore_mem>>
      %dma_start3A_272 = arith.constant 0 : i32
      %dma_start3A_273 = tpu.memref_slice %arg9[%mul3A_131, %dma_start3A_272] : memref<2560x128xi32, #tpu.memory_space<hbm>> -> memref<80x128xi32, #tpu.memory_space<hbm>>
      %dma_start3A_274 = arith.constant 0 : i32
      %dma_start3A_275 = tpu.memref_slice %arg9[%mul3A_131, %dma_start3A_274] : memref<2560x128xi32, #tpu.memory_space<hbm>> -> memref<80x128xi32, #tpu.memory_space<hbm>>
      tpu.enqueue_dma source(%dma_start3A_275 : memref<80x128xi32, #tpu.memory_space<hbm>>) target(%arg16 : memref<80x128xi32, #tpu.memory_space<vmem>>) target_semaphore(%run_scoped3A : memref<!tpu.dma_semaphore, #tpu.memory_space<semaphore_mem>>)
      %dma_wait3A_276 = arith.constant 0 : i32
      %dma_wait3A_277 = tpu.memref_slice %arg9[%mul3A_131, %dma_wait3A_276] : memref<2560x128xi32, #tpu.memory_space<hbm>> -> memref<80x128xi32, #tpu.memory_space<hbm>>
      %dma_wait3A_278 = arith.constant 0 : i32
      %dma_wait3A_279 = tpu.memref_slice %arg9[%mul3A_131, %dma_wait3A_278] : memref<2560x128xi32, #tpu.memory_space<hbm>> -> memref<80x128xi32, #tpu.memory_space<hbm>>
      tpu.wait_dma2 semaphore(%run_scoped3A : memref<!tpu.dma_semaphore, #tpu.memory_space<semaphore_mem>>) src(%dma_wait3A_279 : memref<80x128xi32, #tpu.memory_space<hbm>>) dst(%arg16 : memref<80x128xi32, #tpu.memory_space<vmem>>)
      tpu.yield
    }) : () -> ()
    %add3A_132 = arith.constant 0 : i32
    %add3A_133 = arith.addi %mul3A_2, %add3A_132 : i32
    "tpu.region"() ({
      %run_scoped3A = tpu.sem_alloc : memref<!tpu.dma_semaphore, #tpu.memory_space<semaphore_mem>>
      %dma_start3A_272 = arith.constant 0 : i32
      %dma_start3A_273 = tpu.memref_slice %arg18[%add3A_133, %dma_start3A_272] : memref<10112x128xf32, #tpu.memory_space<vmem_shared>> -> memref<128x128xf32, #tpu.memory_space<vmem_shared>>
      tpu.enqueue_dma source(%arg11 : memref<128x128xf32, #tpu.memory_space<hbm>>) target(%dma_start3A_273 : memref<128x128xf32, #tpu.memory_space<vmem_shared>>) target_semaphore(%run_scoped3A : memref<!tpu.dma_semaphore, #tpu.memory_space<semaphore_mem>>)
      %dma_wait3A_274 = arith.constant 0 : i32
      %dma_wait3A_275 = tpu.memref_slice %arg18[%add3A_133, %dma_wait3A_274] : memref<10112x128xf32, #tpu.memory_space<vmem_shared>> -> memref<128x128xf32, #tpu.memory_space<vmem_shared>>
      tpu.wait_dma2 semaphore(%run_scoped3A : memref<!tpu.dma_semaphore, #tpu.memory_space<semaphore_mem>>) src(%arg11 : memref<128x128xf32, #tpu.memory_space<hbm>>) dst(%dma_wait3A_275 : memref<128x128xf32, #tpu.memory_space<vmem_shared>>)
      tpu.yield
    }) : () -> ()
    %add3A_134 = arith.constant 128 : i32
    %add3A_135 = arith.addi %mul3A_2, %add3A_134 : i32
    "tpu.region"() ({
      %run_scoped3A = tpu.sem_alloc : memref<!tpu.dma_semaphore, #tpu.memory_space<semaphore_mem>>
      %dma_start3A_272 = arith.constant 0 : i32
      %dma_start3A_273 = tpu.memref_slice %arg18[%add3A_135, %dma_start3A_272] : memref<10112x128xf32, #tpu.memory_space<vmem_shared>> -> memref<128x128xf32, #tpu.memory_space<vmem_shared>>
      tpu.enqueue_dma source(%arg11 : memref<128x128xf32, #tpu.memory_space<hbm>>) target(%dma_start3A_273 : memref<128x128xf32, #tpu.memory_space<vmem_shared>>) target_semaphore(%run_scoped3A : memref<!tpu.dma_semaphore, #tpu.memory_space<semaphore_mem>>)
      %dma_wait3A_274 = arith.constant 0 : i32
      %dma_wait3A_275 = tpu.memref_slice %arg18[%add3A_135, %dma_wait3A_274] : memref<10112x128xf32, #tpu.memory_space<vmem_shared>> -> memref<128x128xf32, #tpu.memory_space<vmem_shared>>
      tpu.wait_dma2 semaphore(%run_scoped3A : memref<!tpu.dma_semaphore, #tpu.memory_space<semaphore_mem>>) src(%arg11 : memref<128x128xf32, #tpu.memory_space<hbm>>) dst(%dma_wait3A_275 : memref<128x128xf32, #tpu.memory_space<vmem_shared>>)
      tpu.yield
    }) : () -> ()
    %add3A_136 = arith.constant 256 : i32
    %add3A_137 = arith.addi %mul3A_2, %add3A_136 : i32
    "tpu.region"() ({
      %run_scoped3A = tpu.sem_alloc : memref<!tpu.dma_semaphore, #tpu.memory_space<semaphore_mem>>
      %dma_start3A_272 = arith.constant 0 : i32
      %dma_start3A_273 = tpu.memref_slice %arg18[%add3A_137, %dma_start3A_272] : memref<10112x128xf32, #tpu.memory_space<vmem_shared>> -> memref<128x128xf32, #tpu.memory_space<vmem_shared>>
      tpu.enqueue_dma source(%arg11 : memref<128x128xf32, #tpu.memory_space<hbm>>) target(%dma_start3A_273 : memref<128x128xf32, #tpu.memory_space<vmem_shared>>) target_semaphore(%run_scoped3A : memref<!tpu.dma_semaphore, #tpu.memory_space<semaphore_mem>>)
      %dma_wait3A_274 = arith.constant 0 : i32
      %dma_wait3A_275 = tpu.memref_slice %arg18[%add3A_137, %dma_wait3A_274] : memref<10112x128xf32, #tpu.memory_space<vmem_shared>> -> memref<128x128xf32, #tpu.memory_space<vmem_shared>>
      tpu.wait_dma2 semaphore(%run_scoped3A : memref<!tpu.dma_semaphore, #tpu.memory_space<semaphore_mem>>) src(%arg11 : memref<128x128xf32, #tpu.memory_space<hbm>>) dst(%dma_wait3A_275 : memref<128x128xf32, #tpu.memory_space<vmem_shared>>)
      tpu.yield
    }) : () -> ()
    %add3A_138 = arith.constant 384 : i32
    %add3A_139 = arith.addi %mul3A_2, %add3A_138 : i32
    "tpu.region"() ({
      %run_scoped3A = tpu.sem_alloc : memref<!tpu.dma_semaphore, #tpu.memory_space<semaphore_mem>>
      %dma_start3A_272 = arith.constant 0 : i32
      %dma_start3A_273 = tpu.memref_slice %arg18[%add3A_139, %dma_start3A_272] : memref<10112x128xf32, #tpu.memory_space<vmem_shared>> -> memref<128x128xf32, #tpu.memory_space<vmem_shared>>
      tpu.enqueue_dma source(%arg11 : memref<128x128xf32, #tpu.memory_space<hbm>>) target(%dma_start3A_273 : memref<128x128xf32, #tpu.memory_space<vmem_shared>>) target_semaphore(%run_scoped3A : memref<!tpu.dma_semaphore, #tpu.memory_space<semaphore_mem>>)
      %dma_wait3A_274 = arith.constant 0 : i32
      %dma_wait3A_275 = tpu.memref_slice %arg18[%add3A_139, %dma_wait3A_274] : memref<10112x128xf32, #tpu.memory_space<vmem_shared>> -> memref<128x128xf32, #tpu.memory_space<vmem_shared>>
      tpu.wait_dma2 semaphore(%run_scoped3A : memref<!tpu.dma_semaphore, #tpu.memory_space<semaphore_mem>>) src(%arg11 : memref<128x128xf32, #tpu.memory_space<hbm>>) dst(%dma_wait3A_275 : memref<128x128xf32, #tpu.memory_space<vmem_shared>>)
      tpu.yield
    }) : () -> ()
    %add3A_140 = arith.constant 512 : i32
    %add3A_141 = arith.addi %mul3A_2, %add3A_140 : i32
    "tpu.region"() ({
      %run_scoped3A = tpu.sem_alloc : memref<!tpu.dma_semaphore, #tpu.memory_space<semaphore_mem>>
      %dma_start3A_272 = arith.constant 0 : i32
      %dma_start3A_273 = tpu.memref_slice %arg18[%add3A_141, %dma_start3A_272] : memref<10112x128xf32, #tpu.memory_space<vmem_shared>> -> memref<120x128xf32, #tpu.memory_space<vmem_shared>>
      %dma_start3A_274 = arith.constant 0 : i32
      %dma_start3A_275 = arith.constant 0 : i32
      %dma_start3A_276 = tpu.memref_slice %arg11[%dma_start3A_274, %dma_start3A_275] : memref<128x128xf32, #tpu.memory_space<hbm>> -> memref<120x128xf32, #tpu.memory_space<hbm>>
      tpu.enqueue_dma source(%dma_start3A_276 : memref<120x128xf32, #tpu.memory_space<hbm>>) target(%dma_start3A_273 : memref<120x128xf32, #tpu.memory_space<vmem_shared>>) target_semaphore(%run_scoped3A : memref<!tpu.dma_semaphore, #tpu.memory_space<semaphore_mem>>)
      %dma_wait3A_277 = arith.constant 0 : i32
      %dma_wait3A_278 = tpu.memref_slice %arg18[%add3A_141, %dma_wait3A_277] : memref<10112x128xf32, #tpu.memory_space<vmem_shared>> -> memref<120x128xf32, #tpu.memory_space<vmem_shared>>
      %dma_wait3A_279 = arith.constant 0 : i32
      %dma_wait3A_280 = arith.constant 0 : i32
      %dma_wait3A_281 = tpu.memref_slice %arg11[%dma_wait3A_279, %dma_wait3A_280] : memref<128x128xf32, #tpu.memory_space<hbm>> -> memref<120x128xf32, #tpu.memory_space<hbm>>
      tpu.wait_dma2 semaphore(%run_scoped3A : memref<!tpu.dma_semaphore, #tpu.memory_space<semaphore_mem>>) src(%dma_wait3A_281 : memref<120x128xf32, #tpu.memory_space<hbm>>) dst(%dma_wait3A_278 : memref<120x128xf32, #tpu.memory_space<vmem_shared>>)
      tpu.yield
    }) : () -> ()
    %barrier3A_142 = arith.constant 0 : index
    tpu.barrier barrier_id(%barrier3A_142)
    %mul3A_143 = arith.constant 80 : i32
    %mul3A_144 = arith.muli %add3A, %mul3A_143 : i32
    %add3A_145 = arith.constant 0 : i32
    %add3A_146 = arith.addi %mul3A_144, %add3A_145 : i32
    %mul3A_147 = arith.constant 128 : i32
    %mul3A_148 = arith.muli %add3A_146, %mul3A_147 : i32
    %dma_start3A_149 = arith.constant 0 : i32
    %dma_start3A_150 = arith.constant 0 : i32
    %dma_start3A_151 = arith.constant 0 : i32
    %dma_start3A_152 = tpu.memref_slice %arg17[%dma_start3A_149, %dma_start3A_150, %dma_start3A_151] : memref<2x128x128xf32, #tpu.memory_space<vmem>> -> memref<1x128x128xf32, #tpu.memory_space<vmem>>
    %dma_start3A_153 = tpu.memref_squeeze %dma_start3A_152 : memref<1x128x128xf32, #tpu.memory_space<vmem>> -> memref<128x128xf32, #tpu.memory_space<vmem>>
    %dma_start3A_154 = arith.constant 0 : i32
    %dma_start3A_155 = tpu.memref_slice %arg15[%mul3A_148, %dma_start3A_154] : memref<327680x128xf32, #tpu.memory_space<hbm>> -> memref<128x128xf32, #tpu.memory_space<hbm>>
    %dma_start3A_156 = arith.constant 0 : i32
    %dma_start3A_157 = arith.constant 0 : i32
    %dma_start3A_158 = tpu.memref_slice %arg17[%dma_start3A_149, %dma_start3A_156, %dma_start3A_157] : memref<2x128x128xf32, #tpu.memory_space<vmem>> -> memref<1x128x128xf32, #tpu.memory_space<vmem>>
    %dma_start3A_159 = tpu.memref_squeeze %dma_start3A_158 : memref<1x128x128xf32, #tpu.memory_space<vmem>> -> memref<128x128xf32, #tpu.memory_space<vmem>>
    %dma_start3A_160 = arith.constant 0 : i32
    %dma_start3A_161 = tpu.memref_slice %arg15[%mul3A_148, %dma_start3A_160] : memref<327680x128xf32, #tpu.memory_space<hbm>> -> memref<128x128xf32, #tpu.memory_space<hbm>>
    tpu.enqueue_dma source(%dma_start3A_161 : memref<128x128xf32, #tpu.memory_space<hbm>>) target(%dma_start3A_159 : memref<128x128xf32, #tpu.memory_space<vmem>>) target_semaphore(%arg19 : memref<!tpu.dma_semaphore, #tpu.memory_space<semaphore_mem>>)
    %scan3A_162 = arith.constant 0 : i32
    %scan3A_163 = arith.constant 40 : i32
    %scan3A_164 = arith.addi %scan3A_162, %scan3A_163 : i32
    %scan3A_165 = arith.constant 1 : i32
    scf.for %scan3A_272 = %scan3A_162 to %scan3A_164 step %scan3A_165  : i32 {
      %mul3A_273 = arith.constant 2 : i32
      %mul3A_274 = arith.muli %scan3A_272, %mul3A_273 : i32
      %add3A_275 = arith.constant 0 : i32
      %add3A_276 = arith.addi %add3A_275, %mul3A_274 : i32
      %mul3A_277 = arith.constant 80 : i32
      %mul3A_278 = arith.muli %add3A, %mul3A_277 : i32
      %add3A_279 = arith.addi %mul3A_278, %add3A_276 : i32
      %mul3A_280 = arith.constant 128 : i32
      %mul3A_281 = arith.muli %add3A_279, %mul3A_280 : i32
      %dma_wait3A_282 = arith.constant 0 : i32
      %dma_wait3A_283 = arith.constant 0 : i32
      %dma_wait3A_284 = arith.constant 0 : i32
      %dma_wait3A_285 = tpu.memref_slice %arg17[%dma_wait3A_282, %dma_wait3A_283, %dma_wait3A_284] : memref<2x128x128xf32, #tpu.memory_space<vmem>> -> memref<1x128x128xf32, #tpu.memory_space<vmem>>
      %dma_wait3A_286 = tpu.memref_squeeze %dma_wait3A_285 : memref<1x128x128xf32, #tpu.memory_space<vmem>> -> memref<128x128xf32, #tpu.memory_space<vmem>>
      %dma_wait3A_287 = arith.constant 0 : i32
      %dma_wait3A_288 = tpu.memref_slice %arg15[%mul3A_281, %dma_wait3A_287] : memref<327680x128xf32, #tpu.memory_space<hbm>> -> memref<128x128xf32, #tpu.memory_space<hbm>>
      %dma_wait3A_289 = arith.constant 0 : i32
      %dma_wait3A_290 = arith.constant 0 : i32
      %dma_wait3A_291 = tpu.memref_slice %arg17[%dma_wait3A_282, %dma_wait3A_289, %dma_wait3A_290] : memref<2x128x128xf32, #tpu.memory_space<vmem>> -> memref<1x128x128xf32, #tpu.memory_space<vmem>>
      %dma_wait3A_292 = tpu.memref_squeeze %dma_wait3A_291 : memref<1x128x128xf32, #tpu.memory_space<vmem>> -> memref<128x128xf32, #tpu.memory_space<vmem>>
      %dma_wait3A_293 = arith.constant 0 : i32
      %dma_wait3A_294 = tpu.memref_slice %arg15[%mul3A_281, %dma_wait3A_293] : memref<327680x128xf32, #tpu.memory_space<hbm>> -> memref<128x128xf32, #tpu.memory_space<hbm>>
      tpu.wait_dma2 semaphore(%arg19 : memref<!tpu.dma_semaphore, #tpu.memory_space<semaphore_mem>>) src(%dma_wait3A_294 : memref<128x128xf32, #tpu.memory_space<hbm>>) dst(%dma_wait3A_292 : memref<128x128xf32, #tpu.memory_space<vmem>>)
      %gt3A = arith.constant 0 : i32
      %gt3A_295 = arith.cmpi sgt, %add3A_276, %gt3A : i32
      %convert_element_type3A = arith.extui %gt3A_295 : i1 to i32
      %cond3A = arith.constant 0 : i32
      %cond3A_296 = arith.cmpi ne, %convert_element_type3A, %cond3A : i32
      scf.if %cond3A_296 {
        %sub3A = arith.constant 1 : i32
        %sub3A_378 = arith.subi %add3A_276, %sub3A : i32
        %dma_wait3A_379 = arith.constant 1 : i32
        %dma_wait3A_380 = arith.constant 0 : i32
        %dma_wait3A_381 = arith.constant 0 : i32
        %dma_wait3A_382 = tpu.memref_slice %arg17[%dma_wait3A_379, %dma_wait3A_380, %dma_wait3A_381] : memref<2x128x128xf32, #tpu.memory_space<vmem>> -> memref<1x128x128xf32, #tpu.memory_space<vmem>>
        %dma_wait3A_383 = tpu.memref_squeeze %dma_wait3A_382 : memref<1x128x128xf32, #tpu.memory_space<vmem>> -> memref<128x128xf32, #tpu.memory_space<vmem>>
        %dma_wait3A_384 = arith.constant 0 : i32
        %dma_wait3A_385 = tpu.memref_slice %arg16[%sub3A_378, %dma_wait3A_384] : memref<80x128xi32, #tpu.memory_space<vmem>> -> memref<1x128xi32, #tpu.memory_space<vmem>>
        %dma_wait3A_386 = tpu.memref_squeeze %dma_wait3A_385 : memref<1x128xi32, #tpu.memory_space<vmem>> -> memref<128xi32, #tpu.memory_space<vmem>>
        %dma_wait3A_387 = arith.constant 0 : i32
        %dma_wait3A_388 = arith.constant 0 : i32
        %dma_wait3A_389 = tpu.memref_slice %arg18[%dma_wait3A_387, %dma_wait3A_388] : memref<10112x128xf32, #tpu.memory_space<vmem_shared>> -> memref<10112x128xf32, #tpu.memory_space<vmem_shared>>
        tpu.wait_indirect_dma semaphore(%arg20 : memref<!tpu.dma_semaphore, #tpu.memory_space<semaphore_mem>>) src(%dma_wait3A_383 : memref<128x128xf32, #tpu.memory_space<vmem>>) dst(%dma_wait3A_389 : memref<10112x128xf32, #tpu.memory_space<vmem_shared>>)
      } else {
      }
      %add3A_297 = arith.constant 1 : i32
      %add3A_298 = arith.addi %add3A_276, %add3A_297 : i32
      %mul3A_299 = arith.constant 80 : i32
      %mul3A_300 = arith.muli %add3A, %mul3A_299 : i32
      %add3A_301 = arith.addi %mul3A_300, %add3A_298 : i32
      %mul3A_302 = arith.constant 128 : i32
      %mul3A_303 = arith.muli %add3A_301, %mul3A_302 : i32
      %dma_start3A_304 = arith.constant 1 : i32
      %dma_start3A_305 = arith.constant 0 : i32
      %dma_start3A_306 = arith.constant 0 : i32
      %dma_start3A_307 = tpu.memref_slice %arg17[%dma_start3A_304, %dma_start3A_305, %dma_start3A_306] : memref<2x128x128xf32, #tpu.memory_space<vmem>> -> memref<1x128x128xf32, #tpu.memory_space<vmem>>
      %dma_start3A_308 = tpu.memref_squeeze %dma_start3A_307 : memref<1x128x128xf32, #tpu.memory_space<vmem>> -> memref<128x128xf32, #tpu.memory_space<vmem>>
      %dma_start3A_309 = arith.constant 0 : i32
      %dma_start3A_310 = tpu.memref_slice %arg15[%mul3A_303, %dma_start3A_309] : memref<327680x128xf32, #tpu.memory_space<hbm>> -> memref<128x128xf32, #tpu.memory_space<hbm>>
      %dma_start3A_311 = arith.constant 0 : i32
      %dma_start3A_312 = arith.constant 0 : i32
      %dma_start3A_313 = tpu.memref_slice %arg17[%dma_start3A_304, %dma_start3A_311, %dma_start3A_312] : memref<2x128x128xf32, #tpu.memory_space<vmem>> -> memref<1x128x128xf32, #tpu.memory_space<vmem>>
      %dma_start3A_314 = tpu.memref_squeeze %dma_start3A_313 : memref<1x128x128xf32, #tpu.memory_space<vmem>> -> memref<128x128xf32, #tpu.memory_space<vmem>>
      %dma_start3A_315 = arith.constant 0 : i32
      %dma_start3A_316 = tpu.memref_slice %arg15[%mul3A_303, %dma_start3A_315] : memref<327680x128xf32, #tpu.memory_space<hbm>> -> memref<128x128xf32, #tpu.memory_space<hbm>>
      tpu.enqueue_dma source(%dma_start3A_316 : memref<128x128xf32, #tpu.memory_space<hbm>>) target(%dma_start3A_314 : memref<128x128xf32, #tpu.memory_space<vmem>>) target_semaphore(%arg19 : memref<!tpu.dma_semaphore, #tpu.memory_space<semaphore_mem>>)
      %dma_start3A_317 = arith.constant 0 : i32
      %dma_start3A_318 = arith.constant 0 : i32
      %dma_start3A_319 = arith.constant 0 : i32
      %dma_start3A_320 = tpu.memref_slice %arg17[%dma_start3A_317, %dma_start3A_318, %dma_start3A_319] : memref<2x128x128xf32, #tpu.memory_space<vmem>> -> memref<1x128x128xf32, #tpu.memory_space<vmem>>
      %dma_start3A_321 = tpu.memref_squeeze %dma_start3A_320 : memref<1x128x128xf32, #tpu.memory_space<vmem>> -> memref<128x128xf32, #tpu.memory_space<vmem>>
      %dma_start3A_322 = arith.constant 0 : i32
      %dma_start3A_323 = tpu.memref_slice %arg16[%add3A_276, %dma_start3A_322] : memref<80x128xi32, #tpu.memory_space<vmem>> -> memref<1x128xi32, #tpu.memory_space<vmem>>
      %dma_start3A_324 = tpu.memref_squeeze %dma_start3A_323 : memref<1x128xi32, #tpu.memory_space<vmem>> -> memref<128xi32, #tpu.memory_space<vmem>>
      %dma_start3A_325 = arith.constant 0 : i32
      %dma_start3A_326 = arith.constant 0 : i32
      %dma_start3A_327 = tpu.memref_slice %arg18[%dma_start3A_325, %dma_start3A_326] : memref<10112x128xf32, #tpu.memory_space<vmem_shared>> -> memref<10112x128xf32, #tpu.memory_space<vmem_shared>>
      tpu.enqueue_indirect_dma source(%dma_start3A_321 : memref<128x128xf32, #tpu.memory_space<vmem>>) target(%dma_start3A_327 : memref<10112x128xf32, #tpu.memory_space<vmem_shared>>) offsets(%dma_start3A_324 : memref<128xi32, #tpu.memory_space<vmem>>) semaphore(%arg20 : memref<!tpu.dma_semaphore, #tpu.memory_space<semaphore_mem>>) {add = true}
      %add3A_328 = arith.constant 1 : i32
      %add3A_329 = arith.addi %add3A_276, %add3A_328 : i32
      %mul3A_330 = arith.constant 80 : i32
      %mul3A_331 = arith.muli %add3A, %mul3A_330 : i32
      %add3A_332 = arith.addi %mul3A_331, %add3A_329 : i32
      %mul3A_333 = arith.constant 128 : i32
      %mul3A_334 = arith.muli %add3A_332, %mul3A_333 : i32
      %dma_wait3A_335 = arith.constant 1 : i32
      %dma_wait3A_336 = arith.constant 0 : i32
      %dma_wait3A_337 = arith.constant 0 : i32
      %dma_wait3A_338 = tpu.memref_slice %arg17[%dma_wait3A_335, %dma_wait3A_336, %dma_wait3A_337] : memref<2x128x128xf32, #tpu.memory_space<vmem>> -> memref<1x128x128xf32, #tpu.memory_space<vmem>>
      %dma_wait3A_339 = tpu.memref_squeeze %dma_wait3A_338 : memref<1x128x128xf32, #tpu.memory_space<vmem>> -> memref<128x128xf32, #tpu.memory_space<vmem>>
      %dma_wait3A_340 = arith.constant 0 : i32
      %dma_wait3A_341 = tpu.memref_slice %arg15[%mul3A_334, %dma_wait3A_340] : memref<327680x128xf32, #tpu.memory_space<hbm>> -> memref<128x128xf32, #tpu.memory_space<hbm>>
      %dma_wait3A_342 = arith.constant 0 : i32
      %dma_wait3A_343 = arith.constant 0 : i32
      %dma_wait3A_344 = tpu.memref_slice %arg17[%dma_wait3A_335, %dma_wait3A_342, %dma_wait3A_343] : memref<2x128x128xf32, #tpu.memory_space<vmem>> -> memref<1x128x128xf32, #tpu.memory_space<vmem>>
      %dma_wait3A_345 = tpu.memref_squeeze %dma_wait3A_344 : memref<1x128x128xf32, #tpu.memory_space<vmem>> -> memref<128x128xf32, #tpu.memory_space<vmem>>
      %dma_wait3A_346 = arith.constant 0 : i32
      %dma_wait3A_347 = tpu.memref_slice %arg15[%mul3A_334, %dma_wait3A_346] : memref<327680x128xf32, #tpu.memory_space<hbm>> -> memref<128x128xf32, #tpu.memory_space<hbm>>
      tpu.wait_dma2 semaphore(%arg19 : memref<!tpu.dma_semaphore, #tpu.memory_space<semaphore_mem>>) src(%dma_wait3A_347 : memref<128x128xf32, #tpu.memory_space<hbm>>) dst(%dma_wait3A_345 : memref<128x128xf32, #tpu.memory_space<vmem>>)
      %dma_wait3A_348 = arith.constant 0 : i32
      %dma_wait3A_349 = arith.constant 0 : i32
      %dma_wait3A_350 = arith.constant 0 : i32
      %dma_wait3A_351 = tpu.memref_slice %arg17[%dma_wait3A_348, %dma_wait3A_349, %dma_wait3A_350] : memref<2x128x128xf32, #tpu.memory_space<vmem>> -> memref<1x128x128xf32, #tpu.memory_space<vmem>>
      %dma_wait3A_352 = tpu.memref_squeeze %dma_wait3A_351 : memref<1x128x128xf32, #tpu.memory_space<vmem>> -> memref<128x128xf32, #tpu.memory_space<vmem>>
      %dma_wait3A_353 = arith.constant 0 : i32
      %dma_wait3A_354 = tpu.memref_slice %arg16[%add3A_276, %dma_wait3A_353] : memref<80x128xi32, #tpu.memory_space<vmem>> -> memref<1x128xi32, #tpu.memory_space<vmem>>
      %dma_wait3A_355 = tpu.memref_squeeze %dma_wait3A_354 : memref<1x128xi32, #tpu.memory_space<vmem>> -> memref<128xi32, #tpu.memory_space<vmem>>
      %dma_wait3A_356 = arith.constant 0 : i32
      %dma_wait3A_357 = arith.constant 0 : i32
      %dma_wait3A_358 = tpu.memref_slice %arg18[%dma_wait3A_356, %dma_wait3A_357] : memref<10112x128xf32, #tpu.memory_space<vmem_shared>> -> memref<10112x128xf32, #tpu.memory_space<vmem_shared>>
      tpu.wait_indirect_dma semaphore(%arg20 : memref<!tpu.dma_semaphore, #tpu.memory_space<semaphore_mem>>) src(%dma_wait3A_352 : memref<128x128xf32, #tpu.memory_space<vmem>>) dst(%dma_wait3A_358 : memref<10112x128xf32, #tpu.memory_space<vmem_shared>>)
      %add3A_359 = arith.constant 2 : i32
      %add3A_360 = arith.addi %add3A_276, %add3A_359 : i32
      %lt3A = arith.constant 80 : i32
      %lt3A_361 = arith.cmpi slt, %add3A_360, %lt3A : i32
      %convert_element_type3A_362 = arith.extui %lt3A_361 : i1 to i32
      %cond3A_363 = arith.constant 0 : i32
      %cond3A_364 = arith.cmpi ne, %convert_element_type3A_362, %cond3A_363 : i32
      scf.if %cond3A_364 {
        %add3A_378 = arith.constant 2 : i32
        %add3A_379 = arith.addi %add3A_276, %add3A_378 : i32
        %mul3A_380 = arith.constant 80 : i32
        %mul3A_381 = arith.muli %add3A, %mul3A_380 : i32
        %add3A_382 = arith.addi %mul3A_381, %add3A_379 : i32
        %mul3A_383 = arith.constant 128 : i32
        %mul3A_384 = arith.muli %add3A_382, %mul3A_383 : i32
        %dma_start3A_385 = arith.constant 0 : i32
        %dma_start3A_386 = arith.constant 0 : i32
        %dma_start3A_387 = arith.constant 0 : i32
        %dma_start3A_388 = tpu.memref_slice %arg17[%dma_start3A_385, %dma_start3A_386, %dma_start3A_387] : memref<2x128x128xf32, #tpu.memory_space<vmem>> -> memref<1x128x128xf32, #tpu.memory_space<vmem>>
        %dma_start3A_389 = tpu.memref_squeeze %dma_start3A_388 : memref<1x128x128xf32, #tpu.memory_space<vmem>> -> memref<128x128xf32, #tpu.memory_space<vmem>>
        %dma_start3A_390 = arith.constant 0 : i32
        %dma_start3A_391 = tpu.memref_slice %arg15[%mul3A_384, %dma_start3A_390] : memref<327680x128xf32, #tpu.memory_space<hbm>> -> memref<128x128xf32, #tpu.memory_space<hbm>>
        %dma_start3A_392 = arith.constant 0 : i32
        %dma_start3A_393 = arith.constant 0 : i32
        %dma_start3A_394 = tpu.memref_slice %arg17[%dma_start3A_385, %dma_start3A_392, %dma_start3A_393] : memref<2x128x128xf32, #tpu.memory_space<vmem>> -> memref<1x128x128xf32, #tpu.memory_space<vmem>>
        %dma_start3A_395 = tpu.memref_squeeze %dma_start3A_394 : memref<1x128x128xf32, #tpu.memory_space<vmem>> -> memref<128x128xf32, #tpu.memory_space<vmem>>
        %dma_start3A_396 = arith.constant 0 : i32
        %dma_start3A_397 = tpu.memref_slice %arg15[%mul3A_384, %dma_start3A_396] : memref<327680x128xf32, #tpu.memory_space<hbm>> -> memref<128x128xf32, #tpu.memory_space<hbm>>
        tpu.enqueue_dma source(%dma_start3A_397 : memref<128x128xf32, #tpu.memory_space<hbm>>) target(%dma_start3A_395 : memref<128x128xf32, #tpu.memory_space<vmem>>) target_semaphore(%arg19 : memref<!tpu.dma_semaphore, #tpu.memory_space<semaphore_mem>>)
      } else {
      }
      %add3A_365 = arith.constant 1 : i32
      %add3A_366 = arith.addi %add3A_276, %add3A_365 : i32
      %dma_start3A_367 = arith.constant 1 : i32
      %dma_start3A_368 = arith.constant 0 : i32
      %dma_start3A_369 = arith.constant 0 : i32
      %dma_start3A_370 = tpu.memref_slice %arg17[%dma_start3A_367, %dma_start3A_368, %dma_start3A_369] : memref<2x128x128xf32, #tpu.memory_space<vmem>> -> memref<1x128x128xf32, #tpu.memory_space<vmem>>
      %dma_start3A_371 = tpu.memref_squeeze %dma_start3A_370 : memref<1x128x128xf32, #tpu.memory_space<vmem>> -> memref<128x128xf32, #tpu.memory_space<vmem>>
      %dma_start3A_372 = arith.constant 0 : i32
      %dma_start3A_373 = tpu.memref_slice %arg16[%add3A_366, %dma_start3A_372] : memref<80x128xi32, #tpu.memory_space<vmem>> -> memref<1x128xi32, #tpu.memory_space<vmem>>
      %dma_start3A_374 = tpu.memref_squeeze %dma_start3A_373 : memref<1x128xi32, #tpu.memory_space<vmem>> -> memref<128xi32, #tpu.memory_space<vmem>>
      %dma_start3A_375 = arith.constant 0 : i32
      %dma_start3A_376 = arith.constant 0 : i32
      %dma_start3A_377 = tpu.memref_slice %arg18[%dma_start3A_375, %dma_start3A_376] : memref<10112x128xf32, #tpu.memory_space<vmem_shared>> -> memref<10112x128xf32, #tpu.memory_space<vmem_shared>>
      tpu.enqueue_indirect_dma source(%dma_start3A_371 : memref<128x128xf32, #tpu.memory_space<vmem>>) target(%dma_start3A_377 : memref<10112x128xf32, #tpu.memory_space<vmem_shared>>) offsets(%dma_start3A_374 : memref<128xi32, #tpu.memory_space<vmem>>) semaphore(%arg20 : memref<!tpu.dma_semaphore, #tpu.memory_space<semaphore_mem>>) {add = true}
    }
    %scan3A_166 = arith.constant 40 : i32
    %dma_wait3A_167 = arith.constant 1 : i32
    %dma_wait3A_168 = arith.constant 79 : i32
    %dma_wait3A_169 = arith.constant 0 : i32
    %dma_wait3A_170 = arith.constant 0 : i32
    %dma_wait3A_171 = tpu.memref_slice %arg17[%dma_wait3A_167, %dma_wait3A_169, %dma_wait3A_170] : memref<2x128x128xf32, #tpu.memory_space<vmem>> -> memref<1x128x128xf32, #tpu.memory_space<vmem>>
    %dma_wait3A_172 = tpu.memref_squeeze %dma_wait3A_171 : memref<1x128x128xf32, #tpu.memory_space<vmem>> -> memref<128x128xf32, #tpu.memory_space<vmem>>
    %dma_wait3A_173 = arith.constant 0 : i32
    %dma_wait3A_174 = tpu.memref_slice %arg16[%dma_wait3A_168, %dma_wait3A_173] : memref<80x128xi32, #tpu.memory_space<vmem>> -> memref<1x128xi32, #tpu.memory_space<vmem>>
    %dma_wait3A_175 = tpu.memref_squeeze %dma_wait3A_174 : memref<1x128xi32, #tpu.memory_space<vmem>> -> memref<128xi32, #tpu.memory_space<vmem>>
    %dma_wait3A_176 = arith.constant 0 : i32
    %dma_wait3A_177 = arith.constant 0 : i32
    %dma_wait3A_178 = tpu.memref_slice %arg18[%dma_wait3A_176, %dma_wait3A_177] : memref<10112x128xf32, #tpu.memory_space<vmem_shared>> -> memref<10112x128xf32, #tpu.memory_space<vmem_shared>>
    tpu.wait_indirect_dma semaphore(%arg20 : memref<!tpu.dma_semaphore, #tpu.memory_space<semaphore_mem>>) src(%dma_wait3A_172 : memref<128x128xf32, #tpu.memory_space<vmem>>) dst(%dma_wait3A_178 : memref<10112x128xf32, #tpu.memory_space<vmem_shared>>)
    %barrier3A_179 = arith.constant 0 : index
    tpu.barrier barrier_id(%barrier3A_179)
    "tpu.region"() ({
      %run_scoped3A = tpu.sem_alloc : memref<!tpu.dma_semaphore, #tpu.memory_space<semaphore_mem>>
      %dma_start3A_272 = arith.constant 0 : i32
      %dma_start3A_273 = tpu.memref_slice %arg13[%arg0, %mul3A_2, %dma_start3A_272] : memref<2x10112x128xf32, #tpu.memory_space<hbm>> -> memref<1x632x128xf32, #tpu.memory_space<hbm>>
      %dma_start3A_274 = tpu.memref_squeeze %dma_start3A_273 : memref<1x632x128xf32, #tpu.memory_space<hbm>> -> memref<632x128xf32, #tpu.memory_space<hbm>>
      %dma_start3A_275 = arith.constant 0 : i32
      %dma_start3A_276 = tpu.memref_slice %arg18[%mul3A_2, %dma_start3A_275] : memref<10112x128xf32, #tpu.memory_space<vmem_shared>> -> memref<632x128xf32, #tpu.memory_space<vmem_shared>>
      tpu.enqueue_dma source(%dma_start3A_276 : memref<632x128xf32, #tpu.memory_space<vmem_shared>>) target(%dma_start3A_274 : memref<632x128xf32, #tpu.memory_space<hbm>>) target_semaphore(%run_scoped3A : memref<!tpu.dma_semaphore, #tpu.memory_space<semaphore_mem>>)
      %dma_wait3A_277 = arith.constant 0 : i32
      %dma_wait3A_278 = tpu.memref_slice %arg13[%arg0, %mul3A_2, %dma_wait3A_277] : memref<2x10112x128xf32, #tpu.memory_space<hbm>> -> memref<1x632x128xf32, #tpu.memory_space<hbm>>
      %dma_wait3A_279 = tpu.memref_squeeze %dma_wait3A_278 : memref<1x632x128xf32, #tpu.memory_space<hbm>> -> memref<632x128xf32, #tpu.memory_space<hbm>>
      %dma_wait3A_280 = arith.constant 0 : i32
      %dma_wait3A_281 = tpu.memref_slice %arg18[%mul3A_2, %dma_wait3A_280] : memref<10112x128xf32, #tpu.memory_space<vmem_shared>> -> memref<632x128xf32, #tpu.memory_space<vmem_shared>>
      tpu.wait_dma2 semaphore(%run_scoped3A : memref<!tpu.dma_semaphore, #tpu.memory_space<semaphore_mem>>) src(%dma_wait3A_281 : memref<632x128xf32, #tpu.memory_space<vmem_shared>>) dst(%dma_wait3A_279 : memref<632x128xf32, #tpu.memory_space<hbm>>)
      tpu.yield
    }) : () -> ()
    %barrier3A_180 = arith.constant 0 : index
    tpu.barrier barrier_id(%barrier3A_180)
    %mul3A_181 = arith.constant 80 : i32
    %mul3A_182 = arith.muli %add3A, %mul3A_181 : i32
    "tpu.region"() ({
      %run_scoped3A = tpu.sem_alloc : memref<!tpu.dma_semaphore, #tpu.memory_space<semaphore_mem>>
      %dma_start3A_272 = arith.constant 0 : i32
      %dma_start3A_273 = tpu.memref_slice %arg7[%mul3A_182, %dma_start3A_272] : memref<2560x128xi32, #tpu.memory_space<hbm>> -> memref<80x128xi32, #tpu.memory_space<hbm>>
      %dma_start3A_274 = arith.constant 0 : i32
      %dma_start3A_275 = tpu.memref_slice %arg7[%mul3A_182, %dma_start3A_274] : memref<2560x128xi32, #tpu.memory_space<hbm>> -> memref<80x128xi32, #tpu.memory_space<hbm>>
      tpu.enqueue_dma source(%dma_start3A_275 : memref<80x128xi32, #tpu.memory_space<hbm>>) target(%arg16 : memref<80x128xi32, #tpu.memory_space<vmem>>) target_semaphore(%run_scoped3A : memref<!tpu.dma_semaphore, #tpu.memory_space<semaphore_mem>>)
      %dma_wait3A_276 = arith.constant 0 : i32
      %dma_wait3A_277 = tpu.memref_slice %arg7[%mul3A_182, %dma_wait3A_276] : memref<2560x128xi32, #tpu.memory_space<hbm>> -> memref<80x128xi32, #tpu.memory_space<hbm>>
      %dma_wait3A_278 = arith.constant 0 : i32
      %dma_wait3A_279 = tpu.memref_slice %arg7[%mul3A_182, %dma_wait3A_278] : memref<2560x128xi32, #tpu.memory_space<hbm>> -> memref<80x128xi32, #tpu.memory_space<hbm>>
      tpu.wait_dma2 semaphore(%run_scoped3A : memref<!tpu.dma_semaphore, #tpu.memory_space<semaphore_mem>>) src(%dma_wait3A_279 : memref<80x128xi32, #tpu.memory_space<hbm>>) dst(%arg16 : memref<80x128xi32, #tpu.memory_space<vmem>>)
      tpu.yield
    }) : () -> ()
    "tpu.region"() ({
      %run_scoped3A = tpu.sem_alloc : memref<!tpu.dma_semaphore, #tpu.memory_space<semaphore_mem>>
      %dma_start3A_272 = arith.constant 0 : i32
      %dma_start3A_273 = tpu.memref_slice %arg18[%mul3A_2, %dma_start3A_272] : memref<10112x128xf32, #tpu.memory_space<vmem_shared>> -> memref<632x128xf32, #tpu.memory_space<vmem_shared>>
      %dma_start3A_274 = arith.constant 0 : i32
      %dma_start3A_275 = tpu.memref_slice %arg4[%mul3A_2, %dma_start3A_274] : memref<10112x128xf32, #tpu.memory_space<hbm>> -> memref<632x128xf32, #tpu.memory_space<hbm>>
      tpu.enqueue_dma source(%dma_start3A_275 : memref<632x128xf32, #tpu.memory_space<hbm>>) target(%dma_start3A_273 : memref<632x128xf32, #tpu.memory_space<vmem_shared>>) target_semaphore(%run_scoped3A : memref<!tpu.dma_semaphore, #tpu.memory_space<semaphore_mem>>)
      %dma_wait3A_276 = arith.constant 0 : i32
      %dma_wait3A_277 = tpu.memref_slice %arg18[%mul3A_2, %dma_wait3A_276] : memref<10112x128xf32, #tpu.memory_space<vmem_shared>> -> memref<632x128xf32, #tpu.memory_space<vmem_shared>>
      %dma_wait3A_278 = arith.constant 0 : i32
      %dma_wait3A_279 = tpu.memref_slice %arg4[%mul3A_2, %dma_wait3A_278] : memref<10112x128xf32, #tpu.memory_space<hbm>> -> memref<632x128xf32, #tpu.memory_space<hbm>>
      tpu.wait_dma2 semaphore(%run_scoped3A : memref<!tpu.dma_semaphore, #tpu.memory_space<semaphore_mem>>) src(%dma_wait3A_279 : memref<632x128xf32, #tpu.memory_space<hbm>>) dst(%dma_wait3A_277 : memref<632x128xf32, #tpu.memory_space<vmem_shared>>)
      tpu.yield
    }) : () -> ()
    %barrier3A_183 = arith.constant 0 : index
    tpu.barrier barrier_id(%barrier3A_183)
    %dma_start3A_184 = arith.constant 0 : i32
    %dma_start3A_185 = arith.constant 0 : i32
    %dma_start3A_186 = arith.constant 0 : i32
    %dma_start3A_187 = arith.constant 0 : i32
    %dma_start3A_188 = tpu.memref_slice %arg17[%dma_start3A_185, %dma_start3A_186, %dma_start3A_187] : memref<2x128x128xf32, #tpu.memory_space<vmem>> -> memref<1x128x128xf32, #tpu.memory_space<vmem>>
    %dma_start3A_189 = tpu.memref_squeeze %dma_start3A_188 : memref<1x128x128xf32, #tpu.memory_space<vmem>> -> memref<128x128xf32, #tpu.memory_space<vmem>>
    %dma_start3A_190 = arith.constant 0 : i32
    %dma_start3A_191 = tpu.memref_slice %arg16[%dma_start3A_184, %dma_start3A_190] : memref<80x128xi32, #tpu.memory_space<vmem>> -> memref<1x128xi32, #tpu.memory_space<vmem>>
    %dma_start3A_192 = tpu.memref_squeeze %dma_start3A_191 : memref<1x128xi32, #tpu.memory_space<vmem>> -> memref<128xi32, #tpu.memory_space<vmem>>
    %dma_start3A_193 = arith.constant 0 : i32
    %dma_start3A_194 = arith.constant 0 : i32
    %dma_start3A_195 = tpu.memref_slice %arg18[%dma_start3A_193, %dma_start3A_194] : memref<10112x128xf32, #tpu.memory_space<vmem_shared>> -> memref<10112x128xf32, #tpu.memory_space<vmem_shared>>
    tpu.enqueue_indirect_dma source(%dma_start3A_195 : memref<10112x128xf32, #tpu.memory_space<vmem_shared>>) target(%dma_start3A_189 : memref<128x128xf32, #tpu.memory_space<vmem>>) offsets(%dma_start3A_192 : memref<128xi32, #tpu.memory_space<vmem>>) semaphore(%arg19 : memref<!tpu.dma_semaphore, #tpu.memory_space<semaphore_mem>>)
    %scan3A_196 = arith.constant 0 : i32
    %scan3A_197 = arith.constant 40 : i32
    %scan3A_198 = arith.addi %scan3A_196, %scan3A_197 : i32
    %scan3A_199 = arith.constant 1 : i32
    scf.for %scan3A_272 = %scan3A_196 to %scan3A_198 step %scan3A_199  : i32 {
      %mul3A_273 = arith.constant 2 : i32
      %mul3A_274 = arith.muli %scan3A_272, %mul3A_273 : i32
      %add3A_275 = arith.constant 0 : i32
      %add3A_276 = arith.addi %add3A_275, %mul3A_274 : i32
      %dma_wait3A_277 = arith.constant 0 : i32
      %dma_wait3A_278 = arith.constant 0 : i32
      %dma_wait3A_279 = arith.constant 0 : i32
      %dma_wait3A_280 = tpu.memref_slice %arg17[%dma_wait3A_277, %dma_wait3A_278, %dma_wait3A_279] : memref<2x128x128xf32, #tpu.memory_space<vmem>> -> memref<1x128x128xf32, #tpu.memory_space<vmem>>
      %dma_wait3A_281 = tpu.memref_squeeze %dma_wait3A_280 : memref<1x128x128xf32, #tpu.memory_space<vmem>> -> memref<128x128xf32, #tpu.memory_space<vmem>>
      %dma_wait3A_282 = arith.constant 0 : i32
      %dma_wait3A_283 = tpu.memref_slice %arg16[%add3A_276, %dma_wait3A_282] : memref<80x128xi32, #tpu.memory_space<vmem>> -> memref<1x128xi32, #tpu.memory_space<vmem>>
      %dma_wait3A_284 = tpu.memref_squeeze %dma_wait3A_283 : memref<1x128xi32, #tpu.memory_space<vmem>> -> memref<128xi32, #tpu.memory_space<vmem>>
      %dma_wait3A_285 = arith.constant 0 : i32
      %dma_wait3A_286 = arith.constant 0 : i32
      %dma_wait3A_287 = tpu.memref_slice %arg18[%dma_wait3A_285, %dma_wait3A_286] : memref<10112x128xf32, #tpu.memory_space<vmem_shared>> -> memref<10112x128xf32, #tpu.memory_space<vmem_shared>>
      tpu.wait_indirect_dma semaphore(%arg19 : memref<!tpu.dma_semaphore, #tpu.memory_space<semaphore_mem>>) src(%dma_wait3A_287 : memref<10112x128xf32, #tpu.memory_space<vmem_shared>>) dst(%dma_wait3A_281 : memref<128x128xf32, #tpu.memory_space<vmem>>)
      %gt3A = arith.constant 0 : i32
      %gt3A_288 = arith.cmpi sgt, %add3A_276, %gt3A : i32
      %convert_element_type3A = arith.extui %gt3A_288 : i1 to i32
      %cond3A = arith.constant 0 : i32
      %cond3A_289 = arith.cmpi ne, %convert_element_type3A, %cond3A : i32
      scf.if %cond3A_289 {
        %sub3A = arith.constant 1 : i32
        %sub3A_378 = arith.subi %add3A_276, %sub3A : i32
        %mul3A_379 = arith.constant 80 : i32
        %mul3A_380 = arith.muli %add3A, %mul3A_379 : i32
        %add3A_381 = arith.addi %mul3A_380, %sub3A_378 : i32
        %mul3A_382 = arith.constant 128 : i32
        %mul3A_383 = arith.muli %add3A_381, %mul3A_382 : i32
        %dma_wait3A_384 = arith.constant 1 : i32
        %dma_wait3A_385 = arith.constant 0 : i32
        %dma_wait3A_386 = arith.constant 0 : i32
        %dma_wait3A_387 = tpu.memref_slice %arg17[%dma_wait3A_384, %dma_wait3A_385, %dma_wait3A_386] : memref<2x128x128xf32, #tpu.memory_space<vmem>> -> memref<1x128x128xf32, #tpu.memory_space<vmem>>
        %dma_wait3A_388 = tpu.memref_squeeze %dma_wait3A_387 : memref<1x128x128xf32, #tpu.memory_space<vmem>> -> memref<128x128xf32, #tpu.memory_space<vmem>>
        %dma_wait3A_389 = arith.constant 0 : i32
        %dma_wait3A_390 = tpu.memref_slice %arg15[%mul3A_383, %dma_wait3A_389] : memref<327680x128xf32, #tpu.memory_space<hbm>> -> memref<128x128xf32, #tpu.memory_space<hbm>>
        %dma_wait3A_391 = arith.constant 0 : i32
        %dma_wait3A_392 = tpu.memref_slice %arg15[%mul3A_383, %dma_wait3A_391] : memref<327680x128xf32, #tpu.memory_space<hbm>> -> memref<128x128xf32, #tpu.memory_space<hbm>>
        %dma_wait3A_393 = arith.constant 0 : i32
        %dma_wait3A_394 = arith.constant 0 : i32
        %dma_wait3A_395 = tpu.memref_slice %arg17[%dma_wait3A_384, %dma_wait3A_393, %dma_wait3A_394] : memref<2x128x128xf32, #tpu.memory_space<vmem>> -> memref<1x128x128xf32, #tpu.memory_space<vmem>>
        %dma_wait3A_396 = tpu.memref_squeeze %dma_wait3A_395 : memref<1x128x128xf32, #tpu.memory_space<vmem>> -> memref<128x128xf32, #tpu.memory_space<vmem>>
        tpu.wait_dma2 semaphore(%arg20 : memref<!tpu.dma_semaphore, #tpu.memory_space<semaphore_mem>>) src(%dma_wait3A_396 : memref<128x128xf32, #tpu.memory_space<vmem>>) dst(%dma_wait3A_392 : memref<128x128xf32, #tpu.memory_space<hbm>>)
      } else {
      }
      %add3A_290 = arith.constant 1 : i32
      %add3A_291 = arith.addi %add3A_276, %add3A_290 : i32
      %dma_start3A_292 = arith.constant 1 : i32
      %dma_start3A_293 = arith.constant 0 : i32
      %dma_start3A_294 = arith.constant 0 : i32
      %dma_start3A_295 = tpu.memref_slice %arg17[%dma_start3A_292, %dma_start3A_293, %dma_start3A_294] : memref<2x128x128xf32, #tpu.memory_space<vmem>> -> memref<1x128x128xf32, #tpu.memory_space<vmem>>
      %dma_start3A_296 = tpu.memref_squeeze %dma_start3A_295 : memref<1x128x128xf32, #tpu.memory_space<vmem>> -> memref<128x128xf32, #tpu.memory_space<vmem>>
      %dma_start3A_297 = arith.constant 0 : i32
      %dma_start3A_298 = tpu.memref_slice %arg16[%add3A_291, %dma_start3A_297] : memref<80x128xi32, #tpu.memory_space<vmem>> -> memref<1x128xi32, #tpu.memory_space<vmem>>
      %dma_start3A_299 = tpu.memref_squeeze %dma_start3A_298 : memref<1x128xi32, #tpu.memory_space<vmem>> -> memref<128xi32, #tpu.memory_space<vmem>>
      %dma_start3A_300 = arith.constant 0 : i32
      %dma_start3A_301 = arith.constant 0 : i32
      %dma_start3A_302 = tpu.memref_slice %arg18[%dma_start3A_300, %dma_start3A_301] : memref<10112x128xf32, #tpu.memory_space<vmem_shared>> -> memref<10112x128xf32, #tpu.memory_space<vmem_shared>>
      tpu.enqueue_indirect_dma source(%dma_start3A_302 : memref<10112x128xf32, #tpu.memory_space<vmem_shared>>) target(%dma_start3A_296 : memref<128x128xf32, #tpu.memory_space<vmem>>) offsets(%dma_start3A_299 : memref<128xi32, #tpu.memory_space<vmem>>) semaphore(%arg19 : memref<!tpu.dma_semaphore, #tpu.memory_space<semaphore_mem>>)
      %mul3A_303 = arith.constant 80 : i32
      %mul3A_304 = arith.muli %add3A, %mul3A_303 : i32
      %add3A_305 = arith.addi %mul3A_304, %add3A_276 : i32
      %mul3A_306 = arith.constant 128 : i32
      %mul3A_307 = arith.muli %add3A_305, %mul3A_306 : i32
      %dma_start3A_308 = arith.constant 0 : i32
      %dma_start3A_309 = arith.constant 0 : i32
      %dma_start3A_310 = arith.constant 0 : i32
      %dma_start3A_311 = tpu.memref_slice %arg17[%dma_start3A_308, %dma_start3A_309, %dma_start3A_310] : memref<2x128x128xf32, #tpu.memory_space<vmem>> -> memref<1x128x128xf32, #tpu.memory_space<vmem>>
      %dma_start3A_312 = tpu.memref_squeeze %dma_start3A_311 : memref<1x128x128xf32, #tpu.memory_space<vmem>> -> memref<128x128xf32, #tpu.memory_space<vmem>>
      %dma_start3A_313 = arith.constant 0 : i32
      %dma_start3A_314 = tpu.memref_slice %arg15[%mul3A_307, %dma_start3A_313] : memref<327680x128xf32, #tpu.memory_space<hbm>> -> memref<128x128xf32, #tpu.memory_space<hbm>>
      %dma_start3A_315 = arith.constant 0 : i32
      %dma_start3A_316 = tpu.memref_slice %arg15[%mul3A_307, %dma_start3A_315] : memref<327680x128xf32, #tpu.memory_space<hbm>> -> memref<128x128xf32, #tpu.memory_space<hbm>>
      %dma_start3A_317 = arith.constant 0 : i32
      %dma_start3A_318 = arith.constant 0 : i32
      %dma_start3A_319 = tpu.memref_slice %arg17[%dma_start3A_308, %dma_start3A_317, %dma_start3A_318] : memref<2x128x128xf32, #tpu.memory_space<vmem>> -> memref<1x128x128xf32, #tpu.memory_space<vmem>>
      %dma_start3A_320 = tpu.memref_squeeze %dma_start3A_319 : memref<1x128x128xf32, #tpu.memory_space<vmem>> -> memref<128x128xf32, #tpu.memory_space<vmem>>
      tpu.enqueue_dma source(%dma_start3A_320 : memref<128x128xf32, #tpu.memory_space<vmem>>) target(%dma_start3A_316 : memref<128x128xf32, #tpu.memory_space<hbm>>) target_semaphore(%arg20 : memref<!tpu.dma_semaphore, #tpu.memory_space<semaphore_mem>>)
      %add3A_321 = arith.constant 1 : i32
      %add3A_322 = arith.addi %add3A_276, %add3A_321 : i32
      %dma_wait3A_323 = arith.constant 1 : i32
      %dma_wait3A_324 = arith.constant 0 : i32
      %dma_wait3A_325 = arith.constant 0 : i32
      %dma_wait3A_326 = tpu.memref_slice %arg17[%dma_wait3A_323, %dma_wait3A_324, %dma_wait3A_325] : memref<2x128x128xf32, #tpu.memory_space<vmem>> -> memref<1x128x128xf32, #tpu.memory_space<vmem>>
      %dma_wait3A_327 = tpu.memref_squeeze %dma_wait3A_326 : memref<1x128x128xf32, #tpu.memory_space<vmem>> -> memref<128x128xf32, #tpu.memory_space<vmem>>
      %dma_wait3A_328 = arith.constant 0 : i32
      %dma_wait3A_329 = tpu.memref_slice %arg16[%add3A_322, %dma_wait3A_328] : memref<80x128xi32, #tpu.memory_space<vmem>> -> memref<1x128xi32, #tpu.memory_space<vmem>>
      %dma_wait3A_330 = tpu.memref_squeeze %dma_wait3A_329 : memref<1x128xi32, #tpu.memory_space<vmem>> -> memref<128xi32, #tpu.memory_space<vmem>>
      %dma_wait3A_331 = arith.constant 0 : i32
      %dma_wait3A_332 = arith.constant 0 : i32
      %dma_wait3A_333 = tpu.memref_slice %arg18[%dma_wait3A_331, %dma_wait3A_332] : memref<10112x128xf32, #tpu.memory_space<vmem_shared>> -> memref<10112x128xf32, #tpu.memory_space<vmem_shared>>
      tpu.wait_indirect_dma semaphore(%arg19 : memref<!tpu.dma_semaphore, #tpu.memory_space<semaphore_mem>>) src(%dma_wait3A_333 : memref<10112x128xf32, #tpu.memory_space<vmem_shared>>) dst(%dma_wait3A_327 : memref<128x128xf32, #tpu.memory_space<vmem>>)
      %mul3A_334 = arith.constant 80 : i32
      %mul3A_335 = arith.muli %add3A, %mul3A_334 : i32
      %add3A_336 = arith.addi %mul3A_335, %add3A_276 : i32
      %mul3A_337 = arith.constant 128 : i32
      %mul3A_338 = arith.muli %add3A_336, %mul3A_337 : i32
      %dma_wait3A_339 = arith.constant 0 : i32
      %dma_wait3A_340 = arith.constant 0 : i32
      %dma_wait3A_341 = arith.constant 0 : i32
      %dma_wait3A_342 = tpu.memref_slice %arg17[%dma_wait3A_339, %dma_wait3A_340, %dma_wait3A_341] : memref<2x128x128xf32, #tpu.memory_space<vmem>> -> memref<1x128x128xf32, #tpu.memory_space<vmem>>
      %dma_wait3A_343 = tpu.memref_squeeze %dma_wait3A_342 : memref<1x128x128xf32, #tpu.memory_space<vmem>> -> memref<128x128xf32, #tpu.memory_space<vmem>>
      %dma_wait3A_344 = arith.constant 0 : i32
      %dma_wait3A_345 = tpu.memref_slice %arg15[%mul3A_338, %dma_wait3A_344] : memref<327680x128xf32, #tpu.memory_space<hbm>> -> memref<128x128xf32, #tpu.memory_space<hbm>>
      %dma_wait3A_346 = arith.constant 0 : i32
      %dma_wait3A_347 = tpu.memref_slice %arg15[%mul3A_338, %dma_wait3A_346] : memref<327680x128xf32, #tpu.memory_space<hbm>> -> memref<128x128xf32, #tpu.memory_space<hbm>>
      %dma_wait3A_348 = arith.constant 0 : i32
      %dma_wait3A_349 = arith.constant 0 : i32
      %dma_wait3A_350 = tpu.memref_slice %arg17[%dma_wait3A_339, %dma_wait3A_348, %dma_wait3A_349] : memref<2x128x128xf32, #tpu.memory_space<vmem>> -> memref<1x128x128xf32, #tpu.memory_space<vmem>>
      %dma_wait3A_351 = tpu.memref_squeeze %dma_wait3A_350 : memref<1x128x128xf32, #tpu.memory_space<vmem>> -> memref<128x128xf32, #tpu.memory_space<vmem>>
      tpu.wait_dma2 semaphore(%arg20 : memref<!tpu.dma_semaphore, #tpu.memory_space<semaphore_mem>>) src(%dma_wait3A_351 : memref<128x128xf32, #tpu.memory_space<vmem>>) dst(%dma_wait3A_347 : memref<128x128xf32, #tpu.memory_space<hbm>>)
      %add3A_352 = arith.constant 2 : i32
      %add3A_353 = arith.addi %add3A_276, %add3A_352 : i32
      %lt3A = arith.constant 80 : i32
      %lt3A_354 = arith.cmpi slt, %add3A_353, %lt3A : i32
      %convert_element_type3A_355 = arith.extui %lt3A_354 : i1 to i32
      %cond3A_356 = arith.constant 0 : i32
      %cond3A_357 = arith.cmpi ne, %convert_element_type3A_355, %cond3A_356 : i32
      scf.if %cond3A_357 {
        %add3A_378 = arith.constant 2 : i32
        %add3A_379 = arith.addi %add3A_276, %add3A_378 : i32
        %dma_start3A_380 = arith.constant 0 : i32
        %dma_start3A_381 = arith.constant 0 : i32
        %dma_start3A_382 = arith.constant 0 : i32
        %dma_start3A_383 = tpu.memref_slice %arg17[%dma_start3A_380, %dma_start3A_381, %dma_start3A_382] : memref<2x128x128xf32, #tpu.memory_space<vmem>> -> memref<1x128x128xf32, #tpu.memory_space<vmem>>
        %dma_start3A_384 = tpu.memref_squeeze %dma_start3A_383 : memref<1x128x128xf32, #tpu.memory_space<vmem>> -> memref<128x128xf32, #tpu.memory_space<vmem>>
        %dma_start3A_385 = arith.constant 0 : i32
        %dma_start3A_386 = tpu.memref_slice %arg16[%add3A_379, %dma_start3A_385] : memref<80x128xi32, #tpu.memory_space<vmem>> -> memref<1x128xi32, #tpu.memory_space<vmem>>
        %dma_start3A_387 = tpu.memref_squeeze %dma_start3A_386 : memref<1x128xi32, #tpu.memory_space<vmem>> -> memref<128xi32, #tpu.memory_space<vmem>>
        %dma_start3A_388 = arith.constant 0 : i32
        %dma_start3A_389 = arith.constant 0 : i32
        %dma_start3A_390 = tpu.memref_slice %arg18[%dma_start3A_388, %dma_start3A_389] : memref<10112x128xf32, #tpu.memory_space<vmem_shared>> -> memref<10112x128xf32, #tpu.memory_space<vmem_shared>>
        tpu.enqueue_indirect_dma source(%dma_start3A_390 : memref<10112x128xf32, #tpu.memory_space<vmem_shared>>) target(%dma_start3A_384 : memref<128x128xf32, #tpu.memory_space<vmem>>) offsets(%dma_start3A_387 : memref<128xi32, #tpu.memory_space<vmem>>) semaphore(%arg19 : memref<!tpu.dma_semaphore, #tpu.memory_space<semaphore_mem>>)
      } else {
      }
      %add3A_358 = arith.constant 1 : i32
      %add3A_359 = arith.addi %add3A_276, %add3A_358 : i32
      %mul3A_360 = arith.constant 80 : i32
      %mul3A_361 = arith.muli %add3A, %mul3A_360 : i32
      %add3A_362 = arith.addi %mul3A_361, %add3A_359 : i32
      %mul3A_363 = arith.constant 128 : i32
      %mul3A_364 = arith.muli %add3A_362, %mul3A_363 : i32
      %dma_start3A_365 = arith.constant 1 : i32
      %dma_start3A_366 = arith.constant 0 : i32
      %dma_start3A_367 = arith.constant 0 : i32
      %dma_start3A_368 = tpu.memref_slice %arg17[%dma_start3A_365, %dma_start3A_366, %dma_start3A_367] : memref<2x128x128xf32, #tpu.memory_space<vmem>> -> memref<1x128x128xf32, #tpu.memory_space<vmem>>
      %dma_start3A_369 = tpu.memref_squeeze %dma_start3A_368 : memref<1x128x128xf32, #tpu.memory_space<vmem>> -> memref<128x128xf32, #tpu.memory_space<vmem>>
      %dma_start3A_370 = arith.constant 0 : i32
      %dma_start3A_371 = tpu.memref_slice %arg15[%mul3A_364, %dma_start3A_370] : memref<327680x128xf32, #tpu.memory_space<hbm>> -> memref<128x128xf32, #tpu.memory_space<hbm>>
      %dma_start3A_372 = arith.constant 0 : i32
      %dma_start3A_373 = tpu.memref_slice %arg15[%mul3A_364, %dma_start3A_372] : memref<327680x128xf32, #tpu.memory_space<hbm>> -> memref<128x128xf32, #tpu.memory_space<hbm>>
      %dma_start3A_374 = arith.constant 0 : i32
      %dma_start3A_375 = arith.constant 0 : i32
      %dma_start3A_376 = tpu.memref_slice %arg17[%dma_start3A_365, %dma_start3A_374, %dma_start3A_375] : memref<2x128x128xf32, #tpu.memory_space<vmem>> -> memref<1x128x128xf32, #tpu.memory_space<vmem>>
      %dma_start3A_377 = tpu.memref_squeeze %dma_start3A_376 : memref<1x128x128xf32, #tpu.memory_space<vmem>> -> memref<128x128xf32, #tpu.memory_space<vmem>>
      tpu.enqueue_dma source(%dma_start3A_377 : memref<128x128xf32, #tpu.memory_space<vmem>>) target(%dma_start3A_373 : memref<128x128xf32, #tpu.memory_space<hbm>>) target_semaphore(%arg20 : memref<!tpu.dma_semaphore, #tpu.memory_space<semaphore_mem>>)
    }
    %scan3A_200 = arith.constant 40 : i32
    %mul3A_201 = arith.constant 80 : i32
    %mul3A_202 = arith.muli %add3A, %mul3A_201 : i32
    %add3A_203 = arith.constant 79 : i32
    %add3A_204 = arith.addi %mul3A_202, %add3A_203 : i32
    %mul3A_205 = arith.constant 128 : i32
    %mul3A_206 = arith.muli %add3A_204, %mul3A_205 : i32
    %dma_wait3A_207 = arith.constant 1 : i32
    %dma_wait3A_208 = arith.constant 0 : i32
    %dma_wait3A_209 = arith.constant 0 : i32
    %dma_wait3A_210 = tpu.memref_slice %arg17[%dma_wait3A_207, %dma_wait3A_208, %dma_wait3A_209] : memref<2x128x128xf32, #tpu.memory_space<vmem>> -> memref<1x128x128xf32, #tpu.memory_space<vmem>>
    %dma_wait3A_211 = tpu.memref_squeeze %dma_wait3A_210 : memref<1x128x128xf32, #tpu.memory_space<vmem>> -> memref<128x128xf32, #tpu.memory_space<vmem>>
    %dma_wait3A_212 = arith.constant 0 : i32
    %dma_wait3A_213 = tpu.memref_slice %arg15[%mul3A_206, %dma_wait3A_212] : memref<327680x128xf32, #tpu.memory_space<hbm>> -> memref<128x128xf32, #tpu.memory_space<hbm>>
    %dma_wait3A_214 = arith.constant 0 : i32
    %dma_wait3A_215 = tpu.memref_slice %arg15[%mul3A_206, %dma_wait3A_214] : memref<327680x128xf32, #tpu.memory_space<hbm>> -> memref<128x128xf32, #tpu.memory_space<hbm>>
    %dma_wait3A_216 = arith.constant 0 : i32
    %dma_wait3A_217 = arith.constant 0 : i32
    %dma_wait3A_218 = tpu.memref_slice %arg17[%dma_wait3A_207, %dma_wait3A_216, %dma_wait3A_217] : memref<2x128x128xf32, #tpu.memory_space<vmem>> -> memref<1x128x128xf32, #tpu.memory_space<vmem>>
    %dma_wait3A_219 = tpu.memref_squeeze %dma_wait3A_218 : memref<1x128x128xf32, #tpu.memory_space<vmem>> -> memref<128x128xf32, #tpu.memory_space<vmem>>
    tpu.wait_dma2 semaphore(%arg20 : memref<!tpu.dma_semaphore, #tpu.memory_space<semaphore_mem>>) src(%dma_wait3A_219 : memref<128x128xf32, #tpu.memory_space<vmem>>) dst(%dma_wait3A_215 : memref<128x128xf32, #tpu.memory_space<hbm>>)
    %barrier3A_220 = arith.constant 0 : index
    tpu.barrier barrier_id(%barrier3A_220)
    %mul3A_221 = arith.constant 80 : i32
    %mul3A_222 = arith.muli %add3A, %mul3A_221 : i32
    "tpu.region"() ({
      %run_scoped3A = tpu.sem_alloc : memref<!tpu.dma_semaphore, #tpu.memory_space<semaphore_mem>>
      %dma_start3A_272 = arith.constant 0 : i32
      %dma_start3A_273 = tpu.memref_slice %arg10[%mul3A_222, %dma_start3A_272] : memref<2560x128xi32, #tpu.memory_space<hbm>> -> memref<80x128xi32, #tpu.memory_space<hbm>>
      %dma_start3A_274 = arith.constant 0 : i32
      %dma_start3A_275 = tpu.memref_slice %arg10[%mul3A_222, %dma_start3A_274] : memref<2560x128xi32, #tpu.memory_space<hbm>> -> memref<80x128xi32, #tpu.memory_space<hbm>>
      tpu.enqueue_dma source(%dma_start3A_275 : memref<80x128xi32, #tpu.memory_space<hbm>>) target(%arg16 : memref<80x128xi32, #tpu.memory_space<vmem>>) target_semaphore(%run_scoped3A : memref<!tpu.dma_semaphore, #tpu.memory_space<semaphore_mem>>)
      %dma_wait3A_276 = arith.constant 0 : i32
      %dma_wait3A_277 = tpu.memref_slice %arg10[%mul3A_222, %dma_wait3A_276] : memref<2560x128xi32, #tpu.memory_space<hbm>> -> memref<80x128xi32, #tpu.memory_space<hbm>>
      %dma_wait3A_278 = arith.constant 0 : i32
      %dma_wait3A_279 = tpu.memref_slice %arg10[%mul3A_222, %dma_wait3A_278] : memref<2560x128xi32, #tpu.memory_space<hbm>> -> memref<80x128xi32, #tpu.memory_space<hbm>>
      tpu.wait_dma2 semaphore(%run_scoped3A : memref<!tpu.dma_semaphore, #tpu.memory_space<semaphore_mem>>) src(%dma_wait3A_279 : memref<80x128xi32, #tpu.memory_space<hbm>>) dst(%arg16 : memref<80x128xi32, #tpu.memory_space<vmem>>)
      tpu.yield
    }) : () -> ()
    %add3A_223 = arith.constant 0 : i32
    %add3A_224 = arith.addi %mul3A_2, %add3A_223 : i32
    "tpu.region"() ({
      %run_scoped3A = tpu.sem_alloc : memref<!tpu.dma_semaphore, #tpu.memory_space<semaphore_mem>>
      %dma_start3A_272 = arith.constant 0 : i32
      %dma_start3A_273 = tpu.memref_slice %arg18[%add3A_224, %dma_start3A_272] : memref<10112x128xf32, #tpu.memory_space<vmem_shared>> -> memref<128x128xf32, #tpu.memory_space<vmem_shared>>
      tpu.enqueue_dma source(%arg11 : memref<128x128xf32, #tpu.memory_space<hbm>>) target(%dma_start3A_273 : memref<128x128xf32, #tpu.memory_space<vmem_shared>>) target_semaphore(%run_scoped3A : memref<!tpu.dma_semaphore, #tpu.memory_space<semaphore_mem>>)
      %dma_wait3A_274 = arith.constant 0 : i32
      %dma_wait3A_275 = tpu.memref_slice %arg18[%add3A_224, %dma_wait3A_274] : memref<10112x128xf32, #tpu.memory_space<vmem_shared>> -> memref<128x128xf32, #tpu.memory_space<vmem_shared>>
      tpu.wait_dma2 semaphore(%run_scoped3A : memref<!tpu.dma_semaphore, #tpu.memory_space<semaphore_mem>>) src(%arg11 : memref<128x128xf32, #tpu.memory_space<hbm>>) dst(%dma_wait3A_275 : memref<128x128xf32, #tpu.memory_space<vmem_shared>>)
      tpu.yield
    }) : () -> ()
    %add3A_225 = arith.constant 128 : i32
    %add3A_226 = arith.addi %mul3A_2, %add3A_225 : i32
    "tpu.region"() ({
      %run_scoped3A = tpu.sem_alloc : memref<!tpu.dma_semaphore, #tpu.memory_space<semaphore_mem>>
      %dma_start3A_272 = arith.constant 0 : i32
      %dma_start3A_273 = tpu.memref_slice %arg18[%add3A_226, %dma_start3A_272] : memref<10112x128xf32, #tpu.memory_space<vmem_shared>> -> memref<128x128xf32, #tpu.memory_space<vmem_shared>>
      tpu.enqueue_dma source(%arg11 : memref<128x128xf32, #tpu.memory_space<hbm>>) target(%dma_start3A_273 : memref<128x128xf32, #tpu.memory_space<vmem_shared>>) target_semaphore(%run_scoped3A : memref<!tpu.dma_semaphore, #tpu.memory_space<semaphore_mem>>)
      %dma_wait3A_274 = arith.constant 0 : i32
      %dma_wait3A_275 = tpu.memref_slice %arg18[%add3A_226, %dma_wait3A_274] : memref<10112x128xf32, #tpu.memory_space<vmem_shared>> -> memref<128x128xf32, #tpu.memory_space<vmem_shared>>
      tpu.wait_dma2 semaphore(%run_scoped3A : memref<!tpu.dma_semaphore, #tpu.memory_space<semaphore_mem>>) src(%arg11 : memref<128x128xf32, #tpu.memory_space<hbm>>) dst(%dma_wait3A_275 : memref<128x128xf32, #tpu.memory_space<vmem_shared>>)
      tpu.yield
    }) : () -> ()
    %add3A_227 = arith.constant 256 : i32
    %add3A_228 = arith.addi %mul3A_2, %add3A_227 : i32
    "tpu.region"() ({
      %run_scoped3A = tpu.sem_alloc : memref<!tpu.dma_semaphore, #tpu.memory_space<semaphore_mem>>
      %dma_start3A_272 = arith.constant 0 : i32
      %dma_start3A_273 = tpu.memref_slice %arg18[%add3A_228, %dma_start3A_272] : memref<10112x128xf32, #tpu.memory_space<vmem_shared>> -> memref<128x128xf32, #tpu.memory_space<vmem_shared>>
      tpu.enqueue_dma source(%arg11 : memref<128x128xf32, #tpu.memory_space<hbm>>) target(%dma_start3A_273 : memref<128x128xf32, #tpu.memory_space<vmem_shared>>) target_semaphore(%run_scoped3A : memref<!tpu.dma_semaphore, #tpu.memory_space<semaphore_mem>>)
      %dma_wait3A_274 = arith.constant 0 : i32
      %dma_wait3A_275 = tpu.memref_slice %arg18[%add3A_228, %dma_wait3A_274] : memref<10112x128xf32, #tpu.memory_space<vmem_shared>> -> memref<128x128xf32, #tpu.memory_space<vmem_shared>>
      tpu.wait_dma2 semaphore(%run_scoped3A : memref<!tpu.dma_semaphore, #tpu.memory_space<semaphore_mem>>) src(%arg11 : memref<128x128xf32, #tpu.memory_space<hbm>>) dst(%dma_wait3A_275 : memref<128x128xf32, #tpu.memory_space<vmem_shared>>)
      tpu.yield
    }) : () -> ()
    %add3A_229 = arith.constant 384 : i32
    %add3A_230 = arith.addi %mul3A_2, %add3A_229 : i32
    "tpu.region"() ({
      %run_scoped3A = tpu.sem_alloc : memref<!tpu.dma_semaphore, #tpu.memory_space<semaphore_mem>>
      %dma_start3A_272 = arith.constant 0 : i32
      %dma_start3A_273 = tpu.memref_slice %arg18[%add3A_230, %dma_start3A_272] : memref<10112x128xf32, #tpu.memory_space<vmem_shared>> -> memref<128x128xf32, #tpu.memory_space<vmem_shared>>
      tpu.enqueue_dma source(%arg11 : memref<128x128xf32, #tpu.memory_space<hbm>>) target(%dma_start3A_273 : memref<128x128xf32, #tpu.memory_space<vmem_shared>>) target_semaphore(%run_scoped3A : memref<!tpu.dma_semaphore, #tpu.memory_space<semaphore_mem>>)
      %dma_wait3A_274 = arith.constant 0 : i32
      %dma_wait3A_275 = tpu.memref_slice %arg18[%add3A_230, %dma_wait3A_274] : memref<10112x128xf32, #tpu.memory_space<vmem_shared>> -> memref<128x128xf32, #tpu.memory_space<vmem_shared>>
      tpu.wait_dma2 semaphore(%run_scoped3A : memref<!tpu.dma_semaphore, #tpu.memory_space<semaphore_mem>>) src(%arg11 : memref<128x128xf32, #tpu.memory_space<hbm>>) dst(%dma_wait3A_275 : memref<128x128xf32, #tpu.memory_space<vmem_shared>>)
      tpu.yield
    }) : () -> ()
    %add3A_231 = arith.constant 512 : i32
    %add3A_232 = arith.addi %mul3A_2, %add3A_231 : i32
    "tpu.region"() ({
      %run_scoped3A = tpu.sem_alloc : memref<!tpu.dma_semaphore, #tpu.memory_space<semaphore_mem>>
      %dma_start3A_272 = arith.constant 0 : i32
      %dma_start3A_273 = tpu.memref_slice %arg18[%add3A_232, %dma_start3A_272] : memref<10112x128xf32, #tpu.memory_space<vmem_shared>> -> memref<120x128xf32, #tpu.memory_space<vmem_shared>>
      %dma_start3A_274 = arith.constant 0 : i32
      %dma_start3A_275 = arith.constant 0 : i32
      %dma_start3A_276 = tpu.memref_slice %arg11[%dma_start3A_274, %dma_start3A_275] : memref<128x128xf32, #tpu.memory_space<hbm>> -> memref<120x128xf32, #tpu.memory_space<hbm>>
      tpu.enqueue_dma source(%dma_start3A_276 : memref<120x128xf32, #tpu.memory_space<hbm>>) target(%dma_start3A_273 : memref<120x128xf32, #tpu.memory_space<vmem_shared>>) target_semaphore(%run_scoped3A : memref<!tpu.dma_semaphore, #tpu.memory_space<semaphore_mem>>)
      %dma_wait3A_277 = arith.constant 0 : i32
      %dma_wait3A_278 = tpu.memref_slice %arg18[%add3A_232, %dma_wait3A_277] : memref<10112x128xf32, #tpu.memory_space<vmem_shared>> -> memref<120x128xf32, #tpu.memory_space<vmem_shared>>
      %dma_wait3A_279 = arith.constant 0 : i32
      %dma_wait3A_280 = arith.constant 0 : i32
      %dma_wait3A_281 = tpu.memref_slice %arg11[%dma_wait3A_279, %dma_wait3A_280] : memref<128x128xf32, #tpu.memory_space<hbm>> -> memref<120x128xf32, #tpu.memory_space<hbm>>
      tpu.wait_dma2 semaphore(%run_scoped3A : memref<!tpu.dma_semaphore, #tpu.memory_space<semaphore_mem>>) src(%dma_wait3A_281 : memref<120x128xf32, #tpu.memory_space<hbm>>) dst(%dma_wait3A_278 : memref<120x128xf32, #tpu.memory_space<vmem_shared>>)
      tpu.yield
    }) : () -> ()
    %barrier3A_233 = arith.constant 0 : index
    tpu.barrier barrier_id(%barrier3A_233)
    %mul3A_234 = arith.constant 80 : i32
    %mul3A_235 = arith.muli %add3A, %mul3A_234 : i32
    %add3A_236 = arith.constant 0 : i32
    %add3A_237 = arith.addi %mul3A_235, %add3A_236 : i32
    %mul3A_238 = arith.constant 128 : i32
    %mul3A_239 = arith.muli %add3A_237, %mul3A_238 : i32
    %dma_start3A_240 = arith.constant 0 : i32
    %dma_start3A_241 = arith.constant 0 : i32
    %dma_start3A_242 = arith.constant 0 : i32
    %dma_start3A_243 = tpu.memref_slice %arg17[%dma_start3A_240, %dma_start3A_241, %dma_start3A_242] : memref<2x128x128xf32, #tpu.memory_space<vmem>> -> memref<1x128x128xf32, #tpu.memory_space<vmem>>
    %dma_start3A_244 = tpu.memref_squeeze %dma_start3A_243 : memref<1x128x128xf32, #tpu.memory_space<vmem>> -> memref<128x128xf32, #tpu.memory_space<vmem>>
    %dma_start3A_245 = arith.constant 0 : i32
    %dma_start3A_246 = tpu.memref_slice %arg15[%mul3A_239, %dma_start3A_245] : memref<327680x128xf32, #tpu.memory_space<hbm>> -> memref<128x128xf32, #tpu.memory_space<hbm>>
    %dma_start3A_247 = arith.constant 0 : i32
    %dma_start3A_248 = arith.constant 0 : i32
    %dma_start3A_249 = tpu.memref_slice %arg17[%dma_start3A_240, %dma_start3A_247, %dma_start3A_248] : memref<2x128x128xf32, #tpu.memory_space<vmem>> -> memref<1x128x128xf32, #tpu.memory_space<vmem>>
    %dma_start3A_250 = tpu.memref_squeeze %dma_start3A_249 : memref<1x128x128xf32, #tpu.memory_space<vmem>> -> memref<128x128xf32, #tpu.memory_space<vmem>>
    %dma_start3A_251 = arith.constant 0 : i32
    %dma_start3A_252 = tpu.memref_slice %arg15[%mul3A_239, %dma_start3A_251] : memref<327680x128xf32, #tpu.memory_space<hbm>> -> memref<128x128xf32, #tpu.memory_space<hbm>>
    tpu.enqueue_dma source(%dma_start3A_252 : memref<128x128xf32, #tpu.memory_space<hbm>>) target(%dma_start3A_250 : memref<128x128xf32, #tpu.memory_space<vmem>>) target_semaphore(%arg19 : memref<!tpu.dma_semaphore, #tpu.memory_space<semaphore_mem>>)
    %scan3A_253 = arith.constant 0 : i32
    %scan3A_254 = arith.constant 40 : i32
    %scan3A_255 = arith.addi %scan3A_253, %scan3A_254 : i32
    %scan3A_256 = arith.constant 1 : i32
    scf.for %scan3A_272 = %scan3A_253 to %scan3A_255 step %scan3A_256  : i32 {
      %mul3A_273 = arith.constant 2 : i32
      %mul3A_274 = arith.muli %scan3A_272, %mul3A_273 : i32
      %add3A_275 = arith.constant 0 : i32
      %add3A_276 = arith.addi %add3A_275, %mul3A_274 : i32
      %mul3A_277 = arith.constant 80 : i32
      %mul3A_278 = arith.muli %add3A, %mul3A_277 : i32
      %add3A_279 = arith.addi %mul3A_278, %add3A_276 : i32
      %mul3A_280 = arith.constant 128 : i32
      %mul3A_281 = arith.muli %add3A_279, %mul3A_280 : i32
      %dma_wait3A_282 = arith.constant 0 : i32
      %dma_wait3A_283 = arith.constant 0 : i32
      %dma_wait3A_284 = arith.constant 0 : i32
      %dma_wait3A_285 = tpu.memref_slice %arg17[%dma_wait3A_282, %dma_wait3A_283, %dma_wait3A_284] : memref<2x128x128xf32, #tpu.memory_space<vmem>> -> memref<1x128x128xf32, #tpu.memory_space<vmem>>
      %dma_wait3A_286 = tpu.memref_squeeze %dma_wait3A_285 : memref<1x128x128xf32, #tpu.memory_space<vmem>> -> memref<128x128xf32, #tpu.memory_space<vmem>>
      %dma_wait3A_287 = arith.constant 0 : i32
      %dma_wait3A_288 = tpu.memref_slice %arg15[%mul3A_281, %dma_wait3A_287] : memref<327680x128xf32, #tpu.memory_space<hbm>> -> memref<128x128xf32, #tpu.memory_space<hbm>>
      %dma_wait3A_289 = arith.constant 0 : i32
      %dma_wait3A_290 = arith.constant 0 : i32
      %dma_wait3A_291 = tpu.memref_slice %arg17[%dma_wait3A_282, %dma_wait3A_289, %dma_wait3A_290] : memref<2x128x128xf32, #tpu.memory_space<vmem>> -> memref<1x128x128xf32, #tpu.memory_space<vmem>>
      %dma_wait3A_292 = tpu.memref_squeeze %dma_wait3A_291 : memref<1x128x128xf32, #tpu.memory_space<vmem>> -> memref<128x128xf32, #tpu.memory_space<vmem>>
      %dma_wait3A_293 = arith.constant 0 : i32
      %dma_wait3A_294 = tpu.memref_slice %arg15[%mul3A_281, %dma_wait3A_293] : memref<327680x128xf32, #tpu.memory_space<hbm>> -> memref<128x128xf32, #tpu.memory_space<hbm>>
      tpu.wait_dma2 semaphore(%arg19 : memref<!tpu.dma_semaphore, #tpu.memory_space<semaphore_mem>>) src(%dma_wait3A_294 : memref<128x128xf32, #tpu.memory_space<hbm>>) dst(%dma_wait3A_292 : memref<128x128xf32, #tpu.memory_space<vmem>>)
      %gt3A = arith.constant 0 : i32
      %gt3A_295 = arith.cmpi sgt, %add3A_276, %gt3A : i32
      %convert_element_type3A = arith.extui %gt3A_295 : i1 to i32
      %cond3A = arith.constant 0 : i32
      %cond3A_296 = arith.cmpi ne, %convert_element_type3A, %cond3A : i32
      scf.if %cond3A_296 {
        %sub3A = arith.constant 1 : i32
        %sub3A_378 = arith.subi %add3A_276, %sub3A : i32
        %dma_wait3A_379 = arith.constant 1 : i32
        %dma_wait3A_380 = arith.constant 0 : i32
        %dma_wait3A_381 = arith.constant 0 : i32
        %dma_wait3A_382 = tpu.memref_slice %arg17[%dma_wait3A_379, %dma_wait3A_380, %dma_wait3A_381] : memref<2x128x128xf32, #tpu.memory_space<vmem>> -> memref<1x128x128xf32, #tpu.memory_space<vmem>>
        %dma_wait3A_383 = tpu.memref_squeeze %dma_wait3A_382 : memref<1x128x128xf32, #tpu.memory_space<vmem>> -> memref<128x128xf32, #tpu.memory_space<vmem>>
        %dma_wait3A_384 = arith.constant 0 : i32
        %dma_wait3A_385 = tpu.memref_slice %arg16[%sub3A_378, %dma_wait3A_384] : memref<80x128xi32, #tpu.memory_space<vmem>> -> memref<1x128xi32, #tpu.memory_space<vmem>>
        %dma_wait3A_386 = tpu.memref_squeeze %dma_wait3A_385 : memref<1x128xi32, #tpu.memory_space<vmem>> -> memref<128xi32, #tpu.memory_space<vmem>>
        %dma_wait3A_387 = arith.constant 0 : i32
        %dma_wait3A_388 = arith.constant 0 : i32
        %dma_wait3A_389 = tpu.memref_slice %arg18[%dma_wait3A_387, %dma_wait3A_388] : memref<10112x128xf32, #tpu.memory_space<vmem_shared>> -> memref<10112x128xf32, #tpu.memory_space<vmem_shared>>
        tpu.wait_indirect_dma semaphore(%arg20 : memref<!tpu.dma_semaphore, #tpu.memory_space<semaphore_mem>>) src(%dma_wait3A_383 : memref<128x128xf32, #tpu.memory_space<vmem>>) dst(%dma_wait3A_389 : memref<10112x128xf32, #tpu.memory_space<vmem_shared>>)
      } else {
      }
      %add3A_297 = arith.constant 1 : i32
      %add3A_298 = arith.addi %add3A_276, %add3A_297 : i32
      %mul3A_299 = arith.constant 80 : i32
      %mul3A_300 = arith.muli %add3A, %mul3A_299 : i32
      %add3A_301 = arith.addi %mul3A_300, %add3A_298 : i32
      %mul3A_302 = arith.constant 128 : i32
      %mul3A_303 = arith.muli %add3A_301, %mul3A_302 : i32
      %dma_start3A_304 = arith.constant 1 : i32
      %dma_start3A_305 = arith.constant 0 : i32
      %dma_start3A_306 = arith.constant 0 : i32
      %dma_start3A_307 = tpu.memref_slice %arg17[%dma_start3A_304, %dma_start3A_305, %dma_start3A_306] : memref<2x128x128xf32, #tpu.memory_space<vmem>> -> memref<1x128x128xf32, #tpu.memory_space<vmem>>
      %dma_start3A_308 = tpu.memref_squeeze %dma_start3A_307 : memref<1x128x128xf32, #tpu.memory_space<vmem>> -> memref<128x128xf32, #tpu.memory_space<vmem>>
      %dma_start3A_309 = arith.constant 0 : i32
      %dma_start3A_310 = tpu.memref_slice %arg15[%mul3A_303, %dma_start3A_309] : memref<327680x128xf32, #tpu.memory_space<hbm>> -> memref<128x128xf32, #tpu.memory_space<hbm>>
      %dma_start3A_311 = arith.constant 0 : i32
      %dma_start3A_312 = arith.constant 0 : i32
      %dma_start3A_313 = tpu.memref_slice %arg17[%dma_start3A_304, %dma_start3A_311, %dma_start3A_312] : memref<2x128x128xf32, #tpu.memory_space<vmem>> -> memref<1x128x128xf32, #tpu.memory_space<vmem>>
      %dma_start3A_314 = tpu.memref_squeeze %dma_start3A_313 : memref<1x128x128xf32, #tpu.memory_space<vmem>> -> memref<128x128xf32, #tpu.memory_space<vmem>>
      %dma_start3A_315 = arith.constant 0 : i32
      %dma_start3A_316 = tpu.memref_slice %arg15[%mul3A_303, %dma_start3A_315] : memref<327680x128xf32, #tpu.memory_space<hbm>> -> memref<128x128xf32, #tpu.memory_space<hbm>>
      tpu.enqueue_dma source(%dma_start3A_316 : memref<128x128xf32, #tpu.memory_space<hbm>>) target(%dma_start3A_314 : memref<128x128xf32, #tpu.memory_space<vmem>>) target_semaphore(%arg19 : memref<!tpu.dma_semaphore, #tpu.memory_space<semaphore_mem>>)
      %dma_start3A_317 = arith.constant 0 : i32
      %dma_start3A_318 = arith.constant 0 : i32
      %dma_start3A_319 = arith.constant 0 : i32
      %dma_start3A_320 = tpu.memref_slice %arg17[%dma_start3A_317, %dma_start3A_318, %dma_start3A_319] : memref<2x128x128xf32, #tpu.memory_space<vmem>> -> memref<1x128x128xf32, #tpu.memory_space<vmem>>
      %dma_start3A_321 = tpu.memref_squeeze %dma_start3A_320 : memref<1x128x128xf32, #tpu.memory_space<vmem>> -> memref<128x128xf32, #tpu.memory_space<vmem>>
      %dma_start3A_322 = arith.constant 0 : i32
      %dma_start3A_323 = tpu.memref_slice %arg16[%add3A_276, %dma_start3A_322] : memref<80x128xi32, #tpu.memory_space<vmem>> -> memref<1x128xi32, #tpu.memory_space<vmem>>
      %dma_start3A_324 = tpu.memref_squeeze %dma_start3A_323 : memref<1x128xi32, #tpu.memory_space<vmem>> -> memref<128xi32, #tpu.memory_space<vmem>>
      %dma_start3A_325 = arith.constant 0 : i32
      %dma_start3A_326 = arith.constant 0 : i32
      %dma_start3A_327 = tpu.memref_slice %arg18[%dma_start3A_325, %dma_start3A_326] : memref<10112x128xf32, #tpu.memory_space<vmem_shared>> -> memref<10112x128xf32, #tpu.memory_space<vmem_shared>>
      tpu.enqueue_indirect_dma source(%dma_start3A_321 : memref<128x128xf32, #tpu.memory_space<vmem>>) target(%dma_start3A_327 : memref<10112x128xf32, #tpu.memory_space<vmem_shared>>) offsets(%dma_start3A_324 : memref<128xi32, #tpu.memory_space<vmem>>) semaphore(%arg20 : memref<!tpu.dma_semaphore, #tpu.memory_space<semaphore_mem>>) {add = true}
      %add3A_328 = arith.constant 1 : i32
      %add3A_329 = arith.addi %add3A_276, %add3A_328 : i32
      %mul3A_330 = arith.constant 80 : i32
      %mul3A_331 = arith.muli %add3A, %mul3A_330 : i32
      %add3A_332 = arith.addi %mul3A_331, %add3A_329 : i32
      %mul3A_333 = arith.constant 128 : i32
      %mul3A_334 = arith.muli %add3A_332, %mul3A_333 : i32
      %dma_wait3A_335 = arith.constant 1 : i32
      %dma_wait3A_336 = arith.constant 0 : i32
      %dma_wait3A_337 = arith.constant 0 : i32
      %dma_wait3A_338 = tpu.memref_slice %arg17[%dma_wait3A_335, %dma_wait3A_336, %dma_wait3A_337] : memref<2x128x128xf32, #tpu.memory_space<vmem>> -> memref<1x128x128xf32, #tpu.memory_space<vmem>>
      %dma_wait3A_339 = tpu.memref_squeeze %dma_wait3A_338 : memref<1x128x128xf32, #tpu.memory_space<vmem>> -> memref<128x128xf32, #tpu.memory_space<vmem>>
      %dma_wait3A_340 = arith.constant 0 : i32
      %dma_wait3A_341 = tpu.memref_slice %arg15[%mul3A_334, %dma_wait3A_340] : memref<327680x128xf32, #tpu.memory_space<hbm>> -> memref<128x128xf32, #tpu.memory_space<hbm>>
      %dma_wait3A_342 = arith.constant 0 : i32
      %dma_wait3A_343 = arith.constant 0 : i32
      %dma_wait3A_344 = tpu.memref_slice %arg17[%dma_wait3A_335, %dma_wait3A_342, %dma_wait3A_343] : memref<2x128x128xf32, #tpu.memory_space<vmem>> -> memref<1x128x128xf32, #tpu.memory_space<vmem>>
      %dma_wait3A_345 = tpu.memref_squeeze %dma_wait3A_344 : memref<1x128x128xf32, #tpu.memory_space<vmem>> -> memref<128x128xf32, #tpu.memory_space<vmem>>
      %dma_wait3A_346 = arith.constant 0 : i32
      %dma_wait3A_347 = tpu.memref_slice %arg15[%mul3A_334, %dma_wait3A_346] : memref<327680x128xf32, #tpu.memory_space<hbm>> -> memref<128x128xf32, #tpu.memory_space<hbm>>
      tpu.wait_dma2 semaphore(%arg19 : memref<!tpu.dma_semaphore, #tpu.memory_space<semaphore_mem>>) src(%dma_wait3A_347 : memref<128x128xf32, #tpu.memory_space<hbm>>) dst(%dma_wait3A_345 : memref<128x128xf32, #tpu.memory_space<vmem>>)
      %dma_wait3A_348 = arith.constant 0 : i32
      %dma_wait3A_349 = arith.constant 0 : i32
      %dma_wait3A_350 = arith.constant 0 : i32
      %dma_wait3A_351 = tpu.memref_slice %arg17[%dma_wait3A_348, %dma_wait3A_349, %dma_wait3A_350] : memref<2x128x128xf32, #tpu.memory_space<vmem>> -> memref<1x128x128xf32, #tpu.memory_space<vmem>>
      %dma_wait3A_352 = tpu.memref_squeeze %dma_wait3A_351 : memref<1x128x128xf32, #tpu.memory_space<vmem>> -> memref<128x128xf32, #tpu.memory_space<vmem>>
      %dma_wait3A_353 = arith.constant 0 : i32
      %dma_wait3A_354 = tpu.memref_slice %arg16[%add3A_276, %dma_wait3A_353] : memref<80x128xi32, #tpu.memory_space<vmem>> -> memref<1x128xi32, #tpu.memory_space<vmem>>
      %dma_wait3A_355 = tpu.memref_squeeze %dma_wait3A_354 : memref<1x128xi32, #tpu.memory_space<vmem>> -> memref<128xi32, #tpu.memory_space<vmem>>
      %dma_wait3A_356 = arith.constant 0 : i32
      %dma_wait3A_357 = arith.constant 0 : i32
      %dma_wait3A_358 = tpu.memref_slice %arg18[%dma_wait3A_356, %dma_wait3A_357] : memref<10112x128xf32, #tpu.memory_space<vmem_shared>> -> memref<10112x128xf32, #tpu.memory_space<vmem_shared>>
      tpu.wait_indirect_dma semaphore(%arg20 : memref<!tpu.dma_semaphore, #tpu.memory_space<semaphore_mem>>) src(%dma_wait3A_352 : memref<128x128xf32, #tpu.memory_space<vmem>>) dst(%dma_wait3A_358 : memref<10112x128xf32, #tpu.memory_space<vmem_shared>>)
      %add3A_359 = arith.constant 2 : i32
      %add3A_360 = arith.addi %add3A_276, %add3A_359 : i32
      %lt3A = arith.constant 80 : i32
      %lt3A_361 = arith.cmpi slt, %add3A_360, %lt3A : i32
      %convert_element_type3A_362 = arith.extui %lt3A_361 : i1 to i32
      %cond3A_363 = arith.constant 0 : i32
      %cond3A_364 = arith.cmpi ne, %convert_element_type3A_362, %cond3A_363 : i32
      scf.if %cond3A_364 {
        %add3A_378 = arith.constant 2 : i32
        %add3A_379 = arith.addi %add3A_276, %add3A_378 : i32
        %mul3A_380 = arith.constant 80 : i32
        %mul3A_381 = arith.muli %add3A, %mul3A_380 : i32
        %add3A_382 = arith.addi %mul3A_381, %add3A_379 : i32
        %mul3A_383 = arith.constant 128 : i32
        %mul3A_384 = arith.muli %add3A_382, %mul3A_383 : i32
        %dma_start3A_385 = arith.constant 0 : i32
        %dma_start3A_386 = arith.constant 0 : i32
        %dma_start3A_387 = arith.constant 0 : i32
        %dma_start3A_388 = tpu.memref_slice %arg17[%dma_start3A_385, %dma_start3A_386, %dma_start3A_387] : memref<2x128x128xf32, #tpu.memory_space<vmem>> -> memref<1x128x128xf32, #tpu.memory_space<vmem>>
        %dma_start3A_389 = tpu.memref_squeeze %dma_start3A_388 : memref<1x128x128xf32, #tpu.memory_space<vmem>> -> memref<128x128xf32, #tpu.memory_space<vmem>>
        %dma_start3A_390 = arith.constant 0 : i32
        %dma_start3A_391 = tpu.memref_slice %arg15[%mul3A_384, %dma_start3A_390] : memref<327680x128xf32, #tpu.memory_space<hbm>> -> memref<128x128xf32, #tpu.memory_space<hbm>>
        %dma_start3A_392 = arith.constant 0 : i32
        %dma_start3A_393 = arith.constant 0 : i32
        %dma_start3A_394 = tpu.memref_slice %arg17[%dma_start3A_385, %dma_start3A_392, %dma_start3A_393] : memref<2x128x128xf32, #tpu.memory_space<vmem>> -> memref<1x128x128xf32, #tpu.memory_space<vmem>>
        %dma_start3A_395 = tpu.memref_squeeze %dma_start3A_394 : memref<1x128x128xf32, #tpu.memory_space<vmem>> -> memref<128x128xf32, #tpu.memory_space<vmem>>
        %dma_start3A_396 = arith.constant 0 : i32
        %dma_start3A_397 = tpu.memref_slice %arg15[%mul3A_384, %dma_start3A_396] : memref<327680x128xf32, #tpu.memory_space<hbm>> -> memref<128x128xf32, #tpu.memory_space<hbm>>
        tpu.enqueue_dma source(%dma_start3A_397 : memref<128x128xf32, #tpu.memory_space<hbm>>) target(%dma_start3A_395 : memref<128x128xf32, #tpu.memory_space<vmem>>) target_semaphore(%arg19 : memref<!tpu.dma_semaphore, #tpu.memory_space<semaphore_mem>>)
      } else {
      }
      %add3A_365 = arith.constant 1 : i32
      %add3A_366 = arith.addi %add3A_276, %add3A_365 : i32
      %dma_start3A_367 = arith.constant 1 : i32
      %dma_start3A_368 = arith.constant 0 : i32
      %dma_start3A_369 = arith.constant 0 : i32
      %dma_start3A_370 = tpu.memref_slice %arg17[%dma_start3A_367, %dma_start3A_368, %dma_start3A_369] : memref<2x128x128xf32, #tpu.memory_space<vmem>> -> memref<1x128x128xf32, #tpu.memory_space<vmem>>
      %dma_start3A_371 = tpu.memref_squeeze %dma_start3A_370 : memref<1x128x128xf32, #tpu.memory_space<vmem>> -> memref<128x128xf32, #tpu.memory_space<vmem>>
      %dma_start3A_372 = arith.constant 0 : i32
      %dma_start3A_373 = tpu.memref_slice %arg16[%add3A_366, %dma_start3A_372] : memref<80x128xi32, #tpu.memory_space<vmem>> -> memref<1x128xi32, #tpu.memory_space<vmem>>
      %dma_start3A_374 = tpu.memref_squeeze %dma_start3A_373 : memref<1x128xi32, #tpu.memory_space<vmem>> -> memref<128xi32, #tpu.memory_space<vmem>>
      %dma_start3A_375 = arith.constant 0 : i32
      %dma_start3A_376 = arith.constant 0 : i32
      %dma_start3A_377 = tpu.memref_slice %arg18[%dma_start3A_375, %dma_start3A_376] : memref<10112x128xf32, #tpu.memory_space<vmem_shared>> -> memref<10112x128xf32, #tpu.memory_space<vmem_shared>>
      tpu.enqueue_indirect_dma source(%dma_start3A_371 : memref<128x128xf32, #tpu.memory_space<vmem>>) target(%dma_start3A_377 : memref<10112x128xf32, #tpu.memory_space<vmem_shared>>) offsets(%dma_start3A_374 : memref<128xi32, #tpu.memory_space<vmem>>) semaphore(%arg20 : memref<!tpu.dma_semaphore, #tpu.memory_space<semaphore_mem>>) {add = true}
    }
    %scan3A_257 = arith.constant 40 : i32
    %dma_wait3A_258 = arith.constant 1 : i32
    %dma_wait3A_259 = arith.constant 79 : i32
    %dma_wait3A_260 = arith.constant 0 : i32
    %dma_wait3A_261 = arith.constant 0 : i32
    %dma_wait3A_262 = tpu.memref_slice %arg17[%dma_wait3A_258, %dma_wait3A_260, %dma_wait3A_261] : memref<2x128x128xf32, #tpu.memory_space<vmem>> -> memref<1x128x128xf32, #tpu.memory_space<vmem>>
    %dma_wait3A_263 = tpu.memref_squeeze %dma_wait3A_262 : memref<1x128x128xf32, #tpu.memory_space<vmem>> -> memref<128x128xf32, #tpu.memory_space<vmem>>
    %dma_wait3A_264 = arith.constant 0 : i32
    %dma_wait3A_265 = tpu.memref_slice %arg16[%dma_wait3A_259, %dma_wait3A_264] : memref<80x128xi32, #tpu.memory_space<vmem>> -> memref<1x128xi32, #tpu.memory_space<vmem>>
    %dma_wait3A_266 = tpu.memref_squeeze %dma_wait3A_265 : memref<1x128xi32, #tpu.memory_space<vmem>> -> memref<128xi32, #tpu.memory_space<vmem>>
    %dma_wait3A_267 = arith.constant 0 : i32
    %dma_wait3A_268 = arith.constant 0 : i32
    %dma_wait3A_269 = tpu.memref_slice %arg18[%dma_wait3A_267, %dma_wait3A_268] : memref<10112x128xf32, #tpu.memory_space<vmem_shared>> -> memref<10112x128xf32, #tpu.memory_space<vmem_shared>>
    tpu.wait_indirect_dma semaphore(%arg20 : memref<!tpu.dma_semaphore, #tpu.memory_space<semaphore_mem>>) src(%dma_wait3A_263 : memref<128x128xf32, #tpu.memory_space<vmem>>) dst(%dma_wait3A_269 : memref<10112x128xf32, #tpu.memory_space<vmem_shared>>)
    %barrier3A_270 = arith.constant 0 : index
    tpu.barrier barrier_id(%barrier3A_270)
    "tpu.region"() ({
      %run_scoped3A = tpu.sem_alloc : memref<!tpu.dma_semaphore, #tpu.memory_space<semaphore_mem>>
      %dma_start3A_272 = arith.constant 0 : i32
      %dma_start3A_273 = tpu.memref_slice %arg14[%arg0, %mul3A_2, %dma_start3A_272] : memref<2x10112x128xf32, #tpu.memory_space<hbm>> -> memref<1x632x128xf32, #tpu.memory_space<hbm>>
      %dma_start3A_274 = tpu.memref_squeeze %dma_start3A_273 : memref<1x632x128xf32, #tpu.memory_space<hbm>> -> memref<632x128xf32, #tpu.memory_space<hbm>>
      %dma_start3A_275 = arith.constant 0 : i32
      %dma_start3A_276 = tpu.memref_slice %arg18[%mul3A_2, %dma_start3A_275] : memref<10112x128xf32, #tpu.memory_space<vmem_shared>> -> memref<632x128xf32, #tpu.memory_space<vmem_shared>>
      tpu.enqueue_dma source(%dma_start3A_276 : memref<632x128xf32, #tpu.memory_space<vmem_shared>>) target(%dma_start3A_274 : memref<632x128xf32, #tpu.memory_space<hbm>>) target_semaphore(%run_scoped3A : memref<!tpu.dma_semaphore, #tpu.memory_space<semaphore_mem>>)
      %dma_wait3A_277 = arith.constant 0 : i32
      %dma_wait3A_278 = tpu.memref_slice %arg14[%arg0, %mul3A_2, %dma_wait3A_277] : memref<2x10112x128xf32, #tpu.memory_space<hbm>> -> memref<1x632x128xf32, #tpu.memory_space<hbm>>
      %dma_wait3A_279 = tpu.memref_squeeze %dma_wait3A_278 : memref<1x632x128xf32, #tpu.memory_space<hbm>> -> memref<632x128xf32, #tpu.memory_space<hbm>>
      %dma_wait3A_280 = arith.constant 0 : i32
      %dma_wait3A_281 = tpu.memref_slice %arg18[%mul3A_2, %dma_wait3A_280] : memref<10112x128xf32, #tpu.memory_space<vmem_shared>> -> memref<632x128xf32, #tpu.memory_space<vmem_shared>>
      tpu.wait_dma2 semaphore(%run_scoped3A : memref<!tpu.dma_semaphore, #tpu.memory_space<semaphore_mem>>) src(%dma_wait3A_281 : memref<632x128xf32, #tpu.memory_space<vmem_shared>>) dst(%dma_wait3A_279 : memref<632x128xf32, #tpu.memory_space<hbm>>)
      tpu.yield
    }) : () -> ()
    %barrier3A_271 = arith.constant 0 : index
    tpu.barrier barrier_id(%barrier3A_271)
    return
  }
}

#map = affine_map<(d0, d1) -> (0, 0)>
#map1 = affine_map<(d0, d1) -> (0, 0, 0)>
module attributes {stable_mosaic.version = 14 : i64} {
  func.func @_spmm_body(%arg0: i32, %arg1: i32, %arg2: memref<10112x128xf32, #tpu.memory_space<hbm>>, %arg3: memref<10112x128xf32, #tpu.memory_space<hbm>>, %arg4: memref<2560x128xi32, #tpu.memory_space<hbm>>, %arg5: memref<2560x128xi32, #tpu.memory_space<hbm>>, %arg6: memref<2560x128xi32, #tpu.memory_space<hbm>>, %arg7: memref<2560x128xi32, #tpu.memory_space<hbm>>, %arg8: memref<128x128xf32, #tpu.memory_space<hbm>>, %arg9: memref<2x10112x128xf32, #tpu.memory_space<hbm>>, %arg10: memref<2x10112x128xf32, #tpu.memory_space<hbm>>, %arg11: memref<327680x128xf32, #tpu.memory_space<hbm>>, %arg12: memref<80x128xi32, #tpu.memory_space<vmem>>, %arg13: memref<2x128x128xf32, #tpu.memory_space<vmem>>, %arg14: memref<10112x128xf32, #tpu.memory_space<vmem_shared>>, %arg15: memref<!tpu.dma_semaphore, #tpu.memory_space<semaphore_mem>>, %arg16: memref<!tpu.dma_semaphore, #tpu.memory_space<semaphore_mem>>) attributes {dimension_semantics = [#tpu.dimension_semantics<core_parallel>, #tpu.dimension_semantics<subcore_parallel>], iteration_bounds = array<i64: 2, 16>, scalar_prefetch = 0 : i64, scratch_operands = 5 : i64, tpu.core_type = #tpu.core_type<sc_vector_subcore>, window_params = [{transform_indices = #map}, {transform_indices = #map}, {transform_indices = #map}, {transform_indices = #map}, {transform_indices = #map}, {transform_indices = #map}, {transform_indices = #map}, {transform_indices = #map1}, {transform_indices = #map1}, {transform_indices = #map}]} {
    %mul3A = arith.constant 16 : i32
    %mul3A_0 = arith.muli %arg0, %mul3A : i32
    %add3A = arith.addi %mul3A_0, %arg1 : i32
    %mul3A_1 = arith.constant 632 : i32
    %mul3A_2 = arith.muli %arg1, %mul3A_1 : i32
    %mul3A_3 = arith.constant 80 : i32
    %mul3A_4 = arith.muli %add3A, %mul3A_3 : i32
    "tpu.region"() ({
      %run_scoped3A = tpu.sem_alloc : memref<!tpu.dma_semaphore, #tpu.memory_space<semaphore_mem>>
      %dma_start3A_181 = arith.constant 0 : i32
      %dma_start3A_182 = tpu.memref_slice %arg4[%mul3A_4, %dma_start3A_181] : memref<2560x128xi32, #tpu.memory_space<hbm>> -> memref<80x128xi32, #tpu.memory_space<hbm>>
      %dma_start3A_183 = arith.constant 0 : i32
      %dma_start3A_184 = tpu.memref_slice %arg4[%mul3A_4, %dma_start3A_183] : memref<2560x128xi32, #tpu.memory_space<hbm>> -> memref<80x128xi32, #tpu.memory_space<hbm>>
      tpu.enqueue_dma source(%dma_start3A_184 : memref<80x128xi32, #tpu.memory_space<hbm>>) target(%arg12 : memref<80x128xi32, #tpu.memory_space<vmem>>) target_semaphore(%run_scoped3A : memref<!tpu.dma_semaphore, #tpu.memory_space<semaphore_mem>>)
      %dma_wait3A_185 = arith.constant 0 : i32
      %dma_wait3A_186 = tpu.memref_slice %arg4[%mul3A_4, %dma_wait3A_185] : memref<2560x128xi32, #tpu.memory_space<hbm>> -> memref<80x128xi32, #tpu.memory_space<hbm>>
      %dma_wait3A_187 = arith.constant 0 : i32
      %dma_wait3A_188 = tpu.memref_slice %arg4[%mul3A_4, %dma_wait3A_187] : memref<2560x128xi32, #tpu.memory_space<hbm>> -> memref<80x128xi32, #tpu.memory_space<hbm>>
      tpu.wait_dma2 semaphore(%run_scoped3A : memref<!tpu.dma_semaphore, #tpu.memory_space<semaphore_mem>>) src(%dma_wait3A_188 : memref<80x128xi32, #tpu.memory_space<hbm>>) dst(%arg12 : memref<80x128xi32, #tpu.memory_space<vmem>>)
      tpu.yield
    }) : () -> ()
    "tpu.region"() ({
      %run_scoped3A = tpu.sem_alloc : memref<!tpu.dma_semaphore, #tpu.memory_space<semaphore_mem>>
      %dma_start3A_181 = arith.constant 0 : i32
      %dma_start3A_182 = tpu.memref_slice %arg14[%mul3A_2, %dma_start3A_181] : memref<10112x128xf32, #tpu.memory_space<vmem_shared>> -> memref<632x128xf32, #tpu.memory_space<vmem_shared>>
      %dma_start3A_183 = arith.constant 0 : i32
      %dma_start3A_184 = tpu.memref_slice %arg2[%mul3A_2, %dma_start3A_183] : memref<10112x128xf32, #tpu.memory_space<hbm>> -> memref<632x128xf32, #tpu.memory_space<hbm>>
      tpu.enqueue_dma source(%dma_start3A_184 : memref<632x128xf32, #tpu.memory_space<hbm>>) target(%dma_start3A_182 : memref<632x128xf32, #tpu.memory_space<vmem_shared>>) target_semaphore(%run_scoped3A : memref<!tpu.dma_semaphore, #tpu.memory_space<semaphore_mem>>)
      %dma_wait3A_185 = arith.constant 0 : i32
      %dma_wait3A_186 = tpu.memref_slice %arg14[%mul3A_2, %dma_wait3A_185] : memref<10112x128xf32, #tpu.memory_space<vmem_shared>> -> memref<632x128xf32, #tpu.memory_space<vmem_shared>>
      %dma_wait3A_187 = arith.constant 0 : i32
      %dma_wait3A_188 = tpu.memref_slice %arg2[%mul3A_2, %dma_wait3A_187] : memref<10112x128xf32, #tpu.memory_space<hbm>> -> memref<632x128xf32, #tpu.memory_space<hbm>>
      tpu.wait_dma2 semaphore(%run_scoped3A : memref<!tpu.dma_semaphore, #tpu.memory_space<semaphore_mem>>) src(%dma_wait3A_188 : memref<632x128xf32, #tpu.memory_space<hbm>>) dst(%dma_wait3A_186 : memref<632x128xf32, #tpu.memory_space<vmem_shared>>)
      tpu.yield
    }) : () -> ()
    %barrier3A = arith.constant 0 : index
    tpu.barrier barrier_id(%barrier3A)
    %dma_start3A = arith.constant 0 : i32
    %dma_start3A_5 = arith.constant 0 : i32
    %dma_start3A_6 = arith.constant 0 : i32
    %dma_start3A_7 = arith.constant 0 : i32
    %dma_start3A_8 = tpu.memref_slice %arg13[%dma_start3A_5, %dma_start3A_6, %dma_start3A_7] : memref<2x128x128xf32, #tpu.memory_space<vmem>> -> memref<1x128x128xf32, #tpu.memory_space<vmem>>
    %dma_start3A_9 = tpu.memref_squeeze %dma_start3A_8 : memref<1x128x128xf32, #tpu.memory_space<vmem>> -> memref<128x128xf32, #tpu.memory_space<vmem>>
    %dma_start3A_10 = arith.constant 0 : i32
    %dma_start3A_11 = tpu.memref_slice %arg12[%dma_start3A, %dma_start3A_10] : memref<80x128xi32, #tpu.memory_space<vmem>> -> memref<1x128xi32, #tpu.memory_space<vmem>>
    %dma_start3A_12 = tpu.memref_squeeze %dma_start3A_11 : memref<1x128xi32, #tpu.memory_space<vmem>> -> memref<128xi32, #tpu.memory_space<vmem>>
    %dma_start3A_13 = arith.constant 0 : i32
    %dma_start3A_14 = arith.constant 0 : i32
    %dma_start3A_15 = tpu.memref_slice %arg14[%dma_start3A_13, %dma_start3A_14] : memref<10112x128xf32, #tpu.memory_space<vmem_shared>> -> memref<10112x128xf32, #tpu.memory_space<vmem_shared>>
    tpu.enqueue_indirect_dma source(%dma_start3A_15 : memref<10112x128xf32, #tpu.memory_space<vmem_shared>>) target(%dma_start3A_9 : memref<128x128xf32, #tpu.memory_space<vmem>>) offsets(%dma_start3A_12 : memref<128xi32, #tpu.memory_space<vmem>>) semaphore(%arg15 : memref<!tpu.dma_semaphore, #tpu.memory_space<semaphore_mem>>)
    %scan3A = arith.constant 0 : i32
    %scan3A_16 = arith.constant 40 : i32
    %scan3A_17 = arith.addi %scan3A, %scan3A_16 : i32
    %scan3A_18 = arith.constant 1 : i32
    scf.for %scan3A_181 = %scan3A to %scan3A_17 step %scan3A_18  : i32 {
      %mul3A_182 = arith.constant 2 : i32
      %mul3A_183 = arith.muli %scan3A_181, %mul3A_182 : i32
      %add3A_184 = arith.constant 0 : i32
      %add3A_185 = arith.addi %add3A_184, %mul3A_183 : i32
      %dma_wait3A_186 = arith.constant 0 : i32
      %dma_wait3A_187 = arith.constant 0 : i32
      %dma_wait3A_188 = arith.constant 0 : i32
      %dma_wait3A_189 = tpu.memref_slice %arg13[%dma_wait3A_186, %dma_wait3A_187, %dma_wait3A_188] : memref<2x128x128xf32, #tpu.memory_space<vmem>> -> memref<1x128x128xf32, #tpu.memory_space<vmem>>
      %dma_wait3A_190 = tpu.memref_squeeze %dma_wait3A_189 : memref<1x128x128xf32, #tpu.memory_space<vmem>> -> memref<128x128xf32, #tpu.memory_space<vmem>>
      %dma_wait3A_191 = arith.constant 0 : i32
      %dma_wait3A_192 = tpu.memref_slice %arg12[%add3A_185, %dma_wait3A_191] : memref<80x128xi32, #tpu.memory_space<vmem>> -> memref<1x128xi32, #tpu.memory_space<vmem>>
      %dma_wait3A_193 = tpu.memref_squeeze %dma_wait3A_192 : memref<1x128xi32, #tpu.memory_space<vmem>> -> memref<128xi32, #tpu.memory_space<vmem>>
      %dma_wait3A_194 = arith.constant 0 : i32
      %dma_wait3A_195 = arith.constant 0 : i32
      %dma_wait3A_196 = tpu.memref_slice %arg14[%dma_wait3A_194, %dma_wait3A_195] : memref<10112x128xf32, #tpu.memory_space<vmem_shared>> -> memref<10112x128xf32, #tpu.memory_space<vmem_shared>>
      tpu.wait_indirect_dma semaphore(%arg15 : memref<!tpu.dma_semaphore, #tpu.memory_space<semaphore_mem>>) src(%dma_wait3A_196 : memref<10112x128xf32, #tpu.memory_space<vmem_shared>>) dst(%dma_wait3A_190 : memref<128x128xf32, #tpu.memory_space<vmem>>)
      %gt3A = arith.constant 0 : i32
      %gt3A_197 = arith.cmpi sgt, %add3A_185, %gt3A : i32
      %convert_element_type3A = arith.extui %gt3A_197 : i1 to i32
      %cond3A = arith.constant 0 : i32
      %cond3A_198 = arith.cmpi ne, %convert_element_type3A, %cond3A : i32
      scf.if %cond3A_198 {
        %sub3A = arith.constant 1 : i32
        %sub3A_287 = arith.subi %add3A_185, %sub3A : i32
        %mul3A_288 = arith.constant 80 : i32
        %mul3A_289 = arith.muli %add3A, %mul3A_288 : i32
        %add3A_290 = arith.addi %mul3A_289, %sub3A_287 : i32
        %mul3A_291 = arith.constant 128 : i32
        %mul3A_292 = arith.muli %add3A_290, %mul3A_291 : i32
        %dma_wait3A_293 = arith.constant 1 : i32
        %dma_wait3A_294 = arith.constant 0 : i32
        %dma_wait3A_295 = arith.constant 0 : i32
        %dma_wait3A_296 = tpu.memref_slice %arg13[%dma_wait3A_293, %dma_wait3A_294, %dma_wait3A_295] : memref<2x128x128xf32, #tpu.memory_space<vmem>> -> memref<1x128x128xf32, #tpu.memory_space<vmem>>
        %dma_wait3A_297 = tpu.memref_squeeze %dma_wait3A_296 : memref<1x128x128xf32, #tpu.memory_space<vmem>> -> memref<128x128xf32, #tpu.memory_space<vmem>>
        %dma_wait3A_298 = arith.constant 0 : i32
        %dma_wait3A_299 = tpu.memref_slice %arg11[%mul3A_292, %dma_wait3A_298] : memref<327680x128xf32, #tpu.memory_space<hbm>> -> memref<128x128xf32, #tpu.memory_space<hbm>>
        %dma_wait3A_300 = arith.constant 0 : i32
        %dma_wait3A_301 = tpu.memref_slice %arg11[%mul3A_292, %dma_wait3A_300] : memref<327680x128xf32, #tpu.memory_space<hbm>> -> memref<128x128xf32, #tpu.memory_space<hbm>>
        %dma_wait3A_302 = arith.constant 0 : i32
        %dma_wait3A_303 = arith.constant 0 : i32
        %dma_wait3A_304 = tpu.memref_slice %arg13[%dma_wait3A_293, %dma_wait3A_302, %dma_wait3A_303] : memref<2x128x128xf32, #tpu.memory_space<vmem>> -> memref<1x128x128xf32, #tpu.memory_space<vmem>>
        %dma_wait3A_305 = tpu.memref_squeeze %dma_wait3A_304 : memref<1x128x128xf32, #tpu.memory_space<vmem>> -> memref<128x128xf32, #tpu.memory_space<vmem>>
        tpu.wait_dma2 semaphore(%arg16 : memref<!tpu.dma_semaphore, #tpu.memory_space<semaphore_mem>>) src(%dma_wait3A_305 : memref<128x128xf32, #tpu.memory_space<vmem>>) dst(%dma_wait3A_301 : memref<128x128xf32, #tpu.memory_space<hbm>>)
      } else {
      }
      %add3A_199 = arith.constant 1 : i32
      %add3A_200 = arith.addi %add3A_185, %add3A_199 : i32
      %dma_start3A_201 = arith.constant 1 : i32
      %dma_start3A_202 = arith.constant 0 : i32
      %dma_start3A_203 = arith.constant 0 : i32
      %dma_start3A_204 = tpu.memref_slice %arg13[%dma_start3A_201, %dma_start3A_202, %dma_start3A_203] : memref<2x128x128xf32, #tpu.memory_space<vmem>> -> memref<1x128x128xf32, #tpu.memory_space<vmem>>
      %dma_start3A_205 = tpu.memref_squeeze %dma_start3A_204 : memref<1x128x128xf32, #tpu.memory_space<vmem>> -> memref<128x128xf32, #tpu.memory_space<vmem>>
      %dma_start3A_206 = arith.constant 0 : i32
      %dma_start3A_207 = tpu.memref_slice %arg12[%add3A_200, %dma_start3A_206] : memref<80x128xi32, #tpu.memory_space<vmem>> -> memref<1x128xi32, #tpu.memory_space<vmem>>
      %dma_start3A_208 = tpu.memref_squeeze %dma_start3A_207 : memref<1x128xi32, #tpu.memory_space<vmem>> -> memref<128xi32, #tpu.memory_space<vmem>>
      %dma_start3A_209 = arith.constant 0 : i32
      %dma_start3A_210 = arith.constant 0 : i32
      %dma_start3A_211 = tpu.memref_slice %arg14[%dma_start3A_209, %dma_start3A_210] : memref<10112x128xf32, #tpu.memory_space<vmem_shared>> -> memref<10112x128xf32, #tpu.memory_space<vmem_shared>>
      tpu.enqueue_indirect_dma source(%dma_start3A_211 : memref<10112x128xf32, #tpu.memory_space<vmem_shared>>) target(%dma_start3A_205 : memref<128x128xf32, #tpu.memory_space<vmem>>) offsets(%dma_start3A_208 : memref<128xi32, #tpu.memory_space<vmem>>) semaphore(%arg15 : memref<!tpu.dma_semaphore, #tpu.memory_space<semaphore_mem>>)
      %mul3A_212 = arith.constant 80 : i32
      %mul3A_213 = arith.muli %add3A, %mul3A_212 : i32
      %add3A_214 = arith.addi %mul3A_213, %add3A_185 : i32
      %mul3A_215 = arith.constant 128 : i32
      %mul3A_216 = arith.muli %add3A_214, %mul3A_215 : i32
      %dma_start3A_217 = arith.constant 0 : i32
      %dma_start3A_218 = arith.constant 0 : i32
      %dma_start3A_219 = arith.constant 0 : i32
      %dma_start3A_220 = tpu.memref_slice %arg13[%dma_start3A_217, %dma_start3A_218, %dma_start3A_219] : memref<2x128x128xf32, #tpu.memory_space<vmem>> -> memref<1x128x128xf32, #tpu.memory_space<vmem>>
      %dma_start3A_221 = tpu.memref_squeeze %dma_start3A_220 : memref<1x128x128xf32, #tpu.memory_space<vmem>> -> memref<128x128xf32, #tpu.memory_space<vmem>>
      %dma_start3A_222 = arith.constant 0 : i32
      %dma_start3A_223 = tpu.memref_slice %arg11[%mul3A_216, %dma_start3A_222] : memref<327680x128xf32, #tpu.memory_space<hbm>> -> memref<128x128xf32, #tpu.memory_space<hbm>>
      %dma_start3A_224 = arith.constant 0 : i32
      %dma_start3A_225 = tpu.memref_slice %arg11[%mul3A_216, %dma_start3A_224] : memref<327680x128xf32, #tpu.memory_space<hbm>> -> memref<128x128xf32, #tpu.memory_space<hbm>>
      %dma_start3A_226 = arith.constant 0 : i32
      %dma_start3A_227 = arith.constant 0 : i32
      %dma_start3A_228 = tpu.memref_slice %arg13[%dma_start3A_217, %dma_start3A_226, %dma_start3A_227] : memref<2x128x128xf32, #tpu.memory_space<vmem>> -> memref<1x128x128xf32, #tpu.memory_space<vmem>>
      %dma_start3A_229 = tpu.memref_squeeze %dma_start3A_228 : memref<1x128x128xf32, #tpu.memory_space<vmem>> -> memref<128x128xf32, #tpu.memory_space<vmem>>
      tpu.enqueue_dma source(%dma_start3A_229 : memref<128x128xf32, #tpu.memory_space<vmem>>) target(%dma_start3A_225 : memref<128x128xf32, #tpu.memory_space<hbm>>) target_semaphore(%arg16 : memref<!tpu.dma_semaphore, #tpu.memory_space<semaphore_mem>>)
      %add3A_230 = arith.constant 1 : i32
      %add3A_231 = arith.addi %add3A_185, %add3A_230 : i32
      %dma_wait3A_232 = arith.constant 1 : i32
      %dma_wait3A_233 = arith.constant 0 : i32
      %dma_wait3A_234 = arith.constant 0 : i32
      %dma_wait3A_235 = tpu.memref_slice %arg13[%dma_wait3A_232, %dma_wait3A_233, %dma_wait3A_234] : memref<2x128x128xf32, #tpu.memory_space<vmem>> -> memref<1x128x128xf32, #tpu.memory_space<vmem>>
      %dma_wait3A_236 = tpu.memref_squeeze %dma_wait3A_235 : memref<1x128x128xf32, #tpu.memory_space<vmem>> -> memref<128x128xf32, #tpu.memory_space<vmem>>
      %dma_wait3A_237 = arith.constant 0 : i32
      %dma_wait3A_238 = tpu.memref_slice %arg12[%add3A_231, %dma_wait3A_237] : memref<80x128xi32, #tpu.memory_space<vmem>> -> memref<1x128xi32, #tpu.memory_space<vmem>>
      %dma_wait3A_239 = tpu.memref_squeeze %dma_wait3A_238 : memref<1x128xi32, #tpu.memory_space<vmem>> -> memref<128xi32, #tpu.memory_space<vmem>>
      %dma_wait3A_240 = arith.constant 0 : i32
      %dma_wait3A_241 = arith.constant 0 : i32
      %dma_wait3A_242 = tpu.memref_slice %arg14[%dma_wait3A_240, %dma_wait3A_241] : memref<10112x128xf32, #tpu.memory_space<vmem_shared>> -> memref<10112x128xf32, #tpu.memory_space<vmem_shared>>
      tpu.wait_indirect_dma semaphore(%arg15 : memref<!tpu.dma_semaphore, #tpu.memory_space<semaphore_mem>>) src(%dma_wait3A_242 : memref<10112x128xf32, #tpu.memory_space<vmem_shared>>) dst(%dma_wait3A_236 : memref<128x128xf32, #tpu.memory_space<vmem>>)
      %mul3A_243 = arith.constant 80 : i32
      %mul3A_244 = arith.muli %add3A, %mul3A_243 : i32
      %add3A_245 = arith.addi %mul3A_244, %add3A_185 : i32
      %mul3A_246 = arith.constant 128 : i32
      %mul3A_247 = arith.muli %add3A_245, %mul3A_246 : i32
      %dma_wait3A_248 = arith.constant 0 : i32
      %dma_wait3A_249 = arith.constant 0 : i32
      %dma_wait3A_250 = arith.constant 0 : i32
      %dma_wait3A_251 = tpu.memref_slice %arg13[%dma_wait3A_248, %dma_wait3A_249, %dma_wait3A_250] : memref<2x128x128xf32, #tpu.memory_space<vmem>> -> memref<1x128x128xf32, #tpu.memory_space<vmem>>
      %dma_wait3A_252 = tpu.memref_squeeze %dma_wait3A_251 : memref<1x128x128xf32, #tpu.memory_space<vmem>> -> memref<128x128xf32, #tpu.memory_space<vmem>>
      %dma_wait3A_253 = arith.constant 0 : i32
      %dma_wait3A_254 = tpu.memref_slice %arg11[%mul3A_247, %dma_wait3A_253] : memref<327680x128xf32, #tpu.memory_space<hbm>> -> memref<128x128xf32, #tpu.memory_space<hbm>>
      %dma_wait3A_255 = arith.constant 0 : i32
      %dma_wait3A_256 = tpu.memref_slice %arg11[%mul3A_247, %dma_wait3A_255] : memref<327680x128xf32, #tpu.memory_space<hbm>> -> memref<128x128xf32, #tpu.memory_space<hbm>>
      %dma_wait3A_257 = arith.constant 0 : i32
      %dma_wait3A_258 = arith.constant 0 : i32
      %dma_wait3A_259 = tpu.memref_slice %arg13[%dma_wait3A_248, %dma_wait3A_257, %dma_wait3A_258] : memref<2x128x128xf32, #tpu.memory_space<vmem>> -> memref<1x128x128xf32, #tpu.memory_space<vmem>>
      %dma_wait3A_260 = tpu.memref_squeeze %dma_wait3A_259 : memref<1x128x128xf32, #tpu.memory_space<vmem>> -> memref<128x128xf32, #tpu.memory_space<vmem>>
      tpu.wait_dma2 semaphore(%arg16 : memref<!tpu.dma_semaphore, #tpu.memory_space<semaphore_mem>>) src(%dma_wait3A_260 : memref<128x128xf32, #tpu.memory_space<vmem>>) dst(%dma_wait3A_256 : memref<128x128xf32, #tpu.memory_space<hbm>>)
      %add3A_261 = arith.constant 2 : i32
      %add3A_262 = arith.addi %add3A_185, %add3A_261 : i32
      %lt3A = arith.constant 80 : i32
      %lt3A_263 = arith.cmpi slt, %add3A_262, %lt3A : i32
      %convert_element_type3A_264 = arith.extui %lt3A_263 : i1 to i32
      %cond3A_265 = arith.constant 0 : i32
      %cond3A_266 = arith.cmpi ne, %convert_element_type3A_264, %cond3A_265 : i32
      scf.if %cond3A_266 {
        %add3A_287 = arith.constant 2 : i32
        %add3A_288 = arith.addi %add3A_185, %add3A_287 : i32
        %dma_start3A_289 = arith.constant 0 : i32
        %dma_start3A_290 = arith.constant 0 : i32
        %dma_start3A_291 = arith.constant 0 : i32
        %dma_start3A_292 = tpu.memref_slice %arg13[%dma_start3A_289, %dma_start3A_290, %dma_start3A_291] : memref<2x128x128xf32, #tpu.memory_space<vmem>> -> memref<1x128x128xf32, #tpu.memory_space<vmem>>
        %dma_start3A_293 = tpu.memref_squeeze %dma_start3A_292 : memref<1x128x128xf32, #tpu.memory_space<vmem>> -> memref<128x128xf32, #tpu.memory_space<vmem>>
        %dma_start3A_294 = arith.constant 0 : i32
        %dma_start3A_295 = tpu.memref_slice %arg12[%add3A_288, %dma_start3A_294] : memref<80x128xi32, #tpu.memory_space<vmem>> -> memref<1x128xi32, #tpu.memory_space<vmem>>
        %dma_start3A_296 = tpu.memref_squeeze %dma_start3A_295 : memref<1x128xi32, #tpu.memory_space<vmem>> -> memref<128xi32, #tpu.memory_space<vmem>>
        %dma_start3A_297 = arith.constant 0 : i32
        %dma_start3A_298 = arith.constant 0 : i32
        %dma_start3A_299 = tpu.memref_slice %arg14[%dma_start3A_297, %dma_start3A_298] : memref<10112x128xf32, #tpu.memory_space<vmem_shared>> -> memref<10112x128xf32, #tpu.memory_space<vmem_shared>>
        tpu.enqueue_indirect_dma source(%dma_start3A_299 : memref<10112x128xf32, #tpu.memory_space<vmem_shared>>) target(%dma_start3A_293 : memref<128x128xf32, #tpu.memory_space<vmem>>) offsets(%dma_start3A_296 : memref<128xi32, #tpu.memory_space<vmem>>) semaphore(%arg15 : memref<!tpu.dma_semaphore, #tpu.memory_space<semaphore_mem>>)
      } else {
      }
      %add3A_267 = arith.constant 1 : i32
      %add3A_268 = arith.addi %add3A_185, %add3A_267 : i32
      %mul3A_269 = arith.constant 80 : i32
      %mul3A_270 = arith.muli %add3A, %mul3A_269 : i32
      %add3A_271 = arith.addi %mul3A_270, %add3A_268 : i32
      %mul3A_272 = arith.constant 128 : i32
      %mul3A_273 = arith.muli %add3A_271, %mul3A_272 : i32
      %dma_start3A_274 = arith.constant 1 : i32
      %dma_start3A_275 = arith.constant 0 : i32
      %dma_start3A_276 = arith.constant 0 : i32
      %dma_start3A_277 = tpu.memref_slice %arg13[%dma_start3A_274, %dma_start3A_275, %dma_start3A_276] : memref<2x128x128xf32, #tpu.memory_space<vmem>> -> memref<1x128x128xf32, #tpu.memory_space<vmem>>
      %dma_start3A_278 = tpu.memref_squeeze %dma_start3A_277 : memref<1x128x128xf32, #tpu.memory_space<vmem>> -> memref<128x128xf32, #tpu.memory_space<vmem>>
      %dma_start3A_279 = arith.constant 0 : i32
      %dma_start3A_280 = tpu.memref_slice %arg11[%mul3A_273, %dma_start3A_279] : memref<327680x128xf32, #tpu.memory_space<hbm>> -> memref<128x128xf32, #tpu.memory_space<hbm>>
      %dma_start3A_281 = arith.constant 0 : i32
      %dma_start3A_282 = tpu.memref_slice %arg11[%mul3A_273, %dma_start3A_281] : memref<327680x128xf32, #tpu.memory_space<hbm>> -> memref<128x128xf32, #tpu.memory_space<hbm>>
      %dma_start3A_283 = arith.constant 0 : i32
      %dma_start3A_284 = arith.constant 0 : i32
      %dma_start3A_285 = tpu.memref_slice %arg13[%dma_start3A_274, %dma_start3A_283, %dma_start3A_284] : memref<2x128x128xf32, #tpu.memory_space<vmem>> -> memref<1x128x128xf32, #tpu.memory_space<vmem>>
      %dma_start3A_286 = tpu.memref_squeeze %dma_start3A_285 : memref<1x128x128xf32, #tpu.memory_space<vmem>> -> memref<128x128xf32, #tpu.memory_space<vmem>>
      tpu.enqueue_dma source(%dma_start3A_286 : memref<128x128xf32, #tpu.memory_space<vmem>>) target(%dma_start3A_282 : memref<128x128xf32, #tpu.memory_space<hbm>>) target_semaphore(%arg16 : memref<!tpu.dma_semaphore, #tpu.memory_space<semaphore_mem>>)
    }
    %scan3A_19 = arith.constant 40 : i32
    %mul3A_20 = arith.constant 80 : i32
    %mul3A_21 = arith.muli %add3A, %mul3A_20 : i32
    %add3A_22 = arith.constant 79 : i32
    %add3A_23 = arith.addi %mul3A_21, %add3A_22 : i32
    %mul3A_24 = arith.constant 128 : i32
    %mul3A_25 = arith.muli %add3A_23, %mul3A_24 : i32
    %dma_wait3A = arith.constant 1 : i32
    %dma_wait3A_26 = arith.constant 0 : i32
    %dma_wait3A_27 = arith.constant 0 : i32
    %dma_wait3A_28 = tpu.memref_slice %arg13[%dma_wait3A, %dma_wait3A_26, %dma_wait3A_27] : memref<2x128x128xf32, #tpu.memory_space<vmem>> -> memref<1x128x128xf32, #tpu.memory_space<vmem>>
    %dma_wait3A_29 = tpu.memref_squeeze %dma_wait3A_28 : memref<1x128x128xf32, #tpu.memory_space<vmem>> -> memref<128x128xf32, #tpu.memory_space<vmem>>
    %dma_wait3A_30 = arith.constant 0 : i32
    %dma_wait3A_31 = tpu.memref_slice %arg11[%mul3A_25, %dma_wait3A_30] : memref<327680x128xf32, #tpu.memory_space<hbm>> -> memref<128x128xf32, #tpu.memory_space<hbm>>
    %dma_wait3A_32 = arith.constant 0 : i32
    %dma_wait3A_33 = tpu.memref_slice %arg11[%mul3A_25, %dma_wait3A_32] : memref<327680x128xf32, #tpu.memory_space<hbm>> -> memref<128x128xf32, #tpu.memory_space<hbm>>
    %dma_wait3A_34 = arith.constant 0 : i32
    %dma_wait3A_35 = arith.constant 0 : i32
    %dma_wait3A_36 = tpu.memref_slice %arg13[%dma_wait3A, %dma_wait3A_34, %dma_wait3A_35] : memref<2x128x128xf32, #tpu.memory_space<vmem>> -> memref<1x128x128xf32, #tpu.memory_space<vmem>>
    %dma_wait3A_37 = tpu.memref_squeeze %dma_wait3A_36 : memref<1x128x128xf32, #tpu.memory_space<vmem>> -> memref<128x128xf32, #tpu.memory_space<vmem>>
    tpu.wait_dma2 semaphore(%arg16 : memref<!tpu.dma_semaphore, #tpu.memory_space<semaphore_mem>>) src(%dma_wait3A_37 : memref<128x128xf32, #tpu.memory_space<vmem>>) dst(%dma_wait3A_33 : memref<128x128xf32, #tpu.memory_space<hbm>>)
    %barrier3A_38 = arith.constant 0 : index
    tpu.barrier barrier_id(%barrier3A_38)
    %mul3A_39 = arith.constant 80 : i32
    %mul3A_40 = arith.muli %add3A, %mul3A_39 : i32
    "tpu.region"() ({
      %run_scoped3A = tpu.sem_alloc : memref<!tpu.dma_semaphore, #tpu.memory_space<semaphore_mem>>
      %dma_start3A_181 = arith.constant 0 : i32
      %dma_start3A_182 = tpu.memref_slice %arg6[%mul3A_40, %dma_start3A_181] : memref<2560x128xi32, #tpu.memory_space<hbm>> -> memref<80x128xi32, #tpu.memory_space<hbm>>
      %dma_start3A_183 = arith.constant 0 : i32
      %dma_start3A_184 = tpu.memref_slice %arg6[%mul3A_40, %dma_start3A_183] : memref<2560x128xi32, #tpu.memory_space<hbm>> -> memref<80x128xi32, #tpu.memory_space<hbm>>
      tpu.enqueue_dma source(%dma_start3A_184 : memref<80x128xi32, #tpu.memory_space<hbm>>) target(%arg12 : memref<80x128xi32, #tpu.memory_space<vmem>>) target_semaphore(%run_scoped3A : memref<!tpu.dma_semaphore, #tpu.memory_space<semaphore_mem>>)
      %dma_wait3A_185 = arith.constant 0 : i32
      %dma_wait3A_186 = tpu.memref_slice %arg6[%mul3A_40, %dma_wait3A_185] : memref<2560x128xi32, #tpu.memory_space<hbm>> -> memref<80x128xi32, #tpu.memory_space<hbm>>
      %dma_wait3A_187 = arith.constant 0 : i32
      %dma_wait3A_188 = tpu.memref_slice %arg6[%mul3A_40, %dma_wait3A_187] : memref<2560x128xi32, #tpu.memory_space<hbm>> -> memref<80x128xi32, #tpu.memory_space<hbm>>
      tpu.wait_dma2 semaphore(%run_scoped3A : memref<!tpu.dma_semaphore, #tpu.memory_space<semaphore_mem>>) src(%dma_wait3A_188 : memref<80x128xi32, #tpu.memory_space<hbm>>) dst(%arg12 : memref<80x128xi32, #tpu.memory_space<vmem>>)
      tpu.yield
    }) : () -> ()
    %add3A_41 = arith.constant 0 : i32
    %add3A_42 = arith.addi %mul3A_2, %add3A_41 : i32
    "tpu.region"() ({
      %run_scoped3A = tpu.sem_alloc : memref<!tpu.dma_semaphore, #tpu.memory_space<semaphore_mem>>
      %dma_start3A_181 = arith.constant 0 : i32
      %dma_start3A_182 = tpu.memref_slice %arg14[%add3A_42, %dma_start3A_181] : memref<10112x128xf32, #tpu.memory_space<vmem_shared>> -> memref<128x128xf32, #tpu.memory_space<vmem_shared>>
      tpu.enqueue_dma source(%arg8 : memref<128x128xf32, #tpu.memory_space<hbm>>) target(%dma_start3A_182 : memref<128x128xf32, #tpu.memory_space<vmem_shared>>) target_semaphore(%run_scoped3A : memref<!tpu.dma_semaphore, #tpu.memory_space<semaphore_mem>>)
      %dma_wait3A_183 = arith.constant 0 : i32
      %dma_wait3A_184 = tpu.memref_slice %arg14[%add3A_42, %dma_wait3A_183] : memref<10112x128xf32, #tpu.memory_space<vmem_shared>> -> memref<128x128xf32, #tpu.memory_space<vmem_shared>>
      tpu.wait_dma2 semaphore(%run_scoped3A : memref<!tpu.dma_semaphore, #tpu.memory_space<semaphore_mem>>) src(%arg8 : memref<128x128xf32, #tpu.memory_space<hbm>>) dst(%dma_wait3A_184 : memref<128x128xf32, #tpu.memory_space<vmem_shared>>)
      tpu.yield
    }) : () -> ()
    %add3A_43 = arith.constant 128 : i32
    %add3A_44 = arith.addi %mul3A_2, %add3A_43 : i32
    "tpu.region"() ({
      %run_scoped3A = tpu.sem_alloc : memref<!tpu.dma_semaphore, #tpu.memory_space<semaphore_mem>>
      %dma_start3A_181 = arith.constant 0 : i32
      %dma_start3A_182 = tpu.memref_slice %arg14[%add3A_44, %dma_start3A_181] : memref<10112x128xf32, #tpu.memory_space<vmem_shared>> -> memref<128x128xf32, #tpu.memory_space<vmem_shared>>
      tpu.enqueue_dma source(%arg8 : memref<128x128xf32, #tpu.memory_space<hbm>>) target(%dma_start3A_182 : memref<128x128xf32, #tpu.memory_space<vmem_shared>>) target_semaphore(%run_scoped3A : memref<!tpu.dma_semaphore, #tpu.memory_space<semaphore_mem>>)
      %dma_wait3A_183 = arith.constant 0 : i32
      %dma_wait3A_184 = tpu.memref_slice %arg14[%add3A_44, %dma_wait3A_183] : memref<10112x128xf32, #tpu.memory_space<vmem_shared>> -> memref<128x128xf32, #tpu.memory_space<vmem_shared>>
      tpu.wait_dma2 semaphore(%run_scoped3A : memref<!tpu.dma_semaphore, #tpu.memory_space<semaphore_mem>>) src(%arg8 : memref<128x128xf32, #tpu.memory_space<hbm>>) dst(%dma_wait3A_184 : memref<128x128xf32, #tpu.memory_space<vmem_shared>>)
      tpu.yield
    }) : () -> ()
    %add3A_45 = arith.constant 256 : i32
    %add3A_46 = arith.addi %mul3A_2, %add3A_45 : i32
    "tpu.region"() ({
      %run_scoped3A = tpu.sem_alloc : memref<!tpu.dma_semaphore, #tpu.memory_space<semaphore_mem>>
      %dma_start3A_181 = arith.constant 0 : i32
      %dma_start3A_182 = tpu.memref_slice %arg14[%add3A_46, %dma_start3A_181] : memref<10112x128xf32, #tpu.memory_space<vmem_shared>> -> memref<128x128xf32, #tpu.memory_space<vmem_shared>>
      tpu.enqueue_dma source(%arg8 : memref<128x128xf32, #tpu.memory_space<hbm>>) target(%dma_start3A_182 : memref<128x128xf32, #tpu.memory_space<vmem_shared>>) target_semaphore(%run_scoped3A : memref<!tpu.dma_semaphore, #tpu.memory_space<semaphore_mem>>)
      %dma_wait3A_183 = arith.constant 0 : i32
      %dma_wait3A_184 = tpu.memref_slice %arg14[%add3A_46, %dma_wait3A_183] : memref<10112x128xf32, #tpu.memory_space<vmem_shared>> -> memref<128x128xf32, #tpu.memory_space<vmem_shared>>
      tpu.wait_dma2 semaphore(%run_scoped3A : memref<!tpu.dma_semaphore, #tpu.memory_space<semaphore_mem>>) src(%arg8 : memref<128x128xf32, #tpu.memory_space<hbm>>) dst(%dma_wait3A_184 : memref<128x128xf32, #tpu.memory_space<vmem_shared>>)
      tpu.yield
    }) : () -> ()
    %add3A_47 = arith.constant 384 : i32
    %add3A_48 = arith.addi %mul3A_2, %add3A_47 : i32
    "tpu.region"() ({
      %run_scoped3A = tpu.sem_alloc : memref<!tpu.dma_semaphore, #tpu.memory_space<semaphore_mem>>
      %dma_start3A_181 = arith.constant 0 : i32
      %dma_start3A_182 = tpu.memref_slice %arg14[%add3A_48, %dma_start3A_181] : memref<10112x128xf32, #tpu.memory_space<vmem_shared>> -> memref<128x128xf32, #tpu.memory_space<vmem_shared>>
      tpu.enqueue_dma source(%arg8 : memref<128x128xf32, #tpu.memory_space<hbm>>) target(%dma_start3A_182 : memref<128x128xf32, #tpu.memory_space<vmem_shared>>) target_semaphore(%run_scoped3A : memref<!tpu.dma_semaphore, #tpu.memory_space<semaphore_mem>>)
      %dma_wait3A_183 = arith.constant 0 : i32
      %dma_wait3A_184 = tpu.memref_slice %arg14[%add3A_48, %dma_wait3A_183] : memref<10112x128xf32, #tpu.memory_space<vmem_shared>> -> memref<128x128xf32, #tpu.memory_space<vmem_shared>>
      tpu.wait_dma2 semaphore(%run_scoped3A : memref<!tpu.dma_semaphore, #tpu.memory_space<semaphore_mem>>) src(%arg8 : memref<128x128xf32, #tpu.memory_space<hbm>>) dst(%dma_wait3A_184 : memref<128x128xf32, #tpu.memory_space<vmem_shared>>)
      tpu.yield
    }) : () -> ()
    %add3A_49 = arith.constant 512 : i32
    %add3A_50 = arith.addi %mul3A_2, %add3A_49 : i32
    "tpu.region"() ({
      %run_scoped3A = tpu.sem_alloc : memref<!tpu.dma_semaphore, #tpu.memory_space<semaphore_mem>>
      %dma_start3A_181 = arith.constant 0 : i32
      %dma_start3A_182 = tpu.memref_slice %arg14[%add3A_50, %dma_start3A_181] : memref<10112x128xf32, #tpu.memory_space<vmem_shared>> -> memref<120x128xf32, #tpu.memory_space<vmem_shared>>
      %dma_start3A_183 = arith.constant 0 : i32
      %dma_start3A_184 = arith.constant 0 : i32
      %dma_start3A_185 = tpu.memref_slice %arg8[%dma_start3A_183, %dma_start3A_184] : memref<128x128xf32, #tpu.memory_space<hbm>> -> memref<120x128xf32, #tpu.memory_space<hbm>>
      tpu.enqueue_dma source(%dma_start3A_185 : memref<120x128xf32, #tpu.memory_space<hbm>>) target(%dma_start3A_182 : memref<120x128xf32, #tpu.memory_space<vmem_shared>>) target_semaphore(%run_scoped3A : memref<!tpu.dma_semaphore, #tpu.memory_space<semaphore_mem>>)
      %dma_wait3A_186 = arith.constant 0 : i32
      %dma_wait3A_187 = tpu.memref_slice %arg14[%add3A_50, %dma_wait3A_186] : memref<10112x128xf32, #tpu.memory_space<vmem_shared>> -> memref<120x128xf32, #tpu.memory_space<vmem_shared>>
      %dma_wait3A_188 = arith.constant 0 : i32
      %dma_wait3A_189 = arith.constant 0 : i32
      %dma_wait3A_190 = tpu.memref_slice %arg8[%dma_wait3A_188, %dma_wait3A_189] : memref<128x128xf32, #tpu.memory_space<hbm>> -> memref<120x128xf32, #tpu.memory_space<hbm>>
      tpu.wait_dma2 semaphore(%run_scoped3A : memref<!tpu.dma_semaphore, #tpu.memory_space<semaphore_mem>>) src(%dma_wait3A_190 : memref<120x128xf32, #tpu.memory_space<hbm>>) dst(%dma_wait3A_187 : memref<120x128xf32, #tpu.memory_space<vmem_shared>>)
      tpu.yield
    }) : () -> ()
    %barrier3A_51 = arith.constant 0 : index
    tpu.barrier barrier_id(%barrier3A_51)
    %mul3A_52 = arith.constant 80 : i32
    %mul3A_53 = arith.muli %add3A, %mul3A_52 : i32
    %add3A_54 = arith.constant 0 : i32
    %add3A_55 = arith.addi %mul3A_53, %add3A_54 : i32
    %mul3A_56 = arith.constant 128 : i32
    %mul3A_57 = arith.muli %add3A_55, %mul3A_56 : i32
    %dma_start3A_58 = arith.constant 0 : i32
    %dma_start3A_59 = arith.constant 0 : i32
    %dma_start3A_60 = arith.constant 0 : i32
    %dma_start3A_61 = tpu.memref_slice %arg13[%dma_start3A_58, %dma_start3A_59, %dma_start3A_60] : memref<2x128x128xf32, #tpu.memory_space<vmem>> -> memref<1x128x128xf32, #tpu.memory_space<vmem>>
    %dma_start3A_62 = tpu.memref_squeeze %dma_start3A_61 : memref<1x128x128xf32, #tpu.memory_space<vmem>> -> memref<128x128xf32, #tpu.memory_space<vmem>>
    %dma_start3A_63 = arith.constant 0 : i32
    %dma_start3A_64 = tpu.memref_slice %arg11[%mul3A_57, %dma_start3A_63] : memref<327680x128xf32, #tpu.memory_space<hbm>> -> memref<128x128xf32, #tpu.memory_space<hbm>>
    %dma_start3A_65 = arith.constant 0 : i32
    %dma_start3A_66 = arith.constant 0 : i32
    %dma_start3A_67 = tpu.memref_slice %arg13[%dma_start3A_58, %dma_start3A_65, %dma_start3A_66] : memref<2x128x128xf32, #tpu.memory_space<vmem>> -> memref<1x128x128xf32, #tpu.memory_space<vmem>>
    %dma_start3A_68 = tpu.memref_squeeze %dma_start3A_67 : memref<1x128x128xf32, #tpu.memory_space<vmem>> -> memref<128x128xf32, #tpu.memory_space<vmem>>
    %dma_start3A_69 = arith.constant 0 : i32
    %dma_start3A_70 = tpu.memref_slice %arg11[%mul3A_57, %dma_start3A_69] : memref<327680x128xf32, #tpu.memory_space<hbm>> -> memref<128x128xf32, #tpu.memory_space<hbm>>
    tpu.enqueue_dma source(%dma_start3A_70 : memref<128x128xf32, #tpu.memory_space<hbm>>) target(%dma_start3A_68 : memref<128x128xf32, #tpu.memory_space<vmem>>) target_semaphore(%arg15 : memref<!tpu.dma_semaphore, #tpu.memory_space<semaphore_mem>>)
    %scan3A_71 = arith.constant 0 : i32
    %scan3A_72 = arith.constant 40 : i32
    %scan3A_73 = arith.addi %scan3A_71, %scan3A_72 : i32
    %scan3A_74 = arith.constant 1 : i32
    scf.for %scan3A_181 = %scan3A_71 to %scan3A_73 step %scan3A_74  : i32 {
      %mul3A_182 = arith.constant 2 : i32
      %mul3A_183 = arith.muli %scan3A_181, %mul3A_182 : i32
      %add3A_184 = arith.constant 0 : i32
      %add3A_185 = arith.addi %add3A_184, %mul3A_183 : i32
      %mul3A_186 = arith.constant 80 : i32
      %mul3A_187 = arith.muli %add3A, %mul3A_186 : i32
      %add3A_188 = arith.addi %mul3A_187, %add3A_185 : i32
      %mul3A_189 = arith.constant 128 : i32
      %mul3A_190 = arith.muli %add3A_188, %mul3A_189 : i32
      %dma_wait3A_191 = arith.constant 0 : i32
      %dma_wait3A_192 = arith.constant 0 : i32
      %dma_wait3A_193 = arith.constant 0 : i32
      %dma_wait3A_194 = tpu.memref_slice %arg13[%dma_wait3A_191, %dma_wait3A_192, %dma_wait3A_193] : memref<2x128x128xf32, #tpu.memory_space<vmem>> -> memref<1x128x128xf32, #tpu.memory_space<vmem>>
      %dma_wait3A_195 = tpu.memref_squeeze %dma_wait3A_194 : memref<1x128x128xf32, #tpu.memory_space<vmem>> -> memref<128x128xf32, #tpu.memory_space<vmem>>
      %dma_wait3A_196 = arith.constant 0 : i32
      %dma_wait3A_197 = tpu.memref_slice %arg11[%mul3A_190, %dma_wait3A_196] : memref<327680x128xf32, #tpu.memory_space<hbm>> -> memref<128x128xf32, #tpu.memory_space<hbm>>
      %dma_wait3A_198 = arith.constant 0 : i32
      %dma_wait3A_199 = arith.constant 0 : i32
      %dma_wait3A_200 = tpu.memref_slice %arg13[%dma_wait3A_191, %dma_wait3A_198, %dma_wait3A_199] : memref<2x128x128xf32, #tpu.memory_space<vmem>> -> memref<1x128x128xf32, #tpu.memory_space<vmem>>
      %dma_wait3A_201 = tpu.memref_squeeze %dma_wait3A_200 : memref<1x128x128xf32, #tpu.memory_space<vmem>> -> memref<128x128xf32, #tpu.memory_space<vmem>>
      %dma_wait3A_202 = arith.constant 0 : i32
      %dma_wait3A_203 = tpu.memref_slice %arg11[%mul3A_190, %dma_wait3A_202] : memref<327680x128xf32, #tpu.memory_space<hbm>> -> memref<128x128xf32, #tpu.memory_space<hbm>>
      tpu.wait_dma2 semaphore(%arg15 : memref<!tpu.dma_semaphore, #tpu.memory_space<semaphore_mem>>) src(%dma_wait3A_203 : memref<128x128xf32, #tpu.memory_space<hbm>>) dst(%dma_wait3A_201 : memref<128x128xf32, #tpu.memory_space<vmem>>)
      %gt3A = arith.constant 0 : i32
      %gt3A_204 = arith.cmpi sgt, %add3A_185, %gt3A : i32
      %convert_element_type3A = arith.extui %gt3A_204 : i1 to i32
      %cond3A = arith.constant 0 : i32
      %cond3A_205 = arith.cmpi ne, %convert_element_type3A, %cond3A : i32
      scf.if %cond3A_205 {
        %sub3A = arith.constant 1 : i32
        %sub3A_287 = arith.subi %add3A_185, %sub3A : i32
        %dma_wait3A_288 = arith.constant 1 : i32
        %dma_wait3A_289 = arith.constant 0 : i32
        %dma_wait3A_290 = arith.constant 0 : i32
        %dma_wait3A_291 = tpu.memref_slice %arg13[%dma_wait3A_288, %dma_wait3A_289, %dma_wait3A_290] : memref<2x128x128xf32, #tpu.memory_space<vmem>> -> memref<1x128x128xf32, #tpu.memory_space<vmem>>
        %dma_wait3A_292 = tpu.memref_squeeze %dma_wait3A_291 : memref<1x128x128xf32, #tpu.memory_space<vmem>> -> memref<128x128xf32, #tpu.memory_space<vmem>>
        %dma_wait3A_293 = arith.constant 0 : i32
        %dma_wait3A_294 = tpu.memref_slice %arg12[%sub3A_287, %dma_wait3A_293] : memref<80x128xi32, #tpu.memory_space<vmem>> -> memref<1x128xi32, #tpu.memory_space<vmem>>
        %dma_wait3A_295 = tpu.memref_squeeze %dma_wait3A_294 : memref<1x128xi32, #tpu.memory_space<vmem>> -> memref<128xi32, #tpu.memory_space<vmem>>
        %dma_wait3A_296 = arith.constant 0 : i32
        %dma_wait3A_297 = arith.constant 0 : i32
        %dma_wait3A_298 = tpu.memref_slice %arg14[%dma_wait3A_296, %dma_wait3A_297] : memref<10112x128xf32, #tpu.memory_space<vmem_shared>> -> memref<10112x128xf32, #tpu.memory_space<vmem_shared>>
        tpu.wait_indirect_dma semaphore(%arg16 : memref<!tpu.dma_semaphore, #tpu.memory_space<semaphore_mem>>) src(%dma_wait3A_292 : memref<128x128xf32, #tpu.memory_space<vmem>>) dst(%dma_wait3A_298 : memref<10112x128xf32, #tpu.memory_space<vmem_shared>>)
      } else {
      }
      %add3A_206 = arith.constant 1 : i32
      %add3A_207 = arith.addi %add3A_185, %add3A_206 : i32
      %mul3A_208 = arith.constant 80 : i32
      %mul3A_209 = arith.muli %add3A, %mul3A_208 : i32
      %add3A_210 = arith.addi %mul3A_209, %add3A_207 : i32
      %mul3A_211 = arith.constant 128 : i32
      %mul3A_212 = arith.muli %add3A_210, %mul3A_211 : i32
      %dma_start3A_213 = arith.constant 1 : i32
      %dma_start3A_214 = arith.constant 0 : i32
      %dma_start3A_215 = arith.constant 0 : i32
      %dma_start3A_216 = tpu.memref_slice %arg13[%dma_start3A_213, %dma_start3A_214, %dma_start3A_215] : memref<2x128x128xf32, #tpu.memory_space<vmem>> -> memref<1x128x128xf32, #tpu.memory_space<vmem>>
      %dma_start3A_217 = tpu.memref_squeeze %dma_start3A_216 : memref<1x128x128xf32, #tpu.memory_space<vmem>> -> memref<128x128xf32, #tpu.memory_space<vmem>>
      %dma_start3A_218 = arith.constant 0 : i32
      %dma_start3A_219 = tpu.memref_slice %arg11[%mul3A_212, %dma_start3A_218] : memref<327680x128xf32, #tpu.memory_space<hbm>> -> memref<128x128xf32, #tpu.memory_space<hbm>>
      %dma_start3A_220 = arith.constant 0 : i32
      %dma_start3A_221 = arith.constant 0 : i32
      %dma_start3A_222 = tpu.memref_slice %arg13[%dma_start3A_213, %dma_start3A_220, %dma_start3A_221] : memref<2x128x128xf32, #tpu.memory_space<vmem>> -> memref<1x128x128xf32, #tpu.memory_space<vmem>>
      %dma_start3A_223 = tpu.memref_squeeze %dma_start3A_222 : memref<1x128x128xf32, #tpu.memory_space<vmem>> -> memref<128x128xf32, #tpu.memory_space<vmem>>
      %dma_start3A_224 = arith.constant 0 : i32
      %dma_start3A_225 = tpu.memref_slice %arg11[%mul3A_212, %dma_start3A_224] : memref<327680x128xf32, #tpu.memory_space<hbm>> -> memref<128x128xf32, #tpu.memory_space<hbm>>
      tpu.enqueue_dma source(%dma_start3A_225 : memref<128x128xf32, #tpu.memory_space<hbm>>) target(%dma_start3A_223 : memref<128x128xf32, #tpu.memory_space<vmem>>) target_semaphore(%arg15 : memref<!tpu.dma_semaphore, #tpu.memory_space<semaphore_mem>>)
      %dma_start3A_226 = arith.constant 0 : i32
      %dma_start3A_227 = arith.constant 0 : i32
      %dma_start3A_228 = arith.constant 0 : i32
      %dma_start3A_229 = tpu.memref_slice %arg13[%dma_start3A_226, %dma_start3A_227, %dma_start3A_228] : memref<2x128x128xf32, #tpu.memory_space<vmem>> -> memref<1x128x128xf32, #tpu.memory_space<vmem>>
      %dma_start3A_230 = tpu.memref_squeeze %dma_start3A_229 : memref<1x128x128xf32, #tpu.memory_space<vmem>> -> memref<128x128xf32, #tpu.memory_space<vmem>>
      %dma_start3A_231 = arith.constant 0 : i32
      %dma_start3A_232 = tpu.memref_slice %arg12[%add3A_185, %dma_start3A_231] : memref<80x128xi32, #tpu.memory_space<vmem>> -> memref<1x128xi32, #tpu.memory_space<vmem>>
      %dma_start3A_233 = tpu.memref_squeeze %dma_start3A_232 : memref<1x128xi32, #tpu.memory_space<vmem>> -> memref<128xi32, #tpu.memory_space<vmem>>
      %dma_start3A_234 = arith.constant 0 : i32
      %dma_start3A_235 = arith.constant 0 : i32
      %dma_start3A_236 = tpu.memref_slice %arg14[%dma_start3A_234, %dma_start3A_235] : memref<10112x128xf32, #tpu.memory_space<vmem_shared>> -> memref<10112x128xf32, #tpu.memory_space<vmem_shared>>
      tpu.enqueue_indirect_dma source(%dma_start3A_230 : memref<128x128xf32, #tpu.memory_space<vmem>>) target(%dma_start3A_236 : memref<10112x128xf32, #tpu.memory_space<vmem_shared>>) offsets(%dma_start3A_233 : memref<128xi32, #tpu.memory_space<vmem>>) semaphore(%arg16 : memref<!tpu.dma_semaphore, #tpu.memory_space<semaphore_mem>>) {add = true}
      %add3A_237 = arith.constant 1 : i32
      %add3A_238 = arith.addi %add3A_185, %add3A_237 : i32
      %mul3A_239 = arith.constant 80 : i32
      %mul3A_240 = arith.muli %add3A, %mul3A_239 : i32
      %add3A_241 = arith.addi %mul3A_240, %add3A_238 : i32
      %mul3A_242 = arith.constant 128 : i32
      %mul3A_243 = arith.muli %add3A_241, %mul3A_242 : i32
      %dma_wait3A_244 = arith.constant 1 : i32
      %dma_wait3A_245 = arith.constant 0 : i32
      %dma_wait3A_246 = arith.constant 0 : i32
      %dma_wait3A_247 = tpu.memref_slice %arg13[%dma_wait3A_244, %dma_wait3A_245, %dma_wait3A_246] : memref<2x128x128xf32, #tpu.memory_space<vmem>> -> memref<1x128x128xf32, #tpu.memory_space<vmem>>
      %dma_wait3A_248 = tpu.memref_squeeze %dma_wait3A_247 : memref<1x128x128xf32, #tpu.memory_space<vmem>> -> memref<128x128xf32, #tpu.memory_space<vmem>>
      %dma_wait3A_249 = arith.constant 0 : i32
      %dma_wait3A_250 = tpu.memref_slice %arg11[%mul3A_243, %dma_wait3A_249] : memref<327680x128xf32, #tpu.memory_space<hbm>> -> memref<128x128xf32, #tpu.memory_space<hbm>>
      %dma_wait3A_251 = arith.constant 0 : i32
      %dma_wait3A_252 = arith.constant 0 : i32
      %dma_wait3A_253 = tpu.memref_slice %arg13[%dma_wait3A_244, %dma_wait3A_251, %dma_wait3A_252] : memref<2x128x128xf32, #tpu.memory_space<vmem>> -> memref<1x128x128xf32, #tpu.memory_space<vmem>>
      %dma_wait3A_254 = tpu.memref_squeeze %dma_wait3A_253 : memref<1x128x128xf32, #tpu.memory_space<vmem>> -> memref<128x128xf32, #tpu.memory_space<vmem>>
      %dma_wait3A_255 = arith.constant 0 : i32
      %dma_wait3A_256 = tpu.memref_slice %arg11[%mul3A_243, %dma_wait3A_255] : memref<327680x128xf32, #tpu.memory_space<hbm>> -> memref<128x128xf32, #tpu.memory_space<hbm>>
      tpu.wait_dma2 semaphore(%arg15 : memref<!tpu.dma_semaphore, #tpu.memory_space<semaphore_mem>>) src(%dma_wait3A_256 : memref<128x128xf32, #tpu.memory_space<hbm>>) dst(%dma_wait3A_254 : memref<128x128xf32, #tpu.memory_space<vmem>>)
      %dma_wait3A_257 = arith.constant 0 : i32
      %dma_wait3A_258 = arith.constant 0 : i32
      %dma_wait3A_259 = arith.constant 0 : i32
      %dma_wait3A_260 = tpu.memref_slice %arg13[%dma_wait3A_257, %dma_wait3A_258, %dma_wait3A_259] : memref<2x128x128xf32, #tpu.memory_space<vmem>> -> memref<1x128x128xf32, #tpu.memory_space<vmem>>
      %dma_wait3A_261 = tpu.memref_squeeze %dma_wait3A_260 : memref<1x128x128xf32, #tpu.memory_space<vmem>> -> memref<128x128xf32, #tpu.memory_space<vmem>>
      %dma_wait3A_262 = arith.constant 0 : i32
      %dma_wait3A_263 = tpu.memref_slice %arg12[%add3A_185, %dma_wait3A_262] : memref<80x128xi32, #tpu.memory_space<vmem>> -> memref<1x128xi32, #tpu.memory_space<vmem>>
      %dma_wait3A_264 = tpu.memref_squeeze %dma_wait3A_263 : memref<1x128xi32, #tpu.memory_space<vmem>> -> memref<128xi32, #tpu.memory_space<vmem>>
      %dma_wait3A_265 = arith.constant 0 : i32
      %dma_wait3A_266 = arith.constant 0 : i32
      %dma_wait3A_267 = tpu.memref_slice %arg14[%dma_wait3A_265, %dma_wait3A_266] : memref<10112x128xf32, #tpu.memory_space<vmem_shared>> -> memref<10112x128xf32, #tpu.memory_space<vmem_shared>>
      tpu.wait_indirect_dma semaphore(%arg16 : memref<!tpu.dma_semaphore, #tpu.memory_space<semaphore_mem>>) src(%dma_wait3A_261 : memref<128x128xf32, #tpu.memory_space<vmem>>) dst(%dma_wait3A_267 : memref<10112x128xf32, #tpu.memory_space<vmem_shared>>)
      %add3A_268 = arith.constant 2 : i32
      %add3A_269 = arith.addi %add3A_185, %add3A_268 : i32
      %lt3A = arith.constant 80 : i32
      %lt3A_270 = arith.cmpi slt, %add3A_269, %lt3A : i32
      %convert_element_type3A_271 = arith.extui %lt3A_270 : i1 to i32
      %cond3A_272 = arith.constant 0 : i32
      %cond3A_273 = arith.cmpi ne, %convert_element_type3A_271, %cond3A_272 : i32
      scf.if %cond3A_273 {
        %add3A_287 = arith.constant 2 : i32
        %add3A_288 = arith.addi %add3A_185, %add3A_287 : i32
        %mul3A_289 = arith.constant 80 : i32
        %mul3A_290 = arith.muli %add3A, %mul3A_289 : i32
        %add3A_291 = arith.addi %mul3A_290, %add3A_288 : i32
        %mul3A_292 = arith.constant 128 : i32
        %mul3A_293 = arith.muli %add3A_291, %mul3A_292 : i32
        %dma_start3A_294 = arith.constant 0 : i32
        %dma_start3A_295 = arith.constant 0 : i32
        %dma_start3A_296 = arith.constant 0 : i32
        %dma_start3A_297 = tpu.memref_slice %arg13[%dma_start3A_294, %dma_start3A_295, %dma_start3A_296] : memref<2x128x128xf32, #tpu.memory_space<vmem>> -> memref<1x128x128xf32, #tpu.memory_space<vmem>>
        %dma_start3A_298 = tpu.memref_squeeze %dma_start3A_297 : memref<1x128x128xf32, #tpu.memory_space<vmem>> -> memref<128x128xf32, #tpu.memory_space<vmem>>
        %dma_start3A_299 = arith.constant 0 : i32
        %dma_start3A_300 = tpu.memref_slice %arg11[%mul3A_293, %dma_start3A_299] : memref<327680x128xf32, #tpu.memory_space<hbm>> -> memref<128x128xf32, #tpu.memory_space<hbm>>
        %dma_start3A_301 = arith.constant 0 : i32
        %dma_start3A_302 = arith.constant 0 : i32
        %dma_start3A_303 = tpu.memref_slice %arg13[%dma_start3A_294, %dma_start3A_301, %dma_start3A_302] : memref<2x128x128xf32, #tpu.memory_space<vmem>> -> memref<1x128x128xf32, #tpu.memory_space<vmem>>
        %dma_start3A_304 = tpu.memref_squeeze %dma_start3A_303 : memref<1x128x128xf32, #tpu.memory_space<vmem>> -> memref<128x128xf32, #tpu.memory_space<vmem>>
        %dma_start3A_305 = arith.constant 0 : i32
        %dma_start3A_306 = tpu.memref_slice %arg11[%mul3A_293, %dma_start3A_305] : memref<327680x128xf32, #tpu.memory_space<hbm>> -> memref<128x128xf32, #tpu.memory_space<hbm>>
        tpu.enqueue_dma source(%dma_start3A_306 : memref<128x128xf32, #tpu.memory_space<hbm>>) target(%dma_start3A_304 : memref<128x128xf32, #tpu.memory_space<vmem>>) target_semaphore(%arg15 : memref<!tpu.dma_semaphore, #tpu.memory_space<semaphore_mem>>)
      } else {
      }
      %add3A_274 = arith.constant 1 : i32
      %add3A_275 = arith.addi %add3A_185, %add3A_274 : i32
      %dma_start3A_276 = arith.constant 1 : i32
      %dma_start3A_277 = arith.constant 0 : i32
      %dma_start3A_278 = arith.constant 0 : i32
      %dma_start3A_279 = tpu.memref_slice %arg13[%dma_start3A_276, %dma_start3A_277, %dma_start3A_278] : memref<2x128x128xf32, #tpu.memory_space<vmem>> -> memref<1x128x128xf32, #tpu.memory_space<vmem>>
      %dma_start3A_280 = tpu.memref_squeeze %dma_start3A_279 : memref<1x128x128xf32, #tpu.memory_space<vmem>> -> memref<128x128xf32, #tpu.memory_space<vmem>>
      %dma_start3A_281 = arith.constant 0 : i32
      %dma_start3A_282 = tpu.memref_slice %arg12[%add3A_275, %dma_start3A_281] : memref<80x128xi32, #tpu.memory_space<vmem>> -> memref<1x128xi32, #tpu.memory_space<vmem>>
      %dma_start3A_283 = tpu.memref_squeeze %dma_start3A_282 : memref<1x128xi32, #tpu.memory_space<vmem>> -> memref<128xi32, #tpu.memory_space<vmem>>
      %dma_start3A_284 = arith.constant 0 : i32
      %dma_start3A_285 = arith.constant 0 : i32
      %dma_start3A_286 = tpu.memref_slice %arg14[%dma_start3A_284, %dma_start3A_285] : memref<10112x128xf32, #tpu.memory_space<vmem_shared>> -> memref<10112x128xf32, #tpu.memory_space<vmem_shared>>
      tpu.enqueue_indirect_dma source(%dma_start3A_280 : memref<128x128xf32, #tpu.memory_space<vmem>>) target(%dma_start3A_286 : memref<10112x128xf32, #tpu.memory_space<vmem_shared>>) offsets(%dma_start3A_283 : memref<128xi32, #tpu.memory_space<vmem>>) semaphore(%arg16 : memref<!tpu.dma_semaphore, #tpu.memory_space<semaphore_mem>>) {add = true}
    }
    %scan3A_75 = arith.constant 40 : i32
    %dma_wait3A_76 = arith.constant 1 : i32
    %dma_wait3A_77 = arith.constant 79 : i32
    %dma_wait3A_78 = arith.constant 0 : i32
    %dma_wait3A_79 = arith.constant 0 : i32
    %dma_wait3A_80 = tpu.memref_slice %arg13[%dma_wait3A_76, %dma_wait3A_78, %dma_wait3A_79] : memref<2x128x128xf32, #tpu.memory_space<vmem>> -> memref<1x128x128xf32, #tpu.memory_space<vmem>>
    %dma_wait3A_81 = tpu.memref_squeeze %dma_wait3A_80 : memref<1x128x128xf32, #tpu.memory_space<vmem>> -> memref<128x128xf32, #tpu.memory_space<vmem>>
    %dma_wait3A_82 = arith.constant 0 : i32
    %dma_wait3A_83 = tpu.memref_slice %arg12[%dma_wait3A_77, %dma_wait3A_82] : memref<80x128xi32, #tpu.memory_space<vmem>> -> memref<1x128xi32, #tpu.memory_space<vmem>>
    %dma_wait3A_84 = tpu.memref_squeeze %dma_wait3A_83 : memref<1x128xi32, #tpu.memory_space<vmem>> -> memref<128xi32, #tpu.memory_space<vmem>>
    %dma_wait3A_85 = arith.constant 0 : i32
    %dma_wait3A_86 = arith.constant 0 : i32
    %dma_wait3A_87 = tpu.memref_slice %arg14[%dma_wait3A_85, %dma_wait3A_86] : memref<10112x128xf32, #tpu.memory_space<vmem_shared>> -> memref<10112x128xf32, #tpu.memory_space<vmem_shared>>
    tpu.wait_indirect_dma semaphore(%arg16 : memref<!tpu.dma_semaphore, #tpu.memory_space<semaphore_mem>>) src(%dma_wait3A_81 : memref<128x128xf32, #tpu.memory_space<vmem>>) dst(%dma_wait3A_87 : memref<10112x128xf32, #tpu.memory_space<vmem_shared>>)
    %barrier3A_88 = arith.constant 0 : index
    tpu.barrier barrier_id(%barrier3A_88)
    "tpu.region"() ({
      %run_scoped3A = tpu.sem_alloc : memref<!tpu.dma_semaphore, #tpu.memory_space<semaphore_mem>>
      %dma_start3A_181 = arith.constant 0 : i32
      %dma_start3A_182 = tpu.memref_slice %arg9[%arg0, %mul3A_2, %dma_start3A_181] : memref<2x10112x128xf32, #tpu.memory_space<hbm>> -> memref<1x632x128xf32, #tpu.memory_space<hbm>>
      %dma_start3A_183 = tpu.memref_squeeze %dma_start3A_182 : memref<1x632x128xf32, #tpu.memory_space<hbm>> -> memref<632x128xf32, #tpu.memory_space<hbm>>
      %dma_start3A_184 = arith.constant 0 : i32
      %dma_start3A_185 = tpu.memref_slice %arg14[%mul3A_2, %dma_start3A_184] : memref<10112x128xf32, #tpu.memory_space<vmem_shared>> -> memref<632x128xf32, #tpu.memory_space<vmem_shared>>
      tpu.enqueue_dma source(%dma_start3A_185 : memref<632x128xf32, #tpu.memory_space<vmem_shared>>) target(%dma_start3A_183 : memref<632x128xf32, #tpu.memory_space<hbm>>) target_semaphore(%run_scoped3A : memref<!tpu.dma_semaphore, #tpu.memory_space<semaphore_mem>>)
      %dma_wait3A_186 = arith.constant 0 : i32
      %dma_wait3A_187 = tpu.memref_slice %arg9[%arg0, %mul3A_2, %dma_wait3A_186] : memref<2x10112x128xf32, #tpu.memory_space<hbm>> -> memref<1x632x128xf32, #tpu.memory_space<hbm>>
      %dma_wait3A_188 = tpu.memref_squeeze %dma_wait3A_187 : memref<1x632x128xf32, #tpu.memory_space<hbm>> -> memref<632x128xf32, #tpu.memory_space<hbm>>
      %dma_wait3A_189 = arith.constant 0 : i32
      %dma_wait3A_190 = tpu.memref_slice %arg14[%mul3A_2, %dma_wait3A_189] : memref<10112x128xf32, #tpu.memory_space<vmem_shared>> -> memref<632x128xf32, #tpu.memory_space<vmem_shared>>
      tpu.wait_dma2 semaphore(%run_scoped3A : memref<!tpu.dma_semaphore, #tpu.memory_space<semaphore_mem>>) src(%dma_wait3A_190 : memref<632x128xf32, #tpu.memory_space<vmem_shared>>) dst(%dma_wait3A_188 : memref<632x128xf32, #tpu.memory_space<hbm>>)
      tpu.yield
    }) : () -> ()
    %barrier3A_89 = arith.constant 0 : index
    tpu.barrier barrier_id(%barrier3A_89)
    %mul3A_90 = arith.constant 80 : i32
    %mul3A_91 = arith.muli %add3A, %mul3A_90 : i32
    "tpu.region"() ({
      %run_scoped3A = tpu.sem_alloc : memref<!tpu.dma_semaphore, #tpu.memory_space<semaphore_mem>>
      %dma_start3A_181 = arith.constant 0 : i32
      %dma_start3A_182 = tpu.memref_slice %arg5[%mul3A_91, %dma_start3A_181] : memref<2560x128xi32, #tpu.memory_space<hbm>> -> memref<80x128xi32, #tpu.memory_space<hbm>>
      %dma_start3A_183 = arith.constant 0 : i32
      %dma_start3A_184 = tpu.memref_slice %arg5[%mul3A_91, %dma_start3A_183] : memref<2560x128xi32, #tpu.memory_space<hbm>> -> memref<80x128xi32, #tpu.memory_space<hbm>>
      tpu.enqueue_dma source(%dma_start3A_184 : memref<80x128xi32, #tpu.memory_space<hbm>>) target(%arg12 : memref<80x128xi32, #tpu.memory_space<vmem>>) target_semaphore(%run_scoped3A : memref<!tpu.dma_semaphore, #tpu.memory_space<semaphore_mem>>)
      %dma_wait3A_185 = arith.constant 0 : i32
      %dma_wait3A_186 = tpu.memref_slice %arg5[%mul3A_91, %dma_wait3A_185] : memref<2560x128xi32, #tpu.memory_space<hbm>> -> memref<80x128xi32, #tpu.memory_space<hbm>>
      %dma_wait3A_187 = arith.constant 0 : i32
      %dma_wait3A_188 = tpu.memref_slice %arg5[%mul3A_91, %dma_wait3A_187] : memref<2560x128xi32, #tpu.memory_space<hbm>> -> memref<80x128xi32, #tpu.memory_space<hbm>>
      tpu.wait_dma2 semaphore(%run_scoped3A : memref<!tpu.dma_semaphore, #tpu.memory_space<semaphore_mem>>) src(%dma_wait3A_188 : memref<80x128xi32, #tpu.memory_space<hbm>>) dst(%arg12 : memref<80x128xi32, #tpu.memory_space<vmem>>)
      tpu.yield
    }) : () -> ()
    "tpu.region"() ({
      %run_scoped3A = tpu.sem_alloc : memref<!tpu.dma_semaphore, #tpu.memory_space<semaphore_mem>>
      %dma_start3A_181 = arith.constant 0 : i32
      %dma_start3A_182 = tpu.memref_slice %arg14[%mul3A_2, %dma_start3A_181] : memref<10112x128xf32, #tpu.memory_space<vmem_shared>> -> memref<632x128xf32, #tpu.memory_space<vmem_shared>>
      %dma_start3A_183 = arith.constant 0 : i32
      %dma_start3A_184 = tpu.memref_slice %arg3[%mul3A_2, %dma_start3A_183] : memref<10112x128xf32, #tpu.memory_space<hbm>> -> memref<632x128xf32, #tpu.memory_space<hbm>>
      tpu.enqueue_dma source(%dma_start3A_184 : memref<632x128xf32, #tpu.memory_space<hbm>>) target(%dma_start3A_182 : memref<632x128xf32, #tpu.memory_space<vmem_shared>>) target_semaphore(%run_scoped3A : memref<!tpu.dma_semaphore, #tpu.memory_space<semaphore_mem>>)
      %dma_wait3A_185 = arith.constant 0 : i32
      %dma_wait3A_186 = tpu.memref_slice %arg14[%mul3A_2, %dma_wait3A_185] : memref<10112x128xf32, #tpu.memory_space<vmem_shared>> -> memref<632x128xf32, #tpu.memory_space<vmem_shared>>
      %dma_wait3A_187 = arith.constant 0 : i32
      %dma_wait3A_188 = tpu.memref_slice %arg3[%mul3A_2, %dma_wait3A_187] : memref<10112x128xf32, #tpu.memory_space<hbm>> -> memref<632x128xf32, #tpu.memory_space<hbm>>
      tpu.wait_dma2 semaphore(%run_scoped3A : memref<!tpu.dma_semaphore, #tpu.memory_space<semaphore_mem>>) src(%dma_wait3A_188 : memref<632x128xf32, #tpu.memory_space<hbm>>) dst(%dma_wait3A_186 : memref<632x128xf32, #tpu.memory_space<vmem_shared>>)
      tpu.yield
    }) : () -> ()
    %barrier3A_92 = arith.constant 0 : index
    tpu.barrier barrier_id(%barrier3A_92)
    %dma_start3A_93 = arith.constant 0 : i32
    %dma_start3A_94 = arith.constant 0 : i32
    %dma_start3A_95 = arith.constant 0 : i32
    %dma_start3A_96 = arith.constant 0 : i32
    %dma_start3A_97 = tpu.memref_slice %arg13[%dma_start3A_94, %dma_start3A_95, %dma_start3A_96] : memref<2x128x128xf32, #tpu.memory_space<vmem>> -> memref<1x128x128xf32, #tpu.memory_space<vmem>>
    %dma_start3A_98 = tpu.memref_squeeze %dma_start3A_97 : memref<1x128x128xf32, #tpu.memory_space<vmem>> -> memref<128x128xf32, #tpu.memory_space<vmem>>
    %dma_start3A_99 = arith.constant 0 : i32
    %dma_start3A_100 = tpu.memref_slice %arg12[%dma_start3A_93, %dma_start3A_99] : memref<80x128xi32, #tpu.memory_space<vmem>> -> memref<1x128xi32, #tpu.memory_space<vmem>>
    %dma_start3A_101 = tpu.memref_squeeze %dma_start3A_100 : memref<1x128xi32, #tpu.memory_space<vmem>> -> memref<128xi32, #tpu.memory_space<vmem>>
    %dma_start3A_102 = arith.constant 0 : i32
    %dma_start3A_103 = arith.constant 0 : i32
    %dma_start3A_104 = tpu.memref_slice %arg14[%dma_start3A_102, %dma_start3A_103] : memref<10112x128xf32, #tpu.memory_space<vmem_shared>> -> memref<10112x128xf32, #tpu.memory_space<vmem_shared>>
    tpu.enqueue_indirect_dma source(%dma_start3A_104 : memref<10112x128xf32, #tpu.memory_space<vmem_shared>>) target(%dma_start3A_98 : memref<128x128xf32, #tpu.memory_space<vmem>>) offsets(%dma_start3A_101 : memref<128xi32, #tpu.memory_space<vmem>>) semaphore(%arg15 : memref<!tpu.dma_semaphore, #tpu.memory_space<semaphore_mem>>)
    %scan3A_105 = arith.constant 0 : i32
    %scan3A_106 = arith.constant 40 : i32
    %scan3A_107 = arith.addi %scan3A_105, %scan3A_106 : i32
    %scan3A_108 = arith.constant 1 : i32
    scf.for %scan3A_181 = %scan3A_105 to %scan3A_107 step %scan3A_108  : i32 {
      %mul3A_182 = arith.constant 2 : i32
      %mul3A_183 = arith.muli %scan3A_181, %mul3A_182 : i32
      %add3A_184 = arith.constant 0 : i32
      %add3A_185 = arith.addi %add3A_184, %mul3A_183 : i32
      %dma_wait3A_186 = arith.constant 0 : i32
      %dma_wait3A_187 = arith.constant 0 : i32
      %dma_wait3A_188 = arith.constant 0 : i32
      %dma_wait3A_189 = tpu.memref_slice %arg13[%dma_wait3A_186, %dma_wait3A_187, %dma_wait3A_188] : memref<2x128x128xf32, #tpu.memory_space<vmem>> -> memref<1x128x128xf32, #tpu.memory_space<vmem>>
      %dma_wait3A_190 = tpu.memref_squeeze %dma_wait3A_189 : memref<1x128x128xf32, #tpu.memory_space<vmem>> -> memref<128x128xf32, #tpu.memory_space<vmem>>
      %dma_wait3A_191 = arith.constant 0 : i32
      %dma_wait3A_192 = tpu.memref_slice %arg12[%add3A_185, %dma_wait3A_191] : memref<80x128xi32, #tpu.memory_space<vmem>> -> memref<1x128xi32, #tpu.memory_space<vmem>>
      %dma_wait3A_193 = tpu.memref_squeeze %dma_wait3A_192 : memref<1x128xi32, #tpu.memory_space<vmem>> -> memref<128xi32, #tpu.memory_space<vmem>>
      %dma_wait3A_194 = arith.constant 0 : i32
      %dma_wait3A_195 = arith.constant 0 : i32
      %dma_wait3A_196 = tpu.memref_slice %arg14[%dma_wait3A_194, %dma_wait3A_195] : memref<10112x128xf32, #tpu.memory_space<vmem_shared>> -> memref<10112x128xf32, #tpu.memory_space<vmem_shared>>
      tpu.wait_indirect_dma semaphore(%arg15 : memref<!tpu.dma_semaphore, #tpu.memory_space<semaphore_mem>>) src(%dma_wait3A_196 : memref<10112x128xf32, #tpu.memory_space<vmem_shared>>) dst(%dma_wait3A_190 : memref<128x128xf32, #tpu.memory_space<vmem>>)
      %gt3A = arith.constant 0 : i32
      %gt3A_197 = arith.cmpi sgt, %add3A_185, %gt3A : i32
      %convert_element_type3A = arith.extui %gt3A_197 : i1 to i32
      %cond3A = arith.constant 0 : i32
      %cond3A_198 = arith.cmpi ne, %convert_element_type3A, %cond3A : i32
      scf.if %cond3A_198 {
        %sub3A = arith.constant 1 : i32
        %sub3A_287 = arith.subi %add3A_185, %sub3A : i32
        %mul3A_288 = arith.constant 80 : i32
        %mul3A_289 = arith.muli %add3A, %mul3A_288 : i32
        %add3A_290 = arith.addi %mul3A_289, %sub3A_287 : i32
        %mul3A_291 = arith.constant 128 : i32
        %mul3A_292 = arith.muli %add3A_290, %mul3A_291 : i32
        %dma_wait3A_293 = arith.constant 1 : i32
        %dma_wait3A_294 = arith.constant 0 : i32
        %dma_wait3A_295 = arith.constant 0 : i32
        %dma_wait3A_296 = tpu.memref_slice %arg13[%dma_wait3A_293, %dma_wait3A_294, %dma_wait3A_295] : memref<2x128x128xf32, #tpu.memory_space<vmem>> -> memref<1x128x128xf32, #tpu.memory_space<vmem>>
        %dma_wait3A_297 = tpu.memref_squeeze %dma_wait3A_296 : memref<1x128x128xf32, #tpu.memory_space<vmem>> -> memref<128x128xf32, #tpu.memory_space<vmem>>
        %dma_wait3A_298 = arith.constant 0 : i32
        %dma_wait3A_299 = tpu.memref_slice %arg11[%mul3A_292, %dma_wait3A_298] : memref<327680x128xf32, #tpu.memory_space<hbm>> -> memref<128x128xf32, #tpu.memory_space<hbm>>
        %dma_wait3A_300 = arith.constant 0 : i32
        %dma_wait3A_301 = tpu.memref_slice %arg11[%mul3A_292, %dma_wait3A_300] : memref<327680x128xf32, #tpu.memory_space<hbm>> -> memref<128x128xf32, #tpu.memory_space<hbm>>
        %dma_wait3A_302 = arith.constant 0 : i32
        %dma_wait3A_303 = arith.constant 0 : i32
        %dma_wait3A_304 = tpu.memref_slice %arg13[%dma_wait3A_293, %dma_wait3A_302, %dma_wait3A_303] : memref<2x128x128xf32, #tpu.memory_space<vmem>> -> memref<1x128x128xf32, #tpu.memory_space<vmem>>
        %dma_wait3A_305 = tpu.memref_squeeze %dma_wait3A_304 : memref<1x128x128xf32, #tpu.memory_space<vmem>> -> memref<128x128xf32, #tpu.memory_space<vmem>>
        tpu.wait_dma2 semaphore(%arg16 : memref<!tpu.dma_semaphore, #tpu.memory_space<semaphore_mem>>) src(%dma_wait3A_305 : memref<128x128xf32, #tpu.memory_space<vmem>>) dst(%dma_wait3A_301 : memref<128x128xf32, #tpu.memory_space<hbm>>)
      } else {
      }
      %add3A_199 = arith.constant 1 : i32
      %add3A_200 = arith.addi %add3A_185, %add3A_199 : i32
      %dma_start3A_201 = arith.constant 1 : i32
      %dma_start3A_202 = arith.constant 0 : i32
      %dma_start3A_203 = arith.constant 0 : i32
      %dma_start3A_204 = tpu.memref_slice %arg13[%dma_start3A_201, %dma_start3A_202, %dma_start3A_203] : memref<2x128x128xf32, #tpu.memory_space<vmem>> -> memref<1x128x128xf32, #tpu.memory_space<vmem>>
      %dma_start3A_205 = tpu.memref_squeeze %dma_start3A_204 : memref<1x128x128xf32, #tpu.memory_space<vmem>> -> memref<128x128xf32, #tpu.memory_space<vmem>>
      %dma_start3A_206 = arith.constant 0 : i32
      %dma_start3A_207 = tpu.memref_slice %arg12[%add3A_200, %dma_start3A_206] : memref<80x128xi32, #tpu.memory_space<vmem>> -> memref<1x128xi32, #tpu.memory_space<vmem>>
      %dma_start3A_208 = tpu.memref_squeeze %dma_start3A_207 : memref<1x128xi32, #tpu.memory_space<vmem>> -> memref<128xi32, #tpu.memory_space<vmem>>
      %dma_start3A_209 = arith.constant 0 : i32
      %dma_start3A_210 = arith.constant 0 : i32
      %dma_start3A_211 = tpu.memref_slice %arg14[%dma_start3A_209, %dma_start3A_210] : memref<10112x128xf32, #tpu.memory_space<vmem_shared>> -> memref<10112x128xf32, #tpu.memory_space<vmem_shared>>
      tpu.enqueue_indirect_dma source(%dma_start3A_211 : memref<10112x128xf32, #tpu.memory_space<vmem_shared>>) target(%dma_start3A_205 : memref<128x128xf32, #tpu.memory_space<vmem>>) offsets(%dma_start3A_208 : memref<128xi32, #tpu.memory_space<vmem>>) semaphore(%arg15 : memref<!tpu.dma_semaphore, #tpu.memory_space<semaphore_mem>>)
      %mul3A_212 = arith.constant 80 : i32
      %mul3A_213 = arith.muli %add3A, %mul3A_212 : i32
      %add3A_214 = arith.addi %mul3A_213, %add3A_185 : i32
      %mul3A_215 = arith.constant 128 : i32
      %mul3A_216 = arith.muli %add3A_214, %mul3A_215 : i32
      %dma_start3A_217 = arith.constant 0 : i32
      %dma_start3A_218 = arith.constant 0 : i32
      %dma_start3A_219 = arith.constant 0 : i32
      %dma_start3A_220 = tpu.memref_slice %arg13[%dma_start3A_217, %dma_start3A_218, %dma_start3A_219] : memref<2x128x128xf32, #tpu.memory_space<vmem>> -> memref<1x128x128xf32, #tpu.memory_space<vmem>>
      %dma_start3A_221 = tpu.memref_squeeze %dma_start3A_220 : memref<1x128x128xf32, #tpu.memory_space<vmem>> -> memref<128x128xf32, #tpu.memory_space<vmem>>
      %dma_start3A_222 = arith.constant 0 : i32
      %dma_start3A_223 = tpu.memref_slice %arg11[%mul3A_216, %dma_start3A_222] : memref<327680x128xf32, #tpu.memory_space<hbm>> -> memref<128x128xf32, #tpu.memory_space<hbm>>
      %dma_start3A_224 = arith.constant 0 : i32
      %dma_start3A_225 = tpu.memref_slice %arg11[%mul3A_216, %dma_start3A_224] : memref<327680x128xf32, #tpu.memory_space<hbm>> -> memref<128x128xf32, #tpu.memory_space<hbm>>
      %dma_start3A_226 = arith.constant 0 : i32
      %dma_start3A_227 = arith.constant 0 : i32
      %dma_start3A_228 = tpu.memref_slice %arg13[%dma_start3A_217, %dma_start3A_226, %dma_start3A_227] : memref<2x128x128xf32, #tpu.memory_space<vmem>> -> memref<1x128x128xf32, #tpu.memory_space<vmem>>
      %dma_start3A_229 = tpu.memref_squeeze %dma_start3A_228 : memref<1x128x128xf32, #tpu.memory_space<vmem>> -> memref<128x128xf32, #tpu.memory_space<vmem>>
      tpu.enqueue_dma source(%dma_start3A_229 : memref<128x128xf32, #tpu.memory_space<vmem>>) target(%dma_start3A_225 : memref<128x128xf32, #tpu.memory_space<hbm>>) target_semaphore(%arg16 : memref<!tpu.dma_semaphore, #tpu.memory_space<semaphore_mem>>)
      %add3A_230 = arith.constant 1 : i32
      %add3A_231 = arith.addi %add3A_185, %add3A_230 : i32
      %dma_wait3A_232 = arith.constant 1 : i32
      %dma_wait3A_233 = arith.constant 0 : i32
      %dma_wait3A_234 = arith.constant 0 : i32
      %dma_wait3A_235 = tpu.memref_slice %arg13[%dma_wait3A_232, %dma_wait3A_233, %dma_wait3A_234] : memref<2x128x128xf32, #tpu.memory_space<vmem>> -> memref<1x128x128xf32, #tpu.memory_space<vmem>>
      %dma_wait3A_236 = tpu.memref_squeeze %dma_wait3A_235 : memref<1x128x128xf32, #tpu.memory_space<vmem>> -> memref<128x128xf32, #tpu.memory_space<vmem>>
      %dma_wait3A_237 = arith.constant 0 : i32
      %dma_wait3A_238 = tpu.memref_slice %arg12[%add3A_231, %dma_wait3A_237] : memref<80x128xi32, #tpu.memory_space<vmem>> -> memref<1x128xi32, #tpu.memory_space<vmem>>
      %dma_wait3A_239 = tpu.memref_squeeze %dma_wait3A_238 : memref<1x128xi32, #tpu.memory_space<vmem>> -> memref<128xi32, #tpu.memory_space<vmem>>
      %dma_wait3A_240 = arith.constant 0 : i32
      %dma_wait3A_241 = arith.constant 0 : i32
      %dma_wait3A_242 = tpu.memref_slice %arg14[%dma_wait3A_240, %dma_wait3A_241] : memref<10112x128xf32, #tpu.memory_space<vmem_shared>> -> memref<10112x128xf32, #tpu.memory_space<vmem_shared>>
      tpu.wait_indirect_dma semaphore(%arg15 : memref<!tpu.dma_semaphore, #tpu.memory_space<semaphore_mem>>) src(%dma_wait3A_242 : memref<10112x128xf32, #tpu.memory_space<vmem_shared>>) dst(%dma_wait3A_236 : memref<128x128xf32, #tpu.memory_space<vmem>>)
      %mul3A_243 = arith.constant 80 : i32
      %mul3A_244 = arith.muli %add3A, %mul3A_243 : i32
      %add3A_245 = arith.addi %mul3A_244, %add3A_185 : i32
      %mul3A_246 = arith.constant 128 : i32
      %mul3A_247 = arith.muli %add3A_245, %mul3A_246 : i32
      %dma_wait3A_248 = arith.constant 0 : i32
      %dma_wait3A_249 = arith.constant 0 : i32
      %dma_wait3A_250 = arith.constant 0 : i32
      %dma_wait3A_251 = tpu.memref_slice %arg13[%dma_wait3A_248, %dma_wait3A_249, %dma_wait3A_250] : memref<2x128x128xf32, #tpu.memory_space<vmem>> -> memref<1x128x128xf32, #tpu.memory_space<vmem>>
      %dma_wait3A_252 = tpu.memref_squeeze %dma_wait3A_251 : memref<1x128x128xf32, #tpu.memory_space<vmem>> -> memref<128x128xf32, #tpu.memory_space<vmem>>
      %dma_wait3A_253 = arith.constant 0 : i32
      %dma_wait3A_254 = tpu.memref_slice %arg11[%mul3A_247, %dma_wait3A_253] : memref<327680x128xf32, #tpu.memory_space<hbm>> -> memref<128x128xf32, #tpu.memory_space<hbm>>
      %dma_wait3A_255 = arith.constant 0 : i32
      %dma_wait3A_256 = tpu.memref_slice %arg11[%mul3A_247, %dma_wait3A_255] : memref<327680x128xf32, #tpu.memory_space<hbm>> -> memref<128x128xf32, #tpu.memory_space<hbm>>
      %dma_wait3A_257 = arith.constant 0 : i32
      %dma_wait3A_258 = arith.constant 0 : i32
      %dma_wait3A_259 = tpu.memref_slice %arg13[%dma_wait3A_248, %dma_wait3A_257, %dma_wait3A_258] : memref<2x128x128xf32, #tpu.memory_space<vmem>> -> memref<1x128x128xf32, #tpu.memory_space<vmem>>
      %dma_wait3A_260 = tpu.memref_squeeze %dma_wait3A_259 : memref<1x128x128xf32, #tpu.memory_space<vmem>> -> memref<128x128xf32, #tpu.memory_space<vmem>>
      tpu.wait_dma2 semaphore(%arg16 : memref<!tpu.dma_semaphore, #tpu.memory_space<semaphore_mem>>) src(%dma_wait3A_260 : memref<128x128xf32, #tpu.memory_space<vmem>>) dst(%dma_wait3A_256 : memref<128x128xf32, #tpu.memory_space<hbm>>)
      %add3A_261 = arith.constant 2 : i32
      %add3A_262 = arith.addi %add3A_185, %add3A_261 : i32
      %lt3A = arith.constant 80 : i32
      %lt3A_263 = arith.cmpi slt, %add3A_262, %lt3A : i32
      %convert_element_type3A_264 = arith.extui %lt3A_263 : i1 to i32
      %cond3A_265 = arith.constant 0 : i32
      %cond3A_266 = arith.cmpi ne, %convert_element_type3A_264, %cond3A_265 : i32
      scf.if %cond3A_266 {
        %add3A_287 = arith.constant 2 : i32
        %add3A_288 = arith.addi %add3A_185, %add3A_287 : i32
        %dma_start3A_289 = arith.constant 0 : i32
        %dma_start3A_290 = arith.constant 0 : i32
        %dma_start3A_291 = arith.constant 0 : i32
        %dma_start3A_292 = tpu.memref_slice %arg13[%dma_start3A_289, %dma_start3A_290, %dma_start3A_291] : memref<2x128x128xf32, #tpu.memory_space<vmem>> -> memref<1x128x128xf32, #tpu.memory_space<vmem>>
        %dma_start3A_293 = tpu.memref_squeeze %dma_start3A_292 : memref<1x128x128xf32, #tpu.memory_space<vmem>> -> memref<128x128xf32, #tpu.memory_space<vmem>>
        %dma_start3A_294 = arith.constant 0 : i32
        %dma_start3A_295 = tpu.memref_slice %arg12[%add3A_288, %dma_start3A_294] : memref<80x128xi32, #tpu.memory_space<vmem>> -> memref<1x128xi32, #tpu.memory_space<vmem>>
        %dma_start3A_296 = tpu.memref_squeeze %dma_start3A_295 : memref<1x128xi32, #tpu.memory_space<vmem>> -> memref<128xi32, #tpu.memory_space<vmem>>
        %dma_start3A_297 = arith.constant 0 : i32
        %dma_start3A_298 = arith.constant 0 : i32
        %dma_start3A_299 = tpu.memref_slice %arg14[%dma_start3A_297, %dma_start3A_298] : memref<10112x128xf32, #tpu.memory_space<vmem_shared>> -> memref<10112x128xf32, #tpu.memory_space<vmem_shared>>
        tpu.enqueue_indirect_dma source(%dma_start3A_299 : memref<10112x128xf32, #tpu.memory_space<vmem_shared>>) target(%dma_start3A_293 : memref<128x128xf32, #tpu.memory_space<vmem>>) offsets(%dma_start3A_296 : memref<128xi32, #tpu.memory_space<vmem>>) semaphore(%arg15 : memref<!tpu.dma_semaphore, #tpu.memory_space<semaphore_mem>>)
      } else {
      }
      %add3A_267 = arith.constant 1 : i32
      %add3A_268 = arith.addi %add3A_185, %add3A_267 : i32
      %mul3A_269 = arith.constant 80 : i32
      %mul3A_270 = arith.muli %add3A, %mul3A_269 : i32
      %add3A_271 = arith.addi %mul3A_270, %add3A_268 : i32
      %mul3A_272 = arith.constant 128 : i32
      %mul3A_273 = arith.muli %add3A_271, %mul3A_272 : i32
      %dma_start3A_274 = arith.constant 1 : i32
      %dma_start3A_275 = arith.constant 0 : i32
      %dma_start3A_276 = arith.constant 0 : i32
      %dma_start3A_277 = tpu.memref_slice %arg13[%dma_start3A_274, %dma_start3A_275, %dma_start3A_276] : memref<2x128x128xf32, #tpu.memory_space<vmem>> -> memref<1x128x128xf32, #tpu.memory_space<vmem>>
      %dma_start3A_278 = tpu.memref_squeeze %dma_start3A_277 : memref<1x128x128xf32, #tpu.memory_space<vmem>> -> memref<128x128xf32, #tpu.memory_space<vmem>>
      %dma_start3A_279 = arith.constant 0 : i32
      %dma_start3A_280 = tpu.memref_slice %arg11[%mul3A_273, %dma_start3A_279] : memref<327680x128xf32, #tpu.memory_space<hbm>> -> memref<128x128xf32, #tpu.memory_space<hbm>>
      %dma_start3A_281 = arith.constant 0 : i32
      %dma_start3A_282 = tpu.memref_slice %arg11[%mul3A_273, %dma_start3A_281] : memref<327680x128xf32, #tpu.memory_space<hbm>> -> memref<128x128xf32, #tpu.memory_space<hbm>>
      %dma_start3A_283 = arith.constant 0 : i32
      %dma_start3A_284 = arith.constant 0 : i32
      %dma_start3A_285 = tpu.memref_slice %arg13[%dma_start3A_274, %dma_start3A_283, %dma_start3A_284] : memref<2x128x128xf32, #tpu.memory_space<vmem>> -> memref<1x128x128xf32, #tpu.memory_space<vmem>>
      %dma_start3A_286 = tpu.memref_squeeze %dma_start3A_285 : memref<1x128x128xf32, #tpu.memory_space<vmem>> -> memref<128x128xf32, #tpu.memory_space<vmem>>
      tpu.enqueue_dma source(%dma_start3A_286 : memref<128x128xf32, #tpu.memory_space<vmem>>) target(%dma_start3A_282 : memref<128x128xf32, #tpu.memory_space<hbm>>) target_semaphore(%arg16 : memref<!tpu.dma_semaphore, #tpu.memory_space<semaphore_mem>>)
    }
    %scan3A_109 = arith.constant 40 : i32
    %mul3A_110 = arith.constant 80 : i32
    %mul3A_111 = arith.muli %add3A, %mul3A_110 : i32
    %add3A_112 = arith.constant 79 : i32
    %add3A_113 = arith.addi %mul3A_111, %add3A_112 : i32
    %mul3A_114 = arith.constant 128 : i32
    %mul3A_115 = arith.muli %add3A_113, %mul3A_114 : i32
    %dma_wait3A_116 = arith.constant 1 : i32
    %dma_wait3A_117 = arith.constant 0 : i32
    %dma_wait3A_118 = arith.constant 0 : i32
    %dma_wait3A_119 = tpu.memref_slice %arg13[%dma_wait3A_116, %dma_wait3A_117, %dma_wait3A_118] : memref<2x128x128xf32, #tpu.memory_space<vmem>> -> memref<1x128x128xf32, #tpu.memory_space<vmem>>
    %dma_wait3A_120 = tpu.memref_squeeze %dma_wait3A_119 : memref<1x128x128xf32, #tpu.memory_space<vmem>> -> memref<128x128xf32, #tpu.memory_space<vmem>>
    %dma_wait3A_121 = arith.constant 0 : i32
    %dma_wait3A_122 = tpu.memref_slice %arg11[%mul3A_115, %dma_wait3A_121] : memref<327680x128xf32, #tpu.memory_space<hbm>> -> memref<128x128xf32, #tpu.memory_space<hbm>>
    %dma_wait3A_123 = arith.constant 0 : i32
    %dma_wait3A_124 = tpu.memref_slice %arg11[%mul3A_115, %dma_wait3A_123] : memref<327680x128xf32, #tpu.memory_space<hbm>> -> memref<128x128xf32, #tpu.memory_space<hbm>>
    %dma_wait3A_125 = arith.constant 0 : i32
    %dma_wait3A_126 = arith.constant 0 : i32
    %dma_wait3A_127 = tpu.memref_slice %arg13[%dma_wait3A_116, %dma_wait3A_125, %dma_wait3A_126] : memref<2x128x128xf32, #tpu.memory_space<vmem>> -> memref<1x128x128xf32, #tpu.memory_space<vmem>>
    %dma_wait3A_128 = tpu.memref_squeeze %dma_wait3A_127 : memref<1x128x128xf32, #tpu.memory_space<vmem>> -> memref<128x128xf32, #tpu.memory_space<vmem>>
    tpu.wait_dma2 semaphore(%arg16 : memref<!tpu.dma_semaphore, #tpu.memory_space<semaphore_mem>>) src(%dma_wait3A_128 : memref<128x128xf32, #tpu.memory_space<vmem>>) dst(%dma_wait3A_124 : memref<128x128xf32, #tpu.memory_space<hbm>>)
    %barrier3A_129 = arith.constant 0 : index
    tpu.barrier barrier_id(%barrier3A_129)
    %mul3A_130 = arith.constant 80 : i32
    %mul3A_131 = arith.muli %add3A, %mul3A_130 : i32
    "tpu.region"() ({
      %run_scoped3A = tpu.sem_alloc : memref<!tpu.dma_semaphore, #tpu.memory_space<semaphore_mem>>
      %dma_start3A_181 = arith.constant 0 : i32
      %dma_start3A_182 = tpu.memref_slice %arg7[%mul3A_131, %dma_start3A_181] : memref<2560x128xi32, #tpu.memory_space<hbm>> -> memref<80x128xi32, #tpu.memory_space<hbm>>
      %dma_start3A_183 = arith.constant 0 : i32
      %dma_start3A_184 = tpu.memref_slice %arg7[%mul3A_131, %dma_start3A_183] : memref<2560x128xi32, #tpu.memory_space<hbm>> -> memref<80x128xi32, #tpu.memory_space<hbm>>
      tpu.enqueue_dma source(%dma_start3A_184 : memref<80x128xi32, #tpu.memory_space<hbm>>) target(%arg12 : memref<80x128xi32, #tpu.memory_space<vmem>>) target_semaphore(%run_scoped3A : memref<!tpu.dma_semaphore, #tpu.memory_space<semaphore_mem>>)
      %dma_wait3A_185 = arith.constant 0 : i32
      %dma_wait3A_186 = tpu.memref_slice %arg7[%mul3A_131, %dma_wait3A_185] : memref<2560x128xi32, #tpu.memory_space<hbm>> -> memref<80x128xi32, #tpu.memory_space<hbm>>
      %dma_wait3A_187 = arith.constant 0 : i32
      %dma_wait3A_188 = tpu.memref_slice %arg7[%mul3A_131, %dma_wait3A_187] : memref<2560x128xi32, #tpu.memory_space<hbm>> -> memref<80x128xi32, #tpu.memory_space<hbm>>
      tpu.wait_dma2 semaphore(%run_scoped3A : memref<!tpu.dma_semaphore, #tpu.memory_space<semaphore_mem>>) src(%dma_wait3A_188 : memref<80x128xi32, #tpu.memory_space<hbm>>) dst(%arg12 : memref<80x128xi32, #tpu.memory_space<vmem>>)
      tpu.yield
    }) : () -> ()
    %add3A_132 = arith.constant 0 : i32
    %add3A_133 = arith.addi %mul3A_2, %add3A_132 : i32
    "tpu.region"() ({
      %run_scoped3A = tpu.sem_alloc : memref<!tpu.dma_semaphore, #tpu.memory_space<semaphore_mem>>
      %dma_start3A_181 = arith.constant 0 : i32
      %dma_start3A_182 = tpu.memref_slice %arg14[%add3A_133, %dma_start3A_181] : memref<10112x128xf32, #tpu.memory_space<vmem_shared>> -> memref<128x128xf32, #tpu.memory_space<vmem_shared>>
      tpu.enqueue_dma source(%arg8 : memref<128x128xf32, #tpu.memory_space<hbm>>) target(%dma_start3A_182 : memref<128x128xf32, #tpu.memory_space<vmem_shared>>) target_semaphore(%run_scoped3A : memref<!tpu.dma_semaphore, #tpu.memory_space<semaphore_mem>>)
      %dma_wait3A_183 = arith.constant 0 : i32
      %dma_wait3A_184 = tpu.memref_slice %arg14[%add3A_133, %dma_wait3A_183] : memref<10112x128xf32, #tpu.memory_space<vmem_shared>> -> memref<128x128xf32, #tpu.memory_space<vmem_shared>>
      tpu.wait_dma2 semaphore(%run_scoped3A : memref<!tpu.dma_semaphore, #tpu.memory_space<semaphore_mem>>) src(%arg8 : memref<128x128xf32, #tpu.memory_space<hbm>>) dst(%dma_wait3A_184 : memref<128x128xf32, #tpu.memory_space<vmem_shared>>)
      tpu.yield
    }) : () -> ()
    %add3A_134 = arith.constant 128 : i32
    %add3A_135 = arith.addi %mul3A_2, %add3A_134 : i32
    "tpu.region"() ({
      %run_scoped3A = tpu.sem_alloc : memref<!tpu.dma_semaphore, #tpu.memory_space<semaphore_mem>>
      %dma_start3A_181 = arith.constant 0 : i32
      %dma_start3A_182 = tpu.memref_slice %arg14[%add3A_135, %dma_start3A_181] : memref<10112x128xf32, #tpu.memory_space<vmem_shared>> -> memref<128x128xf32, #tpu.memory_space<vmem_shared>>
      tpu.enqueue_dma source(%arg8 : memref<128x128xf32, #tpu.memory_space<hbm>>) target(%dma_start3A_182 : memref<128x128xf32, #tpu.memory_space<vmem_shared>>) target_semaphore(%run_scoped3A : memref<!tpu.dma_semaphore, #tpu.memory_space<semaphore_mem>>)
      %dma_wait3A_183 = arith.constant 0 : i32
      %dma_wait3A_184 = tpu.memref_slice %arg14[%add3A_135, %dma_wait3A_183] : memref<10112x128xf32, #tpu.memory_space<vmem_shared>> -> memref<128x128xf32, #tpu.memory_space<vmem_shared>>
      tpu.wait_dma2 semaphore(%run_scoped3A : memref<!tpu.dma_semaphore, #tpu.memory_space<semaphore_mem>>) src(%arg8 : memref<128x128xf32, #tpu.memory_space<hbm>>) dst(%dma_wait3A_184 : memref<128x128xf32, #tpu.memory_space<vmem_shared>>)
      tpu.yield
    }) : () -> ()
    %add3A_136 = arith.constant 256 : i32
    %add3A_137 = arith.addi %mul3A_2, %add3A_136 : i32
    "tpu.region"() ({
      %run_scoped3A = tpu.sem_alloc : memref<!tpu.dma_semaphore, #tpu.memory_space<semaphore_mem>>
      %dma_start3A_181 = arith.constant 0 : i32
      %dma_start3A_182 = tpu.memref_slice %arg14[%add3A_137, %dma_start3A_181] : memref<10112x128xf32, #tpu.memory_space<vmem_shared>> -> memref<128x128xf32, #tpu.memory_space<vmem_shared>>
      tpu.enqueue_dma source(%arg8 : memref<128x128xf32, #tpu.memory_space<hbm>>) target(%dma_start3A_182 : memref<128x128xf32, #tpu.memory_space<vmem_shared>>) target_semaphore(%run_scoped3A : memref<!tpu.dma_semaphore, #tpu.memory_space<semaphore_mem>>)
      %dma_wait3A_183 = arith.constant 0 : i32
      %dma_wait3A_184 = tpu.memref_slice %arg14[%add3A_137, %dma_wait3A_183] : memref<10112x128xf32, #tpu.memory_space<vmem_shared>> -> memref<128x128xf32, #tpu.memory_space<vmem_shared>>
      tpu.wait_dma2 semaphore(%run_scoped3A : memref<!tpu.dma_semaphore, #tpu.memory_space<semaphore_mem>>) src(%arg8 : memref<128x128xf32, #tpu.memory_space<hbm>>) dst(%dma_wait3A_184 : memref<128x128xf32, #tpu.memory_space<vmem_shared>>)
      tpu.yield
    }) : () -> ()
    %add3A_138 = arith.constant 384 : i32
    %add3A_139 = arith.addi %mul3A_2, %add3A_138 : i32
    "tpu.region"() ({
      %run_scoped3A = tpu.sem_alloc : memref<!tpu.dma_semaphore, #tpu.memory_space<semaphore_mem>>
      %dma_start3A_181 = arith.constant 0 : i32
      %dma_start3A_182 = tpu.memref_slice %arg14[%add3A_139, %dma_start3A_181] : memref<10112x128xf32, #tpu.memory_space<vmem_shared>> -> memref<128x128xf32, #tpu.memory_space<vmem_shared>>
      tpu.enqueue_dma source(%arg8 : memref<128x128xf32, #tpu.memory_space<hbm>>) target(%dma_start3A_182 : memref<128x128xf32, #tpu.memory_space<vmem_shared>>) target_semaphore(%run_scoped3A : memref<!tpu.dma_semaphore, #tpu.memory_space<semaphore_mem>>)
      %dma_wait3A_183 = arith.constant 0 : i32
      %dma_wait3A_184 = tpu.memref_slice %arg14[%add3A_139, %dma_wait3A_183] : memref<10112x128xf32, #tpu.memory_space<vmem_shared>> -> memref<128x128xf32, #tpu.memory_space<vmem_shared>>
      tpu.wait_dma2 semaphore(%run_scoped3A : memref<!tpu.dma_semaphore, #tpu.memory_space<semaphore_mem>>) src(%arg8 : memref<128x128xf32, #tpu.memory_space<hbm>>) dst(%dma_wait3A_184 : memref<128x128xf32, #tpu.memory_space<vmem_shared>>)
      tpu.yield
    }) : () -> ()
    %add3A_140 = arith.constant 512 : i32
    %add3A_141 = arith.addi %mul3A_2, %add3A_140 : i32
    "tpu.region"() ({
      %run_scoped3A = tpu.sem_alloc : memref<!tpu.dma_semaphore, #tpu.memory_space<semaphore_mem>>
      %dma_start3A_181 = arith.constant 0 : i32
      %dma_start3A_182 = tpu.memref_slice %arg14[%add3A_141, %dma_start3A_181] : memref<10112x128xf32, #tpu.memory_space<vmem_shared>> -> memref<120x128xf32, #tpu.memory_space<vmem_shared>>
      %dma_start3A_183 = arith.constant 0 : i32
      %dma_start3A_184 = arith.constant 0 : i32
      %dma_start3A_185 = tpu.memref_slice %arg8[%dma_start3A_183, %dma_start3A_184] : memref<128x128xf32, #tpu.memory_space<hbm>> -> memref<120x128xf32, #tpu.memory_space<hbm>>
      tpu.enqueue_dma source(%dma_start3A_185 : memref<120x128xf32, #tpu.memory_space<hbm>>) target(%dma_start3A_182 : memref<120x128xf32, #tpu.memory_space<vmem_shared>>) target_semaphore(%run_scoped3A : memref<!tpu.dma_semaphore, #tpu.memory_space<semaphore_mem>>)
      %dma_wait3A_186 = arith.constant 0 : i32
      %dma_wait3A_187 = tpu.memref_slice %arg14[%add3A_141, %dma_wait3A_186] : memref<10112x128xf32, #tpu.memory_space<vmem_shared>> -> memref<120x128xf32, #tpu.memory_space<vmem_shared>>
      %dma_wait3A_188 = arith.constant 0 : i32
      %dma_wait3A_189 = arith.constant 0 : i32
      %dma_wait3A_190 = tpu.memref_slice %arg8[%dma_wait3A_188, %dma_wait3A_189] : memref<128x128xf32, #tpu.memory_space<hbm>> -> memref<120x128xf32, #tpu.memory_space<hbm>>
      tpu.wait_dma2 semaphore(%run_scoped3A : memref<!tpu.dma_semaphore, #tpu.memory_space<semaphore_mem>>) src(%dma_wait3A_190 : memref<120x128xf32, #tpu.memory_space<hbm>>) dst(%dma_wait3A_187 : memref<120x128xf32, #tpu.memory_space<vmem_shared>>)
      tpu.yield
    }) : () -> ()
    %barrier3A_142 = arith.constant 0 : index
    tpu.barrier barrier_id(%barrier3A_142)
    %mul3A_143 = arith.constant 80 : i32
    %mul3A_144 = arith.muli %add3A, %mul3A_143 : i32
    %add3A_145 = arith.constant 0 : i32
    %add3A_146 = arith.addi %mul3A_144, %add3A_145 : i32
    %mul3A_147 = arith.constant 128 : i32
    %mul3A_148 = arith.muli %add3A_146, %mul3A_147 : i32
    %dma_start3A_149 = arith.constant 0 : i32
    %dma_start3A_150 = arith.constant 0 : i32
    %dma_start3A_151 = arith.constant 0 : i32
    %dma_start3A_152 = tpu.memref_slice %arg13[%dma_start3A_149, %dma_start3A_150, %dma_start3A_151] : memref<2x128x128xf32, #tpu.memory_space<vmem>> -> memref<1x128x128xf32, #tpu.memory_space<vmem>>
    %dma_start3A_153 = tpu.memref_squeeze %dma_start3A_152 : memref<1x128x128xf32, #tpu.memory_space<vmem>> -> memref<128x128xf32, #tpu.memory_space<vmem>>
    %dma_start3A_154 = arith.constant 0 : i32
    %dma_start3A_155 = tpu.memref_slice %arg11[%mul3A_148, %dma_start3A_154] : memref<327680x128xf32, #tpu.memory_space<hbm>> -> memref<128x128xf32, #tpu.memory_space<hbm>>
    %dma_start3A_156 = arith.constant 0 : i32
    %dma_start3A_157 = arith.constant 0 : i32
    %dma_start3A_158 = tpu.memref_slice %arg13[%dma_start3A_149, %dma_start3A_156, %dma_start3A_157] : memref<2x128x128xf32, #tpu.memory_space<vmem>> -> memref<1x128x128xf32, #tpu.memory_space<vmem>>
    %dma_start3A_159 = tpu.memref_squeeze %dma_start3A_158 : memref<1x128x128xf32, #tpu.memory_space<vmem>> -> memref<128x128xf32, #tpu.memory_space<vmem>>
    %dma_start3A_160 = arith.constant 0 : i32
    %dma_start3A_161 = tpu.memref_slice %arg11[%mul3A_148, %dma_start3A_160] : memref<327680x128xf32, #tpu.memory_space<hbm>> -> memref<128x128xf32, #tpu.memory_space<hbm>>
    tpu.enqueue_dma source(%dma_start3A_161 : memref<128x128xf32, #tpu.memory_space<hbm>>) target(%dma_start3A_159 : memref<128x128xf32, #tpu.memory_space<vmem>>) target_semaphore(%arg15 : memref<!tpu.dma_semaphore, #tpu.memory_space<semaphore_mem>>)
    %scan3A_162 = arith.constant 0 : i32
    %scan3A_163 = arith.constant 40 : i32
    %scan3A_164 = arith.addi %scan3A_162, %scan3A_163 : i32
    %scan3A_165 = arith.constant 1 : i32
    scf.for %scan3A_181 = %scan3A_162 to %scan3A_164 step %scan3A_165  : i32 {
      %mul3A_182 = arith.constant 2 : i32
      %mul3A_183 = arith.muli %scan3A_181, %mul3A_182 : i32
      %add3A_184 = arith.constant 0 : i32
      %add3A_185 = arith.addi %add3A_184, %mul3A_183 : i32
      %mul3A_186 = arith.constant 80 : i32
      %mul3A_187 = arith.muli %add3A, %mul3A_186 : i32
      %add3A_188 = arith.addi %mul3A_187, %add3A_185 : i32
      %mul3A_189 = arith.constant 128 : i32
      %mul3A_190 = arith.muli %add3A_188, %mul3A_189 : i32
      %dma_wait3A_191 = arith.constant 0 : i32
      %dma_wait3A_192 = arith.constant 0 : i32
      %dma_wait3A_193 = arith.constant 0 : i32
      %dma_wait3A_194 = tpu.memref_slice %arg13[%dma_wait3A_191, %dma_wait3A_192, %dma_wait3A_193] : memref<2x128x128xf32, #tpu.memory_space<vmem>> -> memref<1x128x128xf32, #tpu.memory_space<vmem>>
      %dma_wait3A_195 = tpu.memref_squeeze %dma_wait3A_194 : memref<1x128x128xf32, #tpu.memory_space<vmem>> -> memref<128x128xf32, #tpu.memory_space<vmem>>
      %dma_wait3A_196 = arith.constant 0 : i32
      %dma_wait3A_197 = tpu.memref_slice %arg11[%mul3A_190, %dma_wait3A_196] : memref<327680x128xf32, #tpu.memory_space<hbm>> -> memref<128x128xf32, #tpu.memory_space<hbm>>
      %dma_wait3A_198 = arith.constant 0 : i32
      %dma_wait3A_199 = arith.constant 0 : i32
      %dma_wait3A_200 = tpu.memref_slice %arg13[%dma_wait3A_191, %dma_wait3A_198, %dma_wait3A_199] : memref<2x128x128xf32, #tpu.memory_space<vmem>> -> memref<1x128x128xf32, #tpu.memory_space<vmem>>
      %dma_wait3A_201 = tpu.memref_squeeze %dma_wait3A_200 : memref<1x128x128xf32, #tpu.memory_space<vmem>> -> memref<128x128xf32, #tpu.memory_space<vmem>>
      %dma_wait3A_202 = arith.constant 0 : i32
      %dma_wait3A_203 = tpu.memref_slice %arg11[%mul3A_190, %dma_wait3A_202] : memref<327680x128xf32, #tpu.memory_space<hbm>> -> memref<128x128xf32, #tpu.memory_space<hbm>>
      tpu.wait_dma2 semaphore(%arg15 : memref<!tpu.dma_semaphore, #tpu.memory_space<semaphore_mem>>) src(%dma_wait3A_203 : memref<128x128xf32, #tpu.memory_space<hbm>>) dst(%dma_wait3A_201 : memref<128x128xf32, #tpu.memory_space<vmem>>)
      %gt3A = arith.constant 0 : i32
      %gt3A_204 = arith.cmpi sgt, %add3A_185, %gt3A : i32
      %convert_element_type3A = arith.extui %gt3A_204 : i1 to i32
      %cond3A = arith.constant 0 : i32
      %cond3A_205 = arith.cmpi ne, %convert_element_type3A, %cond3A : i32
      scf.if %cond3A_205 {
        %sub3A = arith.constant 1 : i32
        %sub3A_287 = arith.subi %add3A_185, %sub3A : i32
        %dma_wait3A_288 = arith.constant 1 : i32
        %dma_wait3A_289 = arith.constant 0 : i32
        %dma_wait3A_290 = arith.constant 0 : i32
        %dma_wait3A_291 = tpu.memref_slice %arg13[%dma_wait3A_288, %dma_wait3A_289, %dma_wait3A_290] : memref<2x128x128xf32, #tpu.memory_space<vmem>> -> memref<1x128x128xf32, #tpu.memory_space<vmem>>
        %dma_wait3A_292 = tpu.memref_squeeze %dma_wait3A_291 : memref<1x128x128xf32, #tpu.memory_space<vmem>> -> memref<128x128xf32, #tpu.memory_space<vmem>>
        %dma_wait3A_293 = arith.constant 0 : i32
        %dma_wait3A_294 = tpu.memref_slice %arg12[%sub3A_287, %dma_wait3A_293] : memref<80x128xi32, #tpu.memory_space<vmem>> -> memref<1x128xi32, #tpu.memory_space<vmem>>
        %dma_wait3A_295 = tpu.memref_squeeze %dma_wait3A_294 : memref<1x128xi32, #tpu.memory_space<vmem>> -> memref<128xi32, #tpu.memory_space<vmem>>
        %dma_wait3A_296 = arith.constant 0 : i32
        %dma_wait3A_297 = arith.constant 0 : i32
        %dma_wait3A_298 = tpu.memref_slice %arg14[%dma_wait3A_296, %dma_wait3A_297] : memref<10112x128xf32, #tpu.memory_space<vmem_shared>> -> memref<10112x128xf32, #tpu.memory_space<vmem_shared>>
        tpu.wait_indirect_dma semaphore(%arg16 : memref<!tpu.dma_semaphore, #tpu.memory_space<semaphore_mem>>) src(%dma_wait3A_292 : memref<128x128xf32, #tpu.memory_space<vmem>>) dst(%dma_wait3A_298 : memref<10112x128xf32, #tpu.memory_space<vmem_shared>>)
      } else {
      }
      %add3A_206 = arith.constant 1 : i32
      %add3A_207 = arith.addi %add3A_185, %add3A_206 : i32
      %mul3A_208 = arith.constant 80 : i32
      %mul3A_209 = arith.muli %add3A, %mul3A_208 : i32
      %add3A_210 = arith.addi %mul3A_209, %add3A_207 : i32
      %mul3A_211 = arith.constant 128 : i32
      %mul3A_212 = arith.muli %add3A_210, %mul3A_211 : i32
      %dma_start3A_213 = arith.constant 1 : i32
      %dma_start3A_214 = arith.constant 0 : i32
      %dma_start3A_215 = arith.constant 0 : i32
      %dma_start3A_216 = tpu.memref_slice %arg13[%dma_start3A_213, %dma_start3A_214, %dma_start3A_215] : memref<2x128x128xf32, #tpu.memory_space<vmem>> -> memref<1x128x128xf32, #tpu.memory_space<vmem>>
      %dma_start3A_217 = tpu.memref_squeeze %dma_start3A_216 : memref<1x128x128xf32, #tpu.memory_space<vmem>> -> memref<128x128xf32, #tpu.memory_space<vmem>>
      %dma_start3A_218 = arith.constant 0 : i32
      %dma_start3A_219 = tpu.memref_slice %arg11[%mul3A_212, %dma_start3A_218] : memref<327680x128xf32, #tpu.memory_space<hbm>> -> memref<128x128xf32, #tpu.memory_space<hbm>>
      %dma_start3A_220 = arith.constant 0 : i32
      %dma_start3A_221 = arith.constant 0 : i32
      %dma_start3A_222 = tpu.memref_slice %arg13[%dma_start3A_213, %dma_start3A_220, %dma_start3A_221] : memref<2x128x128xf32, #tpu.memory_space<vmem>> -> memref<1x128x128xf32, #tpu.memory_space<vmem>>
      %dma_start3A_223 = tpu.memref_squeeze %dma_start3A_222 : memref<1x128x128xf32, #tpu.memory_space<vmem>> -> memref<128x128xf32, #tpu.memory_space<vmem>>
      %dma_start3A_224 = arith.constant 0 : i32
      %dma_start3A_225 = tpu.memref_slice %arg11[%mul3A_212, %dma_start3A_224] : memref<327680x128xf32, #tpu.memory_space<hbm>> -> memref<128x128xf32, #tpu.memory_space<hbm>>
      tpu.enqueue_dma source(%dma_start3A_225 : memref<128x128xf32, #tpu.memory_space<hbm>>) target(%dma_start3A_223 : memref<128x128xf32, #tpu.memory_space<vmem>>) target_semaphore(%arg15 : memref<!tpu.dma_semaphore, #tpu.memory_space<semaphore_mem>>)
      %dma_start3A_226 = arith.constant 0 : i32
      %dma_start3A_227 = arith.constant 0 : i32
      %dma_start3A_228 = arith.constant 0 : i32
      %dma_start3A_229 = tpu.memref_slice %arg13[%dma_start3A_226, %dma_start3A_227, %dma_start3A_228] : memref<2x128x128xf32, #tpu.memory_space<vmem>> -> memref<1x128x128xf32, #tpu.memory_space<vmem>>
      %dma_start3A_230 = tpu.memref_squeeze %dma_start3A_229 : memref<1x128x128xf32, #tpu.memory_space<vmem>> -> memref<128x128xf32, #tpu.memory_space<vmem>>
      %dma_start3A_231 = arith.constant 0 : i32
      %dma_start3A_232 = tpu.memref_slice %arg12[%add3A_185, %dma_start3A_231] : memref<80x128xi32, #tpu.memory_space<vmem>> -> memref<1x128xi32, #tpu.memory_space<vmem>>
      %dma_start3A_233 = tpu.memref_squeeze %dma_start3A_232 : memref<1x128xi32, #tpu.memory_space<vmem>> -> memref<128xi32, #tpu.memory_space<vmem>>
      %dma_start3A_234 = arith.constant 0 : i32
      %dma_start3A_235 = arith.constant 0 : i32
      %dma_start3A_236 = tpu.memref_slice %arg14[%dma_start3A_234, %dma_start3A_235] : memref<10112x128xf32, #tpu.memory_space<vmem_shared>> -> memref<10112x128xf32, #tpu.memory_space<vmem_shared>>
      tpu.enqueue_indirect_dma source(%dma_start3A_230 : memref<128x128xf32, #tpu.memory_space<vmem>>) target(%dma_start3A_236 : memref<10112x128xf32, #tpu.memory_space<vmem_shared>>) offsets(%dma_start3A_233 : memref<128xi32, #tpu.memory_space<vmem>>) semaphore(%arg16 : memref<!tpu.dma_semaphore, #tpu.memory_space<semaphore_mem>>) {add = true}
      %add3A_237 = arith.constant 1 : i32
      %add3A_238 = arith.addi %add3A_185, %add3A_237 : i32
      %mul3A_239 = arith.constant 80 : i32
      %mul3A_240 = arith.muli %add3A, %mul3A_239 : i32
      %add3A_241 = arith.addi %mul3A_240, %add3A_238 : i32
      %mul3A_242 = arith.constant 128 : i32
      %mul3A_243 = arith.muli %add3A_241, %mul3A_242 : i32
      %dma_wait3A_244 = arith.constant 1 : i32
      %dma_wait3A_245 = arith.constant 0 : i32
      %dma_wait3A_246 = arith.constant 0 : i32
      %dma_wait3A_247 = tpu.memref_slice %arg13[%dma_wait3A_244, %dma_wait3A_245, %dma_wait3A_246] : memref<2x128x128xf32, #tpu.memory_space<vmem>> -> memref<1x128x128xf32, #tpu.memory_space<vmem>>
      %dma_wait3A_248 = tpu.memref_squeeze %dma_wait3A_247 : memref<1x128x128xf32, #tpu.memory_space<vmem>> -> memref<128x128xf32, #tpu.memory_space<vmem>>
      %dma_wait3A_249 = arith.constant 0 : i32
      %dma_wait3A_250 = tpu.memref_slice %arg11[%mul3A_243, %dma_wait3A_249] : memref<327680x128xf32, #tpu.memory_space<hbm>> -> memref<128x128xf32, #tpu.memory_space<hbm>>
      %dma_wait3A_251 = arith.constant 0 : i32
      %dma_wait3A_252 = arith.constant 0 : i32
      %dma_wait3A_253 = tpu.memref_slice %arg13[%dma_wait3A_244, %dma_wait3A_251, %dma_wait3A_252] : memref<2x128x128xf32, #tpu.memory_space<vmem>> -> memref<1x128x128xf32, #tpu.memory_space<vmem>>
      %dma_wait3A_254 = tpu.memref_squeeze %dma_wait3A_253 : memref<1x128x128xf32, #tpu.memory_space<vmem>> -> memref<128x128xf32, #tpu.memory_space<vmem>>
      %dma_wait3A_255 = arith.constant 0 : i32
      %dma_wait3A_256 = tpu.memref_slice %arg11[%mul3A_243, %dma_wait3A_255] : memref<327680x128xf32, #tpu.memory_space<hbm>> -> memref<128x128xf32, #tpu.memory_space<hbm>>
      tpu.wait_dma2 semaphore(%arg15 : memref<!tpu.dma_semaphore, #tpu.memory_space<semaphore_mem>>) src(%dma_wait3A_256 : memref<128x128xf32, #tpu.memory_space<hbm>>) dst(%dma_wait3A_254 : memref<128x128xf32, #tpu.memory_space<vmem>>)
      %dma_wait3A_257 = arith.constant 0 : i32
      %dma_wait3A_258 = arith.constant 0 : i32
      %dma_wait3A_259 = arith.constant 0 : i32
      %dma_wait3A_260 = tpu.memref_slice %arg13[%dma_wait3A_257, %dma_wait3A_258, %dma_wait3A_259] : memref<2x128x128xf32, #tpu.memory_space<vmem>> -> memref<1x128x128xf32, #tpu.memory_space<vmem>>
      %dma_wait3A_261 = tpu.memref_squeeze %dma_wait3A_260 : memref<1x128x128xf32, #tpu.memory_space<vmem>> -> memref<128x128xf32, #tpu.memory_space<vmem>>
      %dma_wait3A_262 = arith.constant 0 : i32
      %dma_wait3A_263 = tpu.memref_slice %arg12[%add3A_185, %dma_wait3A_262] : memref<80x128xi32, #tpu.memory_space<vmem>> -> memref<1x128xi32, #tpu.memory_space<vmem>>
      %dma_wait3A_264 = tpu.memref_squeeze %dma_wait3A_263 : memref<1x128xi32, #tpu.memory_space<vmem>> -> memref<128xi32, #tpu.memory_space<vmem>>
      %dma_wait3A_265 = arith.constant 0 : i32
      %dma_wait3A_266 = arith.constant 0 : i32
      %dma_wait3A_267 = tpu.memref_slice %arg14[%dma_wait3A_265, %dma_wait3A_266] : memref<10112x128xf32, #tpu.memory_space<vmem_shared>> -> memref<10112x128xf32, #tpu.memory_space<vmem_shared>>
      tpu.wait_indirect_dma semaphore(%arg16 : memref<!tpu.dma_semaphore, #tpu.memory_space<semaphore_mem>>) src(%dma_wait3A_261 : memref<128x128xf32, #tpu.memory_space<vmem>>) dst(%dma_wait3A_267 : memref<10112x128xf32, #tpu.memory_space<vmem_shared>>)
      %add3A_268 = arith.constant 2 : i32
      %add3A_269 = arith.addi %add3A_185, %add3A_268 : i32
      %lt3A = arith.constant 80 : i32
      %lt3A_270 = arith.cmpi slt, %add3A_269, %lt3A : i32
      %convert_element_type3A_271 = arith.extui %lt3A_270 : i1 to i32
      %cond3A_272 = arith.constant 0 : i32
      %cond3A_273 = arith.cmpi ne, %convert_element_type3A_271, %cond3A_272 : i32
      scf.if %cond3A_273 {
        %add3A_287 = arith.constant 2 : i32
        %add3A_288 = arith.addi %add3A_185, %add3A_287 : i32
        %mul3A_289 = arith.constant 80 : i32
        %mul3A_290 = arith.muli %add3A, %mul3A_289 : i32
        %add3A_291 = arith.addi %mul3A_290, %add3A_288 : i32
        %mul3A_292 = arith.constant 128 : i32
        %mul3A_293 = arith.muli %add3A_291, %mul3A_292 : i32
        %dma_start3A_294 = arith.constant 0 : i32
        %dma_start3A_295 = arith.constant 0 : i32
        %dma_start3A_296 = arith.constant 0 : i32
        %dma_start3A_297 = tpu.memref_slice %arg13[%dma_start3A_294, %dma_start3A_295, %dma_start3A_296] : memref<2x128x128xf32, #tpu.memory_space<vmem>> -> memref<1x128x128xf32, #tpu.memory_space<vmem>>
        %dma_start3A_298 = tpu.memref_squeeze %dma_start3A_297 : memref<1x128x128xf32, #tpu.memory_space<vmem>> -> memref<128x128xf32, #tpu.memory_space<vmem>>
        %dma_start3A_299 = arith.constant 0 : i32
        %dma_start3A_300 = tpu.memref_slice %arg11[%mul3A_293, %dma_start3A_299] : memref<327680x128xf32, #tpu.memory_space<hbm>> -> memref<128x128xf32, #tpu.memory_space<hbm>>
        %dma_start3A_301 = arith.constant 0 : i32
        %dma_start3A_302 = arith.constant 0 : i32
        %dma_start3A_303 = tpu.memref_slice %arg13[%dma_start3A_294, %dma_start3A_301, %dma_start3A_302] : memref<2x128x128xf32, #tpu.memory_space<vmem>> -> memref<1x128x128xf32, #tpu.memory_space<vmem>>
        %dma_start3A_304 = tpu.memref_squeeze %dma_start3A_303 : memref<1x128x128xf32, #tpu.memory_space<vmem>> -> memref<128x128xf32, #tpu.memory_space<vmem>>
        %dma_start3A_305 = arith.constant 0 : i32
        %dma_start3A_306 = tpu.memref_slice %arg11[%mul3A_293, %dma_start3A_305] : memref<327680x128xf32, #tpu.memory_space<hbm>> -> memref<128x128xf32, #tpu.memory_space<hbm>>
        tpu.enqueue_dma source(%dma_start3A_306 : memref<128x128xf32, #tpu.memory_space<hbm>>) target(%dma_start3A_304 : memref<128x128xf32, #tpu.memory_space<vmem>>) target_semaphore(%arg15 : memref<!tpu.dma_semaphore, #tpu.memory_space<semaphore_mem>>)
      } else {
      }
      %add3A_274 = arith.constant 1 : i32
      %add3A_275 = arith.addi %add3A_185, %add3A_274 : i32
      %dma_start3A_276 = arith.constant 1 : i32
      %dma_start3A_277 = arith.constant 0 : i32
      %dma_start3A_278 = arith.constant 0 : i32
      %dma_start3A_279 = tpu.memref_slice %arg13[%dma_start3A_276, %dma_start3A_277, %dma_start3A_278] : memref<2x128x128xf32, #tpu.memory_space<vmem>> -> memref<1x128x128xf32, #tpu.memory_space<vmem>>
      %dma_start3A_280 = tpu.memref_squeeze %dma_start3A_279 : memref<1x128x128xf32, #tpu.memory_space<vmem>> -> memref<128x128xf32, #tpu.memory_space<vmem>>
      %dma_start3A_281 = arith.constant 0 : i32
      %dma_start3A_282 = tpu.memref_slice %arg12[%add3A_275, %dma_start3A_281] : memref<80x128xi32, #tpu.memory_space<vmem>> -> memref<1x128xi32, #tpu.memory_space<vmem>>
      %dma_start3A_283 = tpu.memref_squeeze %dma_start3A_282 : memref<1x128xi32, #tpu.memory_space<vmem>> -> memref<128xi32, #tpu.memory_space<vmem>>
      %dma_start3A_284 = arith.constant 0 : i32
      %dma_start3A_285 = arith.constant 0 : i32
      %dma_start3A_286 = tpu.memref_slice %arg14[%dma_start3A_284, %dma_start3A_285] : memref<10112x128xf32, #tpu.memory_space<vmem_shared>> -> memref<10112x128xf32, #tpu.memory_space<vmem_shared>>
      tpu.enqueue_indirect_dma source(%dma_start3A_280 : memref<128x128xf32, #tpu.memory_space<vmem>>) target(%dma_start3A_286 : memref<10112x128xf32, #tpu.memory_space<vmem_shared>>) offsets(%dma_start3A_283 : memref<128xi32, #tpu.memory_space<vmem>>) semaphore(%arg16 : memref<!tpu.dma_semaphore, #tpu.memory_space<semaphore_mem>>) {add = true}
    }
    %scan3A_166 = arith.constant 40 : i32
    %dma_wait3A_167 = arith.constant 1 : i32
    %dma_wait3A_168 = arith.constant 79 : i32
    %dma_wait3A_169 = arith.constant 0 : i32
    %dma_wait3A_170 = arith.constant 0 : i32
    %dma_wait3A_171 = tpu.memref_slice %arg13[%dma_wait3A_167, %dma_wait3A_169, %dma_wait3A_170] : memref<2x128x128xf32, #tpu.memory_space<vmem>> -> memref<1x128x128xf32, #tpu.memory_space<vmem>>
    %dma_wait3A_172 = tpu.memref_squeeze %dma_wait3A_171 : memref<1x128x128xf32, #tpu.memory_space<vmem>> -> memref<128x128xf32, #tpu.memory_space<vmem>>
    %dma_wait3A_173 = arith.constant 0 : i32
    %dma_wait3A_174 = tpu.memref_slice %arg12[%dma_wait3A_168, %dma_wait3A_173] : memref<80x128xi32, #tpu.memory_space<vmem>> -> memref<1x128xi32, #tpu.memory_space<vmem>>
    %dma_wait3A_175 = tpu.memref_squeeze %dma_wait3A_174 : memref<1x128xi32, #tpu.memory_space<vmem>> -> memref<128xi32, #tpu.memory_space<vmem>>
    %dma_wait3A_176 = arith.constant 0 : i32
    %dma_wait3A_177 = arith.constant 0 : i32
    %dma_wait3A_178 = tpu.memref_slice %arg14[%dma_wait3A_176, %dma_wait3A_177] : memref<10112x128xf32, #tpu.memory_space<vmem_shared>> -> memref<10112x128xf32, #tpu.memory_space<vmem_shared>>
    tpu.wait_indirect_dma semaphore(%arg16 : memref<!tpu.dma_semaphore, #tpu.memory_space<semaphore_mem>>) src(%dma_wait3A_172 : memref<128x128xf32, #tpu.memory_space<vmem>>) dst(%dma_wait3A_178 : memref<10112x128xf32, #tpu.memory_space<vmem_shared>>)
    %barrier3A_179 = arith.constant 0 : index
    tpu.barrier barrier_id(%barrier3A_179)
    "tpu.region"() ({
      %run_scoped3A = tpu.sem_alloc : memref<!tpu.dma_semaphore, #tpu.memory_space<semaphore_mem>>
      %dma_start3A_181 = arith.constant 0 : i32
      %dma_start3A_182 = tpu.memref_slice %arg10[%arg0, %mul3A_2, %dma_start3A_181] : memref<2x10112x128xf32, #tpu.memory_space<hbm>> -> memref<1x632x128xf32, #tpu.memory_space<hbm>>
      %dma_start3A_183 = tpu.memref_squeeze %dma_start3A_182 : memref<1x632x128xf32, #tpu.memory_space<hbm>> -> memref<632x128xf32, #tpu.memory_space<hbm>>
      %dma_start3A_184 = arith.constant 0 : i32
      %dma_start3A_185 = tpu.memref_slice %arg14[%mul3A_2, %dma_start3A_184] : memref<10112x128xf32, #tpu.memory_space<vmem_shared>> -> memref<632x128xf32, #tpu.memory_space<vmem_shared>>
      tpu.enqueue_dma source(%dma_start3A_185 : memref<632x128xf32, #tpu.memory_space<vmem_shared>>) target(%dma_start3A_183 : memref<632x128xf32, #tpu.memory_space<hbm>>) target_semaphore(%run_scoped3A : memref<!tpu.dma_semaphore, #tpu.memory_space<semaphore_mem>>)
      %dma_wait3A_186 = arith.constant 0 : i32
      %dma_wait3A_187 = tpu.memref_slice %arg10[%arg0, %mul3A_2, %dma_wait3A_186] : memref<2x10112x128xf32, #tpu.memory_space<hbm>> -> memref<1x632x128xf32, #tpu.memory_space<hbm>>
      %dma_wait3A_188 = tpu.memref_squeeze %dma_wait3A_187 : memref<1x632x128xf32, #tpu.memory_space<hbm>> -> memref<632x128xf32, #tpu.memory_space<hbm>>
      %dma_wait3A_189 = arith.constant 0 : i32
      %dma_wait3A_190 = tpu.memref_slice %arg14[%mul3A_2, %dma_wait3A_189] : memref<10112x128xf32, #tpu.memory_space<vmem_shared>> -> memref<632x128xf32, #tpu.memory_space<vmem_shared>>
      tpu.wait_dma2 semaphore(%run_scoped3A : memref<!tpu.dma_semaphore, #tpu.memory_space<semaphore_mem>>) src(%dma_wait3A_190 : memref<632x128xf32, #tpu.memory_space<vmem_shared>>) dst(%dma_wait3A_188 : memref<632x128xf32, #tpu.memory_space<hbm>>)
      tpu.yield
    }) : () -> ()
    %barrier3A_180 = arith.constant 0 : index
    tpu.barrier barrier_id(%barrier3A_180)
    return
  }
}

module attributes {stable_mosaic.version = 14 : i64} {
  func.func @_tc_a_body(%arg0: i32, %arg1: memref<1000x128xf32, #tpu.memory_space<vmem>>, %arg2: memref<1000x128xf32, #tpu.memory_space<vmem>>, %arg3: memref<128x128xf32, #tpu.memory_space<vmem>>, %arg4: memref<128x128xf32, #tpu.memory_space<vmem>>, %arg5: memref<256x128xf32, #tpu.memory_space<vmem>>, %arg6: memref<1000x128xf32, #tpu.memory_space<vmem>>, %arg7: memref<1000x128xf32, #tpu.memory_space<vmem>>, %arg8: memref<1000x128xf32, #tpu.memory_space<vmem>>) attributes {dimension_semantics = [#tpu.dimension_semantics<arbitrary>], iteration_bounds = array<i64: 10>, scalar_prefetch = 0 : i64, scratch_operands = 0 : i64, tpu.core_type = #tpu.core_type<tc>, window_params = [{transform_indices = @transform_0, window_bounds = array<i64: 1000, 128>}, {transform_indices = @transform_1, window_bounds = array<i64: 1000, 128>}, {pipeline_mode = #tpu.pipeline_mode<synchronous>, transform_indices = @transform_2, window_bounds = array<i64: 128, 128>}, {pipeline_mode = #tpu.pipeline_mode<synchronous>, transform_indices = @transform_3, window_bounds = array<i64: 128, 128>}, {pipeline_mode = #tpu.pipeline_mode<synchronous>, transform_indices = @transform_4, window_bounds = array<i64: 256, 128>}, {transform_indices = @transform_5, window_bounds = array<i64: 1000, 128>}, {transform_indices = @transform_6, window_bounds = array<i64: 1000, 128>}, {transform_indices = @transform_7, window_bounds = array<i64: 1000, 128>}]} {
    %get3A = arith.constant 0 : index
    %get3A_0 = arith.constant 0 : index
    %get3A_1 = vector.load %arg1[%get3A, %get3A_0] : memref<1000x128xf32, #tpu.memory_space<vmem>>, vector<1000x128xf32>
    %get3A_2 = arith.constant 0 : index
    %get3A_3 = arith.constant 0 : index
    %get3A_4 = vector.load %arg2[%get3A_2, %get3A_3] : memref<1000x128xf32, #tpu.memory_space<vmem>>, vector<1000x128xf32>
    %get3A_5 = arith.constant 0 : index
    %get3A_6 = arith.constant 0 : index
    %get3A_7 = vector.load %arg3[%get3A_5, %get3A_6] : memref<128x128xf32, #tpu.memory_space<vmem>>, vector<128x128xf32>
    %dot_general3A = arith.constant dense<0.000000e+00> : vector<1000x128xf32>
    %dot_general3A_8 = tpu.matmul %get3A_1, %get3A_7, %dot_general3A {dimension_numbers = #tpu.dot_dimension_numbers<[1], [0], [0], [1], [0, 0, 1, 1], [], []>, transpose_lhs_hint = false} : vector<1000x128xf32>, vector<128x128xf32>, vector<1000x128xf32> -> vector<1000x128xf32>
    %swap3A = arith.constant 0 : index
    %swap3A_9 = arith.constant 0 : index
    %swap3A_10 = vector.load %arg6[%swap3A, %swap3A_9] : memref<1000x128xf32, #tpu.memory_space<vmem>>, vector<1000x128xf32>
    tpu.vector_store %arg6[%swap3A, %swap3A_9], %dot_general3A_8 {strides = array<i32>} : memref<1000x128xf32, #tpu.memory_space<vmem>>, vector<1000x128xf32>,
    %get3A_11 = arith.constant 0 : index
    %get3A_12 = arith.constant 0 : index
    %get3A_13 = vector.load %arg4[%get3A_11, %get3A_12] : memref<128x128xf32, #tpu.memory_space<vmem>>, vector<128x128xf32>
    %dot_general3A_14 = arith.constant dense<0.000000e+00> : vector<1000x128xf32>
    %dot_general3A_15 = tpu.matmul %get3A_4, %get3A_13, %dot_general3A_14 {dimension_numbers = #tpu.dot_dimension_numbers<[1], [0], [0], [1], [0, 0, 1, 1], [], []>, transpose_lhs_hint = false} : vector<1000x128xf32>, vector<128x128xf32>, vector<1000x128xf32> -> vector<1000x128xf32>
    %swap3A_16 = arith.constant 0 : index
    %swap3A_17 = arith.constant 0 : index
    %swap3A_18 = vector.load %arg7[%swap3A_16, %swap3A_17] : memref<1000x128xf32, #tpu.memory_space<vmem>>, vector<1000x128xf32>
    tpu.vector_store %arg7[%swap3A_16, %swap3A_17], %dot_general3A_15 {strides = array<i32>} : memref<1000x128xf32, #tpu.memory_space<vmem>>, vector<1000x128xf32>,
    %get3A_19 = arith.constant 0 : index
    %get3A_20 = arith.constant 0 : index
    %get3A_21 = vector.load %arg5[%get3A_19, %get3A_20] : memref<256x128xf32, #tpu.memory_space<vmem>>, vector<128x128xf32>
    %dot_general3A_22 = arith.constant dense<0.000000e+00> : vector<1000x128xf32>
    %dot_general3A_23 = tpu.matmul %get3A_1, %get3A_21, %dot_general3A_22 {dimension_numbers = #tpu.dot_dimension_numbers<[1], [0], [0], [1], [0, 0, 1, 1], [], []>, transpose_lhs_hint = false} : vector<1000x128xf32>, vector<128x128xf32>, vector<1000x128xf32> -> vector<1000x128xf32>
    %get3A_24 = arith.constant 128 : index
    %get3A_25 = arith.constant 0 : index
    %get3A_26 = vector.load %arg5[%get3A_24, %get3A_25] : memref<256x128xf32, #tpu.memory_space<vmem>>, vector<128x128xf32>
    %dot_general3A_27 = arith.constant dense<0.000000e+00> : vector<1000x128xf32>
    %dot_general3A_28 = tpu.matmul %get3A_4, %get3A_26, %dot_general3A_27 {dimension_numbers = #tpu.dot_dimension_numbers<[1], [0], [0], [1], [0, 0, 1, 1], [], []>, transpose_lhs_hint = false} : vector<1000x128xf32>, vector<128x128xf32>, vector<1000x128xf32> -> vector<1000x128xf32>
    %add3A = arith.addf %dot_general3A_23, %dot_general3A_28 : vector<1000x128xf32>
    %swap3A_29 = arith.constant 0 : index
    %swap3A_30 = arith.constant 0 : index
    %swap3A_31 = vector.load %arg8[%swap3A_29, %swap3A_30] : memref<1000x128xf32, #tpu.memory_space<vmem>>, vector<1000x128xf32>
    tpu.vector_store %arg8[%swap3A_29, %swap3A_30], %add3A {strides = array<i32>} : memref<1000x128xf32, #tpu.memory_space<vmem>>, vector<1000x128xf32>,
    return
  }
  func.func @transform_0(%arg0: i32) -> (i32, i32) {
    %c0_i32 = arith.constant 0 : i32
    %c0_i32_0 = arith.constant 0 : i32
    return %arg0, %c0_i32 : i32, i32
  }
  func.func @transform_1(%arg0: i32) -> (i32, i32) {
    %c0_i32 = arith.constant 0 : i32
    %c0_i32_0 = arith.constant 0 : i32
    return %arg0, %c0_i32 : i32, i32
  }
  func.func @transform_2(%arg0: i32) -> (i32, i32) {
    %c0_i32 = arith.constant 0 : i32
    %c0_i32_0 = arith.constant 0 : i32
    %c0_i32_1 = arith.constant 0 : i32
    return %c0_i32, %c0_i32_0 : i32, i32
  }
  func.func @transform_3(%arg0: i32) -> (i32, i32) {
    %c0_i32 = arith.constant 0 : i32
    %c0_i32_0 = arith.constant 0 : i32
    %c0_i32_1 = arith.constant 0 : i32
    return %c0_i32, %c0_i32_0 : i32, i32
  }
  func.func @transform_4(%arg0: i32) -> (i32, i32) {
    %c0_i32 = arith.constant 0 : i32
    %c0_i32_0 = arith.constant 0 : i32
    %c0_i32_1 = arith.constant 0 : i32
    return %c0_i32, %c0_i32_0 : i32, i32
  }
  func.func @transform_5(%arg0: i32) -> (i32, i32) {
    %c0_i32 = arith.constant 0 : i32
    %c0_i32_0 = arith.constant 0 : i32
    return %arg0, %c0_i32 : i32, i32
  }
  func.func @transform_6(%arg0: i32) -> (i32, i32) {
    %c0_i32 = arith.constant 0 : i32
    %c0_i32_0 = arith.constant 0 : i32
    return %arg0, %c0_i32 : i32, i32
  }
  func.func @transform_7(%arg0: i32) -> (i32, i32) {
    %c0_i32 = arith.constant 0 : i32
    %c0_i32_0 = arith.constant 0 : i32
    return %arg0, %c0_i32 : i32, i32
  }
}

module attributes {stable_mosaic.version = 14 : i64} {
  func.func @_tc_b1_body(%arg0: i32, %arg1: memref<2x1000x128xf32, #tpu.memory_space<vmem>>, %arg2: memref<2x1000x128xf32, #tpu.memory_space<vmem>>, %arg3: memref<2x1000x128xf32, #tpu.memory_space<vmem>>, %arg4: memref<128x128xf32, #tpu.memory_space<vmem>>, %arg5: memref<128x128xf32, #tpu.memory_space<vmem>>, %arg6: memref<128x1xf32, #tpu.memory_space<vmem>>, %arg7: memref<128x128xf32, #tpu.memory_space<vmem>>, %arg8: memref<128x128xf32, #tpu.memory_space<vmem>>, %arg9: memref<128x1xf32, #tpu.memory_space<vmem>>, %arg10: memref<1000x128xf32, #tpu.memory_space<vmem>>, %arg11: memref<1000x128xf32, #tpu.memory_space<vmem>>, %arg12: memref<1000x128xf32, #tpu.memory_space<vmem>>, %arg13: memref<1000x1xf32, #tpu.memory_space<vmem>>, %arg14: memref<1000x128xf32, #tpu.memory_space<vmem>>, %arg15: memref<1000x128xf32, #tpu.memory_space<vmem>>, %arg16: memref<1000x1xf32, #tpu.memory_space<vmem>>) attributes {dimension_semantics = [#tpu.dimension_semantics<arbitrary>], iteration_bounds = array<i64: 10>, scalar_prefetch = 0 : i64, scratch_operands = 0 : i64, tpu.core_type = #tpu.core_type<tc>, window_params = [{transform_indices = @transform_0, window_bounds = array<i64: 2, 1000, 128>}, {transform_indices = @transform_1, window_bounds = array<i64: 2, 1000, 128>}, {transform_indices = @transform_2, window_bounds = array<i64: 2, 1000, 128>}, {pipeline_mode = #tpu.pipeline_mode<synchronous>, transform_indices = @transform_3, window_bounds = array<i64: 128, 128>}, {pipeline_mode = #tpu.pipeline_mode<synchronous>, transform_indices = @transform_4, window_bounds = array<i64: 128, 128>}, {pipeline_mode = #tpu.pipeline_mode<synchronous>, transform_indices = @transform_5, window_bounds = array<i64: 128, 1>}, {pipeline_mode = #tpu.pipeline_mode<synchronous>, transform_indices = @transform_6, window_bounds = array<i64: 128, 128>}, {pipeline_mode = #tpu.pipeline_mode<synchronous>, transform_indices = @transform_7, window_bounds = array<i64: 128, 128>}, {pipeline_mode = #tpu.pipeline_mode<synchronous>, transform_indices = @transform_8, window_bounds = array<i64: 128, 1>}, {transform_indices = @transform_9, window_bounds = array<i64: 1000, 128>}, {transform_indices = @transform_10, window_bounds = array<i64: 1000, 128>}, {transform_indices = @transform_11, window_bounds = array<i64: 1000, 128>}, {transform_indices = @transform_12, window_bounds = array<i64: 1000, 1>}, {transform_indices = @transform_13, window_bounds = array<i64: 1000, 128>}, {transform_indices = @transform_14, window_bounds = array<i64: 1000, 128>}, {transform_indices = @transform_15, window_bounds = array<i64: 1000, 1>}]} {
    %get3A = arith.constant 0 : index
    %get3A_0 = arith.constant 0 : index
    %get3A_1 = arith.constant 0 : index
    %get3A_2 = vector.load %arg3[%get3A, %get3A_0, %get3A_1] : memref<2x1000x128xf32, #tpu.memory_space<vmem>>, vector<1x1000x128xf32>
    %get3A_3 = vector.shape_cast %get3A_2 : vector<1x1000x128xf32> to vector<1000x128xf32>
    %get3A_4 = arith.constant 1 : index
    %get3A_5 = arith.constant 0 : index
    %get3A_6 = arith.constant 0 : index
    %get3A_7 = vector.load %arg3[%get3A_4, %get3A_5, %get3A_6] : memref<2x1000x128xf32, #tpu.memory_space<vmem>>, vector<1x1000x128xf32>
    %get3A_8 = vector.shape_cast %get3A_7 : vector<1x1000x128xf32> to vector<1000x128xf32>
    %add3A = arith.addf %get3A_3, %get3A_8 : vector<1000x128xf32>
    %get3A_9 = arith.constant 0 : index
    %get3A_10 = arith.constant 0 : index
    %get3A_11 = arith.constant 0 : index
    %get3A_12 = vector.load %arg1[%get3A_9, %get3A_10, %get3A_11] : memref<2x1000x128xf32, #tpu.memory_space<vmem>>, vector<1x1000x128xf32>
    %get3A_13 = vector.shape_cast %get3A_12 : vector<1x1000x128xf32> to vector<1000x128xf32>
    %get3A_14 = arith.constant 1 : index
    %get3A_15 = arith.constant 0 : index
    %get3A_16 = arith.constant 0 : index
    %get3A_17 = vector.load %arg1[%get3A_14, %get3A_15, %get3A_16] : memref<2x1000x128xf32, #tpu.memory_space<vmem>>, vector<1x1000x128xf32>
    %get3A_18 = vector.shape_cast %get3A_17 : vector<1x1000x128xf32> to vector<1000x128xf32>
    %add3A_19 = arith.addf %get3A_13, %get3A_18 : vector<1000x128xf32>
    %get3A_20 = arith.constant 0 : index
    %get3A_21 = arith.constant 0 : index
    %get3A_22 = arith.constant 0 : index
    %get3A_23 = vector.load %arg2[%get3A_20, %get3A_21, %get3A_22] : memref<2x1000x128xf32, #tpu.memory_space<vmem>>, vector<1x1000x128xf32>
    %get3A_24 = vector.shape_cast %get3A_23 : vector<1x1000x128xf32> to vector<1000x128xf32>
    %get3A_25 = arith.constant 1 : index
    %get3A_26 = arith.constant 0 : index
    %get3A_27 = arith.constant 0 : index
    %get3A_28 = vector.load %arg2[%get3A_25, %get3A_26, %get3A_27] : memref<2x1000x128xf32, #tpu.memory_space<vmem>>, vector<1x1000x128xf32>
    %get3A_29 = vector.shape_cast %get3A_28 : vector<1x1000x128xf32> to vector<1000x128xf32>
    %add3A_30 = arith.addf %get3A_24, %get3A_29 : vector<1000x128xf32>
    %swap3A = arith.constant 0 : index
    %swap3A_31 = arith.constant 0 : index
    %swap3A_32 = vector.load %arg10[%swap3A, %swap3A_31] : memref<1000x128xf32, #tpu.memory_space<vmem>>, vector<1000x128xf32>
    tpu.vector_store %arg10[%swap3A, %swap3A_31], %add3A {strides = array<i32>} : memref<1000x128xf32, #tpu.memory_space<vmem>>, vector<1000x128xf32>,
    %sqrt3A = arith.constant 1.280000e+02 : f32
    %sqrt3A_33 = math.sqrt %sqrt3A : f32
    %div3A = arith.constant 1.000000e+00 : f32
    %div3A_34 = arith.divf %div3A, %sqrt3A_33 : f32
    %get3A_35 = arith.constant 0 : index
    %get3A_36 = arith.constant 0 : index
    %get3A_37 = vector.load %arg4[%get3A_35, %get3A_36] : memref<128x128xf32, #tpu.memory_space<vmem>>, vector<128x128xf32>
    %dot_general3A = arith.constant dense<0.000000e+00> : vector<1000x128xf32>
    %dot_general3A_38 = tpu.matmul %add3A, %get3A_37, %dot_general3A {dimension_numbers = #tpu.dot_dimension_numbers<[1], [0], [0], [1], [0, 0, 1, 1], [], []>, transpose_lhs_hint = false} : vector<1000x128xf32>, vector<128x128xf32>, vector<1000x128xf32> -> vector<1000x128xf32>
    %mul3A = arith.mulf %dot_general3A_38, %dot_general3A_38 : vector<1000x128xf32>
    %reduce_sum3A = arith.constant dense<0.000000e+00> : vector<1000xf32>
    %reduce_sum3A_39 = vector.multi_reduction <add>, %mul3A, %reduce_sum3A [1] : vector<1000x128xf32> to vector<1000xf32>
    %broadcast_in_dim3A = vector.shape_cast %reduce_sum3A_39 : vector<1000xf32> to vector<1000x1xf32>
    %sqrt3A_40 = math.sqrt %broadcast_in_dim3A : vector<1000x1xf32>
    %add3A_41 = arith.constant 9.99999997E-7 : f32
    %add3A_42 = vector.broadcast %add3A_41 : f32 to vector<1000x1xf32>
    %add3A_43 = arith.addf %sqrt3A_40, %add3A_42 : vector<1000x1xf32>
    %div3A_44 = vector.broadcast %add3A_43 : vector<1000x1xf32> to vector<1000x128xf32>
    %div3A_45 = arith.divf %dot_general3A_38, %div3A_44 : vector<1000x128xf32>
    %swap3A_46 = arith.constant 0 : index
    %swap3A_47 = arith.constant 0 : index
    %swap3A_48 = vector.load %arg11[%swap3A_46, %swap3A_47] : memref<1000x128xf32, #tpu.memory_space<vmem>>, vector<1000x128xf32>
    tpu.vector_store %arg11[%swap3A_46, %swap3A_47], %div3A_45 {strides = array<i32>} : memref<1000x128xf32, #tpu.memory_space<vmem>>, vector<1000x128xf32>,
    %get3A_49 = arith.constant 0 : index
    %get3A_50 = arith.constant 0 : index
    %get3A_51 = vector.load %arg5[%get3A_49, %get3A_50] : memref<128x128xf32, #tpu.memory_space<vmem>>, vector<128x128xf32>
    %dot_general3A_52 = arith.constant dense<0.000000e+00> : vector<1000x128xf32>
    %dot_general3A_53 = tpu.matmul %add3A_19, %get3A_51, %dot_general3A_52 {dimension_numbers = #tpu.dot_dimension_numbers<[1], [0], [0], [1], [0, 0, 1, 1], [], []>, transpose_lhs_hint = false} : vector<1000x128xf32>, vector<128x128xf32>, vector<1000x128xf32> -> vector<1000x128xf32>
    %swap3A_54 = arith.constant 0 : index
    %swap3A_55 = arith.constant 0 : index
    %swap3A_56 = vector.load %arg12[%swap3A_54, %swap3A_55] : memref<1000x128xf32, #tpu.memory_space<vmem>>, vector<1000x128xf32>
    tpu.vector_store %arg12[%swap3A_54, %swap3A_55], %dot_general3A_53 {strides = array<i32>} : memref<1000x128xf32, #tpu.memory_space<vmem>>, vector<1000x128xf32>,
    %get3A_57 = arith.constant 0 : index
    %get3A_58 = arith.constant 0 : index
    %get3A_59 = vector.load %arg6[%get3A_57, %get3A_58] : memref<128x1xf32, #tpu.memory_space<vmem>>, vector<128x1xf32>
    %dot_general3A_60 = arith.constant dense<0.000000e+00> : vector<1000x1xf32>
    %dot_general3A_61 = tpu.matmul %div3A_45, %get3A_59, %dot_general3A_60 {dimension_numbers = #tpu.dot_dimension_numbers<[1], [0], [0], [1], [0, 0, 1, 1], [], []>, transpose_lhs_hint = false} : vector<1000x128xf32>, vector<128x1xf32>, vector<1000x1xf32> -> vector<1000x1xf32>
    %mul3A_62 = vector.broadcast %div3A_34 : f32 to vector<1000x1xf32>
    %mul3A_63 = arith.mulf %dot_general3A_61, %mul3A_62 : vector<1000x1xf32>
    %swap3A_64 = arith.constant 0 : index
    %swap3A_65 = arith.constant 0 : index
    %swap3A_66 = vector.load %arg13[%swap3A_64, %swap3A_65] : memref<1000x1xf32, #tpu.memory_space<vmem>>, vector<1000x1xf32>
    tpu.vector_store %arg13[%swap3A_64, %swap3A_65], %mul3A_63 {strides = array<i32>} : memref<1000x1xf32, #tpu.memory_space<vmem>>, vector<1000x1xf32>,
    %get3A_67 = arith.constant 0 : index
    %get3A_68 = arith.constant 0 : index
    %get3A_69 = vector.load %arg7[%get3A_67, %get3A_68] : memref<128x128xf32, #tpu.memory_space<vmem>>, vector<128x128xf32>
    %dot_general3A_70 = arith.constant dense<0.000000e+00> : vector<1000x128xf32>
    %dot_general3A_71 = tpu.matmul %add3A, %get3A_69, %dot_general3A_70 {dimension_numbers = #tpu.dot_dimension_numbers<[1], [0], [0], [1], [0, 0, 1, 1], [], []>, transpose_lhs_hint = false} : vector<1000x128xf32>, vector<128x128xf32>, vector<1000x128xf32> -> vector<1000x128xf32>
    %mul3A_72 = arith.mulf %dot_general3A_71, %dot_general3A_71 : vector<1000x128xf32>
    %reduce_sum3A_73 = arith.constant dense<0.000000e+00> : vector<1000xf32>
    %reduce_sum3A_74 = vector.multi_reduction <add>, %mul3A_72, %reduce_sum3A_73 [1] : vector<1000x128xf32> to vector<1000xf32>
    %broadcast_in_dim3A_75 = vector.shape_cast %reduce_sum3A_74 : vector<1000xf32> to vector<1000x1xf32>
    %sqrt3A_76 = math.sqrt %broadcast_in_dim3A_75 : vector<1000x1xf32>
    %add3A_77 = arith.constant 9.99999997E-7 : f32
    %add3A_78 = vector.broadcast %add3A_77 : f32 to vector<1000x1xf32>
    %add3A_79 = arith.addf %sqrt3A_76, %add3A_78 : vector<1000x1xf32>
    %div3A_80 = vector.broadcast %add3A_79 : vector<1000x1xf32> to vector<1000x128xf32>
    %div3A_81 = arith.divf %dot_general3A_71, %div3A_80 : vector<1000x128xf32>
    %swap3A_82 = arith.constant 0 : index
    %swap3A_83 = arith.constant 0 : index
    %swap3A_84 = vector.load %arg14[%swap3A_82, %swap3A_83] : memref<1000x128xf32, #tpu.memory_space<vmem>>, vector<1000x128xf32>
    tpu.vector_store %arg14[%swap3A_82, %swap3A_83], %div3A_81 {strides = array<i32>} : memref<1000x128xf32, #tpu.memory_space<vmem>>, vector<1000x128xf32>,
    %get3A_85 = arith.constant 0 : index
    %get3A_86 = arith.constant 0 : index
    %get3A_87 = vector.load %arg8[%get3A_85, %get3A_86] : memref<128x128xf32, #tpu.memory_space<vmem>>, vector<128x128xf32>
    %dot_general3A_88 = arith.constant dense<0.000000e+00> : vector<1000x128xf32>
    %dot_general3A_89 = tpu.matmul %add3A_30, %get3A_87, %dot_general3A_88 {dimension_numbers = #tpu.dot_dimension_numbers<[1], [0], [0], [1], [0, 0, 1, 1], [], []>, transpose_lhs_hint = false} : vector<1000x128xf32>, vector<128x128xf32>, vector<1000x128xf32> -> vector<1000x128xf32>
    %swap3A_90 = arith.constant 0 : index
    %swap3A_91 = arith.constant 0 : index
    %swap3A_92 = vector.load %arg15[%swap3A_90, %swap3A_91] : memref<1000x128xf32, #tpu.memory_space<vmem>>, vector<1000x128xf32>
    tpu.vector_store %arg15[%swap3A_90, %swap3A_91], %dot_general3A_89 {strides = array<i32>} : memref<1000x128xf32, #tpu.memory_space<vmem>>, vector<1000x128xf32>,
    %get3A_93 = arith.constant 0 : index
    %get3A_94 = arith.constant 0 : index
    %get3A_95 = vector.load %arg9[%get3A_93, %get3A_94] : memref<128x1xf32, #tpu.memory_space<vmem>>, vector<128x1xf32>
    %dot_general3A_96 = arith.constant dense<0.000000e+00> : vector<1000x1xf32>
    %dot_general3A_97 = tpu.matmul %div3A_81, %get3A_95, %dot_general3A_96 {dimension_numbers = #tpu.dot_dimension_numbers<[1], [0], [0], [1], [0, 0, 1, 1], [], []>, transpose_lhs_hint = false} : vector<1000x128xf32>, vector<128x1xf32>, vector<1000x1xf32> -> vector<1000x1xf32>
    %mul3A_98 = vector.broadcast %div3A_34 : f32 to vector<1000x1xf32>
    %mul3A_99 = arith.mulf %dot_general3A_97, %mul3A_98 : vector<1000x1xf32>
    %swap3A_100 = arith.constant 0 : index
    %swap3A_101 = arith.constant 0 : index
    %swap3A_102 = vector.load %arg16[%swap3A_100, %swap3A_101] : memref<1000x1xf32, #tpu.memory_space<vmem>>, vector<1000x1xf32>
    tpu.vector_store %arg16[%swap3A_100, %swap3A_101], %mul3A_99 {strides = array<i32>} : memref<1000x1xf32, #tpu.memory_space<vmem>>, vector<1000x1xf32>,
    return
  }
  func.func @transform_0(%arg0: i32) -> (i32, i32, i32) {
    %c0_i32 = arith.constant 0 : i32
    %c0_i32_0 = arith.constant 0 : i32
    %c0_i32_1 = arith.constant 0 : i32
    return %c0_i32, %arg0, %c0_i32_0 : i32, i32, i32
  }
  func.func @transform_1(%arg0: i32) -> (i32, i32, i32) {
    %c0_i32 = arith.constant 0 : i32
    %c0_i32_0 = arith.constant 0 : i32
    %c0_i32_1 = arith.constant 0 : i32
    return %c0_i32, %arg0, %c0_i32_0 : i32, i32, i32
  }
  func.func @transform_2(%arg0: i32) -> (i32, i32, i32) {
    %c0_i32 = arith.constant 0 : i32
    %c0_i32_0 = arith.constant 0 : i32
    %c0_i32_1 = arith.constant 0 : i32
    return %c0_i32, %arg0, %c0_i32_0 : i32, i32, i32
  }
  func.func @transform_3(%arg0: i32) -> (i32, i32) {
    %c0_i32 = arith.constant 0 : i32
    %c0_i32_0 = arith.constant 0 : i32
    %c0_i32_1 = arith.constant 0 : i32
    return %c0_i32, %c0_i32_0 : i32, i32
  }
  func.func @transform_4(%arg0: i32) -> (i32, i32) {
    %c0_i32 = arith.constant 0 : i32
    %c0_i32_0 = arith.constant 0 : i32
    %c0_i32_1 = arith.constant 0 : i32
    return %c0_i32, %c0_i32_0 : i32, i32
  }
  func.func @transform_5(%arg0: i32) -> (i32, i32) {
    %c0_i32 = arith.constant 0 : i32
    %c0_i32_0 = arith.constant 0 : i32
    %c0_i32_1 = arith.constant 0 : i32
    return %c0_i32, %c0_i32_0 : i32, i32
  }
  func.func @transform_6(%arg0: i32) -> (i32, i32) {
    %c0_i32 = arith.constant 0 : i32
    %c0_i32_0 = arith.constant 0 : i32
    %c0_i32_1 = arith.constant 0 : i32
    return %c0_i32, %c0_i32_0 : i32, i32
  }
  func.func @transform_7(%arg0: i32) -> (i32, i32) {
    %c0_i32 = arith.constant 0 : i32
    %c0_i32_0 = arith.constant 0 : i32
    %c0_i32_1 = arith.constant 0 : i32
    return %c0_i32, %c0_i32_0 : i32, i32
  }
  func.func @transform_8(%arg0: i32) -> (i32, i32) {
    %c0_i32 = arith.constant 0 : i32
    %c0_i32_0 = arith.constant 0 : i32
    %c0_i32_1 = arith.constant 0 : i32
    return %c0_i32, %c0_i32_0 : i32, i32
  }
  func.func @transform_9(%arg0: i32) -> (i32, i32) {
    %c0_i32 = arith.constant 0 : i32
    %c0_i32_0 = arith.constant 0 : i32
    return %arg0, %c0_i32 : i32, i32
  }
  func.func @transform_10(%arg0: i32) -> (i32, i32) {
    %c0_i32 = arith.constant 0 : i32
    %c0_i32_0 = arith.constant 0 : i32
    return %arg0, %c0_i32 : i32, i32
  }
  func.func @transform_11(%arg0: i32) -> (i32, i32) {
    %c0_i32 = arith.constant 0 : i32
    %c0_i32_0 = arith.constant 0 : i32
    return %arg0, %c0_i32 : i32, i32
  }
  func.func @transform_12(%arg0: i32) -> (i32, i32) {
    %c0_i32 = arith.constant 0 : i32
    %c0_i32_0 = arith.constant 0 : i32
    return %arg0, %c0_i32 : i32, i32
  }
  func.func @transform_13(%arg0: i32) -> (i32, i32) {
    %c0_i32 = arith.constant 0 : i32
    %c0_i32_0 = arith.constant 0 : i32
    return %arg0, %c0_i32 : i32, i32
  }
  func.func @transform_14(%arg0: i32) -> (i32, i32) {
    %c0_i32 = arith.constant 0 : i32
    %c0_i32_0 = arith.constant 0 : i32
    return %arg0, %c0_i32 : i32, i32
  }
  func.func @transform_15(%arg0: i32) -> (i32, i32) {
    %c0_i32 = arith.constant 0 : i32
    %c0_i32_0 = arith.constant 0 : i32
    return %arg0, %c0_i32 : i32, i32
  }
}

module attributes {stable_mosaic.version = 14 : i64} {
  func.func @_tc_b2_body(%arg0: memref<10000x128xf32, #tpu.memory_space<vmem>>, %arg1: memref<10000x1xf32, #tpu.memory_space<vmem>>, %arg2: memref<10000x128xf32, #tpu.memory_space<vmem>>, %arg3: memref<10000x1xf32, #tpu.memory_space<vmem>>, %arg4: memref<1x128xf32, #tpu.memory_space<vmem>>, %arg5: memref<1x128xf32, #tpu.memory_space<vmem>>) attributes {dimension_semantics = [], scalar_prefetch = 0 : i64, scratch_operands = 0 : i64, tpu.core_type = #tpu.core_type<tc>} {
    %get3A = arith.constant 0 : index
    %get3A_0 = arith.constant 0 : index
    %get3A_1 = vector.load %arg1[%get3A, %get3A_0] : memref<10000x1xf32, #tpu.memory_space<vmem>>, vector<10000x1xf32>
    %reduce_max3A = vector.shape_cast %get3A_1 : vector<10000x1xf32> to vector<1x10000x1xf32>
    %reduce_max3A_2 = arith.constant dense<0xFF800000> : vector<1xf32>
    %reduce_max3A_3 = vector.multi_reduction <maximumf>, %reduce_max3A, %reduce_max3A_2 [1, 2] : vector<1x10000x1xf32> to vector<1xf32>
    %reduce_max3A_4 = vector.shape_cast %reduce_max3A_3 : vector<1xf32> to vector<1x1x1xf32>
    %reduce_max3A_5 = vector.extract %reduce_max3A_4[0, 0, 0] : f32 from vector<1x1x1xf32>
    %sub3A = vector.broadcast %reduce_max3A_5 : f32 to vector<10000x1xf32>
    %sub3A_6 = arith.subf %get3A_1, %sub3A : vector<10000x1xf32>
    %exp3A = math.exp %sub3A_6 : vector<10000x1xf32>
    %reduce_sum3A = vector.shape_cast %exp3A : vector<10000x1xf32> to vector<1x10000x1xf32>
    %reduce_sum3A_7 = arith.constant dense<0.000000e+00> : vector<1xf32>
    %reduce_sum3A_8 = vector.multi_reduction <add>, %reduce_sum3A, %reduce_sum3A_7 [1, 2] : vector<1x10000x1xf32> to vector<1xf32>
    %reduce_sum3A_9 = vector.shape_cast %reduce_sum3A_8 : vector<1xf32> to vector<1x1x1xf32>
    %reduce_sum3A_10 = vector.extract %reduce_sum3A_9[0, 0, 0] : f32 from vector<1x1x1xf32>
    %div3A = vector.broadcast %reduce_sum3A_10 : f32 to vector<10000x1xf32>
    %div3A_11 = arith.divf %exp3A, %div3A : vector<10000x1xf32>
    %get3A_12 = arith.constant 0 : index
    %get3A_13 = arith.constant 0 : index
    %get3A_14 = vector.load %arg0[%get3A_12, %get3A_13] : memref<10000x128xf32, #tpu.memory_space<vmem>>, vector<10000x128xf32>
    %mul3A = vector.broadcast %div3A_11 : vector<10000x1xf32> to vector<10000x128xf32>
    %mul3A_15 = arith.mulf %mul3A, %get3A_14 : vector<10000x128xf32>
    %reduce_sum3A_16 = arith.constant dense<0.000000e+00> : vector<128xf32>
    %reduce_sum3A_17 = vector.multi_reduction <add>, %mul3A_15, %reduce_sum3A_16 [0] : vector<10000x128xf32> to vector<128xf32>
    %broadcast_in_dim3A = vector.shape_cast %reduce_sum3A_17 : vector<128xf32> to vector<1x128xf32>
    %swap3A = arith.constant 0 : index
    %swap3A_18 = arith.constant 0 : index
    %swap3A_19 = vector.load %arg4[%swap3A, %swap3A_18] : memref<1x128xf32, #tpu.memory_space<vmem>>, vector<1x128xf32>
    tpu.vector_store %arg4[%swap3A, %swap3A_18], %broadcast_in_dim3A {strides = array<i32>} : memref<1x128xf32, #tpu.memory_space<vmem>>, vector<1x128xf32>,
    %get3A_20 = arith.constant 0 : index
    %get3A_21 = arith.constant 0 : index
    %get3A_22 = vector.load %arg3[%get3A_20, %get3A_21] : memref<10000x1xf32, #tpu.memory_space<vmem>>, vector<10000x1xf32>
    %reduce_max3A_23 = vector.shape_cast %get3A_22 : vector<10000x1xf32> to vector<1x10000x1xf32>
    %reduce_max3A_24 = arith.constant dense<0xFF800000> : vector<1xf32>
    %reduce_max3A_25 = vector.multi_reduction <maximumf>, %reduce_max3A_23, %reduce_max3A_24 [1, 2] : vector<1x10000x1xf32> to vector<1xf32>
    %reduce_max3A_26 = vector.shape_cast %reduce_max3A_25 : vector<1xf32> to vector<1x1x1xf32>
    %reduce_max3A_27 = vector.extract %reduce_max3A_26[0, 0, 0] : f32 from vector<1x1x1xf32>
    %sub3A_28 = vector.broadcast %reduce_max3A_27 : f32 to vector<10000x1xf32>
    %sub3A_29 = arith.subf %get3A_22, %sub3A_28 : vector<10000x1xf32>
    %exp3A_30 = math.exp %sub3A_29 : vector<10000x1xf32>
    %reduce_sum3A_31 = vector.shape_cast %exp3A_30 : vector<10000x1xf32> to vector<1x10000x1xf32>
    %reduce_sum3A_32 = arith.constant dense<0.000000e+00> : vector<1xf32>
    %reduce_sum3A_33 = vector.multi_reduction <add>, %reduce_sum3A_31, %reduce_sum3A_32 [1, 2] : vector<1x10000x1xf32> to vector<1xf32>
    %reduce_sum3A_34 = vector.shape_cast %reduce_sum3A_33 : vector<1xf32> to vector<1x1x1xf32>
    %reduce_sum3A_35 = vector.extract %reduce_sum3A_34[0, 0, 0] : f32 from vector<1x1x1xf32>
    %div3A_36 = vector.broadcast %reduce_sum3A_35 : f32 to vector<10000x1xf32>
    %div3A_37 = arith.divf %exp3A_30, %div3A_36 : vector<10000x1xf32>
    %get3A_38 = arith.constant 0 : index
    %get3A_39 = arith.constant 0 : index
    %get3A_40 = vector.load %arg2[%get3A_38, %get3A_39] : memref<10000x128xf32, #tpu.memory_space<vmem>>, vector<10000x128xf32>
    %mul3A_41 = vector.broadcast %div3A_37 : vector<10000x1xf32> to vector<10000x128xf32>
    %mul3A_42 = arith.mulf %mul3A_41, %get3A_40 : vector<10000x128xf32>
    %reduce_sum3A_43 = arith.constant dense<0.000000e+00> : vector<128xf32>
    %reduce_sum3A_44 = vector.multi_reduction <add>, %mul3A_42, %reduce_sum3A_43 [0] : vector<10000x128xf32> to vector<128xf32>
    %broadcast_in_dim3A_45 = vector.shape_cast %reduce_sum3A_44 : vector<128xf32> to vector<1x128xf32>
    %swap3A_46 = arith.constant 0 : index
    %swap3A_47 = arith.constant 0 : index
    %swap3A_48 = vector.load %arg5[%swap3A_46, %swap3A_47] : memref<1x128xf32, #tpu.memory_space<vmem>>, vector<1x128xf32>
    tpu.vector_store %arg5[%swap3A_46, %swap3A_47], %broadcast_in_dim3A_45 {strides = array<i32>} : memref<1x128xf32, #tpu.memory_space<vmem>>, vector<1x128xf32>,
    return
  }
}

module attributes {stable_mosaic.version = 14 : i64} {
  func.func @_tc_b3_body(%arg0: i32, %arg1: memref<1000x128xf32, #tpu.memory_space<vmem>>, %arg2: memref<1000x128xf32, #tpu.memory_space<vmem>>, %arg3: memref<1000x128xf32, #tpu.memory_space<vmem>>, %arg4: memref<1000x128xf32, #tpu.memory_space<vmem>>, %arg5: memref<1000x128xf32, #tpu.memory_space<vmem>>, %arg6: memref<1x128xf32, #tpu.memory_space<vmem>>, %arg7: memref<1x128xf32, #tpu.memory_space<vmem>>, %arg8: memref<128x128xf32, #tpu.memory_space<vmem>>, %arg9: memref<128x128xf32, #tpu.memory_space<vmem>>, %arg10: memref<256x256xf32, #tpu.memory_space<vmem>>, %arg11: memref<256x1xf32, #tpu.memory_space<vmem>>, %arg12: memref<256x128xf32, #tpu.memory_space<vmem>>, %arg13: memref<256x128xf32, #tpu.memory_space<vmem>>, %arg14: memref<1000x256xf32, #tpu.memory_space<vmem>>, %arg15: memref<1000x256xf32, #tpu.memory_space<vmem>>, %arg16: memref<1000x256xf32, #tpu.memory_space<vmem>>, %arg17: memref<1000x2xf32, #tpu.memory_space<vmem>>, %arg18: memref<1000x128xf32, #tpu.memory_space<vmem>>, %arg19: memref<1000x128xf32, #tpu.memory_space<vmem>>) attributes {dimension_semantics = [#tpu.dimension_semantics<arbitrary>], iteration_bounds = array<i64: 10>, scalar_prefetch = 0 : i64, scratch_operands = 0 : i64, tpu.core_type = #tpu.core_type<tc>, window_params = [{transform_indices = @transform_0, window_bounds = array<i64: 1000, 128>}, {transform_indices = @transform_1, window_bounds = array<i64: 1000, 128>}, {transform_indices = @transform_2, window_bounds = array<i64: 1000, 128>}, {transform_indices = @transform_3, window_bounds = array<i64: 1000, 128>}, {transform_indices = @transform_4, window_bounds = array<i64: 1000, 128>}, {pipeline_mode = #tpu.pipeline_mode<synchronous>, transform_indices = @transform_5, window_bounds = array<i64: 1, 128>}, {pipeline_mode = #tpu.pipeline_mode<synchronous>, transform_indices = @transform_6, window_bounds = array<i64: 1, 128>}, {pipeline_mode = #tpu.pipeline_mode<synchronous>, transform_indices = @transform_7, window_bounds = array<i64: 128, 128>}, {pipeline_mode = #tpu.pipeline_mode<synchronous>, transform_indices = @transform_8, window_bounds = array<i64: 128, 128>}, {pipeline_mode = #tpu.pipeline_mode<synchronous>, transform_indices = @transform_9, window_bounds = array<i64: 256, 256>}, {pipeline_mode = #tpu.pipeline_mode<synchronous>, transform_indices = @transform_10, window_bounds = array<i64: 256, 1>}, {pipeline_mode = #tpu.pipeline_mode<synchronous>, transform_indices = @transform_11, window_bounds = array<i64: 256, 128>}, {pipeline_mode = #tpu.pipeline_mode<synchronous>, transform_indices = @transform_12, window_bounds = array<i64: 256, 128>}, {transform_indices = @transform_13, window_bounds = array<i64: 1000, 256>}, {transform_indices = @transform_14, window_bounds = array<i64: 1000, 256>}, {transform_indices = @transform_15, window_bounds = array<i64: 1000, 256>}, {transform_indices = @transform_16, window_bounds = array<i64: 1000, 2>}, {transform_indices = @transform_17, window_bounds = array<i64: 1000, 128>}, {transform_indices = @transform_18, window_bounds = array<i64: 1000, 128>}]} {
    %get3A = arith.constant 0 : index
    %get3A_0 = arith.constant 0 : index
    %get3A_1 = vector.load %arg5[%get3A, %get3A_0] : memref<1000x128xf32, #tpu.memory_space<vmem>>, vector<1000x128xf32>
    %get3A_2 = arith.constant 0 : index
    %get3A_3 = arith.constant 0 : index
    %get3A_4 = vector.load %arg6[%get3A_2, %get3A_3] : memref<1x128xf32, #tpu.memory_space<vmem>>, vector<1x128xf32>
    %get3A_5 = arith.constant 0 : index
    %get3A_6 = arith.constant 0 : index
    %get3A_7 = vector.load %arg2[%get3A_5, %get3A_6] : memref<1000x128xf32, #tpu.memory_space<vmem>>, vector<1000x128xf32>
    %mul3A = vector.broadcast %get3A_4 : vector<1x128xf32> to vector<1000x128xf32>
    %mul3A_8 = arith.mulf %mul3A, %get3A_7 : vector<1000x128xf32>
    %get3A_9 = arith.constant 0 : index
    %get3A_10 = arith.constant 0 : index
    %get3A_11 = vector.load %arg8[%get3A_9, %get3A_10] : memref<128x128xf32, #tpu.memory_space<vmem>>, vector<128x128xf32>
    %dot_general3A = arith.constant dense<0.000000e+00> : vector<1000x128xf32>
    %dot_general3A_12 = tpu.matmul %mul3A_8, %get3A_11, %dot_general3A {dimension_numbers = #tpu.dot_dimension_numbers<[1], [0], [0], [1], [0, 0, 1, 1], [], []>, transpose_lhs_hint = false} : vector<1000x128xf32>, vector<128x128xf32>, vector<1000x128xf32> -> vector<1000x128xf32>
    %get3A_13 = arith.constant 0 : index
    %get3A_14 = arith.constant 0 : index
    %get3A_15 = vector.load %arg1[%get3A_13, %get3A_14] : memref<1000x128xf32, #tpu.memory_space<vmem>>, vector<1000x128xf32>
    %add3A = arith.addf %dot_general3A_12, %get3A_15 : vector<1000x128xf32>
    %get3A_16 = arith.constant 0 : index
    %get3A_17 = arith.constant 0 : index
    %get3A_18 = vector.load %arg7[%get3A_16, %get3A_17] : memref<1x128xf32, #tpu.memory_space<vmem>>, vector<1x128xf32>
    %get3A_19 = arith.constant 0 : index
    %get3A_20 = arith.constant 0 : index
    %get3A_21 = vector.load %arg4[%get3A_19, %get3A_20] : memref<1000x128xf32, #tpu.memory_space<vmem>>, vector<1000x128xf32>
    %mul3A_22 = vector.broadcast %get3A_18 : vector<1x128xf32> to vector<1000x128xf32>
    %mul3A_23 = arith.mulf %mul3A_22, %get3A_21 : vector<1000x128xf32>
    %get3A_24 = arith.constant 0 : index
    %get3A_25 = arith.constant 0 : index
    %get3A_26 = vector.load %arg9[%get3A_24, %get3A_25] : memref<128x128xf32, #tpu.memory_space<vmem>>, vector<128x128xf32>
    %dot_general3A_27 = arith.constant dense<0.000000e+00> : vector<1000x128xf32>
    %dot_general3A_28 = tpu.matmul %mul3A_23, %get3A_26, %dot_general3A_27 {dimension_numbers = #tpu.dot_dimension_numbers<[1], [0], [0], [1], [0, 0, 1, 1], [], []>, transpose_lhs_hint = false} : vector<1000x128xf32>, vector<128x128xf32>, vector<1000x128xf32> -> vector<1000x128xf32>
    %get3A_29 = arith.constant 0 : index
    %get3A_30 = arith.constant 0 : index
    %get3A_31 = vector.load %arg3[%get3A_29, %get3A_30] : memref<1000x128xf32, #tpu.memory_space<vmem>>, vector<1000x128xf32>
    %add3A_32 = arith.addf %dot_general3A_28, %get3A_31 : vector<1000x128xf32>
    %concatenate3A = tpu.concatenate %add3A, %get3A_1 in 1 : vector<1000x128xf32>, vector<1000x128xf32> -> vector<1000x256xf32>
    %concatenate3A_33 = tpu.concatenate %add3A_32, %get3A_1 in 1 : vector<1000x128xf32>, vector<1000x128xf32> -> vector<1000x256xf32>
    %get3A_34 = arith.constant 0 : index
    %get3A_35 = arith.constant 0 : index
    %get3A_36 = vector.load %arg10[%get3A_34, %get3A_35] : memref<256x256xf32, #tpu.memory_space<vmem>>, vector<256x256xf32>
    %dot_general3A_37 = arith.constant dense<0.000000e+00> : vector<1000x256xf32>
    %dot_general3A_38 = tpu.matmul %concatenate3A, %get3A_36, %dot_general3A_37 {dimension_numbers = #tpu.dot_dimension_numbers<[1], [0], [0], [1], [0, 0, 1, 1], [], []>, transpose_lhs_hint = false} : vector<1000x256xf32>, vector<256x256xf32>, vector<1000x256xf32> -> vector<1000x256xf32>
    %tanh3A = math.tanh %dot_general3A_38 : vector<1000x256xf32>
    %get3A_39 = arith.constant 0 : index
    %get3A_40 = arith.constant 0 : index
    %get3A_41 = vector.load %arg10[%get3A_39, %get3A_40] : memref<256x256xf32, #tpu.memory_space<vmem>>, vector<256x256xf32>
    %dot_general3A_42 = arith.constant dense<0.000000e+00> : vector<1000x256xf32>
    %dot_general3A_43 = tpu.matmul %concatenate3A_33, %get3A_41, %dot_general3A_42 {dimension_numbers = #tpu.dot_dimension_numbers<[1], [0], [0], [1], [0, 0, 1, 1], [], []>, transpose_lhs_hint = false} : vector<1000x256xf32>, vector<256x256xf32>, vector<1000x256xf32> -> vector<1000x256xf32>
    %tanh3A_44 = math.tanh %dot_general3A_43 : vector<1000x256xf32>
    %get3A_45 = arith.constant 0 : index
    %get3A_46 = arith.constant 0 : index
    %get3A_47 = vector.load %arg11[%get3A_45, %get3A_46] : memref<256x1xf32, #tpu.memory_space<vmem>>, vector<256x1xf32>
    %dot_general3A_48 = arith.constant dense<0.000000e+00> : vector<1000x1xf32>
    %dot_general3A_49 = tpu.matmul %tanh3A, %get3A_47, %dot_general3A_48 {dimension_numbers = #tpu.dot_dimension_numbers<[1], [0], [0], [1], [0, 0, 1, 1], [], []>, transpose_lhs_hint = false} : vector<1000x256xf32>, vector<256x1xf32>, vector<1000x1xf32> -> vector<1000x1xf32>
    %get3A_50 = arith.constant 0 : index
    %get3A_51 = arith.constant 0 : index
    %get3A_52 = vector.load %arg11[%get3A_50, %get3A_51] : memref<256x1xf32, #tpu.memory_space<vmem>>, vector<256x1xf32>
    %dot_general3A_53 = arith.constant dense<0.000000e+00> : vector<1000x1xf32>
    %dot_general3A_54 = tpu.matmul %tanh3A_44, %get3A_52, %dot_general3A_53 {dimension_numbers = #tpu.dot_dimension_numbers<[1], [0], [0], [1], [0, 0, 1, 1], [], []>, transpose_lhs_hint = false} : vector<1000x256xf32>, vector<256x1xf32>, vector<1000x1xf32> -> vector<1000x1xf32>
    %max3A = arith.maximumf %dot_general3A_49, %dot_general3A_54 : vector<1000x1xf32>
    %sub3A = arith.subf %dot_general3A_49, %max3A : vector<1000x1xf32>
    %exp3A = math.exp %sub3A : vector<1000x1xf32>
    %sub3A_55 = arith.subf %dot_general3A_54, %max3A : vector<1000x1xf32>
    %exp3A_56 = math.exp %sub3A_55 : vector<1000x1xf32>
    %add3A_57 = arith.addf %exp3A, %exp3A_56 : vector<1000x1xf32>
    %div3A = arith.constant 1.000000e+00 : f32
    %div3A_58 = vector.broadcast %div3A : f32 to vector<1000x1xf32>
    %div3A_59 = arith.divf %div3A_58, %add3A_57 : vector<1000x1xf32>
    %mul3A_60 = arith.mulf %exp3A, %div3A_59 : vector<1000x1xf32>
    %mul3A_61 = arith.mulf %exp3A_56, %div3A_59 : vector<1000x1xf32>
    %mul3A_62 = vector.broadcast %mul3A_60 : vector<1000x1xf32> to vector<1000x256xf32>
    %mul3A_63 = arith.mulf %mul3A_62, %concatenate3A : vector<1000x256xf32>
    %mul3A_64 = vector.broadcast %mul3A_61 : vector<1000x1xf32> to vector<1000x256xf32>
    %mul3A_65 = arith.mulf %mul3A_64, %concatenate3A_33 : vector<1000x256xf32>
    %add3A_66 = arith.addf %mul3A_63, %mul3A_65 : vector<1000x256xf32>
    %swap3A = arith.constant 0 : index
    %swap3A_67 = arith.constant 0 : index
    %swap3A_68 = vector.load %arg14[%swap3A, %swap3A_67] : memref<1000x256xf32, #tpu.memory_space<vmem>>, vector<1000x256xf32>
    tpu.vector_store %arg14[%swap3A, %swap3A_67], %concatenate3A {strides = array<i32>} : memref<1000x256xf32, #tpu.memory_space<vmem>>, vector<1000x256xf32>,
    %swap3A_69 = arith.constant 0 : index
    %swap3A_70 = arith.constant 0 : index
    %swap3A_71 = vector.load %arg15[%swap3A_69, %swap3A_70] : memref<1000x256xf32, #tpu.memory_space<vmem>>, vector<1000x256xf32>
    tpu.vector_store %arg15[%swap3A_69, %swap3A_70], %concatenate3A_33 {strides = array<i32>} : memref<1000x256xf32, #tpu.memory_space<vmem>>, vector<1000x256xf32>,
    %swap3A_72 = arith.constant 0 : index
    %swap3A_73 = arith.constant 0 : index
    %swap3A_74 = vector.load %arg16[%swap3A_72, %swap3A_73] : memref<1000x256xf32, #tpu.memory_space<vmem>>, vector<1000x256xf32>
    tpu.vector_store %arg16[%swap3A_72, %swap3A_73], %add3A_66 {strides = array<i32>} : memref<1000x256xf32, #tpu.memory_space<vmem>>, vector<1000x256xf32>,
    %concatenate3A_75 = tpu.concatenate %mul3A_60, %mul3A_61 in 1 : vector<1000x1xf32>, vector<1000x1xf32> -> vector<1000x2xf32>
    %swap3A_76 = arith.constant 0 : index
    %swap3A_77 = arith.constant 0 : index
    %swap3A_78 = vector.load %arg17[%swap3A_76, %swap3A_77] : memref<1000x2xf32, #tpu.memory_space<vmem>>, vector<1000x2xf32>
    tpu.vector_store %arg17[%swap3A_76, %swap3A_77], %concatenate3A_75 {strides = array<i32>} : memref<1000x2xf32, #tpu.memory_space<vmem>>, vector<1000x2xf32>,
    %get3A_79 = arith.constant 0 : index
    %get3A_80 = arith.constant 0 : index
    %get3A_81 = vector.load %arg12[%get3A_79, %get3A_80] : memref<256x128xf32, #tpu.memory_space<vmem>>, vector<256x128xf32>
    %dot_general3A_82 = arith.constant dense<0.000000e+00> : vector<1000x128xf32>
    %dot_general3A_83 = tpu.matmul %add3A_66, %get3A_81, %dot_general3A_82 {dimension_numbers = #tpu.dot_dimension_numbers<[1], [0], [0], [1], [0, 0, 1, 1], [], []>, transpose_lhs_hint = false} : vector<1000x256xf32>, vector<256x128xf32>, vector<1000x128xf32> -> vector<1000x128xf32>
    %swap3A_84 = arith.constant 0 : index
    %swap3A_85 = arith.constant 0 : index
    %swap3A_86 = vector.load %arg18[%swap3A_84, %swap3A_85] : memref<1000x128xf32, #tpu.memory_space<vmem>>, vector<1000x128xf32>
    tpu.vector_store %arg18[%swap3A_84, %swap3A_85], %dot_general3A_83 {strides = array<i32>} : memref<1000x128xf32, #tpu.memory_space<vmem>>, vector<1000x128xf32>,
    %get3A_87 = arith.constant 0 : index
    %get3A_88 = arith.constant 0 : index
    %get3A_89 = vector.load %arg13[%get3A_87, %get3A_88] : memref<256x128xf32, #tpu.memory_space<vmem>>, vector<256x128xf32>
    %dot_general3A_90 = arith.constant dense<0.000000e+00> : vector<1000x128xf32>
    %dot_general3A_91 = tpu.matmul %add3A_66, %get3A_89, %dot_general3A_90 {dimension_numbers = #tpu.dot_dimension_numbers<[1], [0], [0], [1], [0, 0, 1, 1], [], []>, transpose_lhs_hint = false} : vector<1000x256xf32>, vector<256x128xf32>, vector<1000x128xf32> -> vector<1000x128xf32>
    %swap3A_92 = arith.constant 0 : index
    %swap3A_93 = arith.constant 0 : index
    %swap3A_94 = vector.load %arg19[%swap3A_92, %swap3A_93] : memref<1000x128xf32, #tpu.memory_space<vmem>>, vector<1000x128xf32>
    tpu.vector_store %arg19[%swap3A_92, %swap3A_93], %dot_general3A_91 {strides = array<i32>} : memref<1000x128xf32, #tpu.memory_space<vmem>>, vector<1000x128xf32>,
    return
  }
  func.func @transform_0(%arg0: i32) -> (i32, i32) {
    %c0_i32 = arith.constant 0 : i32
    %c0_i32_0 = arith.constant 0 : i32
    return %arg0, %c0_i32 : i32, i32
  }
  func.func @transform_1(%arg0: i32) -> (i32, i32) {
    %c0_i32 = arith.constant 0 : i32
    %c0_i32_0 = arith.constant 0 : i32
    return %arg0, %c0_i32 : i32, i32
  }
  func.func @transform_2(%arg0: i32) -> (i32, i32) {
    %c0_i32 = arith.constant 0 : i32
    %c0_i32_0 = arith.constant 0 : i32
    return %arg0, %c0_i32 : i32, i32
  }
  func.func @transform_3(%arg0: i32) -> (i32, i32) {
    %c0_i32 = arith.constant 0 : i32
    %c0_i32_0 = arith.constant 0 : i32
    return %arg0, %c0_i32 : i32, i32
  }
  func.func @transform_4(%arg0: i32) -> (i32, i32) {
    %c0_i32 = arith.constant 0 : i32
    %c0_i32_0 = arith.constant 0 : i32
    return %arg0, %c0_i32 : i32, i32
  }
  func.func @transform_5(%arg0: i32) -> (i32, i32) {
    %c0_i32 = arith.constant 0 : i32
    %c0_i32_0 = arith.constant 0 : i32
    %c0_i32_1 = arith.constant 0 : i32
    return %c0_i32, %c0_i32_0 : i32, i32
  }
  func.func @transform_6(%arg0: i32) -> (i32, i32) {
    %c0_i32 = arith.constant 0 : i32
    %c0_i32_0 = arith.constant 0 : i32
    %c0_i32_1 = arith.constant 0 : i32
    return %c0_i32, %c0_i32_0 : i32, i32
  }
  func.func @transform_7(%arg0: i32) -> (i32, i32) {
    %c0_i32 = arith.constant 0 : i32
    %c0_i32_0 = arith.constant 0 : i32
    %c0_i32_1 = arith.constant 0 : i32
    return %c0_i32, %c0_i32_0 : i32, i32
  }
  func.func @transform_8(%arg0: i32) -> (i32, i32) {
    %c0_i32 = arith.constant 0 : i32
    %c0_i32_0 = arith.constant 0 : i32
    %c0_i32_1 = arith.constant 0 : i32
    return %c0_i32, %c0_i32_0 : i32, i32
  }
  func.func @transform_9(%arg0: i32) -> (i32, i32) {
    %c0_i32 = arith.constant 0 : i32
    %c0_i32_0 = arith.constant 0 : i32
    %c0_i32_1 = arith.constant 0 : i32
    return %c0_i32, %c0_i32_0 : i32, i32
  }
  func.func @transform_10(%arg0: i32) -> (i32, i32) {
    %c0_i32 = arith.constant 0 : i32
    %c0_i32_0 = arith.constant 0 : i32
    %c0_i32_1 = arith.constant 0 : i32
    return %c0_i32, %c0_i32_0 : i32, i32
  }
  func.func @transform_11(%arg0: i32) -> (i32, i32) {
    %c0_i32 = arith.constant 0 : i32
    %c0_i32_0 = arith.constant 0 : i32
    %c0_i32_1 = arith.constant 0 : i32
    return %c0_i32, %c0_i32_0 : i32, i32
  }
  func.func @transform_12(%arg0: i32) -> (i32, i32) {
    %c0_i32 = arith.constant 0 : i32
    %c0_i32_0 = arith.constant 0 : i32
    %c0_i32_1 = arith.constant 0 : i32
    return %c0_i32, %c0_i32_0 : i32, i32
  }
  func.func @transform_13(%arg0: i32) -> (i32, i32) {
    %c0_i32 = arith.constant 0 : i32
    %c0_i32_0 = arith.constant 0 : i32
    return %arg0, %c0_i32 : i32, i32
  }
  func.func @transform_14(%arg0: i32) -> (i32, i32) {
    %c0_i32 = arith.constant 0 : i32
    %c0_i32_0 = arith.constant 0 : i32
    return %arg0, %c0_i32 : i32, i32
  }
  func.func @transform_15(%arg0: i32) -> (i32, i32) {
    %c0_i32 = arith.constant 0 : i32
    %c0_i32_0 = arith.constant 0 : i32
    return %arg0, %c0_i32 : i32, i32
  }
  func.func @transform_16(%arg0: i32) -> (i32, i32) {
    %c0_i32 = arith.constant 0 : i32
    %c0_i32_0 = arith.constant 0 : i32
    return %arg0, %c0_i32 : i32, i32
  }
  func.func @transform_17(%arg0: i32) -> (i32, i32) {
    %c0_i32 = arith.constant 0 : i32
    %c0_i32_0 = arith.constant 0 : i32
    return %arg0, %c0_i32 : i32, i32
  }
  func.func @transform_18(%arg0: i32) -> (i32, i32) {
    %c0_i32 = arith.constant 0 : i32
    %c0_i32_0 = arith.constant 0 : i32
    return %arg0, %c0_i32 : i32, i32
  }
}

module attributes {stable_mosaic.version = 14 : i64} {
  func.func @_tc_c_body(%arg0: i32, %arg1: memref<2x1000x128xf32, #tpu.memory_space<vmem>>, %arg2: memref<2x1000x128xf32, #tpu.memory_space<vmem>>, %arg3: memref<1000x128xf32, #tpu.memory_space<vmem>>, %arg4: memref<1000x128xf32, #tpu.memory_space<vmem>>) attributes {dimension_semantics = [#tpu.dimension_semantics<arbitrary>], iteration_bounds = array<i64: 10>, scalar_prefetch = 0 : i64, scratch_operands = 0 : i64, tpu.core_type = #tpu.core_type<tc>, window_params = [{transform_indices = @transform_0, window_bounds = array<i64: 2, 1000, 128>}, {transform_indices = @transform_1, window_bounds = array<i64: 2, 1000, 128>}, {transform_indices = @transform_2, window_bounds = array<i64: 1000, 128>}, {transform_indices = @transform_3, window_bounds = array<i64: 1000, 128>}]} {
    %get3A = arith.constant 0 : index
    %get3A_0 = arith.constant 0 : index
    %get3A_1 = arith.constant 0 : index
    %get3A_2 = vector.load %arg1[%get3A, %get3A_0, %get3A_1] : memref<2x1000x128xf32, #tpu.memory_space<vmem>>, vector<1x1000x128xf32>
    %get3A_3 = vector.shape_cast %get3A_2 : vector<1x1000x128xf32> to vector<1000x128xf32>
    %get3A_4 = arith.constant 1 : index
    %get3A_5 = arith.constant 0 : index
    %get3A_6 = arith.constant 0 : index
    %get3A_7 = vector.load %arg1[%get3A_4, %get3A_5, %get3A_6] : memref<2x1000x128xf32, #tpu.memory_space<vmem>>, vector<1x1000x128xf32>
    %get3A_8 = vector.shape_cast %get3A_7 : vector<1x1000x128xf32> to vector<1000x128xf32>
    %add3A = arith.addf %get3A_3, %get3A_8 : vector<1000x128xf32>
    %swap3A = arith.constant 0 : index
    %swap3A_9 = arith.constant 0 : index
    %swap3A_10 = vector.load %arg3[%swap3A, %swap3A_9] : memref<1000x128xf32, #tpu.memory_space<vmem>>, vector<1000x128xf32>
    tpu.vector_store %arg3[%swap3A, %swap3A_9], %add3A {strides = array<i32>} : memref<1000x128xf32, #tpu.memory_space<vmem>>, vector<1000x128xf32>,
    %get3A_11 = arith.constant 0 : index
    %get3A_12 = arith.constant 0 : index
    %get3A_13 = arith.constant 0 : index
    %get3A_14 = vector.load %arg2[%get3A_11, %get3A_12, %get3A_13] : memref<2x1000x128xf32, #tpu.memory_space<vmem>>, vector<1x1000x128xf32>
    %get3A_15 = vector.shape_cast %get3A_14 : vector<1x1000x128xf32> to vector<1000x128xf32>
    %get3A_16 = arith.constant 1 : index
    %get3A_17 = arith.constant 0 : index
    %get3A_18 = arith.constant 0 : index
    %get3A_19 = vector.load %arg2[%get3A_16, %get3A_17, %get3A_18] : memref<2x1000x128xf32, #tpu.memory_space<vmem>>, vector<1x1000x128xf32>
    %get3A_20 = vector.shape_cast %get3A_19 : vector<1x1000x128xf32> to vector<1000x128xf32>
    %add3A_21 = arith.addf %get3A_15, %get3A_20 : vector<1000x128xf32>
    %swap3A_22 = arith.constant 0 : index
    %swap3A_23 = arith.constant 0 : index
    %swap3A_24 = vector.load %arg4[%swap3A_22, %swap3A_23] : memref<1000x128xf32, #tpu.memory_space<vmem>>, vector<1000x128xf32>
    tpu.vector_store %arg4[%swap3A_22, %swap3A_23], %add3A_21 {strides = array<i32>} : memref<1000x128xf32, #tpu.memory_space<vmem>>, vector<1000x128xf32>,
    return
  }
  func.func @transform_0(%arg0: i32) -> (i32, i32, i32) {
    %c0_i32 = arith.constant 0 : i32
    %c0_i32_0 = arith.constant 0 : i32
    %c0_i32_1 = arith.constant 0 : i32
    return %c0_i32, %arg0, %c0_i32_0 : i32, i32, i32
  }
  func.func @transform_1(%arg0: i32) -> (i32, i32, i32) {
    %c0_i32 = arith.constant 0 : i32
    %c0_i32_0 = arith.constant 0 : i32
    %c0_i32_1 = arith.constant 0 : i32
    return %c0_i32, %arg0, %c0_i32_0 : i32, i32, i32
  }
  func.func @transform_2(%arg0: i32) -> (i32, i32) {
    %c0_i32 = arith.constant 0 : i32
    %c0_i32_0 = arith.constant 0 : i32
    return %arg0, %c0_i32 : i32, i32
  }
  func.func @transform_3(%arg0: i32) -> (i32, i32) {
    %c0_i32 = arith.constant 0 : i32
    %c0_i32_0 = arith.constant 0 : i32
    return %arg0, %c0_i32 : i32, i32
  }
}

</mosaic_0001>

<sc_bundles>
// kernel: kernel.12.cloned.1.call-start
scs
__scs_entry_jumppad:
0x0: {  	(pc) =	sbr.rel $0x88, $3  }
0x1: {  	(tag) =	ssettag $0x0;
	lr =	simm.s32 $0x1  }
0x2: {  	[smem:$0x3F8D] =	sst lr;
	_ =	strace $0xD0000000  }
0x3: {  	_ = 	snop  }
0x4: {  	_ = 	snop  }
0x5: {  	_ = 	snop  }
0x6: {  	_ = 	snop  }
0x7: {  	_ = 	snop  }
__scs_overlays_trampoline_lowered:
0x8: {  	[smem:$0x3F9C] =	sst s0  }
0x9: {  	[smem:$0x3F9D] =	sst s1  }
0xa: {  	[smem:$0x3F9E] =	sst s2  }
0xb: {  	[smem:$0x3F9F] =	sst s3  }
0xc: {  	[smem:$0x3FA0] =	sst s4  }
0xd: {  	[smem:$0x3FA1] =	sst s5  }
0xe: {  	[smem:$0x3FA2] =	sst s6  }
0xf: {  	[smem:$0x3FA3] =	sst s7  }
0x10: {  	[smem:$0x3FA4] =	sst s8  }
0x11: {  	[smem:$0x3FA5] =	sst s9;
	s0 =	simm.s32 @!p0 $0x0  }
0x12: {  	s1 =	sld [smem:$0x3F8B];
	s0 =	simm.s32 @p0 $0x1  }
0x13: {  	[smem:$0x3FA6] =	sst s0;
	s0 =	simm.s32 @!p1 $0x0  }
0x14: {  	s2 =	sld [smem:$0x3F8A];
	s0 =	simm.s32 @p1 $0x1  }
0x15: {  	[smem:$0x3FA7] =	sst s0;
	s0 =	simm.s32 @!p2 $0x0  }
0x16: {  	s3 =	sld [smem:$0x3FDB];
	s0 =	simm.s32 @p2 $0x1  }
0x17: {  	s4 =	simm.s32 $0x1BF5;
	[smem:$0x3FA9] =	sst s0  }
0x18: {  	s0 =	sld [smem:$0x3F8C];
	_ =	swait.ge [sflag:s4], $0x0  }
0x19: {  	s7 =	sld [smem:$0x3F8D]  }
0x1a: {  	s8 =	sadd.s32 $0xFFFFE003, lr  }
0x1b: {  	s9 =	sadd.s32 $0xFFFFFEF7, lr;
	s5 =	simm.s32 $0xFFFFFFFF;
	p2 =	slt.u32 s8, $0xFFFFF086  }
0x1c: {  	p1 =	slt.u32 s9, $0xF7A;
	s5 =	simm.s32 @!p2 $0x0  }
0x1d: {  	s5 =	simm.s32 @p1 $0x1;
	p0 =	seq.s32 s7, s2  }
0x1e: {  	s7 =	smul.u32 @!p0 $0xF7A, s2;
	p2 =	seq.s32 @!p0 s5, $0x0  }
0x1f: {  	s9 =	smul.u32 $0xF7A, s1;
	s8 =	simm.s32 @!p0 $0x1BF5;
	p2 =	por !p2, p0  }
0x20: {  	[sflag:s8] =	ssyncset.s32 @!p0 $0xFFFFF086;
	s6 =	sadd.s32 @!p0 s3, s7;
	s7 =	simm.s32 @!p0 $0x108  }
0x21: {  	s3 =	sadd.s32 s3, s9;
	s6 =	sadd.s32 @!p0 $0x88, s6;
	s7 =	simm.s32 @p2 $0x1082  }
0x22: {  	[simem:s7], [sflag:s8] =	dma.local @!p0 [hbm:s6], $0xF7A  }
0x23: {  	s9 =	sor.u32 $0xD0000000, s2;
	s6 =	simm.s32 $0x108;
	_ =	swait.ge @!p0 [sflag:s8], $0x0  }
0x24: {  	s3 =	sadd.s32 $0x88, s3;
	s6 =	simm.s32 @!p1 $0x1082;
	[sflag:s4] =	ssyncset.s32 $0xFFFFF086  }
0x25: {  	[simem:s6], [sflag:s4] =	dma.local [hbm:s3], $0xF7A  }
0x26: {  	[smem:$0x3F8D] =	sst s1;
	(tag) =	ssettag s2;
	_ =	strace s9  }
0x27: {  	s1 =	sld [smem:$0x3F9D]  }
0x28: {  	s2 =	sld [smem:$0x3F9E]  }
0x29: {  	s4 =	sld [smem:$0x3FA0]  }
0x2a: {  	p0 =	seq.s32 s5, $0x0;
	s5 =	sld [smem:$0x3FA1]  }
0x2b: {  	s6 =	sld [smem:$0x3FA2]  }
0x2c: {  	s7 =	sld [smem:$0x3FA3]  }
0x2d: {  	s3 =	simm.s32 $0x108;
	s8 =	sld [smem:$0x3FA4]  }
0x2e: {  	s3 =	simm.s32 @!p0 $0x1082;
	s9 =	sld [smem:$0x3FA5]  }
0x2f: {  	lr =	sadd.s32 s0, s3;
	s0 =	sld [smem:$0x3F9C]  }
0x30: {  	s3 =	sld [smem:$0x3F9F]  }
0x31: {  	[smem:$0x3FA8] =	sst s10  }
0x32: {  	s10 =	sld [smem:$0x3FA6];
	_ =	sdelay $0x3  }
0x33: {  	p0 =	seq.s32 s10, $0x1;
	s10 =	sld [smem:$0x3FA8];
	_ =	sdelay $0x3  }
0x34: {  	[smem:$0x3FA8] =	sst s10  }
0x35: {  	s10 =	sld [smem:$0x3FA7];
	_ =	sdelay $0x3  }
0x36: {  	p1 =	seq.s32 s10, $0x1;
	s10 =	sld [smem:$0x3FA8];
	_ =	sdelay $0x3  }
0x37: {  	[smem:$0x3FA8] =	sst s10  }
0x38: {  	s10 =	sld [smem:$0x3FA9]  }
0x39: {  	_ = 	snop;
	(pc) =	sbr.ind lr, $3  }
0x3a: {  	_ = 	snop  }
0x3b: {  	_ = 	snop  }
0x3c: {  	p2 =	seq.s32 s10, $0x1;
	s10 =	sld [smem:$0x3FA8]  }
0x3d: {  	_ =	shalt  }
0x3e: {  	_ =	shalt  }
0x3f: {  	_ =	shalt  }
0x40: {  	_ =	shalt  }
0x41: {  	_ =	shalt  }
0x42: {  	_ =	shalt  }
0x43: {  	_ =	shalt  }
0x44: {  	_ =	shalt  }
0x45: {  	_ =	shalt  }
0x46: {  	_ =	shalt  }
0x47: {  	_ =	shalt  }
0x48: {  	_ =	shalt  }
0x49: {  	_ =	shalt  }
0x4a: {  	_ =	shalt  }
0x4b: {  	_ =	shalt  }
0x4c: {  	_ =	shalt  }
0x4d: {  	_ =	shalt  }
0x4e: {  	_ =	shalt  }
0x4f: {  	_ =	shalt  }
0x50: {  	_ =	shalt  }
0x51: {  	_ =	shalt  }
0x52: {  	_ =	shalt  }
0x53: {  	_ =	shalt  }
0x54: {  	_ =	shalt  }
0x55: {  	_ =	shalt  }
0x56: {  	_ =	shalt  }
0x57: {  	_ =	shalt  }
0x58: {  	_ =	shalt  }
0x59: {  	_ =	shalt  }
0x5a: {  	_ =	shalt  }
0x5b: {  	_ =	shalt  }
0x5c: {  	_ =	shalt  }
0x5d: {  	_ =	shalt  }
0x5e: {  	_ =	shalt  }
0x5f: {  	_ =	shalt  }
0x60: {  	_ =	shalt  }
0x61: {  	_ =	shalt  }
0x62: {  	_ =	shalt  }
0x63: {  	_ =	shalt  }
0x64: {  	_ =	shalt  }
0x65: {  	_ =	shalt  }
0x66: {  	_ =	shalt  }
0x67: {  	_ =	shalt  }
0x68: {  	_ =	shalt  }
0x69: {  	_ =	shalt  }
0x6a: {  	_ =	shalt  }
0x6b: {  	_ =	shalt  }
0x6c: {  	_ =	shalt  }
0x6d: {  	_ =	shalt  }
0x6e: {  	_ =	shalt  }
0x6f: {  	_ =	shalt  }
0x70: {  	_ =	shalt  }
0x71: {  	_ =	shalt  }
0x72: {  	_ =	shalt  }
0x73: {  	_ =	shalt  }
0x74: {  	_ =	shalt  }
0x75: {  	_ =	shalt  }
0x76: {  	_ =	shalt  }
0x77: {  	_ =	shalt  }
0x78: {  	_ =	shalt  }
0x79: {  	_ =	shalt  }
0x7a: {  	_ =	shalt  }
0x7b: {  	_ =	shalt  }
0x7c: {  	_ =	shalt  }
0x7d: {  	_ =	shalt  }
0x7e: {  	_ =	shalt  }
0x7f: {  	_ =	shalt  }
0x80: {  	_ =	shalt  }
0x81: {  	_ =	shalt  }
0x82: {  	_ =	shalt  }
0x83: {  	_ =	shalt  }
0x84: {  	_ =	shalt  }
0x85: {  	_ =	shalt  }
0x86: {  	_ =	shalt  }
0x87: {  	_ =	shalt  }
.Lfunc_end0:
.L_simem_size_0:
called_computation.1_lowered:
.L_overlay_start_0:
0x88: {  	s2 =	sld [smem:$0x3FD9]  }
0x89: {  	s3 =	sld [smem:$0x3FFE];
	_ =	sdelay $0x1  }
0x8a: {  	s1 =	srdreg.scid  }
0x8b: {  	s0 =	sand.u32 $0x1, s1  }
0x8c: {  	s16 =	sshll.u32 s0, $0xA;
	s2 =	sadd.s32 s3, s2  }
0x8d: {  	s2 =	sadd.s32 s2, s16  }
0x8e: {  	[smem:$0x3FB4] =	sst s2  }
0x8f: {  	_ = 	snop  }
0x90: {  	(tm) =	ssettm $0x1  }
0x91: {  	s17 =	sld [smem:$0x3FFB];
	_ =	sdelay $0x3  }
0x92: {  	_ =	strace s17  }
0x93: {  	s2 =	sld [smem:$0x3FFC];
	_ =	sdelay $0x3  }
0x94: {  	_ =	strace s2  }
0x95: {  	s2 =	sld [smem:$0x3FFD];
	_ =	sdelay $0x3  }
0x96: {  	_ =	strace s2  }
0x97: {  	_ =	strace $0x8FFFFFFF  }
0x98: {  	s18 =	sld [smem:$0x3FDB];
	_ =	sdelay $0x1  }
0x99: {  	s19 =	simm.s32 $_scs_section_size  }
0x9a: {  	s4 =	simm.s32 $_size__tile_overlayer_lowered;
	s5 =	simm.s32 $_tile_overlayer_lowered  }
0x9b: {  	s22 =	simm.s32 $0x1BFF;
	s21 =	sshll.u32 s5, $0x1;
	s2 =	sadd.s32 s19, s18  }
0x9c: {  	s6 =	simm.s32 $0x0;
	s20 =	sshll.u32 s4, $0x1;
	s4 =	sadd.s32 s21, s2  }
0x9d: {  	[timem:s6], [sflag:s22] =	dma.local [hbm:s4], s20  }
0x9e: {  	_ =	swait.ge [sflag:s22], s20  }
0x9f: {  	s3 =	ssub.s32 $0x0, s20;
	[sflag:s22] =	ssyncset.done $0x0  }
0xa0: {  	[sflag:s22] =	ssyncadd.s32 s3;
	_ =	sdelay $0x1  }
0xa1: {  	s23 =	simm.s32 $0x1B8B  }
0xa2: {  	_ =	swait.ge [sflag:s23], $0x1  }
0xa3: {  	[sflag:s23] =	ssyncset.done $0x0  }
0xa4: {  	s25 =	simm.s32 $0x1B8E;
	s24 =	sld [smem:$0x3FFE];
	[sflag:s23] =	ssyncadd.s32 $0xFFFFFFFF  }
0xa5: {  	s26 =	simm.s32 $execute0_lowered;
	[smem:$0x3FD2] =	sst s25  }
0xa6: {  	s4 =	sshll.u32 s26, $0x1;
	_ =	strace $0x80000049;
	[dreg:$0x1] =	wrdreg $0xFFFFFFFF  }
0xa7: {  	s28 =	simm.s32 $_size_execute0_lowered;
	s2 =	sadd.s32 s2, s4;
	[dreg:$0x0] =	wrdreg $0x0  }
0xa8: {  	s4 =	sshll.u32 s28, $0x1;
	[dreg:$0x2] =	wrdreg s2  }
0xa9: {  	[dreg:$0x3] =	wrdreg s4  }
0xaa: {  	[dreg:$0x4] =	wrdreg $0xC0  }
0xab: {  	_ =	task [dreg:s6], $0x5FFFF  }
0xac: {  	[dreg:$0x1] =	wrdreg $0xFFFFFFFF  }
0xad: {  	[dreg:$0x0] =	wrdreg $0x60  }
0xae: {  	[dreg:$0x2] =	wrdreg s24  }
0xaf: {  	[dreg:$0x3] =	wrdreg $0xA8000  }
0xb0: {  	[dreg:$0x4] =	wrdreg $0x9  }
0xb1: {  	_ =	task.clear_ibuf [dreg:s6], $0x5FFFF;
	_ =	strace $0x90000049  }
0xb2: {  	s29 =	simm.s32 $0x9;
	_ =	strace $0x8000004B  }
0xb3: {  	_ =	swait.ge [sflag:s29], $0x1  }
0xb4: {  	[sflag:s29] =	ssyncadd.s32 $0xFFFFFFFF  }
0xb5: {  	_ =	strace $0x9000004B  }
0xb6: {  	_ =	sfence  }
0xb7: {  	s30 =	sld [smem:$0x0];
	_ =	sdelay $0x2  }
0xb8: {  	s31 =	sshll.u32 s1, $0xD;
	s1 =	sshrl.u32 s1, $0x2  }
0xb9: {  	s3 =	sand.u32 $0x4000, s31;
	s1 =	sadd.s32 s1, s30  }
0xba: {  	s0 =	sor.u32 s3, s0;
	s1 =	sshll.u32 s1, $0x11  }
0xbb: {  	s0 =	sor.u32 s1, s0  }
0xbc: {  	s0 =	sadd.s32 $0x8F2B, s0  }
0xbd: {  	[sflag:s0] =	ssyncadd.remote.s32 $0x1  }
0xbe: {  	_ =	sfence.sel $0xFFFF  }
0xbf: {  	[dreg:$0x0] =	wrdreg $0xFFFFFFFF;
	(pc) =	sbr.abs _section_cstart, $3  }
0xc0: {  	[dreg:$0x1] =	wrdreg $0xFFFFFFFF  }
0xc1: {  	_ =	task.clear_ibuf [dreg:s6], $0x2FFFF;
	_ =	strace $0x9FFFFFFF  }
0xc2: {  	(tm) =	ssettm $0x7FFFFFFF  }
0xc3: {  	_ =	shalt  }
tec
execute0_lowered:
.L_overlay_start_1:
0x0: {  	(tag) =	ssettag $0x1  }
0x1: {  	s0 =	srdreg.scid;
	s14 =	stileid.u32  }
0x2: {  	s1 =	rddreg [dreg:$0x0];
	s4 =	smul.u32 $0x13C00, s14  }
0x3: {  	s2 =	rddreg [dreg:$0x1];
	s10 =	smul.u32 $0x4F000, s14  }
0x4: {  	s28 =	simm.s32 $0x2800;
	s0 =	sand.u32 $0x1, s0;
	s24 =	smul.u32 $0x50, s14  }
0x5: {  	s29 =	simm.s32 $0x1;
	s30 =	simm.s32 $0x6800;
	s6 =	smul.u32 $0x13C000, s0  }
0x6: {  	s31 =	simm.s32 $0x2;
	s3 =	sshll.u32 s0, $0x4;
	s21 =	smul.u32 $0x500, s0  }
0x7: {  	s12 =	ssub.s32 $0x2, s0;
	s0 =	smul.u32 $0x280000, s0;
	s7 =	sor.u32 s14, s3  }
0x8: {  	s3 =	simm.s32 $0x0;
	s8 =	sshrl.u32 s4, $0x3;
	s13 =	sshrl.u32 s12, $0x1  }
0x9: {  	s15 =	sshrl.u32 s10, $0x2;
	s5 =	smul.u32 $0x500, s7;
	[smem:$0x7FF] =	sst s3  }
0xa: {  	s9 =	sadd.s32 s8, s1;
	s4 =	sadd.s32 s4, s6;
	s6 =	sadd.s32 s15, s2  }
0xb: {  	_ =	strace $0x8000004A;
	s16 =	sadd.s32 $0x53E00, s9;
	[dreg:$0x3] =	wrdreg s6  }
0xc: {  	s12 =	ssub.s32 s12, s13;
	s17 =	sadd.s32 $0x4000, s6;
	[dreg:$0x4] =	wrdreg s16  }
0xd: {  	s7 =	smul.u32 $0x28000, s7;
	s18 =	sadd.s32 $0x8000, s6;
	[dreg:$0x5] =	wrdreg s17  }
0xe: {  	s11 =	sshrl.u32 s4, $0x3;
	s19 =	sadd.s32 $0xC000, s6;
	[dreg:$0x6] =	wrdreg s18  }
0xf: {  	s4 =	sadd.s32 $0x2C400, s1;
	s6 =	sadd.s32 $0x10000, s6;
	[dreg:$0x7] =	wrdreg s19  }
0x10: {  	s22 =	sadd.s32 $0x7B600, s9;
	s25 =	smax.u32 s12, $0x1;
	[dreg:$0x8] =	wrdreg s6  }
0x11: {  	s26 =	sadd.s32 s5, s1;
	s11 =	sadd.s32 s11, s1;
	[dreg:$0xa] =	wrdreg s22  }
0x12: {  	s1 =	sadd.s32 $0xA2E00, s1;
	[dreg:$0xc] =	wrdreg s25;
	s25 =	simm.s32 $0x3  }
0x13: {  	s5 =	sadd.s32 $0xE400, s26;
	s8 =	sadd.s32 $0x4400, s26;
	s13 =	sadd.s32 s1, s7  }
0x14: {  	s20 =	sadd.s32 $0x5A2E00, s11;
	s23 =	sadd.s32 $0x5F1E00, s11;
	s7 =	sadd.s32 s24, s21  }
0x15: {  	s26 =	smul.u32 $0x28000, s14;
	s0 =	sadd.s32 s0, s1;
	[dreg:$0x9] =	wrdreg s20  }
.Ltmp0:
0x16: {  	[dreg:$0xb] =	wrdreg s23;
	s18 =	sadd.s32 $0x800, s13;
	(pc) =	sbr.rel .LBB2_1-.Ltmp0, $4  }
0x17: {  	s19 =	sadd.s32 $0x1000, s13;
	s20 =	sadd.s32 $0x27000, s13;
	s7 =	sshll.u32 s7, $0xB  }
0x18: {  	s21 =	sadd.s32 $0x27800, s13;
	s1 =	sadd.s32 s7, s1;
	s0 =	sadd.s32 s26, s0  }
0x19: {  	s26 =	simm.s32 $0x80;
	s7 =	simm.s32 $0x0;
	s22 =	sadd.s32 $0x1800, s1  }
0x1a: {  	s23 =	sadd.s32 $0x1000, s0;
	s24 =	sadd.s32 $0x2000, s1;
	s0 =	simm.s32 $0x2780  }
.LBB2_11:
0x1b: {  	[spmem:s2] =	stream.indirect.scatter.add.f32 [tilespmem:s30], [sflag:$0x2], $0x80, s0, s26, $0xb8;
	[tilespmem:$0x1E400] =	vst v63  }
0x1c: {  	_ =	swait.ge [sflag:s31], $0x4000  }
0x1d: {  	[sflag:s31] =	ssyncset.done $0x0  }
0x1e: {  	[sflag:s31] =	ssyncadd.s32 $0xFFFFC000  }
0x1f: {  	[bflag:$0x0] =	sbarrier.arrive $0xFFFF  }
0x20: {  	s1 =	rddreg [dreg:$0xb]  }
0x21: {  	[hbm:s1], [sflag:s9] =	dma.local [spmem:s10], $0x2780  }
0x22: {  	_ =	swait.ge [sflag:s25], $0x2780  }
0x23: {  	s7 =	sadd.s32 $0x1, s7;
	s17 =	rddreg [dreg:$0xc]  }
0x24: {  	p0 =	sne.s32 s7, s17  }
.Ltmp1:
0x25: {  	_ = 	snop;
	(pc) =	sbr.rel @!p0 .LBB2_12-.Ltmp1, $3  }
0x26: {  	[sflag:s25] =	ssyncset.done $0x0  }
0x27: {  	[sflag:s25] =	ssyncadd.s32 $0xFFFFD880  }
0x28: {  	[bflag:$0x0] =	sbarrier.arrive $0xFFFF;
	_ =	sdelay $0x1  }
.LBB2_1:
0x29: {  	[tilespmem:s3], [sflag:$0x3] =	stream.linear.gather [hbm4b:s5+s3], $0x2800, $0x38;
	[tilespmem:$0x1E400] =	vst v63  }
0x2a: {  	s1 =	stileid.u32  }
0x2b: {  	_ =	swait.ge [sflag:s25], $0x2800;
	s1 =	sshll.u32 s1, $0x6  }
0x2c: {  	[sflag:s25] =	ssyncset.done $0x0;
	s9 =	sor.u32 $0x1C03, s1;
	s11 =	rddreg [dreg:$0x3]  }
0x2d: {  	s12 =	rddreg [dreg:$0x4];
	[sflag:s25] =	ssyncadd.s32 $0xFFFFD800;
	s10 =	sshrl.u32 s11, $0x3  }
0x2e: {  	[spmem:s10], [sflag:s9] =	dma.local [hbm:s12], $0x2780  }
0x2f: {  	_ =	swait.ge [sflag:s25], $0x2780  }
0x30: {  	[sflag:s25] =	ssyncset.done $0x0  }
0x31: {  	[sflag:s25] =	ssyncadd.s32 $0xFFFFD880  }
0x32: {  	[bflag:$0x0] =	sbarrier.arrive $0xFFFF  }
0x33: {  	[tilespmem:s28], [sflag:$0x1] =	stream.indirect.gather [spmem:s2], $0x80, s3, s26, $0xb8;
	[tilespmem:$0x1E400] =	vst v63  }
0x34: {  	_ =	swait.ge [sflag:s29], $0x4000  }
0x35: {  	[sflag:s29] =	ssyncset.done $0x0  }
0x36: {  	[sflag:s29] =	ssyncadd.s32 $0xFFFFC000  }
0x37: {  	[tilespmem:s30], [sflag:$0x1] =	stream.indirect.gather [spmem:s2], $0x80, s26, s26, $0xb8;
	[tilespmem:$0x1E400] =	vst v63  }
0x38: {  	_ = 	snop  }
0x39: {  	[hbm4b:s13+s3] =	stream.linear.scatter [tilespmem:s28], [sflag:$0x2], $0x4000, $0x38;
	[tilespmem:$0x1E400] =	vst v63  }
0x3a: {  	_ =	swait.ge [sflag:s29], $0x4000  }
0x3b: {  	[sflag:s29] =	ssyncset.done $0x0  }
0x3c: {  	[sflag:s29] =	ssyncadd.s32 $0xFFFFC000  }
0x3d: {  	_ =	swait.ge [sflag:s31], $0x4000  }
0x3e: {  	[sflag:s31] =	ssyncset.done $0x0  }
0x3f: {  	s14 =	simm.s32 $0x100;
	[sflag:s31] =	ssyncadd.s32 $0xFFFFC000  }
0x40: {  	[tilespmem:s28], [sflag:$0x1] =	stream.indirect.gather [spmem:s2], $0x80, s14, s26, $0xb8;
	[tilespmem:$0x1E400] =	vst v63  }
0x41: {  	_ = 	snop  }
0x42: {  	[hbm4b:s18+s3] =	stream.linear.scatter [tilespmem:s30], [sflag:$0x2], $0x4000, $0x38;
	[tilespmem:$0x1E400] =	vst v63  }
0x43: {  	_ =	swait.ge [sflag:s29], $0x4000  }
0x44: {  	[sflag:s29] =	ssyncset.done $0x0  }
0x45: {  	[sflag:s29] =	ssyncadd.s32 $0xFFFFC000  }
0x46: {  	_ =	swait.ge [sflag:s31], $0x4000  }
0x47: {  	[sflag:s31] =	ssyncset.done $0x0  }
0x48: {  	s15 =	simm.s32 $0x180;
	[sflag:s31] =	ssyncadd.s32 $0xFFFFC000  }
0x49: {  	[tilespmem:s30], [sflag:$0x1] =	stream.indirect.gather [spmem:s2], $0x80, s15, s26, $0xb8;
	[tilespmem:$0x1E400] =	vst v63  }
0x4a: {  	s16 =	sadd.s32 $0x0, s23  }
0x4b: {  	[hbm4b:s16+s3] =	stream.linear.scatter [tilespmem:s28], [sflag:$0x2], $0x4000, $0x38;
	[tilespmem:$0x1E400] =	vst v63  }
0x4c: {  	_ =	swait.ge [sflag:s29], $0x4000  }
0x4d: {  	[sflag:s29] =	ssyncset.done $0x0  }
0x4e: {  	[sflag:s29] =	ssyncadd.s32 $0xFFFFC000  }
0x4f: {  	_ =	swait.ge [sflag:s31], $0x4000  }
0x50: {  	s17 =	simm.s32 $0x200;
	s11 =	simm.s32 $0x1000;
	[sflag:s31] =	ssyncset.done $0x0  }
0x51: {  	s12 =	simm.s32 $0x300;
	s14 =	sadd.s32 $0x0, s22;
	[sflag:s31] =	ssyncadd.s32 $0xFFFFC000  }
0x52: {  	[tilespmem:s28], [sflag:$0x1] =	stream.indirect.gather [spmem:s2], $0x80, s17, s26, $0xb8;
	[tilespmem:$0x1E400] =	vst v63  }
.LBB2_2:
0x53: {  	[hbm4b:s14+s3] =	stream.linear.scatter [tilespmem:s30], [sflag:$0x2], $0x4000, $0x38;
	[tilespmem:$0x1E400] =	vst v63  }
0x54: {  	s1 =	smov.u32 s11  }
0x55: {  	p0 =	sne.s32 s11, $0x25000;
	s11 =	sadd.s32 $0x1000, s11;
	_ =	swait.ge [sflag:s29], $0x4000  }
0x56: {  	[sflag:s29] =	ssyncset.done $0x0  }
0x57: {  	[sflag:s29] =	ssyncadd.s32 $0xFFFFC000  }
0x58: {  	_ =	swait.ge [sflag:s31], $0x4000  }
0x59: {  	[sflag:s31] =	ssyncset.done $0x0  }
0x5a: {  	s14 =	sadd.s32 $0xFFFFFF80, s12;
	[sflag:s31] =	ssyncadd.s32 $0xFFFFC000  }
0x5b: {  	[tilespmem:s30], [sflag:$0x1] =	stream.indirect.gather [spmem:s2], $0x80, s14, s26, $0xb8;
	[tilespmem:$0x1E400] =	vst v63  }
0x5c: {  	s14 =	sadd.s32 s1, s23  }
0x5d: {  	[hbm4b:s14+s3] =	stream.linear.scatter [tilespmem:s28], [sflag:$0x2], $0x4000, $0x38;
	[tilespmem:$0x1E400] =	vst v63  }
0x5e: {  	_ =	swait.ge [sflag:s29], $0x4000  }
0x5f: {  	[sflag:s29] =	ssyncset.done $0x0  }
0x60: {  	[sflag:s29] =	ssyncadd.s32 $0xFFFFC000  }
.Ltmp2:
0x61: {  	_ =	swait.ge [sflag:s31], $0x4000;
	(pc) =	sbr.rel @p0 .LBB2_2-.Ltmp2, $4  }
0x62: {  	[sflag:s31] =	ssyncset.done $0x0  }
0x63: {  	[sflag:s31] =	ssyncadd.s32 $0xFFFFC000  }
0x64: {  	[tilespmem:s28], [sflag:$0x1] =	stream.indirect.gather [spmem:s2], $0x80, s12, s26, $0xb8;
	[tilespmem:$0x1E400] =	vst v63  }
0x65: {  	s14 =	sadd.s32 s1, s22;
	s12 =	sadd.s32 $0x100, s12  }
0x66: {  	[hbm4b:s14+s3] =	stream.linear.scatter [tilespmem:s30], [sflag:$0x2], $0x4000, $0x38;
	[tilespmem:$0x1E400] =	vst v63  }
0x67: {  	_ =	swait.ge [sflag:s29], $0x4000  }
0x68: {  	[sflag:s29] =	ssyncset.done $0x0  }
0x69: {  	[sflag:s29] =	ssyncadd.s32 $0xFFFFC000  }
0x6a: {  	_ =	swait.ge [sflag:s31], $0x4000  }
0x6b: {  	[sflag:s31] =	ssyncset.done $0x0  }
0x6c: {  	[sflag:s31] =	ssyncadd.s32 $0xFFFFC000  }
0x6d: {  	[tilespmem:s30], [sflag:$0x1] =	stream.indirect.gather [spmem:s2], $0x80, s0, s26, $0xb8;
	[tilespmem:$0x1E400] =	vst v63  }
0x6e: {  	s16 =	simm.s32 $0x0  }
0x6f: {  	[hbm4b:s20+s16] =	stream.linear.scatter [tilespmem:s28], [sflag:$0x2], $0x4000, $0x38;
	[tilespmem:$0x1E400] =	vst v63  }
0x70: {  	_ =	swait.ge [sflag:s29], $0x4000  }
0x71: {  	[sflag:s29] =	ssyncset.done $0x0  }
0x72: {  	[sflag:s29] =	ssyncadd.s32 $0xFFFFC000  }
0x73: {  	_ =	swait.ge [sflag:s31], $0x4000  }
0x74: {  	[sflag:s31] =	ssyncset.done $0x0  }
0x75: {  	[sflag:s31] =	ssyncadd.s32 $0xFFFFC000  }
0x76: {  	[hbm4b:s21+s16] =	stream.linear.scatter [tilespmem:s30], [sflag:$0x2], $0x4000, $0x38;
	[tilespmem:$0x1E400] =	vst v63  }
0x77: {  	_ =	swait.ge [sflag:s31], $0x4000  }
0x78: {  	[sflag:s31] =	ssyncset.done $0x0  }
0x79: {  	[sflag:s31] =	ssyncadd.s32 $0xFFFFC000  }
0x7a: {  	[bflag:$0x0] =	sbarrier.arrive $0xFFFF  }
0x7b: {  	[tilespmem:s16], [sflag:$0x3] =	stream.linear.gather [hbm4b:s8+s16], $0x2800, $0x38;
	[tilespmem:$0x1E400] =	vst v63  }
0x7c: {  	_ =	swait.ge [sflag:s25], $0x2800  }
0x7d: {  	[sflag:s25] =	ssyncset.done $0x0  }
0x7e: {  	[sflag:s25] =	ssyncadd.s32 $0xFFFFD800  }
0x7f: {  	[spmem:s10], [sflag:s9] =	dma.local [hbm:s4], $0x800  }
0x80: {  	_ =	swait.ge [sflag:s25], $0x800  }
0x81: {  	[sflag:s25] =	ssyncset.done $0x0;
	s1 =	rddreg [dreg:$0x5]  }
0x82: {  	[sflag:s25] =	ssyncadd.s32 $0xFFFFF800;
	s11 =	sshrl.u32 s1, $0x3  }
0x83: {  	[spmem:s11], [sflag:s9] =	dma.local [hbm:s4], $0x800  }
0x84: {  	_ =	swait.ge [sflag:s25], $0x800  }
0x85: {  	[sflag:s25] =	ssyncset.done $0x0;
	s14 =	rddreg [dreg:$0x6]  }
0x86: {  	[sflag:s25] =	ssyncadd.s32 $0xFFFFF800;
	s12 =	sshrl.u32 s14, $0x3  }
0x87: {  	[spmem:s12], [sflag:s9] =	dma.local [hbm:s4], $0x800  }
0x88: {  	_ =	swait.ge [sflag:s25], $0x800  }
0x89: {  	[sflag:s25] =	ssyncset.done $0x0;
	s15 =	rddreg [dreg:$0x7]  }
0x8a: {  	[sflag:s25] =	ssyncadd.s32 $0xFFFFF800;
	s14 =	sshrl.u32 s15, $0x3  }
0x8b: {  	[spmem:s14], [sflag:s9] =	dma.local [hbm:s4], $0x800  }
0x8c: {  	_ =	swait.ge [sflag:s25], $0x800  }
0x8d: {  	[sflag:s25] =	ssyncset.done $0x0;
	s17 =	rddreg [dreg:$0x8]  }
0x8e: {  	[sflag:s25] =	ssyncadd.s32 $0xFFFFF800;
	s15 =	sshrl.u32 s17, $0x3  }
0x8f: {  	[spmem:s15], [sflag:s9] =	dma.local [hbm:s4], $0x780  }
0x90: {  	_ =	swait.ge [sflag:s25], $0x780  }
0x91: {  	[sflag:s25] =	ssyncset.done $0x0  }
0x92: {  	[sflag:s25] =	ssyncadd.s32 $0xFFFFF880  }
0x93: {  	[bflag:$0x0] =	sbarrier.arrive $0xFFFF  }
0x94: {  	[tilespmem:s28], [sflag:$0x1] =	stream.linear.gather [hbm4b:s13+s16], $0x4000, $0x38;
	[tilespmem:$0x1E400] =	vst v63  }
0x95: {  	_ =	swait.ge [sflag:s29], $0x4000  }
0x96: {  	[sflag:s29] =	ssyncset.done $0x0  }
0x97: {  	[sflag:s29] =	ssyncadd.s32 $0xFFFFC000  }
0x98: {  	[tilespmem:s30], [sflag:$0x1] =	stream.linear.gather [hbm4b:s18+s16], $0x4000, $0x38;
	[tilespmem:$0x1E400] =	vst v63  }
0x99: {  	_ = 	snop  }
0x9a: {  	[spmem:s2] =	stream.indirect.scatter.add.f32 [tilespmem:s28], [sflag:$0x2], $0x80, s16, s26, $0xb8;
	[tilespmem:$0x1E400] =	vst v63  }
0x9b: {  	_ =	swait.ge [sflag:s29], $0x4000  }
0x9c: {  	[sflag:s29] =	ssyncset.done $0x0  }
0x9d: {  	[sflag:s29] =	ssyncadd.s32 $0xFFFFC000  }
0x9e: {  	_ =	swait.ge [sflag:s31], $0x4000  }
0x9f: {  	[sflag:s31] =	ssyncset.done $0x0  }
0xa0: {  	[sflag:s31] =	ssyncadd.s32 $0xFFFFC000  }
0xa1: {  	[tilespmem:s28], [sflag:$0x1] =	stream.linear.gather [hbm4b:s19+s16], $0x4000, $0x38;
	[tilespmem:$0x1E400] =	vst v63  }
0xa2: {  	s17 =	simm.s32 $0x100  }
0xa3: {  	[spmem:s2] =	stream.indirect.scatter.add.f32 [tilespmem:s30], [sflag:$0x2], $0x80, s26, s26, $0xb8;
	[tilespmem:$0x1E400] =	vst v63  }
.LBB2_4:
0xa4: {  	_ =	swait.ge [sflag:s29], $0x4000  }
0xa5: {  	[sflag:s29] =	ssyncset.done $0x0  }
0xa6: {  	[sflag:s29] =	ssyncadd.s32 $0xFFFFC000  }
0xa7: {  	_ =	swait.ge [sflag:s31], $0x4000  }
0xa8: {  	[sflag:s31] =	ssyncset.done $0x0  }
0xa9: {  	s1 =	sadd.s32 s16, s22;
	[sflag:s31] =	ssyncadd.s32 $0xFFFFC000  }
0xaa: {  	[tilespmem:s30], [sflag:$0x1] =	stream.linear.gather [hbm4b:s1+s3], $0x4000, $0x38;
	[tilespmem:$0x1E400] =	vst v63  }
0xab: {  	_ = 	snop  }
0xac: {  	[spmem:s2] =	stream.indirect.scatter.add.f32 [tilespmem:s28], [sflag:$0x2], $0x80, s17, s26, $0xb8;
	[tilespmem:$0x1E400] =	vst v63  }
0xad: {  	p0 =	seq.s32 s16, $0x26000;
	_ =	swait.ge [sflag:s29], $0x4000  }
.Ltmp3:
0xae: {  	[sflag:s29] =	ssyncset.done $0x0;
	(pc) =	sbr.rel @p0 .LBB2_6-.Ltmp3, $4  }
0xaf: {  	[sflag:s29] =	ssyncadd.s32 $0xFFFFC000  }
0xb0: {  	_ =	swait.ge [sflag:s31], $0x4000  }
0xb1: {  	[sflag:s31] =	ssyncset.done $0x0  }
0xb2: {  	[sflag:s31] =	ssyncadd.s32 $0xFFFFC000  }
.Ltmp4:
0xb3: {  	(pc) =	sbr.rel .LBB2_4-.Ltmp4, $4  }
0xb4: {  	s1 =	sadd.s32 s16, s24  }
0xb5: {  	[tilespmem:s28], [sflag:$0x1] =	stream.linear.gather [hbm4b:s1+s3], $0x4000, $0x38;
	[tilespmem:$0x1E400] =	vst v63  }
0xb6: {  	s6 =	sadd.s32 $0x80, s17;
	s17 =	sadd.s32 $0x100, s17;
	s16 =	sadd.s32 $0x1000, s16  }
0xb7: {  	[spmem:s2] =	stream.indirect.scatter.add.f32 [tilespmem:s30], [sflag:$0x2], $0x80, s6, s26, $0xb8;
	[tilespmem:$0x1E400] =	vst v63  }
.LBB2_6:
0xb8: {  	[spmem:s2] =	stream.indirect.scatter.add.f32 [tilespmem:s30], [sflag:$0x2], $0x80, s0, s26, $0xb8;
	[tilespmem:$0x1E400] =	vst v63  }
0xb9: {  	_ =	swait.ge [sflag:s31], $0x4000  }
0xba: {  	[sflag:s31] =	ssyncset.done $0x0  }
0xbb: {  	[sflag:s31] =	ssyncadd.s32 $0xFFFFC000  }
0xbc: {  	[bflag:$0x0] =	sbarrier.arrive $0xFFFF  }
0xbd: {  	s1 =	rddreg [dreg:$0x9]  }
0xbe: {  	[hbm:s1], [sflag:s9] =	dma.local [spmem:s10], $0x2780  }
0xbf: {  	_ =	swait.ge [sflag:s25], $0x2780  }
0xc0: {  	[sflag:s25] =	ssyncset.done $0x0  }
0xc1: {  	[sflag:s25] =	ssyncadd.s32 $0xFFFFD880  }
0xc2: {  	s16 =	simm.s32 $0x0;
	[bflag:$0x0] =	sbarrier.arrive $0xFFFF  }
0xc3: {  	[tilespmem:s16], [sflag:$0x3] =	stream.linear.gather [hbm4b:s5+s16], $0x2800, $0x38;
	[tilespmem:$0x1E400] =	vst v63  }
0xc4: {  	_ =	swait.ge [sflag:s25], $0x2800  }
0xc5: {  	[sflag:s25] =	ssyncset.done $0x0  }
0xc6: {  	s6 =	rddreg [dreg:$0xa];
	[sflag:s25] =	ssyncadd.s32 $0xFFFFD800  }
0xc7: {  	[spmem:s10], [sflag:s9] =	dma.local [hbm:s6], $0x2780  }
0xc8: {  	_ =	swait.ge [sflag:s25], $0x2780  }
0xc9: {  	[sflag:s25] =	ssyncset.done $0x0  }
0xca: {  	[sflag:s25] =	ssyncadd.s32 $0xFFFFD880  }
0xcb: {  	[bflag:$0x0] =	sbarrier.arrive $0xFFFF  }
0xcc: {  	[tilespmem:s28], [sflag:$0x1] =	stream.indirect.gather [spmem:s2], $0x80, s16, s26, $0xb8;
	[tilespmem:$0x1E400] =	vst v63  }
0xcd: {  	_ =	swait.ge [sflag:s29], $0x4000  }
0xce: {  	[sflag:s29] =	ssyncset.done $0x0  }
0xcf: {  	[sflag:s29] =	ssyncadd.s32 $0xFFFFC000  }
0xd0: {  	[tilespmem:s30], [sflag:$0x1] =	stream.indirect.gather [spmem:s2], $0x80, s26, s26, $0xb8;
	[tilespmem:$0x1E400] =	vst v63  }
0xd1: {  	_ = 	snop  }
0xd2: {  	[hbm4b:s13+s16] =	stream.linear.scatter [tilespmem:s28], [sflag:$0x2], $0x4000, $0x38;
	[tilespmem:$0x1E400] =	vst v63  }
0xd3: {  	_ =	swait.ge [sflag:s29], $0x4000  }
0xd4: {  	[sflag:s29] =	ssyncset.done $0x0  }
0xd5: {  	[sflag:s29] =	ssyncadd.s32 $0xFFFFC000  }
0xd6: {  	_ =	swait.ge [sflag:s31], $0x4000  }
0xd7: {  	[sflag:s31] =	ssyncset.done $0x0  }
0xd8: {  	s17 =	simm.s32 $0x100;
	[sflag:s31] =	ssyncadd.s32 $0xFFFFC000  }
0xd9: {  	[tilespmem:s28], [sflag:$0x1] =	stream.indirect.gather [spmem:s2], $0x80, s17, s26, $0xb8;
	[tilespmem:$0x1E400] =	vst v63  }
0xda: {  	_ = 	snop  }
0xdb: {  	[hbm4b:s18+s16] =	stream.linear.scatter [tilespmem:s30], [sflag:$0x2], $0x4000, $0x38;
	[tilespmem:$0x1E400] =	vst v63  }
0xdc: {  	_ =	swait.ge [sflag:s29], $0x4000  }
0xdd: {  	[sflag:s29] =	ssyncset.done $0x0  }
0xde: {  	[sflag:s29] =	ssyncadd.s32 $0xFFFFC000  }
0xdf: {  	_ =	swait.ge [sflag:s31], $0x4000  }
0xe0: {  	[sflag:s31] =	ssyncset.done $0x0  }
0xe1: {  	s6 =	simm.s32 $0x180;
	[sflag:s31] =	ssyncadd.s32 $0xFFFFC000  }
0xe2: {  	[tilespmem:s30], [sflag:$0x1] =	stream.indirect.gather [spmem:s2], $0x80, s6, s26, $0xb8;
	[tilespmem:$0x1E400] =	vst v63  }
0xe3: {  	s16 =	sadd.s32 $0x0, s23  }
0xe4: {  	[hbm4b:s16+s3] =	stream.linear.scatter [tilespmem:s28], [sflag:$0x2], $0x4000, $0x38;
	[tilespmem:$0x1E400] =	vst v63  }
0xe5: {  	_ =	swait.ge [sflag:s29], $0x4000  }
0xe6: {  	[sflag:s29] =	ssyncset.done $0x0  }
0xe7: {  	[sflag:s29] =	ssyncadd.s32 $0xFFFFC000  }
0xe8: {  	_ =	swait.ge [sflag:s31], $0x4000  }
0xe9: {  	[sflag:s31] =	ssyncset.done $0x0  }
0xea: {  	s17 =	simm.s32 $0x200;
	[sflag:s31] =	ssyncadd.s32 $0xFFFFC000  }
0xeb: {  	[tilespmem:s28], [sflag:$0x1] =	stream.indirect.gather [spmem:s2], $0x80, s17, s26, $0xb8;
	[tilespmem:$0x1E400] =	vst v63  }
0xec: {  	s1 =	sadd.s32 $0x0, s22;
	s16 =	simm.s32 $0x1000;
	s17 =	simm.s32 $0x300  }
.LBB2_7:
0xed: {  	[hbm4b:s1+s3] =	stream.linear.scatter [tilespmem:s30], [sflag:$0x2], $0x4000, $0x38;
	[tilespmem:$0x1E400] =	vst v63  }
0xee: {  	s1 =	smov.u32 s16  }
0xef: {  	p0 =	sne.s32 s16, $0x25000;
	s16 =	sadd.s32 $0x1000, s16;
	_ =	swait.ge [sflag:s29], $0x4000  }
0xf0: {  	[sflag:s29] =	ssyncset.done $0x0  }
0xf1: {  	[sflag:s29] =	ssyncadd.s32 $0xFFFFC000  }
0xf2: {  	_ =	swait.ge [sflag:s31], $0x4000  }
0xf3: {  	[sflag:s31] =	ssyncset.done $0x0  }
0xf4: {  	s6 =	sadd.s32 $0xFFFFFF80, s17;
	[sflag:s31] =	ssyncadd.s32 $0xFFFFC000  }
0xf5: {  	[tilespmem:s30], [sflag:$0x1] =	stream.indirect.gather [spmem:s2], $0x80, s6, s26, $0xb8;
	[tilespmem:$0x1E400] =	vst v63  }
0xf6: {  	s6 =	sadd.s32 s1, s23  }
0xf7: {  	[hbm4b:s6+s3] =	stream.linear.scatter [tilespmem:s28], [sflag:$0x2], $0x4000, $0x38;
	[tilespmem:$0x1E400] =	vst v63  }
0xf8: {  	_ =	swait.ge [sflag:s29], $0x4000  }
0xf9: {  	[sflag:s29] =	ssyncset.done $0x0  }
0xfa: {  	[sflag:s29] =	ssyncadd.s32 $0xFFFFC000  }
.Ltmp5:
0xfb: {  	_ =	swait.ge [sflag:s31], $0x4000;
	(pc) =	sbr.rel @p0 .LBB2_7-.Ltmp5, $4  }
0xfc: {  	[sflag:s31] =	ssyncset.done $0x0  }
0xfd: {  	[sflag:s31] =	ssyncadd.s32 $0xFFFFC000  }
0xfe: {  	[tilespmem:s28], [sflag:$0x1] =	stream.indirect.gather [spmem:s2], $0x80, s17, s26, $0xb8;
	[tilespmem:$0x1E400] =	vst v63  }
0xff: {  	s1 =	sadd.s32 s1, s22;
	s17 =	sadd.s32 $0x100, s17  }
0x100: {  	[hbm4b:s1+s3] =	stream.linear.scatter [tilespmem:s30], [sflag:$0x2], $0x4000, $0x38;
	[tilespmem:$0x1E400] =	vst v63  }
0x101: {  	_ =	swait.ge [sflag:s29], $0x4000  }
0x102: {  	[sflag:s29] =	ssyncset.done $0x0  }
0x103: {  	[sflag:s29] =	ssyncadd.s32 $0xFFFFC000  }
0x104: {  	_ =	swait.ge [sflag:s31], $0x4000  }
0x105: {  	[sflag:s31] =	ssyncset.done $0x0  }
0x106: {  	[sflag:s31] =	ssyncadd.s32 $0xFFFFC000  }
0x107: {  	[tilespmem:s30], [sflag:$0x1] =	stream.indirect.gather [spmem:s2], $0x80, s0, s26, $0xb8;
	[tilespmem:$0x1E400] =	vst v63  }
0x108: {  	s16 =	simm.s32 $0x0  }
0x109: {  	[hbm4b:s20+s16] =	stream.linear.scatter [tilespmem:s28], [sflag:$0x2], $0x4000, $0x38;
	[tilespmem:$0x1E400] =	vst v63  }
0x10a: {  	_ =	swait.ge [sflag:s29], $0x4000  }
0x10b: {  	[sflag:s29] =	ssyncset.done $0x0  }
0x10c: {  	[sflag:s29] =	ssyncadd.s32 $0xFFFFC000  }
0x10d: {  	_ =	swait.ge [sflag:s31], $0x4000  }
0x10e: {  	[sflag:s31] =	ssyncset.done $0x0  }
0x10f: {  	[sflag:s31] =	ssyncadd.s32 $0xFFFFC000  }
0x110: {  	[hbm4b:s21+s16] =	stream.linear.scatter [tilespmem:s30], [sflag:$0x2], $0x4000, $0x38;
	[tilespmem:$0x1E400] =	vst v63  }
0x111: {  	_ =	swait.ge [sflag:s31], $0x4000  }
0x112: {  	[sflag:s31] =	ssyncset.done $0x0  }
0x113: {  	[sflag:s31] =	ssyncadd.s32 $0xFFFFC000  }
0x114: {  	[bflag:$0x0] =	sbarrier.arrive $0xFFFF  }
0x115: {  	[tilespmem:s16], [sflag:$0x3] =	stream.linear.gather [hbm4b:s8+s16], $0x2800, $0x38;
	[tilespmem:$0x1E400] =	vst v63  }
0x116: {  	_ =	swait.ge [sflag:s25], $0x2800  }
0x117: {  	[sflag:s25] =	ssyncset.done $0x0  }
0x118: {  	[sflag:s25] =	ssyncadd.s32 $0xFFFFD800  }
0x119: {  	[spmem:s10], [sflag:s9] =	dma.local [hbm:s4], $0x800  }
0x11a: {  	_ =	swait.ge [sflag:s25], $0x800  }
0x11b: {  	[sflag:s25] =	ssyncset.done $0x0  }
0x11c: {  	[sflag:s25] =	ssyncadd.s32 $0xFFFFF800  }
0x11d: {  	[spmem:s11], [sflag:s9] =	dma.local [hbm:s4], $0x800  }
0x11e: {  	_ =	swait.ge [sflag:s25], $0x800  }
0x11f: {  	[sflag:s25] =	ssyncset.done $0x0  }
0x120: {  	[sflag:s25] =	ssyncadd.s32 $0xFFFFF800  }
0x121: {  	[spmem:s12], [sflag:s9] =	dma.local [hbm:s4], $0x800  }
0x122: {  	_ =	swait.ge [sflag:s25], $0x800  }
0x123: {  	[sflag:s25] =	ssyncset.done $0x0  }
0x124: {  	[sflag:s25] =	ssyncadd.s32 $0xFFFFF800  }
0x125: {  	[spmem:s14], [sflag:s9] =	dma.local [hbm:s4], $0x800  }
0x126: {  	_ =	swait.ge [sflag:s25], $0x800  }
0x127: {  	[sflag:s25] =	ssyncset.done $0x0  }
0x128: {  	[sflag:s25] =	ssyncadd.s32 $0xFFFFF800  }
0x129: {  	[spmem:s15], [sflag:s9] =	dma.local [hbm:s4], $0x780  }
0x12a: {  	_ =	swait.ge [sflag:s25], $0x780  }
0x12b: {  	[sflag:s25] =	ssyncset.done $0x0  }
0x12c: {  	[sflag:s25] =	ssyncadd.s32 $0xFFFFF880  }
0x12d: {  	[bflag:$0x0] =	sbarrier.arrive $0xFFFF  }
0x12e: {  	[tilespmem:s28], [sflag:$0x1] =	stream.linear.gather [hbm4b:s13+s16], $0x4000, $0x38;
	[tilespmem:$0x1E400] =	vst v63  }
0x12f: {  	_ =	swait.ge [sflag:s29], $0x4000  }
0x130: {  	[sflag:s29] =	ssyncset.done $0x0  }
0x131: {  	[sflag:s29] =	ssyncadd.s32 $0xFFFFC000  }
0x132: {  	[tilespmem:s30], [sflag:$0x1] =	stream.linear.gather [hbm4b:s18+s16], $0x4000, $0x38;
	[tilespmem:$0x1E400] =	vst v63  }
0x133: {  	_ = 	snop  }
0x134: {  	[spmem:s2] =	stream.indirect.scatter.add.f32 [tilespmem:s28], [sflag:$0x2], $0x80, s16, s26, $0xb8;
	[tilespmem:$0x1E400] =	vst v63  }
0x135: {  	_ =	swait.ge [sflag:s29], $0x4000  }
0x136: {  	[sflag:s29] =	ssyncset.done $0x0  }
0x137: {  	[sflag:s29] =	ssyncadd.s32 $0xFFFFC000  }
0x138: {  	_ =	swait.ge [sflag:s31], $0x4000  }
0x139: {  	[sflag:s31] =	ssyncset.done $0x0  }
0x13a: {  	[sflag:s31] =	ssyncadd.s32 $0xFFFFC000  }
0x13b: {  	[tilespmem:s28], [sflag:$0x1] =	stream.linear.gather [hbm4b:s19+s16], $0x4000, $0x38;
	[tilespmem:$0x1E400] =	vst v63  }
0x13c: {  	s11 =	simm.s32 $0x100  }
0x13d: {  	[spmem:s2] =	stream.indirect.scatter.add.f32 [tilespmem:s30], [sflag:$0x2], $0x80, s26, s26, $0xb8;
	[tilespmem:$0x1E400] =	vst v63  }
.LBB2_9:
0x13e: {  	_ =	swait.ge [sflag:s29], $0x4000  }
0x13f: {  	[sflag:s29] =	ssyncset.done $0x0  }
0x140: {  	[sflag:s29] =	ssyncadd.s32 $0xFFFFC000  }
0x141: {  	_ =	swait.ge [sflag:s31], $0x4000  }
0x142: {  	[sflag:s31] =	ssyncset.done $0x0  }
0x143: {  	s1 =	sadd.s32 s16, s22;
	[sflag:s31] =	ssyncadd.s32 $0xFFFFC000  }
0x144: {  	[tilespmem:s30], [sflag:$0x1] =	stream.linear.gather [hbm4b:s1+s3], $0x4000, $0x38;
	[tilespmem:$0x1E400] =	vst v63  }
0x145: {  	_ = 	snop  }
0x146: {  	[spmem:s2] =	stream.indirect.scatter.add.f32 [tilespmem:s28], [sflag:$0x2], $0x80, s11, s26, $0xb8;
	[tilespmem:$0x1E400] =	vst v63  }
0x147: {  	p0 =	seq.s32 s16, $0x26000;
	_ =	swait.ge [sflag:s29], $0x4000  }
.Ltmp6:
0x148: {  	[sflag:s29] =	ssyncset.done $0x0;
	(pc) =	sbr.rel @p0 .LBB2_11-.Ltmp6, $4  }
0x149: {  	[sflag:s29] =	ssyncadd.s32 $0xFFFFC000  }
0x14a: {  	_ =	swait.ge [sflag:s31], $0x4000  }
0x14b: {  	[sflag:s31] =	ssyncset.done $0x0  }
0x14c: {  	[sflag:s31] =	ssyncadd.s32 $0xFFFFC000  }
.Ltmp7:
0x14d: {  	(pc) =	sbr.rel .LBB2_9-.Ltmp7, $4  }
0x14e: {  	s1 =	sadd.s32 s16, s24  }
0x14f: {  	[tilespmem:s28], [sflag:$0x1] =	stream.linear.gather [hbm4b:s1+s3], $0x4000, $0x38;
	[tilespmem:$0x1E400] =	vst v63  }
0x150: {  	s17 =	sadd.s32 $0x80, s11;
	s11 =	sadd.s32 $0x100, s11;
	s16 =	sadd.s32 $0x1000, s16  }
0x151: {  	[spmem:s2] =	stream.indirect.scatter.add.f32 [tilespmem:s30], [sflag:$0x2], $0x80, s17, s26, $0xb8;
	[tilespmem:$0x1E400] =	vst v63  }
.LBB2_12:
0x152: {  	_ =	sfence.sel $0x180000  }
0x153: {  	[bflag:$0x0] =	sbarrier.arrive $0xFFFF  }
0x154: {  	_ =	strace $0x9000004A  }
0x155: {  	s0 =	stileid.u32;
	[bflag:$0x2] =	sbarrier.arrive $0xFFFF  }
0x156: {  	p0 =	sne.s32 s0, $0x0;
	s0 =	rddreg [dreg:$0x2]  }
0x157: {  	s0 =	sadd.s32 @!p0 $0x100000, s0  }
0x158: {  	[sflag:s0] =	ssyncadd.tile.s32 @!p0 $0x1;
	_ =	shalt  }
.Lfunc_end2:
_tile_overlayer_lowered:
.L_overlay_start_2:
0x159: {  	(tag) =	ssettag $0x2  }
0x15a: {  	s0 =	rddreg [dreg:$0x0];
	s2 =	stileid.u32  }
0x15b: {  	s1 =	rddreg [dreg:$0x1];
	p0 =	sne.s32 s2, $0x0  }
0x15c: {  	s3 =	rddreg [dreg:$0x2];
	[bflag:$0x3] =	sbarrier.arrive $0xFFFF;
	s2 =	simm.s32 @!p0 $0x1C03  }
0x15d: {  	[timem:s3], [sflag:s2] =	dma.local @!p0 [hbm:s0], s1  }
0x15e: {  	s0 =	simm.s32 @!p0 $0x3  }
0x15f: {  	_ =	swait.ge @!p0 [sflag:s0], s1  }
0x160: {  	s1 =	ssub.s32 @!p0 $0x0, s1;
	[sflag:s0] =	ssyncset.done @!p0 $0x0  }
0x161: {  	[sflag:s0] =	ssyncadd.s32 @!p0 s1  }
0x162: {  	[bflag:$0x3] =	sbarrier.arrive $0xFFFF  }
0x163: {  	_ =	shalt  }

// kernel: kernel.9.cloned.1.call-start
scs
__scs_entry_jumppad:
0x0: {  	(pc) =	sbr.rel $0x88, $3  }
0x1: {  	(tag) =	ssettag $0x0;
	lr =	simm.s32 $0x1  }
0x2: {  	[smem:$0x3F8D] =	sst lr;
	_ =	strace $0xD0000000  }
0x3: {  	_ = 	snop  }
0x4: {  	_ = 	snop  }
0x5: {  	_ = 	snop  }
0x6: {  	_ = 	snop  }
0x7: {  	_ = 	snop  }
__scs_overlays_trampoline_lowered:
0x8: {  	[smem:$0x3F9C] =	sst s0  }
0x9: {  	[smem:$0x3F9D] =	sst s1  }
0xa: {  	[smem:$0x3F9E] =	sst s2  }
0xb: {  	[smem:$0x3F9F] =	sst s3  }
0xc: {  	[smem:$0x3FA0] =	sst s4  }
0xd: {  	[smem:$0x3FA1] =	sst s5  }
0xe: {  	[smem:$0x3FA2] =	sst s6  }
0xf: {  	[smem:$0x3FA3] =	sst s7  }
0x10: {  	[smem:$0x3FA4] =	sst s8  }
0x11: {  	[smem:$0x3FA5] =	sst s9;
	s0 =	simm.s32 @!p0 $0x0  }
0x12: {  	s1 =	sld [smem:$0x3F8B];
	s0 =	simm.s32 @p0 $0x1  }
0x13: {  	[smem:$0x3FA6] =	sst s0;
	s0 =	simm.s32 @!p1 $0x0  }
0x14: {  	s2 =	sld [smem:$0x3F8A];
	s0 =	simm.s32 @p1 $0x1  }
0x15: {  	[smem:$0x3FA7] =	sst s0;
	s0 =	simm.s32 @!p2 $0x0  }
0x16: {  	s3 =	sld [smem:$0x3FDB];
	s0 =	simm.s32 @p2 $0x1  }
0x17: {  	s4 =	simm.s32 $0x1BF5;
	[smem:$0x3FA9] =	sst s0  }
0x18: {  	s0 =	sld [smem:$0x3F8C];
	_ =	swait.ge [sflag:s4], $0x0  }
0x19: {  	s7 =	sld [smem:$0x3F8D]  }
0x1a: {  	s8 =	sadd.s32 $0xFFFFE003, lr  }
0x1b: {  	s9 =	sadd.s32 $0xFFFFFEF7, lr;
	s5 =	simm.s32 $0xFFFFFFFF;
	p2 =	slt.u32 s8, $0xFFFFF086  }
0x1c: {  	p1 =	slt.u32 s9, $0xF7A;
	s5 =	simm.s32 @!p2 $0x0  }
0x1d: {  	s5 =	simm.s32 @p1 $0x1;
	p0 =	seq.s32 s7, s2  }
0x1e: {  	s7 =	smul.u32 @!p0 $0xF7A, s2;
	p2 =	seq.s32 @!p0 s5, $0x0  }
0x1f: {  	s9 =	smul.u32 $0xF7A, s1;
	s8 =	simm.s32 @!p0 $0x1BF5;
	p2 =	por !p2, p0  }
0x20: {  	[sflag:s8] =	ssyncset.s32 @!p0 $0xFFFFF086;
	s6 =	sadd.s32 @!p0 s3, s7;
	s7 =	simm.s32 @!p0 $0x108  }
0x21: {  	s3 =	sadd.s32 s3, s9;
	s6 =	sadd.s32 @!p0 $0x88, s6;
	s7 =	simm.s32 @p2 $0x1082  }
0x22: {  	[simem:s7], [sflag:s8] =	dma.local @!p0 [hbm:s6], $0xF7A  }
0x23: {  	s9 =	sor.u32 $0xD0000000, s2;
	s6 =	simm.s32 $0x108;
	_ =	swait.ge @!p0 [sflag:s8], $0x0  }
0x24: {  	s3 =	sadd.s32 $0x88, s3;
	s6 =	simm.s32 @!p1 $0x1082;
	[sflag:s4] =	ssyncset.s32 $0xFFFFF086  }
0x25: {  	[simem:s6], [sflag:s4] =	dma.local [hbm:s3], $0xF7A  }
0x26: {  	[smem:$0x3F8D] =	sst s1;
	(tag) =	ssettag s2;
	_ =	strace s9  }
0x27: {  	s1 =	sld [smem:$0x3F9D]  }
0x28: {  	s2 =	sld [smem:$0x3F9E]  }
0x29: {  	s4 =	sld [smem:$0x3FA0]  }
0x2a: {  	p0 =	seq.s32 s5, $0x0;
	s5 =	sld [smem:$0x3FA1]  }
0x2b: {  	s6 =	sld [smem:$0x3FA2]  }
0x2c: {  	s7 =	sld [smem:$0x3FA3]  }
0x2d: {  	s3 =	simm.s32 $0x108;
	s8 =	sld [smem:$0x3FA4]  }
0x2e: {  	s3 =	simm.s32 @!p0 $0x1082;
	s9 =	sld [smem:$0x3FA5]  }
0x2f: {  	lr =	sadd.s32 s0, s3;
	s0 =	sld [smem:$0x3F9C]  }
0x30: {  	s3 =	sld [smem:$0x3F9F]  }
0x31: {  	[smem:$0x3FA8] =	sst s10  }
0x32: {  	s10 =	sld [smem:$0x3FA6];
	_ =	sdelay $0x3  }
0x33: {  	p0 =	seq.s32 s10, $0x1;
	s10 =	sld [smem:$0x3FA8];
	_ =	sdelay $0x3  }
0x34: {  	[smem:$0x3FA8] =	sst s10  }
0x35: {  	s10 =	sld [smem:$0x3FA7];
	_ =	sdelay $0x3  }
0x36: {  	p1 =	seq.s32 s10, $0x1;
	s10 =	sld [smem:$0x3FA8];
	_ =	sdelay $0x3  }
0x37: {  	[smem:$0x3FA8] =	sst s10  }
0x38: {  	s10 =	sld [smem:$0x3FA9]  }
0x39: {  	_ = 	snop;
	(pc) =	sbr.ind lr, $3  }
0x3a: {  	_ = 	snop  }
0x3b: {  	_ = 	snop  }
0x3c: {  	p2 =	seq.s32 s10, $0x1;
	s10 =	sld [smem:$0x3FA8]  }
0x3d: {  	_ =	shalt  }
0x3e: {  	_ =	shalt  }
0x3f: {  	_ =	shalt  }
0x40: {  	_ =	shalt  }
0x41: {  	_ =	shalt  }
0x42: {  	_ =	shalt  }
0x43: {  	_ =	shalt  }
0x44: {  	_ =	shalt  }
0x45: {  	_ =	shalt  }
0x46: {  	_ =	shalt  }
0x47: {  	_ =	shalt  }
0x48: {  	_ =	shalt  }
0x49: {  	_ =	shalt  }
0x4a: {  	_ =	shalt  }
0x4b: {  	_ =	shalt  }
0x4c: {  	_ =	shalt  }
0x4d: {  	_ =	shalt  }
0x4e: {  	_ =	shalt  }
0x4f: {  	_ =	shalt  }
0x50: {  	_ =	shalt  }
0x51: {  	_ =	shalt  }
0x52: {  	_ =	shalt  }
0x53: {  	_ =	shalt  }
0x54: {  	_ =	shalt  }
0x55: {  	_ =	shalt  }
0x56: {  	_ =	shalt  }
0x57: {  	_ =	shalt  }
0x58: {  	_ =	shalt  }
0x59: {  	_ =	shalt  }
0x5a: {  	_ =	shalt  }
0x5b: {  	_ =	shalt  }
0x5c: {  	_ =	shalt  }
0x5d: {  	_ =	shalt  }
0x5e: {  	_ =	shalt  }
0x5f: {  	_ =	shalt  }
0x60: {  	_ =	shalt  }
0x61: {  	_ =	shalt  }
0x62: {  	_ =	shalt  }
0x63: {  	_ =	shalt  }
0x64: {  	_ =	shalt  }
0x65: {  	_ =	shalt  }
0x66: {  	_ =	shalt  }
0x67: {  	_ =	shalt  }
0x68: {  	_ =	shalt  }
0x69: {  	_ =	shalt  }
0x6a: {  	_ =	shalt  }
0x6b: {  	_ =	shalt  }
0x6c: {  	_ =	shalt  }
0x6d: {  	_ =	shalt  }
0x6e: {  	_ =	shalt  }
0x6f: {  	_ =	shalt  }
0x70: {  	_ =	shalt  }
0x71: {  	_ =	shalt  }
0x72: {  	_ =	shalt  }
0x73: {  	_ =	shalt  }
0x74: {  	_ =	shalt  }
0x75: {  	_ =	shalt  }
0x76: {  	_ =	shalt  }
0x77: {  	_ =	shalt  }
0x78: {  	_ =	shalt  }
0x79: {  	_ =	shalt  }
0x7a: {  	_ =	shalt  }
0x7b: {  	_ =	shalt  }
0x7c: {  	_ =	shalt  }
0x7d: {  	_ =	shalt  }
0x7e: {  	_ =	shalt  }
0x7f: {  	_ =	shalt  }
0x80: {  	_ =	shalt  }
0x81: {  	_ =	shalt  }
0x82: {  	_ =	shalt  }
0x83: {  	_ =	shalt  }
0x84: {  	_ =	shalt  }
0x85: {  	_ =	shalt  }
0x86: {  	_ =	shalt  }
0x87: {  	_ =	shalt  }
.Lfunc_end0:
.L_simem_size_0:
called_computation_lowered:
.L_overlay_start_0:
0x88: {  	s2 =	sld [smem:$0x3FD9]  }
0x89: {  	s3 =	sld [smem:$0x3FFE];
	_ =	sdelay $0x1  }
0x8a: {  	s1 =	srdreg.scid  }
0x8b: {  	s0 =	sand.u32 $0x1, s1  }
0x8c: {  	s14 =	sshll.u32 s0, $0xA;
	s2 =	sadd.s32 s3, s2  }
0x8d: {  	s2 =	sadd.s32 s2, s14  }
0x8e: {  	[smem:$0x3FB4] =	sst s2  }
0x8f: {  	_ = 	snop  }
0x90: {  	s2 =	sld [smem:$0x3FD0];
	_ =	sdelay $0x2  }
0x91: {  	s15 =	simm.s32 $0xA;
	s4 =	simm.s32 $0x10  }
0x92: {  	[smem:s4], [sflag:s15] =	dma.local [hbm:s2], $0x1  }
0x93: {  	_ =	swait.eq [sflag:s15], $0x1  }
0x94: {  	s16 =	sld [smem:$0x10]  }
0x95: {  	s17 =	sld [smem:$0x11]  }
0x96: {  	s5 =	sld [smem:$0x12];
	[sflag:s15] =	ssyncset.done $0x0  }
0x97: {  	s6 =	sld [smem:$0x13];
	[sflag:s15] =	ssyncadd.s32 $0xFFFFFFFF  }
0x98: {  	s18 =	sld [smem:$0x14];
	(tm) =	ssettm $0x1  }
0x99: {  	s7 =	sld [smem:$0x3FFB];
	_ =	sdelay $0x3  }
0x9a: {  	_ =	strace s7  }
0x9b: {  	s7 =	sld [smem:$0x3FFC];
	_ =	sdelay $0x3  }
0x9c: {  	_ =	strace s7  }
0x9d: {  	s7 =	sld [smem:$0x3FFD];
	_ =	sdelay $0x3  }
0x9e: {  	_ =	strace s7  }
0x9f: {  	_ =	strace $0x8FFFFFFF  }
0xa0: {  	s19 =	sld [smem:$0x3FDB];
	_ =	sdelay $0x1  }
0xa1: {  	s8 =	simm.s32 $_scs_section_size  }
0xa2: {  	s9 =	simm.s32 $_size__tile_overlayer_lowered;
	s10 =	simm.s32 $_tile_overlayer_lowered  }
0xa3: {  	s22 =	simm.s32 $0x1BFF;
	s21 =	sshll.u32 s10, $0x1;
	s7 =	sadd.s32 s8, s19  }
0xa4: {  	s11 =	simm.s32 $0x0;
	s20 =	sshll.u32 s9, $0x1;
	s9 =	sadd.s32 s21, s7  }
0xa5: {  	[timem:s11], [sflag:s22] =	dma.local [hbm:s9], s20  }
0xa6: {  	_ =	swait.ge [sflag:s22], s20  }
0xa7: {  	s8 =	ssub.s32 $0x0, s20;
	[sflag:s22] =	ssyncset.done $0x0  }
0xa8: {  	[sflag:s22] =	ssyncadd.s32 s8;
	_ =	sdelay $0x1  }
0xa9: {  	s23 =	simm.s32 $0x1B8B  }
0xaa: {  	_ =	swait.ge [sflag:s23], $0x1  }
0xab: {  	[sflag:s23] =	ssyncset.done $0x0  }
0xac: {  	s25 =	simm.s32 $0x1B8E;
	s24 =	sld [smem:$0x3FFE];
	[sflag:s23] =	ssyncadd.s32 $0xFFFFFFFF  }
0xad: {  	s26 =	simm.s32 $execute0_lowered;
	[smem:$0x3FD2] =	sst s25  }
0xae: {  	s9 =	sshll.u32 s26, $0x1;
	_ =	strace $0x80000046;
	[dreg:$0x1] =	wrdreg $0xFFFFFFFF  }
0xaf: {  	s28 =	simm.s32 $_size_execute0_lowered;
	s7 =	sadd.s32 s7, s9;
	[dreg:$0x0] =	wrdreg $0x0  }
0xb0: {  	s9 =	sshll.u32 s28, $0x1;
	[dreg:$0x2] =	wrdreg s7  }
0xb1: {  	[dreg:$0x3] =	wrdreg s9  }
0xb2: {  	[dreg:$0x4] =	wrdreg $0xC0  }
0xb3: {  	_ =	task [dreg:s11], $0x5FFFF  }
0xb4: {  	[dreg:$0x1] =	wrdreg $0xFFFFFFFF  }
0xb5: {  	[dreg:$0x0] =	wrdreg $0x60  }
0xb6: {  	[dreg:$0x2] =	wrdreg s17  }
0xb7: {  	[dreg:$0x3] =	wrdreg s16  }
0xb8: {  	[dreg:$0x4] =	wrdreg s5  }
0xb9: {  	[dreg:$0x5] =	wrdreg s6  }
0xba: {  	[dreg:$0x6] =	wrdreg s24  }
0xbb: {  	[dreg:$0x7] =	wrdreg s18  }
0xbc: {  	[dreg:$0x8] =	wrdreg $0xA8000  }
0xbd: {  	[dreg:$0x9] =	wrdreg $0x9  }
0xbe: {  	_ =	task.clear_ibuf [dreg:s11], $0xAFFFF;
	_ =	strace $0x90000046  }
0xbf: {  	s29 =	simm.s32 $0x9;
	_ =	strace $0x80000048  }
0xc0: {  	_ =	swait.ge [sflag:s29], $0x1  }
0xc1: {  	[sflag:s29] =	ssyncadd.s32 $0xFFFFFFFF  }
0xc2: {  	_ =	strace $0x90000048  }
0xc3: {  	_ =	sfence  }
0xc4: {  	s30 =	sld [smem:$0x0];
	_ =	sdelay $0x2  }
0xc5: {  	s31 =	sshll.u32 s1, $0xD;
	s1 =	sshrl.u32 s1, $0x2  }
0xc6: {  	s3 =	sand.u32 $0x4000, s31;
	s1 =	sadd.s32 s1, s30  }
0xc7: {  	s0 =	sor.u32 s3, s0;
	s1 =	sshll.u32 s1, $0x11  }
0xc8: {  	s0 =	sor.u32 s1, s0  }
0xc9: {  	s0 =	sadd.s32 $0x8F2B, s0  }
0xca: {  	[sflag:s0] =	ssyncadd.remote.s32 $0x1  }
0xcb: {  	_ =	sfence.sel $0xFFFF  }
0xcc: {  	[dreg:$0x0] =	wrdreg $0xFFFFFFFF;
	(pc) =	sbr.abs _section_cstart, $3  }
0xcd: {  	[dreg:$0x1] =	wrdreg $0xFFFFFFFF  }
0xce: {  	_ =	task.clear_ibuf [dreg:s11], $0x2FFFF;
	_ =	strace $0x9FFFFFFF  }
0xcf: {  	(tm) =	ssettm $0x7FFFFFFF  }
tec
execute0_lowered:
.L_overlay_start_1:
0x0: {  	(tag) =	ssettag $0x1  }
0x1: {  	s0 =	rddreg [dreg:$0x0]  }
0x2: {  	s1 =	rddreg [dreg:$0x1]  }
0x3: {  	s5 =	rddreg [dreg:$0x2]  }
0x4: {  	s2 =	srdreg.scid;
	s6 =	rddreg [dreg:$0x3]  }
0x5: {  	s8 =	rddreg [dreg:$0x4];
	s18 =	stileid.u32  }
0x6: {  	s9 =	rddreg [dreg:$0x5];
	s12 =	smul.u32 $0x13C00, s18  }
0x7: {  	s3 =	simm.s32 $0x0;
	s7 =	sand.u32 $0x1, s2;
	s16 =	smul.u32 $0x4F000, s18  }
0x8: {  	[smem:$0x7FF] =	sst s3;
	s4 =	sadd.s32 $0x2C400, s8;
	s26 =	smul.u32 $0x50, s18  }
0x9: {  	s2 =	sshll.u32 s7, $0x4;
	s13 =	smul.u32 $0x13C000, s7;
	s15 =	ssub.s32 $0x2, s7  }
0xa: {  	s24 =	smul.u32 $0x500, s7;
	s10 =	sor.u32 s18, s2;
	s2 =	rddreg [dreg:$0x6]  }
0xb: {  	_ =	strace $0x80000047;
	s17 =	sshrl.u32 s15, $0x1;
	s16 =	sshrl.u32 s16, $0x2  }
0xc: {  	s11 =	smul.u32 $0x500, s10;
	s13 =	sadd.s32 s12, s13;
	s15 =	ssub.s32 s15, s17  }
0xd: {  	s17 =	sshrl.u32 s12, $0x3;
	s21 =	smul.u32 $0x28000, s10;
	s10 =	simm.s32 $0x100  }
0xe: {  	s13 =	sshrl.u32 s13, $0x3;
	s0 =	sadd.s32 s0, s17;
	s1 =	sadd.s32 s1, s17  }
0xf: {  	s5 =	sadd.s32 s5, s17;
	s14 =	sadd.s32 s11, s8;
	[dreg:$0x9] =	wrdreg s0  }
0x10: {  	s13 =	sadd.s32 s13, s8;
	s8 =	sadd.s32 $0x2CC00, s8;
	[dreg:$0x10] =	wrdreg s1  }
0x11: {  	s6 =	sadd.s32 s6, s11;
	s19 =	sadd.s32 s9, s11;
	[dreg:$0x13] =	wrdreg s5  }
0x12: {  	s0 =	sadd.s32 s26, s24;
	s5 =	simm.s32 $0x2800;
	[dreg:$0x8] =	wrdreg s6  }
0x13: {  	s9 =	simm.s32 $0x2;
	s6 =	sadd.s32 s16, s2;
	[dreg:$0xa] =	wrdreg s19  }
0x14: {  	s12 =	sadd.s32 s8, s21;
	s25 =	sadd.s32 $0x52CC00, s13;
	s11 =	sadd.s32 $0x22400, s14  }
0x15: {  	s16 =	sadd.s32 $0x18400, s14;
	s19 =	sadd.s32 $0x57BC00, s13;
	[dreg:$0xe] =	wrdreg s25  }
0x16: {  	s0 =	sshll.u32 s0, $0xB;
	s21 =	smul.u32 $0x28000, s18;
	[dreg:$0xf] =	wrdreg s11  }
0x17: {  	s24 =	sadd.s32 $0x5CAC00, s13;
	s13 =	simm.s32 $0x0;
	[dreg:$0x11] =	wrdreg s16  }
0x18: {  	s20 =	sadd.s32 $0x4000, s6;
	s22 =	sadd.s32 $0x8000, s6;
	[dreg:$0x12] =	wrdreg s19  }
0x19: {  	s23 =	sadd.s32 $0xC000, s6;
	s0 =	sadd.s32 s0, s8;
	[dreg:$0x16] =	wrdreg s24  }
0x1a: {  	s25 =	smax.u32 s15, $0x1;
	s26 =	sadd.s32 $0x10000, s6;
	[dreg:$0xb] =	wrdreg s20  }
0x1b: {  	s28 =	sadd.s32 $0x800, s12;
	s29 =	sadd.s32 $0x1000, s12;
	[dreg:$0xc] =	wrdreg s22  }
0x1c: {  	s30 =	sadd.s32 $0x27000, s12;
	s31 =	sadd.s32 $0x27800, s12;
	[dreg:$0xd] =	wrdreg s23  }
0x1d: {  	s11 =	simm.s32 $0x2780;
	s20 =	smul.u32 $0x280000, s7;
	[dreg:$0x17] =	wrdreg s25  }
.Ltmp0:
0x1e: {  	s22 =	sadd.s32 $0xE400, s14;
	[dreg:$0x18] =	wrdreg s26;
	(pc) =	sbr.rel .LBB2_1-.Ltmp0, $4  }
0x1f: {  	s23 =	sadd.s32 $0x4400, s14;
	s25 =	sadd.s32 $0x2000, s0;
	[dreg:$0x14] =	wrdreg s22  }
0x20: {  	s7 =	simm.s32 $0x1;
	[dreg:$0x15] =	wrdreg s23;
	s1 =	sadd.s32 s20, s8  }
0x21: {  	s23 =	sadd.s32 $0x1800, s0;
	s0 =	simm.s32 $0x80;
	s1 =	sadd.s32 s21, s1  }
0x22: {  	s8 =	simm.s32 $0x6800;
	s24 =	sadd.s32 $0x1000, s1;
	s1 =	simm.s32 $0x3  }
.LBB2_16:
0x23: {  	[spmem:s2] =	stream.indirect.scatter.add.f32 [tilespmem:s8], [sflag:$0x2], $0x80, s11, s0, $0xb8;
	[tilespmem:$0x1E400] =	vst v63  }
0x24: {  	_ =	swait.ge [sflag:s9], $0x4000  }
0x25: {  	[sflag:s9] =	ssyncset.done $0x0  }
0x26: {  	[sflag:s9] =	ssyncadd.s32 $0xFFFFC000  }
0x27: {  	[bflag:$0x0] =	sbarrier.arrive $0xFFFF  }
0x28: {  	s16 =	rddreg [dreg:$0x16]  }
0x29: {  	[hbm:s16], [sflag:s14] =	dma.local [spmem:s15], $0x2780  }
0x2a: {  	_ =	swait.ge [sflag:s1], $0x2780  }
0x2b: {  	s13 =	sadd.s32 $0x1, s13;
	s26 =	rddreg [dreg:$0x17]  }
0x2c: {  	p0 =	sne.s32 s13, s26  }
.Ltmp1:
0x2d: {  	_ = 	snop;
	(pc) =	sbr.rel @!p0 .LBB2_17-.Ltmp1, $3  }
0x2e: {  	[sflag:s1] =	ssyncset.done $0x0  }
0x2f: {  	[sflag:s1] =	ssyncadd.s32 $0xFFFFD880  }
0x30: {  	[bflag:$0x0] =	sbarrier.arrive $0xFFFF;
	_ =	sdelay $0x1  }
.LBB2_1:
0x31: {  	s14 =	rddreg [dreg:$0x8]  }
0x32: {  	[tilespmem:s3], [sflag:$0x3] =	stream.linear.gather [hbm4b:s14+s3], $0x2800, $0x38;
	[tilespmem:$0x1E400] =	vst v63  }
0x33: {  	s20 =	stileid.u32;
	_ =	swait.ge [sflag:s1], $0x2800  }
0x34: {  	s15 =	sshrl.u32 s6, $0x3;
	s14 =	sshll.u32 s20, $0x6;
	[sflag:s1] =	ssyncset.done $0x0  }
0x35: {  	s14 =	sor.u32 $0x1C03, s14;
	s16 =	rddreg [dreg:$0x9];
	[sflag:s1] =	ssyncadd.s32 $0xFFFFD800  }
0x36: {  	[spmem:s15], [sflag:s14] =	dma.local [hbm:s16], $0x2780  }
0x37: {  	_ =	swait.ge [sflag:s1], $0x2780  }
0x38: {  	[sflag:s1] =	ssyncset.done $0x0  }
0x39: {  	[sflag:s1] =	ssyncadd.s32 $0xFFFFD880  }
0x3a: {  	[bflag:$0x0] =	sbarrier.arrive $0xFFFF  }
0x3b: {  	[tilespmem:s5], [sflag:$0x1] =	stream.indirect.gather [spmem:s2], $0x80, s3, s0, $0xb8;
	[tilespmem:$0x1E400] =	vst v63  }
0x3c: {  	_ =	swait.ge [sflag:s7], $0x4000  }
0x3d: {  	[sflag:s7] =	ssyncset.done $0x0  }
0x3e: {  	[sflag:s7] =	ssyncadd.s32 $0xFFFFC000  }
0x3f: {  	[tilespmem:s8], [sflag:$0x1] =	stream.indirect.gather [spmem:s2], $0x80, s0, s0, $0xb8;
	[tilespmem:$0x1E400] =	vst v63  }
0x40: {  	_ = 	snop  }
0x41: {  	[hbm4b:s12+s3] =	stream.linear.scatter [tilespmem:s5], [sflag:$0x2], $0x4000, $0x38;
	[tilespmem:$0x1E400] =	vst v63  }
0x42: {  	_ =	swait.ge [sflag:s7], $0x4000  }
0x43: {  	[sflag:s7] =	ssyncset.done $0x0  }
0x44: {  	[sflag:s7] =	ssyncadd.s32 $0xFFFFC000  }
0x45: {  	_ =	swait.ge [sflag:s9], $0x4000  }
0x46: {  	[sflag:s9] =	ssyncset.done $0x0  }
0x47: {  	[sflag:s9] =	ssyncadd.s32 $0xFFFFC000  }
0x48: {  	[tilespmem:s5], [sflag:$0x1] =	stream.indirect.gather [spmem:s2], $0x80, s10, s0, $0xb8;
	[tilespmem:$0x1E400] =	vst v63  }
0x49: {  	_ = 	snop  }
0x4a: {  	[hbm4b:s28+s3] =	stream.linear.scatter [tilespmem:s8], [sflag:$0x2], $0x4000, $0x38;
	[tilespmem:$0x1E400] =	vst v63  }
0x4b: {  	_ =	swait.ge [sflag:s7], $0x4000  }
0x4c: {  	[sflag:s7] =	ssyncset.done $0x0  }
0x4d: {  	[sflag:s7] =	ssyncadd.s32 $0xFFFFC000  }
0x4e: {  	_ =	swait.ge [sflag:s9], $0x4000  }
0x4f: {  	[sflag:s9] =	ssyncset.done $0x0  }
0x50: {  	s21 =	simm.s32 $0x180;
	[sflag:s9] =	ssyncadd.s32 $0xFFFFC000  }
0x51: {  	[tilespmem:s8], [sflag:$0x1] =	stream.indirect.gather [spmem:s2], $0x80, s21, s0, $0xb8;
	[tilespmem:$0x1E400] =	vst v63  }
0x52: {  	s22 =	sadd.s32 $0x0, s24  }
0x53: {  	[hbm4b:s22+s3] =	stream.linear.scatter [tilespmem:s5], [sflag:$0x2], $0x4000, $0x38;
	[tilespmem:$0x1E400] =	vst v63  }
0x54: {  	_ =	swait.ge [sflag:s7], $0x4000  }
0x55: {  	[sflag:s7] =	ssyncset.done $0x0  }
0x56: {  	[sflag:s7] =	ssyncadd.s32 $0xFFFFC000  }
0x57: {  	_ =	swait.ge [sflag:s9], $0x4000  }
0x58: {  	s26 =	simm.s32 $0x200;
	s18 =	sadd.s32 $0x0, s23;
	[sflag:s9] =	ssyncset.done $0x0  }
0x59: {  	s17 =	simm.s32 $0x300;
	s16 =	simm.s32 $0x1000;
	[sflag:s9] =	ssyncadd.s32 $0xFFFFC000  }
0x5a: {  	[tilespmem:s5], [sflag:$0x1] =	stream.indirect.gather [spmem:s2], $0x80, s26, s0, $0xb8;
	[tilespmem:$0x1E400] =	vst v63  }
.LBB2_2:
0x5b: {  	[hbm4b:s18+s3] =	stream.linear.scatter [tilespmem:s8], [sflag:$0x2], $0x4000, $0x38;
	[tilespmem:$0x1E400] =	vst v63  }
0x5c: {  	s18 =	smov.u32 s16  }
0x5d: {  	p0 =	sne.s32 s16, $0x25000;
	s16 =	sadd.s32 $0x1000, s16;
	_ =	swait.ge [sflag:s7], $0x4000  }
0x5e: {  	[sflag:s7] =	ssyncset.done $0x0  }
0x5f: {  	[sflag:s7] =	ssyncadd.s32 $0xFFFFC000  }
0x60: {  	_ =	swait.ge [sflag:s9], $0x4000  }
0x61: {  	[sflag:s9] =	ssyncset.done $0x0  }
0x62: {  	s19 =	sadd.s32 $0xFFFFFF80, s17;
	[sflag:s9] =	ssyncadd.s32 $0xFFFFC000  }
0x63: {  	[tilespmem:s8], [sflag:$0x1] =	stream.indirect.gather [spmem:s2], $0x80, s19, s0, $0xb8;
	[tilespmem:$0x1E400] =	vst v63  }
0x64: {  	s19 =	sadd.s32 s18, s24  }
0x65: {  	[hbm4b:s19+s3] =	stream.linear.scatter [tilespmem:s5], [sflag:$0x2], $0x4000, $0x38;
	[tilespmem:$0x1E400] =	vst v63  }
0x66: {  	_ =	swait.ge [sflag:s7], $0x4000  }
0x67: {  	[sflag:s7] =	ssyncset.done $0x0  }
0x68: {  	[sflag:s7] =	ssyncadd.s32 $0xFFFFC000  }
.Ltmp2:
0x69: {  	_ =	swait.ge [sflag:s9], $0x4000;
	(pc) =	sbr.rel @p0 .LBB2_2-.Ltmp2, $4  }
0x6a: {  	[sflag:s9] =	ssyncset.done $0x0  }
0x6b: {  	[sflag:s9] =	ssyncadd.s32 $0xFFFFC000  }
0x6c: {  	[tilespmem:s5], [sflag:$0x1] =	stream.indirect.gather [spmem:s2], $0x80, s17, s0, $0xb8;
	[tilespmem:$0x1E400] =	vst v63  }
0x6d: {  	s18 =	sadd.s32 s18, s23;
	s17 =	sadd.s32 $0x100, s17  }
0x6e: {  	[hbm4b:s18+s3] =	stream.linear.scatter [tilespmem:s8], [sflag:$0x2], $0x4000, $0x38;
	[tilespmem:$0x1E400] =	vst v63  }
0x6f: {  	_ =	swait.ge [sflag:s7], $0x4000  }
0x70: {  	[sflag:s7] =	ssyncset.done $0x0  }
0x71: {  	[sflag:s7] =	ssyncadd.s32 $0xFFFFC000  }
0x72: {  	_ =	swait.ge [sflag:s9], $0x4000  }
0x73: {  	[sflag:s9] =	ssyncset.done $0x0  }
0x74: {  	[sflag:s9] =	ssyncadd.s32 $0xFFFFC000  }
0x75: {  	[tilespmem:s8], [sflag:$0x1] =	stream.indirect.gather [spmem:s2], $0x80, s11, s0, $0xb8;
	[tilespmem:$0x1E400] =	vst v63  }
0x76: {  	s20 =	simm.s32 $0x0  }
0x77: {  	[hbm4b:s30+s20] =	stream.linear.scatter [tilespmem:s5], [sflag:$0x2], $0x4000, $0x38;
	[tilespmem:$0x1E400] =	vst v63  }
0x78: {  	_ =	swait.ge [sflag:s7], $0x4000  }
0x79: {  	[sflag:s7] =	ssyncset.done $0x0  }
0x7a: {  	[sflag:s7] =	ssyncadd.s32 $0xFFFFC000  }
0x7b: {  	_ =	swait.ge [sflag:s9], $0x4000  }
0x7c: {  	[sflag:s9] =	ssyncset.done $0x0  }
0x7d: {  	[sflag:s9] =	ssyncadd.s32 $0xFFFFC000  }
0x7e: {  	[hbm4b:s31+s20] =	stream.linear.scatter [tilespmem:s8], [sflag:$0x2], $0x4000, $0x38;
	[tilespmem:$0x1E400] =	vst v63  }
0x7f: {  	_ =	swait.ge [sflag:s9], $0x4000  }
0x80: {  	[sflag:s9] =	ssyncset.done $0x0  }
0x81: {  	[sflag:s9] =	ssyncadd.s32 $0xFFFFC000  }
0x82: {  	[bflag:$0x0] =	sbarrier.arrive $0xFFFF  }
0x83: {  	s16 =	rddreg [dreg:$0xa]  }
0x84: {  	[tilespmem:s20], [sflag:$0x3] =	stream.linear.gather [hbm4b:s16+s20], $0x2800, $0x38;
	[tilespmem:$0x1E400] =	vst v63  }
0x85: {  	_ =	swait.ge [sflag:s1], $0x2800  }
0x86: {  	[sflag:s1] =	ssyncset.done $0x0  }
0x87: {  	[sflag:s1] =	ssyncadd.s32 $0xFFFFD800  }
0x88: {  	[spmem:s15], [sflag:s14] =	dma.local [hbm:s4], $0x800  }
0x89: {  	_ =	swait.ge [sflag:s1], $0x800  }
0x8a: {  	[sflag:s1] =	ssyncset.done $0x0;
	s22 =	rddreg [dreg:$0xb]  }
0x8b: {  	[sflag:s1] =	ssyncadd.s32 $0xFFFFF800;
	s16 =	sshrl.u32 s22, $0x3  }
0x8c: {  	[spmem:s16], [sflag:s14] =	dma.local [hbm:s4], $0x800  }
0x8d: {  	_ =	swait.ge [sflag:s1], $0x800  }
0x8e: {  	[sflag:s1] =	ssyncset.done $0x0;
	s17 =	rddreg [dreg:$0xc]  }
0x8f: {  	[sflag:s1] =	ssyncadd.s32 $0xFFFFF800;
	s17 =	sshrl.u32 s17, $0x3  }
0x90: {  	[spmem:s17], [sflag:s14] =	dma.local [hbm:s4], $0x800  }
0x91: {  	_ =	swait.ge [sflag:s1], $0x800  }
0x92: {  	[sflag:s1] =	ssyncset.done $0x0;
	s26 =	rddreg [dreg:$0xd]  }
0x93: {  	[sflag:s1] =	ssyncadd.s32 $0xFFFFF800;
	s18 =	sshrl.u32 s26, $0x3  }
0x94: {  	[spmem:s18], [sflag:s14] =	dma.local [hbm:s4], $0x800  }
0x95: {  	_ =	swait.ge [sflag:s1], $0x800  }
0x96: {  	[sflag:s1] =	ssyncset.done $0x0;
	s19 =	rddreg [dreg:$0x18]  }
0x97: {  	[sflag:s1] =	ssyncadd.s32 $0xFFFFF800;
	s19 =	sshrl.u32 s19, $0x3  }
0x98: {  	[spmem:s19], [sflag:s14] =	dma.local [hbm:s4], $0x780  }
0x99: {  	_ =	swait.ge [sflag:s1], $0x780  }
0x9a: {  	[sflag:s1] =	ssyncset.done $0x0  }
0x9b: {  	[sflag:s1] =	ssyncadd.s32 $0xFFFFF880  }
0x9c: {  	[bflag:$0x0] =	sbarrier.arrive $0xFFFF  }
0x9d: {  	[tilespmem:s5], [sflag:$0x1] =	stream.linear.gather [hbm4b:s12+s20], $0x4000, $0x38;
	[tilespmem:$0x1E400] =	vst v63  }
0x9e: {  	_ =	swait.ge [sflag:s7], $0x4000  }
0x9f: {  	[sflag:s7] =	ssyncset.done $0x0  }
0xa0: {  	[sflag:s7] =	ssyncadd.s32 $0xFFFFC000  }
0xa1: {  	[tilespmem:s8], [sflag:$0x1] =	stream.linear.gather [hbm4b:s28+s20], $0x4000, $0x38;
	[tilespmem:$0x1E400] =	vst v63  }
0xa2: {  	_ = 	snop  }
0xa3: {  	[spmem:s2] =	stream.indirect.scatter.add.f32 [tilespmem:s5], [sflag:$0x2], $0x80, s20, s0, $0xb8;
	[tilespmem:$0x1E400] =	vst v63  }
0xa4: {  	_ =	swait.ge [sflag:s7], $0x4000  }
0xa5: {  	[sflag:s7] =	ssyncset.done $0x0  }
0xa6: {  	[sflag:s7] =	ssyncadd.s32 $0xFFFFC000  }
0xa7: {  	_ =	swait.ge [sflag:s9], $0x4000  }
0xa8: {  	[sflag:s9] =	ssyncset.done $0x0  }
0xa9: {  	[sflag:s9] =	ssyncadd.s32 $0xFFFFC000  }
0xaa: {  	[tilespmem:s5], [sflag:$0x1] =	stream.linear.gather [hbm4b:s29+s20], $0x4000, $0x38;
	[tilespmem:$0x1E400] =	vst v63  }
0xab: {  	s21 =	simm.s32 $0x100  }
0xac: {  	[spmem:s2] =	stream.indirect.scatter.add.f32 [tilespmem:s8], [sflag:$0x2], $0x80, s0, s0, $0xb8;
	[tilespmem:$0x1E400] =	vst v63  }
.LBB2_4:
0xad: {  	_ =	swait.ge [sflag:s7], $0x4000  }
0xae: {  	[sflag:s7] =	ssyncset.done $0x0  }
0xaf: {  	[sflag:s7] =	ssyncadd.s32 $0xFFFFC000  }
0xb0: {  	_ =	swait.ge [sflag:s9], $0x4000  }
0xb1: {  	[sflag:s9] =	ssyncset.done $0x0  }
0xb2: {  	s22 =	sadd.s32 s20, s23;
	[sflag:s9] =	ssyncadd.s32 $0xFFFFC000  }
0xb3: {  	[tilespmem:s8], [sflag:$0x1] =	stream.linear.gather [hbm4b:s22+s3], $0x4000, $0x38;
	[tilespmem:$0x1E400] =	vst v63  }
0xb4: {  	_ = 	snop  }
0xb5: {  	[spmem:s2] =	stream.indirect.scatter.add.f32 [tilespmem:s5], [sflag:$0x2], $0x80, s21, s0, $0xb8;
	[tilespmem:$0x1E400] =	vst v63  }
0xb6: {  	p0 =	seq.s32 s20, $0x26000;
	_ =	swait.ge [sflag:s7], $0x4000  }
.Ltmp3:
0xb7: {  	[sflag:s7] =	ssyncset.done $0x0;
	(pc) =	sbr.rel @p0 .LBB2_6-.Ltmp3, $4  }
0xb8: {  	[sflag:s7] =	ssyncadd.s32 $0xFFFFC000  }
0xb9: {  	_ =	swait.ge [sflag:s9], $0x4000  }
0xba: {  	[sflag:s9] =	ssyncset.done $0x0  }
0xbb: {  	[sflag:s9] =	ssyncadd.s32 $0xFFFFC000  }
.Ltmp4:
0xbc: {  	(pc) =	sbr.rel .LBB2_4-.Ltmp4, $4  }
0xbd: {  	s22 =	sadd.s32 s20, s25  }
0xbe: {  	[tilespmem:s5], [sflag:$0x1] =	stream.linear.gather [hbm4b:s22+s3], $0x4000, $0x38;
	[tilespmem:$0x1E400] =	vst v63  }
0xbf: {  	s26 =	sadd.s32 $0x80, s21;
	s21 =	sadd.s32 $0x100, s21;
	s20 =	sadd.s32 $0x1000, s20  }
0xc0: {  	[spmem:s2] =	stream.indirect.scatter.add.f32 [tilespmem:s8], [sflag:$0x2], $0x80, s26, s0, $0xb8;
	[tilespmem:$0x1E400] =	vst v63  }
.LBB2_6:
0xc1: {  	[spmem:s2] =	stream.indirect.scatter.add.f32 [tilespmem:s8], [sflag:$0x2], $0x80, s11, s0, $0xb8;
	[tilespmem:$0x1E400] =	vst v63  }
0xc2: {  	_ =	swait.ge [sflag:s9], $0x4000  }
0xc3: {  	[sflag:s9] =	ssyncset.done $0x0  }
0xc4: {  	[sflag:s9] =	ssyncadd.s32 $0xFFFFC000  }
0xc5: {  	[bflag:$0x0] =	sbarrier.arrive $0xFFFF  }
0xc6: {  	s20 =	rddreg [dreg:$0xe]  }
0xc7: {  	[hbm:s20], [sflag:s14] =	dma.local [spmem:s15], $0x2780  }
0xc8: {  	_ =	swait.ge [sflag:s1], $0x2780  }
0xc9: {  	[sflag:s1] =	ssyncset.done $0x0  }
0xca: {  	[sflag:s1] =	ssyncadd.s32 $0xFFFFD880  }
0xcb: {  	[bflag:$0x0] =	sbarrier.arrive $0xFFFF  }
0xcc: {  	s22 =	simm.s32 $0x0;
	s21 =	rddreg [dreg:$0xf]  }
0xcd: {  	[tilespmem:s22], [sflag:$0x3] =	stream.linear.gather [hbm4b:s21+s22], $0x2800, $0x38;
	[tilespmem:$0x1E400] =	vst v63  }
0xce: {  	_ =	swait.ge [sflag:s1], $0x2800  }
0xcf: {  	[sflag:s1] =	ssyncset.done $0x0  }
0xd0: {  	s26 =	rddreg [dreg:$0x10];
	[sflag:s1] =	ssyncadd.s32 $0xFFFFD800  }
0xd1: {  	[spmem:s15], [sflag:s14] =	dma.local [hbm:s26], $0x2780  }
0xd2: {  	_ =	swait.ge [sflag:s1], $0x2780  }
0xd3: {  	[sflag:s1] =	ssyncset.done $0x0  }
0xd4: {  	[sflag:s1] =	ssyncadd.s32 $0xFFFFD880  }
0xd5: {  	[bflag:$0x0] =	sbarrier.arrive $0xFFFF  }
0xd6: {  	[tilespmem:s5], [sflag:$0x1] =	stream.indirect.gather [spmem:s2], $0x80, s22, s0, $0xb8;
	[tilespmem:$0x1E400] =	vst v63  }
0xd7: {  	_ =	swait.ge [sflag:s7], $0x4000  }
0xd8: {  	[sflag:s7] =	ssyncset.done $0x0  }
0xd9: {  	[sflag:s7] =	ssyncadd.s32 $0xFFFFC000  }
0xda: {  	[tilespmem:s8], [sflag:$0x1] =	stream.indirect.gather [spmem:s2], $0x80, s0, s0, $0xb8;
	[tilespmem:$0x1E400] =	vst v63  }
0xdb: {  	_ = 	snop  }
0xdc: {  	[hbm4b:s12+s22] =	stream.linear.scatter [tilespmem:s5], [sflag:$0x2], $0x4000, $0x38;
	[tilespmem:$0x1E400] =	vst v63  }
0xdd: {  	_ =	swait.ge [sflag:s7], $0x4000  }
0xde: {  	[sflag:s7] =	ssyncset.done $0x0  }
0xdf: {  	[sflag:s7] =	ssyncadd.s32 $0xFFFFC000  }
0xe0: {  	_ =	swait.ge [sflag:s9], $0x4000  }
0xe1: {  	[sflag:s9] =	ssyncset.done $0x0  }
0xe2: {  	[sflag:s9] =	ssyncadd.s32 $0xFFFFC000  }
0xe3: {  	[tilespmem:s5], [sflag:$0x1] =	stream.indirect.gather [spmem:s2], $0x80, s10, s0, $0xb8;
	[tilespmem:$0x1E400] =	vst v63  }
0xe4: {  	_ = 	snop  }
0xe5: {  	[hbm4b:s28+s22] =	stream.linear.scatter [tilespmem:s8], [sflag:$0x2], $0x4000, $0x38;
	[tilespmem:$0x1E400] =	vst v63  }
0xe6: {  	_ =	swait.ge [sflag:s7], $0x4000  }
0xe7: {  	[sflag:s7] =	ssyncset.done $0x0  }
0xe8: {  	[sflag:s7] =	ssyncadd.s32 $0xFFFFC000  }
0xe9: {  	_ =	swait.ge [sflag:s9], $0x4000  }
0xea: {  	[sflag:s9] =	ssyncset.done $0x0  }
0xeb: {  	s21 =	simm.s32 $0x180;
	[sflag:s9] =	ssyncadd.s32 $0xFFFFC000  }
0xec: {  	[tilespmem:s8], [sflag:$0x1] =	stream.indirect.gather [spmem:s2], $0x80, s21, s0, $0xb8;
	[tilespmem:$0x1E400] =	vst v63  }
0xed: {  	s22 =	sadd.s32 $0x0, s24  }
0xee: {  	[hbm4b:s22+s3] =	stream.linear.scatter [tilespmem:s5], [sflag:$0x2], $0x4000, $0x38;
	[tilespmem:$0x1E400] =	vst v63  }
0xef: {  	_ =	swait.ge [sflag:s7], $0x4000  }
0xf0: {  	[sflag:s7] =	ssyncset.done $0x0  }
0xf1: {  	[sflag:s7] =	ssyncadd.s32 $0xFFFFC000  }
0xf2: {  	_ =	swait.ge [sflag:s9], $0x4000  }
0xf3: {  	s20 =	simm.s32 $0x1000;
	s26 =	simm.s32 $0x200;
	[sflag:s9] =	ssyncset.done $0x0  }
0xf4: {  	s21 =	simm.s32 $0x300;
	s22 =	sadd.s32 $0x0, s23;
	[sflag:s9] =	ssyncadd.s32 $0xFFFFC000  }
0xf5: {  	[tilespmem:s5], [sflag:$0x1] =	stream.indirect.gather [spmem:s2], $0x80, s26, s0, $0xb8;
	[tilespmem:$0x1E400] =	vst v63  }
.LBB2_7:
0xf6: {  	[hbm4b:s22+s3] =	stream.linear.scatter [tilespmem:s8], [sflag:$0x2], $0x4000, $0x38;
	[tilespmem:$0x1E400] =	vst v63  }
0xf7: {  	s22 =	smov.u32 s20  }
0xf8: {  	p0 =	sne.s32 s20, $0x25000;
	s20 =	sadd.s32 $0x1000, s20;
	_ =	swait.ge [sflag:s7], $0x4000  }
0xf9: {  	[sflag:s7] =	ssyncset.done $0x0  }
0xfa: {  	[sflag:s7] =	ssyncadd.s32 $0xFFFFC000  }
0xfb: {  	_ =	swait.ge [sflag:s9], $0x4000  }
0xfc: {  	[sflag:s9] =	ssyncset.done $0x0  }
0xfd: {  	s26 =	sadd.s32 $0xFFFFFF80, s21;
	[sflag:s9] =	ssyncadd.s32 $0xFFFFC000  }
0xfe: {  	[tilespmem:s8], [sflag:$0x1] =	stream.indirect.gather [spmem:s2], $0x80, s26, s0, $0xb8;
	[tilespmem:$0x1E400] =	vst v63  }
0xff: {  	s26 =	sadd.s32 s22, s24  }
0x100: {  	[hbm4b:s26+s3] =	stream.linear.scatter [tilespmem:s5], [sflag:$0x2], $0x4000, $0x38;
	[tilespmem:$0x1E400] =	vst v63  }
0x101: {  	_ =	swait.ge [sflag:s7], $0x4000  }
0x102: {  	[sflag:s7] =	ssyncset.done $0x0  }
0x103: {  	[sflag:s7] =	ssyncadd.s32 $0xFFFFC000  }
.Ltmp5:
0x104: {  	_ =	swait.ge [sflag:s9], $0x4000;
	(pc) =	sbr.rel @p0 .LBB2_7-.Ltmp5, $4  }
0x105: {  	[sflag:s9] =	ssyncset.done $0x0  }
0x106: {  	[sflag:s9] =	ssyncadd.s32 $0xFFFFC000  }
0x107: {  	[tilespmem:s5], [sflag:$0x1] =	stream.indirect.gather [spmem:s2], $0x80, s21, s0, $0xb8;
	[tilespmem:$0x1E400] =	vst v63  }
0x108: {  	s22 =	sadd.s32 s22, s23;
	s21 =	sadd.s32 $0x100, s21  }
0x109: {  	[hbm4b:s22+s3] =	stream.linear.scatter [tilespmem:s8], [sflag:$0x2], $0x4000, $0x38;
	[tilespmem:$0x1E400] =	vst v63  }
0x10a: {  	_ =	swait.ge [sflag:s7], $0x4000  }
0x10b: {  	[sflag:s7] =	ssyncset.done $0x0  }
0x10c: {  	[sflag:s7] =	ssyncadd.s32 $0xFFFFC000  }
0x10d: {  	_ =	swait.ge [sflag:s9], $0x4000  }
0x10e: {  	[sflag:s9] =	ssyncset.done $0x0  }
0x10f: {  	[sflag:s9] =	ssyncadd.s32 $0xFFFFC000  }
0x110: {  	[tilespmem:s8], [sflag:$0x1] =	stream.indirect.gather [spmem:s2], $0x80, s11, s0, $0xb8;
	[tilespmem:$0x1E400] =	vst v63  }
0x111: {  	s20 =	simm.s32 $0x0  }
0x112: {  	[hbm4b:s30+s20] =	stream.linear.scatter [tilespmem:s5], [sflag:$0x2], $0x4000, $0x38;
	[tilespmem:$0x1E400] =	vst v63  }
0x113: {  	_ =	swait.ge [sflag:s7], $0x4000  }
0x114: {  	[sflag:s7] =	ssyncset.done $0x0  }
0x115: {  	[sflag:s7] =	ssyncadd.s32 $0xFFFFC000  }
0x116: {  	_ =	swait.ge [sflag:s9], $0x4000  }
0x117: {  	[sflag:s9] =	ssyncset.done $0x0  }
0x118: {  	[sflag:s9] =	ssyncadd.s32 $0xFFFFC000  }
0x119: {  	[hbm4b:s31+s20] =	stream.linear.scatter [tilespmem:s8], [sflag:$0x2], $0x4000, $0x38;
	[tilespmem:$0x1E400] =	vst v63  }
0x11a: {  	_ =	swait.ge [sflag:s9], $0x4000  }
0x11b: {  	[sflag:s9] =	ssyncset.done $0x0  }
0x11c: {  	[sflag:s9] =	ssyncadd.s32 $0xFFFFC000  }
0x11d: {  	[bflag:$0x0] =	sbarrier.arrive $0xFFFF  }
0x11e: {  	s21 =	rddreg [dreg:$0x11]  }
0x11f: {  	[tilespmem:s20], [sflag:$0x3] =	stream.linear.gather [hbm4b:s21+s20], $0x2800, $0x38;
	[tilespmem:$0x1E400] =	vst v63  }
0x120: {  	_ =	swait.ge [sflag:s1], $0x2800  }
0x121: {  	[sflag:s1] =	ssyncset.done $0x0  }
0x122: {  	[sflag:s1] =	ssyncadd.s32 $0xFFFFD800  }
0x123: {  	[spmem:s15], [sflag:s14] =	dma.local [hbm:s4], $0x800  }
0x124: {  	_ =	swait.ge [sflag:s1], $0x800  }
0x125: {  	[sflag:s1] =	ssyncset.done $0x0  }
0x126: {  	[sflag:s1] =	ssyncadd.s32 $0xFFFFF800  }
0x127: {  	[spmem:s16], [sflag:s14] =	dma.local [hbm:s4], $0x800  }
0x128: {  	_ =	swait.ge [sflag:s1], $0x800  }
0x129: {  	[sflag:s1] =	ssyncset.done $0x0  }
0x12a: {  	[sflag:s1] =	ssyncadd.s32 $0xFFFFF800  }
0x12b: {  	[spmem:s17], [sflag:s14] =	dma.local [hbm:s4], $0x800  }
0x12c: {  	_ =	swait.ge [sflag:s1], $0x800  }
0x12d: {  	[sflag:s1] =	ssyncset.done $0x0  }
0x12e: {  	[sflag:s1] =	ssyncadd.s32 $0xFFFFF800  }
0x12f: {  	[spmem:s18], [sflag:s14] =	dma.local [hbm:s4], $0x800  }
0x130: {  	_ =	swait.ge [sflag:s1], $0x800  }
0x131: {  	[sflag:s1] =	ssyncset.done $0x0  }
0x132: {  	[sflag:s1] =	ssyncadd.s32 $0xFFFFF800  }
0x133: {  	[spmem:s19], [sflag:s14] =	dma.local [hbm:s4], $0x780  }
0x134: {  	_ =	swait.ge [sflag:s1], $0x780  }
0x135: {  	[sflag:s1] =	ssyncset.done $0x0  }
0x136: {  	[sflag:s1] =	ssyncadd.s32 $0xFFFFF880  }
0x137: {  	[bflag:$0x0] =	sbarrier.arrive $0xFFFF  }
0x138: {  	[tilespmem:s5], [sflag:$0x1] =	stream.linear.gather [hbm4b:s12+s20], $0x4000, $0x38;
	[tilespmem:$0x1E400] =	vst v63  }
0x139: {  	_ =	swait.ge [sflag:s7], $0x4000  }
0x13a: {  	[sflag:s7] =	ssyncset.done $0x0  }
0x13b: {  	[sflag:s7] =	ssyncadd.s32 $0xFFFFC000  }
0x13c: {  	[tilespmem:s8], [sflag:$0x1] =	stream.linear.gather [hbm4b:s28+s20], $0x4000, $0x38;
	[tilespmem:$0x1E400] =	vst v63  }
0x13d: {  	_ = 	snop  }
0x13e: {  	[spmem:s2] =	stream.indirect.scatter.add.f32 [tilespmem:s5], [sflag:$0x2], $0x80, s20, s0, $0xb8;
	[tilespmem:$0x1E400] =	vst v63  }
0x13f: {  	_ =	swait.ge [sflag:s7], $0x4000  }
0x140: {  	[sflag:s7] =	ssyncset.done $0x0  }
0x141: {  	[sflag:s7] =	ssyncadd.s32 $0xFFFFC000  }
0x142: {  	_ =	swait.ge [sflag:s9], $0x4000  }
0x143: {  	[sflag:s9] =	ssyncset.done $0x0  }
0x144: {  	[sflag:s9] =	ssyncadd.s32 $0xFFFFC000  }
0x145: {  	[tilespmem:s5], [sflag:$0x1] =	stream.linear.gather [hbm4b:s29+s20], $0x4000, $0x38;
	[tilespmem:$0x1E400] =	vst v63  }
0x146: {  	s21 =	simm.s32 $0x100  }
0x147: {  	[spmem:s2] =	stream.indirect.scatter.add.f32 [tilespmem:s8], [sflag:$0x2], $0x80, s0, s0, $0xb8;
	[tilespmem:$0x1E400] =	vst v63  }
.LBB2_9:
0x148: {  	_ =	swait.ge [sflag:s7], $0x4000  }
0x149: {  	[sflag:s7] =	ssyncset.done $0x0  }
0x14a: {  	[sflag:s7] =	ssyncadd.s32 $0xFFFFC000  }
0x14b: {  	_ =	swait.ge [sflag:s9], $0x4000  }
0x14c: {  	[sflag:s9] =	ssyncset.done $0x0  }
0x14d: {  	s22 =	sadd.s32 s20, s23;
	[sflag:s9] =	ssyncadd.s32 $0xFFFFC000  }
0x14e: {  	[tilespmem:s8], [sflag:$0x1] =	stream.linear.gather [hbm4b:s22+s3], $0x4000, $0x38;
	[tilespmem:$0x1E400] =	vst v63  }
0x14f: {  	_ = 	snop  }
0x150: {  	[spmem:s2] =	stream.indirect.scatter.add.f32 [tilespmem:s5], [sflag:$0x2], $0x80, s21, s0, $0xb8;
	[tilespmem:$0x1E400] =	vst v63  }
0x151: {  	p0 =	seq.s32 s20, $0x26000;
	_ =	swait.ge [sflag:s7], $0x4000  }
.Ltmp6:
0x152: {  	[sflag:s7] =	ssyncset.done $0x0;
	(pc) =	sbr.rel @p0 .LBB2_11-.Ltmp6, $4  }
0x153: {  	[sflag:s7] =	ssyncadd.s32 $0xFFFFC000  }
0x154: {  	_ =	swait.ge [sflag:s9], $0x4000  }
0x155: {  	[sflag:s9] =	ssyncset.done $0x0  }
0x156: {  	[sflag:s9] =	ssyncadd.s32 $0xFFFFC000  }
.Ltmp7:
0x157: {  	(pc) =	sbr.rel .LBB2_9-.Ltmp7, $4  }
0x158: {  	s22 =	sadd.s32 s20, s25  }
0x159: {  	[tilespmem:s5], [sflag:$0x1] =	stream.linear.gather [hbm4b:s22+s3], $0x4000, $0x38;
	[tilespmem:$0x1E400] =	vst v63  }
0x15a: {  	s26 =	sadd.s32 $0x80, s21;
	s21 =	sadd.s32 $0x100, s21;
	s20 =	sadd.s32 $0x1000, s20  }
0x15b: {  	[spmem:s2] =	stream.indirect.scatter.add.f32 [tilespmem:s8], [sflag:$0x2], $0x80, s26, s0, $0xb8;
	[tilespmem:$0x1E400] =	vst v63  }
.LBB2_11:
0x15c: {  	[spmem:s2] =	stream.indirect.scatter.add.f32 [tilespmem:s8], [sflag:$0x2], $0x80, s11, s0, $0xb8;
	[tilespmem:$0x1E400] =	vst v63  }
0x15d: {  	_ =	swait.ge [sflag:s9], $0x4000  }
0x15e: {  	[sflag:s9] =	ssyncset.done $0x0  }
0x15f: {  	[sflag:s9] =	ssyncadd.s32 $0xFFFFC000  }
0x160: {  	[bflag:$0x0] =	sbarrier.arrive $0xFFFF  }
0x161: {  	s20 =	rddreg [dreg:$0x12]  }
0x162: {  	[hbm:s20], [sflag:s14] =	dma.local [spmem:s15], $0x2780  }
0x163: {  	_ =	swait.ge [sflag:s1], $0x2780  }
0x164: {  	[sflag:s1] =	ssyncset.done $0x0  }
0x165: {  	[sflag:s1] =	ssyncadd.s32 $0xFFFFD880  }
0x166: {  	[bflag:$0x0] =	sbarrier.arrive $0xFFFF  }
0x167: {  	s22 =	simm.s32 $0x0;
	s21 =	rddreg [dreg:$0x14]  }
0x168: {  	[tilespmem:s22], [sflag:$0x3] =	stream.linear.gather [hbm4b:s21+s22], $0x2800, $0x38;
	[tilespmem:$0x1E400] =	vst v63  }
0x169: {  	_ =	swait.ge [sflag:s1], $0x2800  }
0x16a: {  	[sflag:s1] =	ssyncset.done $0x0  }
0x16b: {  	s26 =	rddreg [dreg:$0x13];
	[sflag:s1] =	ssyncadd.s32 $0xFFFFD800  }
0x16c: {  	[spmem:s15], [sflag:s14] =	dma.local [hbm:s26], $0x2780  }
0x16d: {  	_ =	swait.ge [sflag:s1], $0x2780  }
0x16e: {  	[sflag:s1] =	ssyncset.done $0x0  }
0x16f: {  	[sflag:s1] =	ssyncadd.s32 $0xFFFFD880  }
0x170: {  	[bflag:$0x0] =	sbarrier.arrive $0xFFFF  }
0x171: {  	[tilespmem:s5], [sflag:$0x1] =	stream.indirect.gather [spmem:s2], $0x80, s22, s0, $0xb8;
	[tilespmem:$0x1E400] =	vst v63  }
0x172: {  	_ =	swait.ge [sflag:s7], $0x4000  }
0x173: {  	[sflag:s7] =	ssyncset.done $0x0  }
0x174: {  	[sflag:s7] =	ssyncadd.s32 $0xFFFFC000  }
0x175: {  	[tilespmem:s8], [sflag:$0x1] =	stream.indirect.gather [spmem:s2], $0x80, s0, s0, $0xb8;
	[tilespmem:$0x1E400] =	vst v63  }
0x176: {  	_ = 	snop  }
0x177: {  	[hbm4b:s12+s22] =	stream.linear.scatter [tilespmem:s5], [sflag:$0x2], $0x4000, $0x38;
	[tilespmem:$0x1E400] =	vst v63  }
0x178: {  	_ =	swait.ge [sflag:s7], $0x4000  }
0x179: {  	[sflag:s7] =	ssyncset.done $0x0  }
0x17a: {  	[sflag:s7] =	ssyncadd.s32 $0xFFFFC000  }
0x17b: {  	_ =	swait.ge [sflag:s9], $0x4000  }
0x17c: {  	[sflag:s9] =	ssyncset.done $0x0  }
0x17d: {  	[sflag:s9] =	ssyncadd.s32 $0xFFFFC000  }
0x17e: {  	[tilespmem:s5], [sflag:$0x1] =	stream.indirect.gather [spmem:s2], $0x80, s10, s0, $0xb8;
	[tilespmem:$0x1E400] =	vst v63  }
0x17f: {  	_ = 	snop  }
0x180: {  	[hbm4b:s28+s22] =	stream.linear.scatter [tilespmem:s8], [sflag:$0x2], $0x4000, $0x38;
	[tilespmem:$0x1E400] =	vst v63  }
0x181: {  	_ =	swait.ge [sflag:s7], $0x4000  }
0x182: {  	[sflag:s7] =	ssyncset.done $0x0  }
0x183: {  	[sflag:s7] =	ssyncadd.s32 $0xFFFFC000  }
0x184: {  	_ =	swait.ge [sflag:s9], $0x4000  }
0x185: {  	[sflag:s9] =	ssyncset.done $0x0  }
0x186: {  	s21 =	simm.s32 $0x180;
	[sflag:s9] =	ssyncadd.s32 $0xFFFFC000  }
0x187: {  	[tilespmem:s8], [sflag:$0x1] =	stream.indirect.gather [spmem:s2], $0x80, s21, s0, $0xb8;
	[tilespmem:$0x1E400] =	vst v63  }
0x188: {  	s22 =	sadd.s32 $0x0, s24  }
0x189: {  	[hbm4b:s22+s3] =	stream.linear.scatter [tilespmem:s5], [sflag:$0x2], $0x4000, $0x38;
	[tilespmem:$0x1E400] =	vst v63  }
0x18a: {  	_ =	swait.ge [sflag:s7], $0x4000  }
0x18b: {  	[sflag:s7] =	ssyncset.done $0x0  }
0x18c: {  	[sflag:s7] =	ssyncadd.s32 $0xFFFFC000  }
0x18d: {  	_ =	swait.ge [sflag:s9], $0x4000  }
0x18e: {  	s20 =	simm.s32 $0x1000;
	s26 =	simm.s32 $0x200;
	[sflag:s9] =	ssyncset.done $0x0  }
0x18f: {  	s21 =	simm.s32 $0x300;
	s22 =	sadd.s32 $0x0, s23;
	[sflag:s9] =	ssyncadd.s32 $0xFFFFC000  }
0x190: {  	[tilespmem:s5], [sflag:$0x1] =	stream.indirect.gather [spmem:s2], $0x80, s26, s0, $0xb8;
	[tilespmem:$0x1E400] =	vst v63  }
.LBB2_12:
0x191: {  	[hbm4b:s22+s3] =	stream.linear.scatter [tilespmem:s8], [sflag:$0x2], $0x4000, $0x38;
	[tilespmem:$0x1E400] =	vst v63  }
0x192: {  	s22 =	smov.u32 s20  }
0x193: {  	p0 =	sne.s32 s20, $0x25000;
	s20 =	sadd.s32 $0x1000, s20;
	_ =	swait.ge [sflag:s7], $0x4000  }
0x194: {  	[sflag:s7] =	ssyncset.done $0x0  }
0x195: {  	[sflag:s7] =	ssyncadd.s32 $0xFFFFC000  }
0x196: {  	_ =	swait.ge [sflag:s9], $0x4000  }
0x197: {  	[sflag:s9] =	ssyncset.done $0x0  }
0x198: {  	s26 =	sadd.s32 $0xFFFFFF80, s21;
	[sflag:s9] =	ssyncadd.s32 $0xFFFFC000  }
0x199: {  	[tilespmem:s8], [sflag:$0x1] =	stream.indirect.gather [spmem:s2], $0x80, s26, s0, $0xb8;
	[tilespmem:$0x1E400] =	vst v63  }
0x19a: {  	s26 =	sadd.s32 s22, s24  }
0x19b: {  	[hbm4b:s26+s3] =	stream.linear.scatter [tilespmem:s5], [sflag:$0x2], $0x4000, $0x38;
	[tilespmem:$0x1E400] =	vst v63  }
0x19c: {  	_ =	swait.ge [sflag:s7], $0x4000  }
0x19d: {  	[sflag:s7] =	ssyncset.done $0x0  }
0x19e: {  	[sflag:s7] =	ssyncadd.s32 $0xFFFFC000  }
.Ltmp8:
0x19f: {  	_ =	swait.ge [sflag:s9], $0x4000;
	(pc) =	sbr.rel @p0 .LBB2_12-.Ltmp8, $4  }
0x1a0: {  	[sflag:s9] =	ssyncset.done $0x0  }
0x1a1: {  	[sflag:s9] =	ssyncadd.s32 $0xFFFFC000  }
0x1a2: {  	[tilespmem:s5], [sflag:$0x1] =	stream.indirect.gather [spmem:s2], $0x80, s21, s0, $0xb8;
	[tilespmem:$0x1E400] =	vst v63  }
0x1a3: {  	s22 =	sadd.s32 s22, s23;
	s21 =	sadd.s32 $0x100, s21  }
0x1a4: {  	[hbm4b:s22+s3] =	stream.linear.scatter [tilespmem:s8], [sflag:$0x2], $0x4000, $0x38;
	[tilespmem:$0x1E400] =	vst v63  }
0x1a5: {  	_ =	swait.ge [sflag:s7], $0x4000  }
0x1a6: {  	[sflag:s7] =	ssyncset.done $0x0  }
0x1a7: {  	[sflag:s7] =	ssyncadd.s32 $0xFFFFC000  }
0x1a8: {  	_ =	swait.ge [sflag:s9], $0x4000  }
0x1a9: {  	[sflag:s9] =	ssyncset.done $0x0  }
0x1aa: {  	[sflag:s9] =	ssyncadd.s32 $0xFFFFC000  }
0x1ab: {  	[tilespmem:s8], [sflag:$0x1] =	stream.indirect.gather [spmem:s2], $0x80, s11, s0, $0xb8;
	[tilespmem:$0x1E400] =	vst v63  }
0x1ac: {  	s20 =	simm.s32 $0x0  }
0x1ad: {  	[hbm4b:s30+s20] =	stream.linear.scatter [tilespmem:s5], [sflag:$0x2], $0x4000, $0x38;
	[tilespmem:$0x1E400] =	vst v63  }
0x1ae: {  	_ =	swait.ge [sflag:s7], $0x4000  }
0x1af: {  	[sflag:s7] =	ssyncset.done $0x0  }
0x1b0: {  	[sflag:s7] =	ssyncadd.s32 $0xFFFFC000  }
0x1b1: {  	_ =	swait.ge [sflag:s9], $0x4000  }
0x1b2: {  	[sflag:s9] =	ssyncset.done $0x0  }
0x1b3: {  	[sflag:s9] =	ssyncadd.s32 $0xFFFFC000  }
0x1b4: {  	[hbm4b:s31+s20] =	stream.linear.scatter [tilespmem:s8], [sflag:$0x2], $0x4000, $0x38;
	[tilespmem:$0x1E400] =	vst v63  }
0x1b5: {  	_ =	swait.ge [sflag:s9], $0x4000  }
0x1b6: {  	[sflag:s9] =	ssyncset.done $0x0  }
0x1b7: {  	[sflag:s9] =	ssyncadd.s32 $0xFFFFC000  }
0x1b8: {  	[bflag:$0x0] =	sbarrier.arrive $0xFFFF  }
0x1b9: {  	s21 =	rddreg [dreg:$0x15]  }
0x1ba: {  	[tilespmem:s20], [sflag:$0x3] =	stream.linear.gather [hbm4b:s21+s20], $0x2800, $0x38;
	[tilespmem:$0x1E400] =	vst v63  }
0x1bb: {  	_ =	swait.ge [sflag:s1], $0x2800  }
0x1bc: {  	[sflag:s1] =	ssyncset.done $0x0  }
0x1bd: {  	[sflag:s1] =	ssyncadd.s32 $0xFFFFD800  }
0x1be: {  	[spmem:s15], [sflag:s14] =	dma.local [hbm:s4], $0x800  }
0x1bf: {  	_ =	swait.ge [sflag:s1], $0x800  }
0x1c0: {  	[sflag:s1] =	ssyncset.done $0x0  }
0x1c1: {  	[sflag:s1] =	ssyncadd.s32 $0xFFFFF800  }
0x1c2: {  	[spmem:s16], [sflag:s14] =	dma.local [hbm:s4], $0x800  }
0x1c3: {  	_ =	swait.ge [sflag:s1], $0x800  }
0x1c4: {  	[sflag:s1] =	ssyncset.done $0x0  }
0x1c5: {  	[sflag:s1] =	ssyncadd.s32 $0xFFFFF800  }
0x1c6: {  	[spmem:s17], [sflag:s14] =	dma.local [hbm:s4], $0x800  }
0x1c7: {  	_ =	swait.ge [sflag:s1], $0x800  }
0x1c8: {  	[sflag:s1] =	ssyncset.done $0x0  }
0x1c9: {  	[sflag:s1] =	ssyncadd.s32 $0xFFFFF800  }
0x1ca: {  	[spmem:s18], [sflag:s14] =	dma.local [hbm:s4], $0x800  }
0x1cb: {  	_ =	swait.ge [sflag:s1], $0x800  }
0x1cc: {  	[sflag:s1] =	ssyncset.done $0x0  }
0x1cd: {  	[sflag:s1] =	ssyncadd.s32 $0xFFFFF800  }
0x1ce: {  	[spmem:s19], [sflag:s14] =	dma.local [hbm:s4], $0x780  }
0x1cf: {  	_ =	swait.ge [sflag:s1], $0x780  }
0x1d0: {  	[sflag:s1] =	ssyncset.done $0x0  }
0x1d1: {  	[sflag:s1] =	ssyncadd.s32 $0xFFFFF880  }
0x1d2: {  	[bflag:$0x0] =	sbarrier.arrive $0xFFFF  }
0x1d3: {  	[tilespmem:s5], [sflag:$0x1] =	stream.linear.gather [hbm4b:s12+s20], $0x4000, $0x38;
	[tilespmem:$0x1E400] =	vst v63  }
0x1d4: {  	_ =	swait.ge [sflag:s7], $0x4000  }
0x1d5: {  	[sflag:s7] =	ssyncset.done $0x0  }
0x1d6: {  	[sflag:s7] =	ssyncadd.s32 $0xFFFFC000  }
0x1d7: {  	[tilespmem:s8], [sflag:$0x1] =	stream.linear.gather [hbm4b:s28+s20], $0x4000, $0x38;
	[tilespmem:$0x1E400] =	vst v63  }
0x1d8: {  	_ = 	snop  }
0x1d9: {  	[spmem:s2] =	stream.indirect.scatter.add.f32 [tilespmem:s5], [sflag:$0x2], $0x80, s20, s0, $0xb8;
	[tilespmem:$0x1E400] =	vst v63  }
0x1da: {  	_ =	swait.ge [sflag:s7], $0x4000  }
0x1db: {  	[sflag:s7] =	ssyncset.done $0x0  }
0x1dc: {  	[sflag:s7] =	ssyncadd.s32 $0xFFFFC000  }
0x1dd: {  	_ =	swait.ge [sflag:s9], $0x4000  }
0x1de: {  	[sflag:s9] =	ssyncset.done $0x0  }
0x1df: {  	[sflag:s9] =	ssyncadd.s32 $0xFFFFC000  }
0x1e0: {  	[tilespmem:s5], [sflag:$0x1] =	stream.linear.gather [hbm4b:s29+s20], $0x4000, $0x38;
	[tilespmem:$0x1E400] =	vst v63  }
0x1e1: {  	s16 =	simm.s32 $0x100  }
0x1e2: {  	[spmem:s2] =	stream.indirect.scatter.add.f32 [tilespmem:s8], [sflag:$0x2], $0x80, s0, s0, $0xb8;
	[tilespmem:$0x1E400] =	vst v63  }
.LBB2_14:
0x1e3: {  	_ =	swait.ge [sflag:s7], $0x4000  }
0x1e4: {  	[sflag:s7] =	ssyncset.done $0x0  }
0x1e5: {  	[sflag:s7] =	ssyncadd.s32 $0xFFFFC000  }
0x1e6: {  	_ =	swait.ge [sflag:s9], $0x4000  }
0x1e7: {  	[sflag:s9] =	ssyncset.done $0x0  }
0x1e8: {  	s17 =	sadd.s32 s20, s23;
	[sflag:s9] =	ssyncadd.s32 $0xFFFFC000  }
0x1e9: {  	[tilespmem:s8], [sflag:$0x1] =	stream.linear.gather [hbm4b:s17+s3], $0x4000, $0x38;
	[tilespmem:$0x1E400] =	vst v63  }
0x1ea: {  	_ = 	snop  }
0x1eb: {  	[spmem:s2] =	stream.indirect.scatter.add.f32 [tilespmem:s5], [sflag:$0x2], $0x80, s16, s0, $0xb8;
	[tilespmem:$0x1E400] =	vst v63  }
0x1ec: {  	p0 =	seq.s32 s20, $0x26000;
	_ =	swait.ge [sflag:s7], $0x4000  }
.Ltmp9:
0x1ed: {  	[sflag:s7] =	ssyncset.done $0x0;
	(pc) =	sbr.rel @p0 .LBB2_16-.Ltmp9, $4  }
0x1ee: {  	[sflag:s7] =	ssyncadd.s32 $0xFFFFC000  }
0x1ef: {  	_ =	swait.ge [sflag:s9], $0x4000  }
0x1f0: {  	[sflag:s9] =	ssyncset.done $0x0  }
0x1f1: {  	[sflag:s9] =	ssyncadd.s32 $0xFFFFC000  }
.Ltmp10:
0x1f2: {  	(pc) =	sbr.rel .LBB2_14-.Ltmp10, $4  }
0x1f3: {  	s17 =	sadd.s32 s20, s25  }
0x1f4: {  	[tilespmem:s5], [sflag:$0x1] =	stream.linear.gather [hbm4b:s17+s3], $0x4000, $0x38;
	[tilespmem:$0x1E400] =	vst v63  }
0x1f5: {  	s26 =	sadd.s32 $0x80, s16;
	s16 =	sadd.s32 $0x100, s16;
	s20 =	sadd.s32 $0x1000, s20  }
0x1f6: {  	[spmem:s2] =	stream.indirect.scatter.add.f32 [tilespmem:s8], [sflag:$0x2], $0x80, s26, s0, $0xb8;
	[tilespmem:$0x1E400] =	vst v63  }
.LBB2_17:
0x1f7: {  	_ =	sfence.sel $0x180000  }
0x1f8: {  	[bflag:$0x0] =	sbarrier.arrive $0xFFFF  }
0x1f9: {  	_ =	strace $0x90000047  }
0x1fa: {  	s0 =	stileid.u32;
	[bflag:$0x2] =	sbarrier.arrive $0xFFFF  }
0x1fb: {  	p0 =	sne.s32 s0, $0x0;
	s0 =	rddreg [dreg:$0x7]  }
0x1fc: {  	s0 =	sadd.s32 @!p0 $0x100000, s0  }
0x1fd: {  	[sflag:s0] =	ssyncadd.tile.s32 @!p0 $0x1;
	_ =	shalt  }
.Lfunc_end2:
_tile_overlayer_lowered:
.L_overlay_start_2:
0x1fe: {  	(tag) =	ssettag $0x2  }
0x1ff: {  	s0 =	rddreg [dreg:$0x0];
	s2 =	stileid.u32  }
0x200: {  	s1 =	rddreg [dreg:$0x1];
	p0 =	sne.s32 s2, $0x0  }
0x201: {  	s3 =	rddreg [dreg:$0x2];
	[bflag:$0x3] =	sbarrier.arrive $0xFFFF;
	s2 =	simm.s32 @!p0 $0x1C03  }
0x202: {  	[timem:s3], [sflag:s2] =	dma.local @!p0 [hbm:s0], s1  }
0x203: {  	s0 =	simm.s32 @!p0 $0x3  }
0x204: {  	_ =	swait.ge @!p0 [sflag:s0], s1  }
0x205: {  	s1 =	ssub.s32 @!p0 $0x0, s1;
	[sflag:s0] =	ssyncset.done @!p0 $0x0  }
0x206: {  	[sflag:s0] =	ssyncadd.s32 @!p0 s1  }
0x207: {  	[bflag:$0x3] =	sbarrier.arrive $0xFFFF  }
0x208: {  	_ =	shalt  }

</sc_bundles>
